<compile_context>
chip_gen: v7x
topology: tpu7x:2x2x1
jax: 0.10.2.dev20260603
libtpu: 0.0.44.dev20260713+nightly
codegen_flags: <defaults>
</compile_context>

<pallas_src>
import functools

import jax
import jax.numpy as jnp
from jax import lax
from jax.experimental import pallas as pl
from jax.experimental.pallas import tpu as pltpu
from jax.experimental.pallas import tpu_sc as plsc

DIM = 32
NW = 32
CHUNK = 128
BLOCKS = CHUNK // 16


def _make(b_total, interpret=False):
  per_w = b_total // NW
  n_chunks = per_w // CHUNK
  mesh = plsc.VectorSubcoreMesh(
      core_axis_name="c", subcore_axis_name="s", num_cores=2, num_subcores=16)

  @functools.partial(
      pl.kernel,
      out_type=jax.ShapeDtypeStruct((b_total, DIM), jnp.float32),
      mesh=mesh,
      interpret=interpret,
      compiler_params=pltpu.CompilerParams(
          needs_layout_passes=False, use_tc_tiling_on_sc=False),
      scratch_types=[
          pltpu.VMEM((2, CHUNK), jnp.int32),
          pltpu.VMEM((2, CHUNK, DIM), jnp.float32),
          pltpu.VMEM((2, CHUNK), jnp.float32),
          pltpu.VMEM((2, CHUNK), jnp.float32),
          pltpu.VMEM((2, CHUNK, DIM), jnp.float32),
          pltpu.SemaphoreType.DMA,
          pltpu.SemaphoreType.DMA,
          pltpu.SemaphoreType.DMA,
          pltpu.SemaphoreType.DMA,
          pltpu.SemaphoreType.DMA,
          pltpu.SemaphoreType.DMA,
          pltpu.SemaphoreType.DMA,
          pltpu.SemaphoreType.DMA,
          pltpu.SemaphoreType.DMA,
          pltpu.SemaphoreType.DMA,
      ],
  )
  def k(q_hbm, s_hbm, z_hbm, idx_hbm, out_hbm, ci_v, rows_v, sc_v, zp_v, o_v,
        si0, si1, sq0, sq1, ss0, ss1, sz0, sz1, so0, so1):
    wid = lax.axis_index("s") * 2 + lax.axis_index("c")
    base = wid * per_w
    si = (si0, si1)
    sq = (sq0, sq1)
    ss = (ss0, ss1)
    sz = (sz0, sz1)
    so = (so0, so1)
    ci = (ci_v.at[0], ci_v.at[1])
    rows = (rows_v.at[0], rows_v.at[1])
    scs = (sc_v.at[0], sc_v.at[1])
    zps = (zp_v.at[0], zp_v.at[1])
    o = (o_v.at[0], o_v.at[1])

    lanes = lax.iota(jnp.int32, 16)

    def idx_slice(k_):
      return idx_hbm.at[pl.ds(base + k_ * CHUNK, CHUNK)]

    def out_slice(k_):
      return out_hbm.at[pl.ds(base + k_ * CHUNK, CHUNK), :]

    def issue_gathers(p):
      pltpu.async_copy(q_hbm.at[ci[p]], rows[p], sq[p])
      pltpu.async_copy(s_hbm.at[ci[p]], scs[p], ss[p])
      pltpu.async_copy(z_hbm.at[ci[p]], zps[p], sz[p])

    def wait_gathers(p):
      pltpu.make_async_copy(q_hbm.at[ci[p]], rows[p], sq[p]).wait()
      pltpu.make_async_copy(s_hbm.at[ci[p]], scs[p], ss[p]).wait()
      pltpu.make_async_copy(z_hbm.at[ci[p]], zps[p], sz[p]).wait()

    def compute_chunk(rows_ref, s_ref, z_ref, o_ref):
      @plsc.parallel_loop(0, BLOCKS, unroll=1)
      def _block(bi):
        row = lanes + bi * 16
        sv = plsc.load_gather(s_ref, [row])
        zv = plsc.load_gather(z_ref, [row])
        for e in range(DIM):
          col = jnp.full((16,), e, jnp.int32)
          w = plsc.load_gather(rows_ref, [row, col])
          plsc.store_scatter(o_ref, [row, col], (w - zv) * sv)

    pltpu.sync_copy(idx_slice(0), ci[0])
    issue_gathers(0)
    pltpu.async_copy(idx_slice(1), ci[1], si[1])

    def half_iter(jj, carry):
      for p in (0, 1):
        kk = jj * 2 + p
        q_ = p ^ 1

        @pl.when(kk + 1 < n_chunks)
        def _():
          pltpu.make_async_copy(idx_slice(kk + 1), ci[q_], si[q_]).wait()
          issue_gathers(q_)

        wait_gathers(p)

        @pl.when(kk + 2 < n_chunks)
        def _():
          pltpu.async_copy(idx_slice(kk + 2), ci[p], si[p])

        @pl.when(kk >= 2)
        def _():
          pltpu.make_async_copy(o[p], out_slice(kk), so[p]).wait()

        compute_chunk(rows[p], scs[p], zps[p], o[p])
        pltpu.async_copy(o[p], out_slice(kk), so[p])
      return carry

    lax.fori_loop(0, n_chunks // 2, half_iter, 0)
    pltpu.make_async_copy(o[0], out_slice(0), so[0]).wait()
    pltpu.make_async_copy(o[1], out_slice(1), so[1]).wait()

  return k


def kernel(input, q_weight, scale, zero_point):
  b_total = input.shape[0] * input.shape[1]
  idx = jnp.asarray(input, jnp.int32).reshape(b_total)
  qf = q_weight.astype(jnp.float32)
  out = _make(b_total)(qf, scale.astype(jnp.float32),
                       zero_point.astype(jnp.float32), idx)
  return out.reshape(input.shape[0], input.shape[1], DIM)

# --- scband reference (transcript-rebuilt; emitter-appended) ---
"""Pipeline reference for scband-quantized-embedding-3418793967992 (READ-ONLY COPY).

The authoritative reference and input builder live on the scoring server;
editing this copy changes nothing except your own understanding.
"""

import jax, jax.numpy as jnp
import numpy as np

NUM_EMBEDDINGS = 1000000
EMBEDDING_DIM = 32
BATCH = 16384
N_FIELDS = 26


def _quantize_rowwise_int8_asymmetric(W):
    # Per-row (axis=0) asymmetric int8 quantization, qmin=-128, qmax=127
    wmin = jnp.min(W, axis=1)
    wmax = jnp.max(W, axis=1)
    scale = (wmax - wmin) / 255.0
    scale = jnp.where(scale <= 0, jnp.float32(1e-8), scale)
    zero_point = jnp.round(-128.0 - wmin / scale)
    q = jnp.clip(jnp.round(W / scale[:, None] + zero_point[:, None]), -128, 127).astype(jnp.int8)
    return q, scale.astype(jnp.float32), zero_point.astype(jnp.float32)


def setup_inputs(seed: int = 0) -> dict:
    key = jax.random.key(seed)
    k_w, k_idx = jax.random.split(key)
    # Original float embedding weights (as in nn.Embedding before quantization)
    W = jax.random.normal(k_w, (NUM_EMBEDDINGS, EMBEDDING_DIM), dtype=jnp.float32) * 0.02
    q_weight, scale, zero_point = _quantize_rowwise_int8_asymmetric(W)
    indices = jax.random.randint(k_idx, (BATCH, N_FIELDS), 0, NUM_EMBEDDINGS, dtype=jnp.int64)
    return {"input": indices, "q_weight": q_weight, "scale": scale, "zero_point": zero_point}


def reference(input, q_weight, scale, zero_point):
    # Dequantize full weight (as the torch forward does), then embedding lookup.
    weight = (q_weight.astype(jnp.float32) - zero_point[:, None]) * scale[:, None]
    return jnp.take(weight, input, axis=0)

if __name__ == "__main__":
    import jax
    _d = setup_inputs()
    print(jax.jit(kernel)(*tuple(_d.values())))

</pallas_src>

<mosaic_0001>
#map = affine_map<(d0, d1) -> (0, 0)>
#map1 = affine_map<(d0, d1) -> (0)>
module attributes {stable_mosaic.version = 14 : i64} {
  func.func @k(%arg0: i32, %arg1: i32, %arg2: memref<1000000x32xf32, #tpu.memory_space<hbm>>, %arg3: memref<1000000xf32, #tpu.memory_space<hbm>>, %arg4: memref<1000000xf32, #tpu.memory_space<hbm>>, %arg5: memref<425984xi32, #tpu.memory_space<hbm>>, %arg6: memref<425984x32xf32, #tpu.memory_space<hbm>>, %arg7: memref<2x128xi32, #tpu.memory_space<vmem>>, %arg8: memref<2x128x32xf32, #tpu.memory_space<vmem>>, %arg9: memref<2x128xf32, #tpu.memory_space<vmem>>, %arg10: memref<2x128xf32, #tpu.memory_space<vmem>>, %arg11: memref<2x128x32xf32, #tpu.memory_space<vmem>>, %arg12: memref<!tpu.dma_semaphore, #tpu.memory_space<semaphore_mem>>, %arg13: memref<!tpu.dma_semaphore, #tpu.memory_space<semaphore_mem>>, %arg14: memref<!tpu.dma_semaphore, #tpu.memory_space<semaphore_mem>>, %arg15: memref<!tpu.dma_semaphore, #tpu.memory_space<semaphore_mem>>, %arg16: memref<!tpu.dma_semaphore, #tpu.memory_space<semaphore_mem>>, %arg17: memref<!tpu.dma_semaphore, #tpu.memory_space<semaphore_mem>>, %arg18: memref<!tpu.dma_semaphore, #tpu.memory_space<semaphore_mem>>, %arg19: memref<!tpu.dma_semaphore, #tpu.memory_space<semaphore_mem>>, %arg20: memref<!tpu.dma_semaphore, #tpu.memory_space<semaphore_mem>>, %arg21: memref<!tpu.dma_semaphore, #tpu.memory_space<semaphore_mem>>) attributes {dimension_semantics = [#tpu.dimension_semantics<core_parallel>, #tpu.dimension_semantics<subcore_parallel>], iteration_bounds = array<i64: 2, 16>, scalar_prefetch = 0 : i64, scratch_operands = 15 : i64, tpu.core_type = #tpu.core_type<sc_vector_subcore>, window_params = [{transform_indices = #map}, {transform_indices = #map1}, {transform_indices = #map1}, {transform_indices = #map1}, {transform_indices = #map}]} {
    %mul3A = arith.constant 2 : i32
    %mul3A_0 = arith.muli %arg1, %mul3A : i32
    %add3A = arith.addi %mul3A_0, %arg0 : i32
    %mul3A_1 = arith.constant 13312 : i32
    %mul3A_2 = arith.muli %add3A, %mul3A_1 : i32
    %iota3A = tpu.iota {dimensions = array<i32: 0>} : vector<16xi32>
    %add3A_3 = arith.constant 0 : i32
    %add3A_4 = arith.addi %mul3A_2, %add3A_3 : i32
    %run_scoped3A = arith.constant 0 : i32
    "tpu.region"() ({
      %run_scoped3A_91 = tpu.sem_alloc : memref<!tpu.dma_semaphore, #tpu.memory_space<semaphore_mem>>
      %dma_start3A_92 = arith.constant 0 : i32
      %dma_start3A_93 = tpu.memref_slice %arg7[%run_scoped3A, %dma_start3A_92] : memref<2x128xi32, #tpu.memory_space<vmem>> -> memref<1x128xi32, #tpu.memory_space<vmem>>
      %dma_start3A_94 = tpu.memref_squeeze %dma_start3A_93 : memref<1x128xi32, #tpu.memory_space<vmem>> -> memref<128xi32, #tpu.memory_space<vmem>>
      %dma_start3A_95 = tpu.memref_slice %arg5[%add3A_4] : memref<425984xi32, #tpu.memory_space<hbm>> -> memref<128xi32, #tpu.memory_space<hbm>>
      %dma_start3A_96 = arith.constant 0 : i32
      %dma_start3A_97 = tpu.memref_slice %arg7[%run_scoped3A, %dma_start3A_96] : memref<2x128xi32, #tpu.memory_space<vmem>> -> memref<1x128xi32, #tpu.memory_space<vmem>>
      %dma_start3A_98 = tpu.memref_squeeze %dma_start3A_97 : memref<1x128xi32, #tpu.memory_space<vmem>> -> memref<128xi32, #tpu.memory_space<vmem>>
      %dma_start3A_99 = tpu.memref_slice %arg5[%add3A_4] : memref<425984xi32, #tpu.memory_space<hbm>> -> memref<128xi32, #tpu.memory_space<hbm>>
      tpu.enqueue_dma source(%dma_start3A_99 : memref<128xi32, #tpu.memory_space<hbm>>) target(%dma_start3A_98 : memref<128xi32, #tpu.memory_space<vmem>>) target_semaphore(%run_scoped3A_91 : memref<!tpu.dma_semaphore, #tpu.memory_space<semaphore_mem>>)
      %dma_wait3A_100 = arith.constant 0 : i32
      %dma_wait3A_101 = tpu.memref_slice %arg7[%run_scoped3A, %dma_wait3A_100] : memref<2x128xi32, #tpu.memory_space<vmem>> -> memref<1x128xi32, #tpu.memory_space<vmem>>
      %dma_wait3A_102 = tpu.memref_squeeze %dma_wait3A_101 : memref<1x128xi32, #tpu.memory_space<vmem>> -> memref<128xi32, #tpu.memory_space<vmem>>
      %dma_wait3A_103 = tpu.memref_slice %arg5[%add3A_4] : memref<425984xi32, #tpu.memory_space<hbm>> -> memref<128xi32, #tpu.memory_space<hbm>>
      %dma_wait3A_104 = arith.constant 0 : i32
      %dma_wait3A_105 = tpu.memref_slice %arg7[%run_scoped3A, %dma_wait3A_104] : memref<2x128xi32, #tpu.memory_space<vmem>> -> memref<1x128xi32, #tpu.memory_space<vmem>>
      %dma_wait3A_106 = tpu.memref_squeeze %dma_wait3A_105 : memref<1x128xi32, #tpu.memory_space<vmem>> -> memref<128xi32, #tpu.memory_space<vmem>>
      %dma_wait3A_107 = tpu.memref_slice %arg5[%add3A_4] : memref<425984xi32, #tpu.memory_space<hbm>> -> memref<128xi32, #tpu.memory_space<hbm>>
      tpu.wait_dma2 semaphore(%run_scoped3A_91 : memref<!tpu.dma_semaphore, #tpu.memory_space<semaphore_mem>>) src(%dma_wait3A_107 : memref<128xi32, #tpu.memory_space<hbm>>) dst(%dma_wait3A_106 : memref<128xi32, #tpu.memory_space<vmem>>)
      tpu.yield
    }) : () -> ()
    %dma_start3A = arith.constant 0 : i32
    %dma_start3A_5 = arith.constant 0 : i32
    %dma_start3A_6 = arith.constant 0 : i32
    %dma_start3A_7 = arith.constant 0 : i32
    %dma_start3A_8 = tpu.memref_slice %arg8[%dma_start3A_5, %dma_start3A_6, %dma_start3A_7] : memref<2x128x32xf32, #tpu.memory_space<vmem>> -> memref<1x128x32xf32, #tpu.memory_space<vmem>>
    %dma_start3A_9 = tpu.memref_squeeze %dma_start3A_8 : memref<1x128x32xf32, #tpu.memory_space<vmem>> -> memref<128x32xf32, #tpu.memory_space<vmem>>
    %dma_start3A_10 = arith.constant 0 : i32
    %dma_start3A_11 = tpu.memref_slice %arg7[%dma_start3A, %dma_start3A_10] : memref<2x128xi32, #tpu.memory_space<vmem>> -> memref<1x128xi32, #tpu.memory_space<vmem>>
    %dma_start3A_12 = tpu.memref_squeeze %dma_start3A_11 : memref<1x128xi32, #tpu.memory_space<vmem>> -> memref<128xi32, #tpu.memory_space<vmem>>
    %dma_start3A_13 = arith.constant 0 : i32
    %dma_start3A_14 = arith.constant 0 : i32
    %dma_start3A_15 = tpu.memref_slice %arg2[%dma_start3A_13, %dma_start3A_14] : memref<1000000x32xf32, #tpu.memory_space<hbm>> -> memref<1000000x32xf32, #tpu.memory_space<hbm>>
    tpu.enqueue_indirect_dma source(%dma_start3A_15 : memref<1000000x32xf32, #tpu.memory_space<hbm>>) target(%dma_start3A_9 : memref<128x32xf32, #tpu.memory_space<vmem>>) offsets(%dma_start3A_12 : memref<128xi32, #tpu.memory_space<vmem>>) semaphore(%arg14 : memref<!tpu.dma_semaphore, #tpu.memory_space<semaphore_mem>>)
    %dma_start3A_16 = arith.constant 0 : i32
    %dma_start3A_17 = arith.constant 0 : i32
    %dma_start3A_18 = arith.constant 0 : i32
    %dma_start3A_19 = tpu.memref_slice %arg9[%dma_start3A_17, %dma_start3A_18] : memref<2x128xf32, #tpu.memory_space<vmem>> -> memref<1x128xf32, #tpu.memory_space<vmem>>
    %dma_start3A_20 = tpu.memref_squeeze %dma_start3A_19 : memref<1x128xf32, #tpu.memory_space<vmem>> -> memref<128xf32, #tpu.memory_space<vmem>>
    %dma_start3A_21 = arith.constant 0 : i32
    %dma_start3A_22 = tpu.memref_slice %arg7[%dma_start3A_16, %dma_start3A_21] : memref<2x128xi32, #tpu.memory_space<vmem>> -> memref<1x128xi32, #tpu.memory_space<vmem>>
    %dma_start3A_23 = tpu.memref_squeeze %dma_start3A_22 : memref<1x128xi32, #tpu.memory_space<vmem>> -> memref<128xi32, #tpu.memory_space<vmem>>
    %dma_start3A_24 = arith.constant 0 : i32
    %dma_start3A_25 = tpu.memref_slice %arg3[%dma_start3A_24] : memref<1000000xf32, #tpu.memory_space<hbm>> -> memref<1000000xf32, #tpu.memory_space<hbm>>
    tpu.enqueue_indirect_dma source(%dma_start3A_25 : memref<1000000xf32, #tpu.memory_space<hbm>>) target(%dma_start3A_20 : memref<128xf32, #tpu.memory_space<vmem>>) offsets(%dma_start3A_23 : memref<128xi32, #tpu.memory_space<vmem>>) semaphore(%arg16 : memref<!tpu.dma_semaphore, #tpu.memory_space<semaphore_mem>>)
    %dma_start3A_26 = arith.constant 0 : i32
    %dma_start3A_27 = arith.constant 0 : i32
    %dma_start3A_28 = arith.constant 0 : i32
    %dma_start3A_29 = tpu.memref_slice %arg10[%dma_start3A_27, %dma_start3A_28] : memref<2x128xf32, #tpu.memory_space<vmem>> -> memref<1x128xf32, #tpu.memory_space<vmem>>
    %dma_start3A_30 = tpu.memref_squeeze %dma_start3A_29 : memref<1x128xf32, #tpu.memory_space<vmem>> -> memref<128xf32, #tpu.memory_space<vmem>>
    %dma_start3A_31 = arith.constant 0 : i32
    %dma_start3A_32 = tpu.memref_slice %arg7[%dma_start3A_26, %dma_start3A_31] : memref<2x128xi32, #tpu.memory_space<vmem>> -> memref<1x128xi32, #tpu.memory_space<vmem>>
    %dma_start3A_33 = tpu.memref_squeeze %dma_start3A_32 : memref<1x128xi32, #tpu.memory_space<vmem>> -> memref<128xi32, #tpu.memory_space<vmem>>
    %dma_start3A_34 = arith.constant 0 : i32
    %dma_start3A_35 = tpu.memref_slice %arg4[%dma_start3A_34] : memref<1000000xf32, #tpu.memory_space<hbm>> -> memref<1000000xf32, #tpu.memory_space<hbm>>
    tpu.enqueue_indirect_dma source(%dma_start3A_35 : memref<1000000xf32, #tpu.memory_space<hbm>>) target(%dma_start3A_30 : memref<128xf32, #tpu.memory_space<vmem>>) offsets(%dma_start3A_33 : memref<128xi32, #tpu.memory_space<vmem>>) semaphore(%arg18 : memref<!tpu.dma_semaphore, #tpu.memory_space<semaphore_mem>>)
    %add3A_36 = arith.constant 128 : i32
    %add3A_37 = arith.addi %mul3A_2, %add3A_36 : i32
    %dma_start3A_38 = arith.constant 1 : i32
    %dma_start3A_39 = arith.constant 0 : i32
    %dma_start3A_40 = tpu.memref_slice %arg7[%dma_start3A_38, %dma_start3A_39] : memref<2x128xi32, #tpu.memory_space<vmem>> -> memref<1x128xi32, #tpu.memory_space<vmem>>
    %dma_start3A_41 = tpu.memref_squeeze %dma_start3A_40 : memref<1x128xi32, #tpu.memory_space<vmem>> -> memref<128xi32, #tpu.memory_space<vmem>>
    %dma_start3A_42 = tpu.memref_slice %arg5[%add3A_37] : memref<425984xi32, #tpu.memory_space<hbm>> -> memref<128xi32, #tpu.memory_space<hbm>>
    %dma_start3A_43 = arith.constant 0 : i32
    %dma_start3A_44 = tpu.memref_slice %arg7[%dma_start3A_38, %dma_start3A_43] : memref<2x128xi32, #tpu.memory_space<vmem>> -> memref<1x128xi32, #tpu.memory_space<vmem>>
    %dma_start3A_45 = tpu.memref_squeeze %dma_start3A_44 : memref<1x128xi32, #tpu.memory_space<vmem>> -> memref<128xi32, #tpu.memory_space<vmem>>
    %dma_start3A_46 = tpu.memref_slice %arg5[%add3A_37] : memref<425984xi32, #tpu.memory_space<hbm>> -> memref<128xi32, #tpu.memory_space<hbm>>
    tpu.enqueue_dma source(%dma_start3A_46 : memref<128xi32, #tpu.memory_space<hbm>>) target(%dma_start3A_45 : memref<128xi32, #tpu.memory_space<vmem>>) target_semaphore(%arg13 : memref<!tpu.dma_semaphore, #tpu.memory_space<semaphore_mem>>)
    %scan3A = arith.constant 0 : i32
    %scan3A_47 = arith.constant 1 : i32
    %scan3A_48 = arith.constant 1 : i32
    %scan3A_49 = arith.constant 1 : i32
    %scan3A_50 = arith.constant 1 : i32
    %scan3A_51 = arith.constant 0 : i32
    %scan3A_52 = arith.constant 0 : i32
    %scan3A_53 = arith.constant 0 : i32
    %scan3A_54 = arith.constant 0 : i32
    %scan3A_55 = arith.constant 0 : i32
    %scan3A_56 = arith.constant 1 : i32
    %scan3A_57 = arith.constant 0 : i32
    %scan3A_58 = arith.constant 52 : i32
    %scan3A_59 = arith.addi %scan3A_57, %scan3A_58 : i32
    %scan3A_60 = arith.constant 1 : i32
    scf.for %scan3A_91 = %scan3A_57 to %scan3A_59 step %scan3A_60  : i32 {
      %mul3A_92 = arith.constant 2 : i32
      %mul3A_93 = arith.muli %scan3A_91, %mul3A_92 : i32
      %add3A_94 = arith.constant 0 : i32
      %add3A_95 = arith.addi %mul3A_93, %add3A_94 : i32
      %add3A_96 = arith.constant 1 : i32
      %add3A_97 = arith.addi %add3A_95, %add3A_96 : i32
      %lt3A = arith.constant 104 : i32
      %lt3A_98 = arith.cmpi slt, %add3A_97, %lt3A : i32
      %convert_element_type3A = arith.extui %lt3A_98 : i1 to i32
      %cond3A = arith.constant 0 : i32
      %cond3A_99 = arith.cmpi ne, %convert_element_type3A, %cond3A : i32
      scf.if %cond3A_99 {
        %add3A_221 = arith.constant 1 : i32
        %add3A_222 = arith.addi %add3A_95, %add3A_221 : i32
        %mul3A_223 = arith.constant 128 : i32
        %mul3A_224 = arith.muli %add3A_222, %mul3A_223 : i32
        %add3A_225 = arith.addi %mul3A_2, %mul3A_224 : i32
        %dma_wait3A_226 = arith.constant 0 : i32
        %dma_wait3A_227 = tpu.memref_slice %arg7[%scan3A_47, %dma_wait3A_226] : memref<2x128xi32, #tpu.memory_space<vmem>> -> memref<1x128xi32, #tpu.memory_space<vmem>>
        %dma_wait3A_228 = tpu.memref_squeeze %dma_wait3A_227 : memref<1x128xi32, #tpu.memory_space<vmem>> -> memref<128xi32, #tpu.memory_space<vmem>>
        %dma_wait3A_229 = tpu.memref_slice %arg5[%add3A_225] : memref<425984xi32, #tpu.memory_space<hbm>> -> memref<128xi32, #tpu.memory_space<hbm>>
        %dma_wait3A_230 = arith.constant 0 : i32
        %dma_wait3A_231 = tpu.memref_slice %arg7[%scan3A_47, %dma_wait3A_230] : memref<2x128xi32, #tpu.memory_space<vmem>> -> memref<1x128xi32, #tpu.memory_space<vmem>>
        %dma_wait3A_232 = tpu.memref_squeeze %dma_wait3A_231 : memref<1x128xi32, #tpu.memory_space<vmem>> -> memref<128xi32, #tpu.memory_space<vmem>>
        %dma_wait3A_233 = tpu.memref_slice %arg5[%add3A_225] : memref<425984xi32, #tpu.memory_space<hbm>> -> memref<128xi32, #tpu.memory_space<hbm>>
        tpu.wait_dma2 semaphore(%arg13 : memref<!tpu.dma_semaphore, #tpu.memory_space<semaphore_mem>>) src(%dma_wait3A_233 : memref<128xi32, #tpu.memory_space<hbm>>) dst(%dma_wait3A_232 : memref<128xi32, #tpu.memory_space<vmem>>)
        %dma_start3A_234 = arith.constant 0 : i32
        %dma_start3A_235 = arith.constant 0 : i32
        %dma_start3A_236 = tpu.memref_slice %arg8[%scan3A_48, %dma_start3A_234, %dma_start3A_235] : memref<2x128x32xf32, #tpu.memory_space<vmem>> -> memref<1x128x32xf32, #tpu.memory_space<vmem>>
        %dma_start3A_237 = tpu.memref_squeeze %dma_start3A_236 : memref<1x128x32xf32, #tpu.memory_space<vmem>> -> memref<128x32xf32, #tpu.memory_space<vmem>>
        %dma_start3A_238 = arith.constant 0 : i32
        %dma_start3A_239 = tpu.memref_slice %arg7[%scan3A_47, %dma_start3A_238] : memref<2x128xi32, #tpu.memory_space<vmem>> -> memref<1x128xi32, #tpu.memory_space<vmem>>
        %dma_start3A_240 = tpu.memref_squeeze %dma_start3A_239 : memref<1x128xi32, #tpu.memory_space<vmem>> -> memref<128xi32, #tpu.memory_space<vmem>>
        %dma_start3A_241 = arith.constant 0 : i32
        %dma_start3A_242 = arith.constant 0 : i32
        %dma_start3A_243 = tpu.memref_slice %arg2[%dma_start3A_241, %dma_start3A_242] : memref<1000000x32xf32, #tpu.memory_space<hbm>> -> memref<1000000x32xf32, #tpu.memory_space<hbm>>
        tpu.enqueue_indirect_dma source(%dma_start3A_243 : memref<1000000x32xf32, #tpu.memory_space<hbm>>) target(%dma_start3A_237 : memref<128x32xf32, #tpu.memory_space<vmem>>) offsets(%dma_start3A_240 : memref<128xi32, #tpu.memory_space<vmem>>) semaphore(%arg15 : memref<!tpu.dma_semaphore, #tpu.memory_space<semaphore_mem>>)
        %dma_start3A_244 = arith.constant 0 : i32
        %dma_start3A_245 = tpu.memref_slice %arg9[%scan3A_49, %dma_start3A_244] : memref<2x128xf32, #tpu.memory_space<vmem>> -> memref<1x128xf32, #tpu.memory_space<vmem>>
        %dma_start3A_246 = tpu.memref_squeeze %dma_start3A_245 : memref<1x128xf32, #tpu.memory_space<vmem>> -> memref<128xf32, #tpu.memory_space<vmem>>
        %dma_start3A_247 = arith.constant 0 : i32
        %dma_start3A_248 = tpu.memref_slice %arg7[%scan3A_47, %dma_start3A_247] : memref<2x128xi32, #tpu.memory_space<vmem>> -> memref<1x128xi32, #tpu.memory_space<vmem>>
        %dma_start3A_249 = tpu.memref_squeeze %dma_start3A_248 : memref<1x128xi32, #tpu.memory_space<vmem>> -> memref<128xi32, #tpu.memory_space<vmem>>
        %dma_start3A_250 = arith.constant 0 : i32
        %dma_start3A_251 = tpu.memref_slice %arg3[%dma_start3A_250] : memref<1000000xf32, #tpu.memory_space<hbm>> -> memref<1000000xf32, #tpu.memory_space<hbm>>
        tpu.enqueue_indirect_dma source(%dma_start3A_251 : memref<1000000xf32, #tpu.memory_space<hbm>>) target(%dma_start3A_246 : memref<128xf32, #tpu.memory_space<vmem>>) offsets(%dma_start3A_249 : memref<128xi32, #tpu.memory_space<vmem>>) semaphore(%arg17 : memref<!tpu.dma_semaphore, #tpu.memory_space<semaphore_mem>>)
        %dma_start3A_252 = arith.constant 0 : i32
        %dma_start3A_253 = tpu.memref_slice %arg10[%scan3A_50, %dma_start3A_252] : memref<2x128xf32, #tpu.memory_space<vmem>> -> memref<1x128xf32, #tpu.memory_space<vmem>>
        %dma_start3A_254 = tpu.memref_squeeze %dma_start3A_253 : memref<1x128xf32, #tpu.memory_space<vmem>> -> memref<128xf32, #tpu.memory_space<vmem>>
        %dma_start3A_255 = arith.constant 0 : i32
        %dma_start3A_256 = tpu.memref_slice %arg7[%scan3A_47, %dma_start3A_255] : memref<2x128xi32, #tpu.memory_space<vmem>> -> memref<1x128xi32, #tpu.memory_space<vmem>>
        %dma_start3A_257 = tpu.memref_squeeze %dma_start3A_256 : memref<1x128xi32, #tpu.memory_space<vmem>> -> memref<128xi32, #tpu.memory_space<vmem>>
        %dma_start3A_258 = arith.constant 0 : i32
        %dma_start3A_259 = tpu.memref_slice %arg4[%dma_start3A_258] : memref<1000000xf32, #tpu.memory_space<hbm>> -> memref<1000000xf32, #tpu.memory_space<hbm>>
        tpu.enqueue_indirect_dma source(%dma_start3A_259 : memref<1000000xf32, #tpu.memory_space<hbm>>) target(%dma_start3A_254 : memref<128xf32, #tpu.memory_space<vmem>>) offsets(%dma_start3A_257 : memref<128xi32, #tpu.memory_space<vmem>>) semaphore(%arg19 : memref<!tpu.dma_semaphore, #tpu.memory_space<semaphore_mem>>)
      } else {
      }
      %dma_wait3A_100 = arith.constant 0 : i32
      %dma_wait3A_101 = arith.constant 0 : i32
      %dma_wait3A_102 = tpu.memref_slice %arg8[%scan3A_52, %dma_wait3A_100, %dma_wait3A_101] : memref<2x128x32xf32, #tpu.memory_space<vmem>> -> memref<1x128x32xf32, #tpu.memory_space<vmem>>
      %dma_wait3A_103 = tpu.memref_squeeze %dma_wait3A_102 : memref<1x128x32xf32, #tpu.memory_space<vmem>> -> memref<128x32xf32, #tpu.memory_space<vmem>>
      %dma_wait3A_104 = arith.constant 0 : i32
      %dma_wait3A_105 = tpu.memref_slice %arg7[%scan3A_51, %dma_wait3A_104] : memref<2x128xi32, #tpu.memory_space<vmem>> -> memref<1x128xi32, #tpu.memory_space<vmem>>
      %dma_wait3A_106 = tpu.memref_squeeze %dma_wait3A_105 : memref<1x128xi32, #tpu.memory_space<vmem>> -> memref<128xi32, #tpu.memory_space<vmem>>
      %dma_wait3A_107 = arith.constant 0 : i32
      %dma_wait3A_108 = arith.constant 0 : i32
      %dma_wait3A_109 = tpu.memref_slice %arg2[%dma_wait3A_107, %dma_wait3A_108] : memref<1000000x32xf32, #tpu.memory_space<hbm>> -> memref<1000000x32xf32, #tpu.memory_space<hbm>>
      tpu.wait_indirect_dma semaphore(%arg14 : memref<!tpu.dma_semaphore, #tpu.memory_space<semaphore_mem>>) src(%dma_wait3A_109 : memref<1000000x32xf32, #tpu.memory_space<hbm>>) dst(%dma_wait3A_103 : memref<128x32xf32, #tpu.memory_space<vmem>>)
      %dma_wait3A_110 = arith.constant 0 : i32
      %dma_wait3A_111 = tpu.memref_slice %arg9[%scan3A_53, %dma_wait3A_110] : memref<2x128xf32, #tpu.memory_space<vmem>> -> memref<1x128xf32, #tpu.memory_space<vmem>>
      %dma_wait3A_112 = tpu.memref_squeeze %dma_wait3A_111 : memref<1x128xf32, #tpu.memory_space<vmem>> -> memref<128xf32, #tpu.memory_space<vmem>>
      %dma_wait3A_113 = arith.constant 0 : i32
      %dma_wait3A_114 = tpu.memref_slice %arg7[%scan3A_51, %dma_wait3A_113] : memref<2x128xi32, #tpu.memory_space<vmem>> -> memref<1x128xi32, #tpu.memory_space<vmem>>
      %dma_wait3A_115 = tpu.memref_squeeze %dma_wait3A_114 : memref<1x128xi32, #tpu.memory_space<vmem>> -> memref<128xi32, #tpu.memory_space<vmem>>
      %dma_wait3A_116 = arith.constant 0 : i32
      %dma_wait3A_117 = tpu.memref_slice %arg3[%dma_wait3A_116] : memref<1000000xf32, #tpu.memory_space<hbm>> -> memref<1000000xf32, #tpu.memory_space<hbm>>
      tpu.wait_indirect_dma semaphore(%arg16 : memref<!tpu.dma_semaphore, #tpu.memory_space<semaphore_mem>>) src(%dma_wait3A_117 : memref<1000000xf32, #tpu.memory_space<hbm>>) dst(%dma_wait3A_112 : memref<128xf32, #tpu.memory_space<vmem>>)
      %dma_wait3A_118 = arith.constant 0 : i32
      %dma_wait3A_119 = tpu.memref_slice %arg10[%scan3A_54, %dma_wait3A_118] : memref<2x128xf32, #tpu.memory_space<vmem>> -> memref<1x128xf32, #tpu.memory_space<vmem>>
      %dma_wait3A_120 = tpu.memref_squeeze %dma_wait3A_119 : memref<1x128xf32, #tpu.memory_space<vmem>> -> memref<128xf32, #tpu.memory_space<vmem>>
      %dma_wait3A_121 = arith.constant 0 : i32
      %dma_wait3A_122 = tpu.memref_slice %arg7[%scan3A_51, %dma_wait3A_121] : memref<2x128xi32, #tpu.memory_space<vmem>> -> memref<1x128xi32, #tpu.memory_space<vmem>>
      %dma_wait3A_123 = tpu.memref_squeeze %dma_wait3A_122 : memref<1x128xi32, #tpu.memory_space<vmem>> -> memref<128xi32, #tpu.memory_space<vmem>>
      %dma_wait3A_124 = arith.constant 0 : i32
      %dma_wait3A_125 = tpu.memref_slice %arg4[%dma_wait3A_124] : memref<1000000xf32, #tpu.memory_space<hbm>> -> memref<1000000xf32, #tpu.memory_space<hbm>>
      tpu.wait_indirect_dma semaphore(%arg18 : memref<!tpu.dma_semaphore, #tpu.memory_space<semaphore_mem>>) src(%dma_wait3A_125 : memref<1000000xf32, #tpu.memory_space<hbm>>) dst(%dma_wait3A_120 : memref<128xf32, #tpu.memory_space<vmem>>)
      %add3A_126 = arith.constant 2 : i32
      %add3A_127 = arith.addi %add3A_95, %add3A_126 : i32
      %lt3A_128 = arith.constant 104 : i32
      %lt3A_129 = arith.cmpi slt, %add3A_127, %lt3A_128 : i32
      %convert_element_type3A_130 = arith.extui %lt3A_129 : i1 to i32
      %cond3A_131 = arith.constant 0 : i32
      %cond3A_132 = arith.cmpi ne, %convert_element_type3A_130, %cond3A_131 : i32
      scf.if %cond3A_132 {
        %add3A_221 = arith.constant 2 : i32
        %add3A_222 = arith.addi %add3A_95, %add3A_221 : i32
        %mul3A_223 = arith.constant 128 : i32
        %mul3A_224 = arith.muli %add3A_222, %mul3A_223 : i32
        %add3A_225 = arith.addi %mul3A_2, %mul3A_224 : i32
        %dma_start3A_226 = arith.constant 0 : i32
        %dma_start3A_227 = tpu.memref_slice %arg7[%scan3A_51, %dma_start3A_226] : memref<2x128xi32, #tpu.memory_space<vmem>> -> memref<1x128xi32, #tpu.memory_space<vmem>>
        %dma_start3A_228 = tpu.memref_squeeze %dma_start3A_227 : memref<1x128xi32, #tpu.memory_space<vmem>> -> memref<128xi32, #tpu.memory_space<vmem>>
        %dma_start3A_229 = tpu.memref_slice %arg5[%add3A_225] : memref<425984xi32, #tpu.memory_space<hbm>> -> memref<128xi32, #tpu.memory_space<hbm>>
        %dma_start3A_230 = arith.constant 0 : i32
        %dma_start3A_231 = tpu.memref_slice %arg7[%scan3A_51, %dma_start3A_230] : memref<2x128xi32, #tpu.memory_space<vmem>> -> memref<1x128xi32, #tpu.memory_space<vmem>>
        %dma_start3A_232 = tpu.memref_squeeze %dma_start3A_231 : memref<1x128xi32, #tpu.memory_space<vmem>> -> memref<128xi32, #tpu.memory_space<vmem>>
        %dma_start3A_233 = tpu.memref_slice %arg5[%add3A_225] : memref<425984xi32, #tpu.memory_space<hbm>> -> memref<128xi32, #tpu.memory_space<hbm>>
        tpu.enqueue_dma source(%dma_start3A_233 : memref<128xi32, #tpu.memory_space<hbm>>) target(%dma_start3A_232 : memref<128xi32, #tpu.memory_space<vmem>>) target_semaphore(%arg12 : memref<!tpu.dma_semaphore, #tpu.memory_space<semaphore_mem>>)
      } else {
      }
      %ge3A = arith.constant 2 : i32
      %ge3A_133 = arith.cmpi sge, %add3A_95, %ge3A : i32
      %convert_element_type3A_134 = arith.extui %ge3A_133 : i1 to i32
      %cond3A_135 = arith.constant 0 : i32
      %cond3A_136 = arith.cmpi ne, %convert_element_type3A_134, %cond3A_135 : i32
      scf.if %cond3A_136 {
        %mul3A_221 = arith.constant 128 : i32
        %mul3A_222 = arith.muli %add3A_95, %mul3A_221 : i32
        %add3A_223 = arith.addi %mul3A_2, %mul3A_222 : i32
        %dma_wait3A_224 = arith.constant 0 : i32
        %dma_wait3A_225 = arith.constant 0 : i32
        %dma_wait3A_226 = tpu.memref_slice %arg11[%scan3A_55, %dma_wait3A_224, %dma_wait3A_225] : memref<2x128x32xf32, #tpu.memory_space<vmem>> -> memref<1x128x32xf32, #tpu.memory_space<vmem>>
        %dma_wait3A_227 = tpu.memref_squeeze %dma_wait3A_226 : memref<1x128x32xf32, #tpu.memory_space<vmem>> -> memref<128x32xf32, #tpu.memory_space<vmem>>
        %dma_wait3A_228 = arith.constant 0 : i32
        %dma_wait3A_229 = tpu.memref_slice %arg6[%add3A_223, %dma_wait3A_228] : memref<425984x32xf32, #tpu.memory_space<hbm>> -> memref<128x32xf32, #tpu.memory_space<hbm>>
        %dma_wait3A_230 = arith.constant 0 : i32
        %dma_wait3A_231 = tpu.memref_slice %arg6[%add3A_223, %dma_wait3A_230] : memref<425984x32xf32, #tpu.memory_space<hbm>> -> memref<128x32xf32, #tpu.memory_space<hbm>>
        %dma_wait3A_232 = arith.constant 0 : i32
        %dma_wait3A_233 = arith.constant 0 : i32
        %dma_wait3A_234 = tpu.memref_slice %arg11[%scan3A_55, %dma_wait3A_232, %dma_wait3A_233] : memref<2x128x32xf32, #tpu.memory_space<vmem>> -> memref<1x128x32xf32, #tpu.memory_space<vmem>>
        %dma_wait3A_235 = tpu.memref_squeeze %dma_wait3A_234 : memref<1x128x32xf32, #tpu.memory_space<vmem>> -> memref<128x32xf32, #tpu.memory_space<vmem>>
        tpu.wait_dma2 semaphore(%arg20 : memref<!tpu.dma_semaphore, #tpu.memory_space<semaphore_mem>>) src(%dma_wait3A_235 : memref<128x32xf32, #tpu.memory_space<vmem>>) dst(%dma_wait3A_231 : memref<128x32xf32, #tpu.memory_space<hbm>>)
      } else {
      }
      %parallel_loop3A = arith.constant 0 : i32
      %parallel_loop3A_137 = arith.constant 8 : i32
      %parallel_loop3A_138 = arith.constant 1 : i32
      scf.for %parallel_loop3A_221 = %parallel_loop3A to %parallel_loop3A_137 step %parallel_loop3A_138  : i32 {
        %parallel_loop3A_222 = arith.constant 16 : i32
        %parallel_loop3A_223 = arith.muli %parallel_loop3A_221, %parallel_loop3A_222 : i32
        %parallel_loop3A_224 = vector.broadcast %parallel_loop3A_223 : i32 to vector<16xi32>
        %parallel_loop3A_225 = arith.addi %iota3A, %parallel_loop3A_224 : vector<16xi32>
        %parallel_loop3A_226 = arith.constant 0 : i32
        %parallel_loop3A_227 = tpu.memref_slice %arg9[%scan3A_53, %parallel_loop3A_226] : memref<2x128xf32, #tpu.memory_space<vmem>> -> memref<1x128xf32, #tpu.memory_space<vmem>>
        %parallel_loop3A_228 = tpu.memref_squeeze %parallel_loop3A_227 : memref<1x128xf32, #tpu.memory_space<vmem>> -> memref<128xf32, #tpu.memory_space<vmem>>
        %parallel_loop3A_229 = tpu.vector_load_idx %parallel_loop3A_228[%parallel_loop3A_225] : memref<128xf32, #tpu.memory_space<vmem>>[vector<16xi32>], vector<16xf32>,
        %parallel_loop3A_230 = arith.constant 0 : i32
        %parallel_loop3A_231 = tpu.memref_slice %arg10[%scan3A_54, %parallel_loop3A_230] : memref<2x128xf32, #tpu.memory_space<vmem>> -> memref<1x128xf32, #tpu.memory_space<vmem>>
        %parallel_loop3A_232 = tpu.memref_squeeze %parallel_loop3A_231 : memref<1x128xf32, #tpu.memory_space<vmem>> -> memref<128xf32, #tpu.memory_space<vmem>>
        %parallel_loop3A_233 = tpu.vector_load_idx %parallel_loop3A_232[%parallel_loop3A_225] : memref<128xf32, #tpu.memory_space<vmem>>[vector<16xi32>], vector<16xf32>,
        %parallel_loop3A_234 = arith.constant 0 : i32
        %parallel_loop3A_235 = vector.broadcast %parallel_loop3A_234 : i32 to vector<16xi32>
        %parallel_loop3A_236 = arith.constant 0 : i32
        %parallel_loop3A_237 = arith.constant 0 : i32
        %parallel_loop3A_238 = tpu.memref_slice %arg8[%scan3A_52, %parallel_loop3A_236, %parallel_loop3A_237] : memref<2x128x32xf32, #tpu.memory_space<vmem>> -> memref<1x128x32xf32, #tpu.memory_space<vmem>>
        %parallel_loop3A_239 = tpu.memref_squeeze %parallel_loop3A_238 : memref<1x128x32xf32, #tpu.memory_space<vmem>> -> memref<128x32xf32, #tpu.memory_space<vmem>>
        %parallel_loop3A_240 = tpu.vector_load_idx %parallel_loop3A_239[%parallel_loop3A_225, %parallel_loop3A_235] : memref<128x32xf32, #tpu.memory_space<vmem>>[vector<16xi32>, vector<16xi32>], vector<16xf32>,
        %parallel_loop3A_241 = arith.subf %parallel_loop3A_240, %parallel_loop3A_233 : vector<16xf32>
        %parallel_loop3A_242 = arith.mulf %parallel_loop3A_241, %parallel_loop3A_229 : vector<16xf32>
        %parallel_loop3A_243 = arith.constant 0 : i32
        %parallel_loop3A_244 = arith.constant 0 : i32
        %parallel_loop3A_245 = tpu.memref_slice %arg11[%scan3A_55, %parallel_loop3A_243, %parallel_loop3A_244] : memref<2x128x32xf32, #tpu.memory_space<vmem>> -> memref<1x128x32xf32, #tpu.memory_space<vmem>>
        %parallel_loop3A_246 = tpu.memref_squeeze %parallel_loop3A_245 : memref<1x128x32xf32, #tpu.memory_space<vmem>> -> memref<128x32xf32, #tpu.memory_space<vmem>>
        tpu.vector_store_idx %parallel_loop3A_246[%parallel_loop3A_225, %parallel_loop3A_235], %parallel_loop3A_242 : memref<128x32xf32, #tpu.memory_space<vmem>>[vector<16xi32>, vector<16xi32>], vector<16xf32>,
        %parallel_loop3A_247 = arith.constant 1 : i32
        %parallel_loop3A_248 = vector.broadcast %parallel_loop3A_247 : i32 to vector<16xi32>
        %parallel_loop3A_249 = arith.constant 0 : i32
        %parallel_loop3A_250 = arith.constant 0 : i32
        %parallel_loop3A_251 = tpu.memref_slice %arg8[%scan3A_52, %parallel_loop3A_249, %parallel_loop3A_250] : memref<2x128x32xf32, #tpu.memory_space<vmem>> -> memref<1x128x32xf32, #tpu.memory_space<vmem>>
        %parallel_loop3A_252 = tpu.memref_squeeze %parallel_loop3A_251 : memref<1x128x32xf32, #tpu.memory_space<vmem>> -> memref<128x32xf32, #tpu.memory_space<vmem>>
        %parallel_loop3A_253 = tpu.vector_load_idx %parallel_loop3A_252[%parallel_loop3A_225, %parallel_loop3A_248] : memref<128x32xf32, #tpu.memory_space<vmem>>[vector<16xi32>, vector<16xi32>], vector<16xf32>,
        %parallel_loop3A_254 = arith.subf %parallel_loop3A_253, %parallel_loop3A_233 : vector<16xf32>
        %parallel_loop3A_255 = arith.mulf %parallel_loop3A_254, %parallel_loop3A_229 : vector<16xf32>
        %parallel_loop3A_256 = arith.constant 0 : i32
        %parallel_loop3A_257 = arith.constant 0 : i32
        %parallel_loop3A_258 = tpu.memref_slice %arg11[%scan3A_55, %parallel_loop3A_256, %parallel_loop3A_257] : memref<2x128x32xf32, #tpu.memory_space<vmem>> -> memref<1x128x32xf32, #tpu.memory_space<vmem>>
        %parallel_loop3A_259 = tpu.memref_squeeze %parallel_loop3A_258 : memref<1x128x32xf32, #tpu.memory_space<vmem>> -> memref<128x32xf32, #tpu.memory_space<vmem>>
        tpu.vector_store_idx %parallel_loop3A_259[%parallel_loop3A_225, %parallel_loop3A_248], %parallel_loop3A_255 : memref<128x32xf32, #tpu.memory_space<vmem>>[vector<16xi32>, vector<16xi32>], vector<16xf32>,
        %parallel_loop3A_260 = arith.constant 2 : i32
        %parallel_loop3A_261 = vector.broadcast %parallel_loop3A_260 : i32 to vector<16xi32>
        %parallel_loop3A_262 = arith.constant 0 : i32
        %parallel_loop3A_263 = arith.constant 0 : i32
        %parallel_loop3A_264 = tpu.memref_slice %arg8[%scan3A_52, %parallel_loop3A_262, %parallel_loop3A_263] : memref<2x128x32xf32, #tpu.memory_space<vmem>> -> memref<1x128x32xf32, #tpu.memory_space<vmem>>
        %parallel_loop3A_265 = tpu.memref_squeeze %parallel_loop3A_264 : memref<1x128x32xf32, #tpu.memory_space<vmem>> -> memref<128x32xf32, #tpu.memory_space<vmem>>
        %parallel_loop3A_266 = tpu.vector_load_idx %parallel_loop3A_265[%parallel_loop3A_225, %parallel_loop3A_261] : memref<128x32xf32, #tpu.memory_space<vmem>>[vector<16xi32>, vector<16xi32>], vector<16xf32>,
        %parallel_loop3A_267 = arith.subf %parallel_loop3A_266, %parallel_loop3A_233 : vector<16xf32>
        %parallel_loop3A_268 = arith.mulf %parallel_loop3A_267, %parallel_loop3A_229 : vector<16xf32>
        %parallel_loop3A_269 = arith.constant 0 : i32
        %parallel_loop3A_270 = arith.constant 0 : i32
        %parallel_loop3A_271 = tpu.memref_slice %arg11[%scan3A_55, %parallel_loop3A_269, %parallel_loop3A_270] : memref<2x128x32xf32, #tpu.memory_space<vmem>> -> memref<1x128x32xf32, #tpu.memory_space<vmem>>
        %parallel_loop3A_272 = tpu.memref_squeeze %parallel_loop3A_271 : memref<1x128x32xf32, #tpu.memory_space<vmem>> -> memref<128x32xf32, #tpu.memory_space<vmem>>
        tpu.vector_store_idx %parallel_loop3A_272[%parallel_loop3A_225, %parallel_loop3A_261], %parallel_loop3A_268 : memref<128x32xf32, #tpu.memory_space<vmem>>[vector<16xi32>, vector<16xi32>], vector<16xf32>,
        %parallel_loop3A_273 = arith.constant 3 : i32
        %parallel_loop3A_274 = vector.broadcast %parallel_loop3A_273 : i32 to vector<16xi32>
        %parallel_loop3A_275 = arith.constant 0 : i32
        %parallel_loop3A_276 = arith.constant 0 : i32
        %parallel_loop3A_277 = tpu.memref_slice %arg8[%scan3A_52, %parallel_loop3A_275, %parallel_loop3A_276] : memref<2x128x32xf32, #tpu.memory_space<vmem>> -> memref<1x128x32xf32, #tpu.memory_space<vmem>>
        %parallel_loop3A_278 = tpu.memref_squeeze %parallel_loop3A_277 : memref<1x128x32xf32, #tpu.memory_space<vmem>> -> memref<128x32xf32, #tpu.memory_space<vmem>>
        %parallel_loop3A_279 = tpu.vector_load_idx %parallel_loop3A_278[%parallel_loop3A_225, %parallel_loop3A_274] : memref<128x32xf32, #tpu.memory_space<vmem>>[vector<16xi32>, vector<16xi32>], vector<16xf32>,
        %parallel_loop3A_280 = arith.subf %parallel_loop3A_279, %parallel_loop3A_233 : vector<16xf32>
        %parallel_loop3A_281 = arith.mulf %parallel_loop3A_280, %parallel_loop3A_229 : vector<16xf32>
        %parallel_loop3A_282 = arith.constant 0 : i32
        %parallel_loop3A_283 = arith.constant 0 : i32
        %parallel_loop3A_284 = tpu.memref_slice %arg11[%scan3A_55, %parallel_loop3A_282, %parallel_loop3A_283] : memref<2x128x32xf32, #tpu.memory_space<vmem>> -> memref<1x128x32xf32, #tpu.memory_space<vmem>>
        %parallel_loop3A_285 = tpu.memref_squeeze %parallel_loop3A_284 : memref<1x128x32xf32, #tpu.memory_space<vmem>> -> memref<128x32xf32, #tpu.memory_space<vmem>>
        tpu.vector_store_idx %parallel_loop3A_285[%parallel_loop3A_225, %parallel_loop3A_274], %parallel_loop3A_281 : memref<128x32xf32, #tpu.memory_space<vmem>>[vector<16xi32>, vector<16xi32>], vector<16xf32>,
        %parallel_loop3A_286 = arith.constant 4 : i32
        %parallel_loop3A_287 = vector.broadcast %parallel_loop3A_286 : i32 to vector<16xi32>
        %parallel_loop3A_288 = arith.constant 0 : i32
        %parallel_loop3A_289 = arith.constant 0 : i32
        %parallel_loop3A_290 = tpu.memref_slice %arg8[%scan3A_52, %parallel_loop3A_288, %parallel_loop3A_289] : memref<2x128x32xf32, #tpu.memory_space<vmem>> -> memref<1x128x32xf32, #tpu.memory_space<vmem>>
        %parallel_loop3A_291 = tpu.memref_squeeze %parallel_loop3A_290 : memref<1x128x32xf32, #tpu.memory_space<vmem>> -> memref<128x32xf32, #tpu.memory_space<vmem>>
        %parallel_loop3A_292 = tpu.vector_load_idx %parallel_loop3A_291[%parallel_loop3A_225, %parallel_loop3A_287] : memref<128x32xf32, #tpu.memory_space<vmem>>[vector<16xi32>, vector<16xi32>], vector<16xf32>,
        %parallel_loop3A_293 = arith.subf %parallel_loop3A_292, %parallel_loop3A_233 : vector<16xf32>
        %parallel_loop3A_294 = arith.mulf %parallel_loop3A_293, %parallel_loop3A_229 : vector<16xf32>
        %parallel_loop3A_295 = arith.constant 0 : i32
        %parallel_loop3A_296 = arith.constant 0 : i32
        %parallel_loop3A_297 = tpu.memref_slice %arg11[%scan3A_55, %parallel_loop3A_295, %parallel_loop3A_296] : memref<2x128x32xf32, #tpu.memory_space<vmem>> -> memref<1x128x32xf32, #tpu.memory_space<vmem>>
        %parallel_loop3A_298 = tpu.memref_squeeze %parallel_loop3A_297 : memref<1x128x32xf32, #tpu.memory_space<vmem>> -> memref<128x32xf32, #tpu.memory_space<vmem>>
        tpu.vector_store_idx %parallel_loop3A_298[%parallel_loop3A_225, %parallel_loop3A_287], %parallel_loop3A_294 : memref<128x32xf32, #tpu.memory_space<vmem>>[vector<16xi32>, vector<16xi32>], vector<16xf32>,
        %parallel_loop3A_299 = arith.constant 5 : i32
        %parallel_loop3A_300 = vector.broadcast %parallel_loop3A_299 : i32 to vector<16xi32>
        %parallel_loop3A_301 = arith.constant 0 : i32
        %parallel_loop3A_302 = arith.constant 0 : i32
        %parallel_loop3A_303 = tpu.memref_slice %arg8[%scan3A_52, %parallel_loop3A_301, %parallel_loop3A_302] : memref<2x128x32xf32, #tpu.memory_space<vmem>> -> memref<1x128x32xf32, #tpu.memory_space<vmem>>
        %parallel_loop3A_304 = tpu.memref_squeeze %parallel_loop3A_303 : memref<1x128x32xf32, #tpu.memory_space<vmem>> -> memref<128x32xf32, #tpu.memory_space<vmem>>
        %parallel_loop3A_305 = tpu.vector_load_idx %parallel_loop3A_304[%parallel_loop3A_225, %parallel_loop3A_300] : memref<128x32xf32, #tpu.memory_space<vmem>>[vector<16xi32>, vector<16xi32>], vector<16xf32>,
        %parallel_loop3A_306 = arith.subf %parallel_loop3A_305, %parallel_loop3A_233 : vector<16xf32>
        %parallel_loop3A_307 = arith.mulf %parallel_loop3A_306, %parallel_loop3A_229 : vector<16xf32>
        %parallel_loop3A_308 = arith.constant 0 : i32
        %parallel_loop3A_309 = arith.constant 0 : i32
        %parallel_loop3A_310 = tpu.memref_slice %arg11[%scan3A_55, %parallel_loop3A_308, %parallel_loop3A_309] : memref<2x128x32xf32, #tpu.memory_space<vmem>> -> memref<1x128x32xf32, #tpu.memory_space<vmem>>
        %parallel_loop3A_311 = tpu.memref_squeeze %parallel_loop3A_310 : memref<1x128x32xf32, #tpu.memory_space<vmem>> -> memref<128x32xf32, #tpu.memory_space<vmem>>
        tpu.vector_store_idx %parallel_loop3A_311[%parallel_loop3A_225, %parallel_loop3A_300], %parallel_loop3A_307 : memref<128x32xf32, #tpu.memory_space<vmem>>[vector<16xi32>, vector<16xi32>], vector<16xf32>,
        %parallel_loop3A_312 = arith.constant 6 : i32
        %parallel_loop3A_313 = vector.broadcast %parallel_loop3A_312 : i32 to vector<16xi32>
        %parallel_loop3A_314 = arith.constant 0 : i32
        %parallel_loop3A_315 = arith.constant 0 : i32
        %parallel_loop3A_316 = tpu.memref_slice %arg8[%scan3A_52, %parallel_loop3A_314, %parallel_loop3A_315] : memref<2x128x32xf32, #tpu.memory_space<vmem>> -> memref<1x128x32xf32, #tpu.memory_space<vmem>>
        %parallel_loop3A_317 = tpu.memref_squeeze %parallel_loop3A_316 : memref<1x128x32xf32, #tpu.memory_space<vmem>> -> memref<128x32xf32, #tpu.memory_space<vmem>>
        %parallel_loop3A_318 = tpu.vector_load_idx %parallel_loop3A_317[%parallel_loop3A_225, %parallel_loop3A_313] : memref<128x32xf32, #tpu.memory_space<vmem>>[vector<16xi32>, vector<16xi32>], vector<16xf32>,
        %parallel_loop3A_319 = arith.subf %parallel_loop3A_318, %parallel_loop3A_233 : vector<16xf32>
        %parallel_loop3A_320 = arith.mulf %parallel_loop3A_319, %parallel_loop3A_229 : vector<16xf32>
        %parallel_loop3A_321 = arith.constant 0 : i32
        %parallel_loop3A_322 = arith.constant 0 : i32
        %parallel_loop3A_323 = tpu.memref_slice %arg11[%scan3A_55, %parallel_loop3A_321, %parallel_loop3A_322] : memref<2x128x32xf32, #tpu.memory_space<vmem>> -> memref<1x128x32xf32, #tpu.memory_space<vmem>>
        %parallel_loop3A_324 = tpu.memref_squeeze %parallel_loop3A_323 : memref<1x128x32xf32, #tpu.memory_space<vmem>> -> memref<128x32xf32, #tpu.memory_space<vmem>>
        tpu.vector_store_idx %parallel_loop3A_324[%parallel_loop3A_225, %parallel_loop3A_313], %parallel_loop3A_320 : memref<128x32xf32, #tpu.memory_space<vmem>>[vector<16xi32>, vector<16xi32>], vector<16xf32>,
        %parallel_loop3A_325 = arith.constant 7 : i32
        %parallel_loop3A_326 = vector.broadcast %parallel_loop3A_325 : i32 to vector<16xi32>
        %parallel_loop3A_327 = arith.constant 0 : i32
        %parallel_loop3A_328 = arith.constant 0 : i32
        %parallel_loop3A_329 = tpu.memref_slice %arg8[%scan3A_52, %parallel_loop3A_327, %parallel_loop3A_328] : memref<2x128x32xf32, #tpu.memory_space<vmem>> -> memref<1x128x32xf32, #tpu.memory_space<vmem>>
        %parallel_loop3A_330 = tpu.memref_squeeze %parallel_loop3A_329 : memref<1x128x32xf32, #tpu.memory_space<vmem>> -> memref<128x32xf32, #tpu.memory_space<vmem>>
        %parallel_loop3A_331 = tpu.vector_load_idx %parallel_loop3A_330[%parallel_loop3A_225, %parallel_loop3A_326] : memref<128x32xf32, #tpu.memory_space<vmem>>[vector<16xi32>, vector<16xi32>], vector<16xf32>,
        %parallel_loop3A_332 = arith.subf %parallel_loop3A_331, %parallel_loop3A_233 : vector<16xf32>
        %parallel_loop3A_333 = arith.mulf %parallel_loop3A_332, %parallel_loop3A_229 : vector<16xf32>
        %parallel_loop3A_334 = arith.constant 0 : i32
        %parallel_loop3A_335 = arith.constant 0 : i32
        %parallel_loop3A_336 = tpu.memref_slice %arg11[%scan3A_55, %parallel_loop3A_334, %parallel_loop3A_335] : memref<2x128x32xf32, #tpu.memory_space<vmem>> -> memref<1x128x32xf32, #tpu.memory_space<vmem>>
        %parallel_loop3A_337 = tpu.memref_squeeze %parallel_loop3A_336 : memref<1x128x32xf32, #tpu.memory_space<vmem>> -> memref<128x32xf32, #tpu.memory_space<vmem>>
        tpu.vector_store_idx %parallel_loop3A_337[%parallel_loop3A_225, %parallel_loop3A_326], %parallel_loop3A_333 : memref<128x32xf32, #tpu.memory_space<vmem>>[vector<16xi32>, vector<16xi32>], vector<16xf32>,
        %parallel_loop3A_338 = arith.constant 8 : i32
        %parallel_loop3A_339 = vector.broadcast %parallel_loop3A_338 : i32 to vector<16xi32>
        %parallel_loop3A_340 = arith.constant 0 : i32
        %parallel_loop3A_341 = arith.constant 0 : i32
        %parallel_loop3A_342 = tpu.memref_slice %arg8[%scan3A_52, %parallel_loop3A_340, %parallel_loop3A_341] : memref<2x128x32xf32, #tpu.memory_space<vmem>> -> memref<1x128x32xf32, #tpu.memory_space<vmem>>
        %parallel_loop3A_343 = tpu.memref_squeeze %parallel_loop3A_342 : memref<1x128x32xf32, #tpu.memory_space<vmem>> -> memref<128x32xf32, #tpu.memory_space<vmem>>
        %parallel_loop3A_344 = tpu.vector_load_idx %parallel_loop3A_343[%parallel_loop3A_225, %parallel_loop3A_339] : memref<128x32xf32, #tpu.memory_space<vmem>>[vector<16xi32>, vector<16xi32>], vector<16xf32>,
        %parallel_loop3A_345 = arith.subf %parallel_loop3A_344, %parallel_loop3A_233 : vector<16xf32>
        %parallel_loop3A_346 = arith.mulf %parallel_loop3A_345, %parallel_loop3A_229 : vector<16xf32>
        %parallel_loop3A_347 = arith.constant 0 : i32
        %parallel_loop3A_348 = arith.constant 0 : i32
        %parallel_loop3A_349 = tpu.memref_slice %arg11[%scan3A_55, %parallel_loop3A_347, %parallel_loop3A_348] : memref<2x128x32xf32, #tpu.memory_space<vmem>> -> memref<1x128x32xf32, #tpu.memory_space<vmem>>
        %parallel_loop3A_350 = tpu.memref_squeeze %parallel_loop3A_349 : memref<1x128x32xf32, #tpu.memory_space<vmem>> -> memref<128x32xf32, #tpu.memory_space<vmem>>
        tpu.vector_store_idx %parallel_loop3A_350[%parallel_loop3A_225, %parallel_loop3A_339], %parallel_loop3A_346 : memref<128x32xf32, #tpu.memory_space<vmem>>[vector<16xi32>, vector<16xi32>], vector<16xf32>,
        %parallel_loop3A_351 = arith.constant 9 : i32
        %parallel_loop3A_352 = vector.broadcast %parallel_loop3A_351 : i32 to vector<16xi32>
        %parallel_loop3A_353 = arith.constant 0 : i32
        %parallel_loop3A_354 = arith.constant 0 : i32
        %parallel_loop3A_355 = tpu.memref_slice %arg8[%scan3A_52, %parallel_loop3A_353, %parallel_loop3A_354] : memref<2x128x32xf32, #tpu.memory_space<vmem>> -> memref<1x128x32xf32, #tpu.memory_space<vmem>>
        %parallel_loop3A_356 = tpu.memref_squeeze %parallel_loop3A_355 : memref<1x128x32xf32, #tpu.memory_space<vmem>> -> memref<128x32xf32, #tpu.memory_space<vmem>>
        %parallel_loop3A_357 = tpu.vector_load_idx %parallel_loop3A_356[%parallel_loop3A_225, %parallel_loop3A_352] : memref<128x32xf32, #tpu.memory_space<vmem>>[vector<16xi32>, vector<16xi32>], vector<16xf32>,
        %parallel_loop3A_358 = arith.subf %parallel_loop3A_357, %parallel_loop3A_233 : vector<16xf32>
        %parallel_loop3A_359 = arith.mulf %parallel_loop3A_358, %parallel_loop3A_229 : vector<16xf32>
        %parallel_loop3A_360 = arith.constant 0 : i32
        %parallel_loop3A_361 = arith.constant 0 : i32
        %parallel_loop3A_362 = tpu.memref_slice %arg11[%scan3A_55, %parallel_loop3A_360, %parallel_loop3A_361] : memref<2x128x32xf32, #tpu.memory_space<vmem>> -> memref<1x128x32xf32, #tpu.memory_space<vmem>>
        %parallel_loop3A_363 = tpu.memref_squeeze %parallel_loop3A_362 : memref<1x128x32xf32, #tpu.memory_space<vmem>> -> memref<128x32xf32, #tpu.memory_space<vmem>>
        tpu.vector_store_idx %parallel_loop3A_363[%parallel_loop3A_225, %parallel_loop3A_352], %parallel_loop3A_359 : memref<128x32xf32, #tpu.memory_space<vmem>>[vector<16xi32>, vector<16xi32>], vector<16xf32>,
        %parallel_loop3A_364 = arith.constant 10 : i32
        %parallel_loop3A_365 = vector.broadcast %parallel_loop3A_364 : i32 to vector<16xi32>
        %parallel_loop3A_366 = arith.constant 0 : i32
        %parallel_loop3A_367 = arith.constant 0 : i32
        %parallel_loop3A_368 = tpu.memref_slice %arg8[%scan3A_52, %parallel_loop3A_366, %parallel_loop3A_367] : memref<2x128x32xf32, #tpu.memory_space<vmem>> -> memref<1x128x32xf32, #tpu.memory_space<vmem>>
        %parallel_loop3A_369 = tpu.memref_squeeze %parallel_loop3A_368 : memref<1x128x32xf32, #tpu.memory_space<vmem>> -> memref<128x32xf32, #tpu.memory_space<vmem>>
        %parallel_loop3A_370 = tpu.vector_load_idx %parallel_loop3A_369[%parallel_loop3A_225, %parallel_loop3A_365] : memref<128x32xf32, #tpu.memory_space<vmem>>[vector<16xi32>, vector<16xi32>], vector<16xf32>,
        %parallel_loop3A_371 = arith.subf %parallel_loop3A_370, %parallel_loop3A_233 : vector<16xf32>
        %parallel_loop3A_372 = arith.mulf %parallel_loop3A_371, %parallel_loop3A_229 : vector<16xf32>
        %parallel_loop3A_373 = arith.constant 0 : i32
        %parallel_loop3A_374 = arith.constant 0 : i32
        %parallel_loop3A_375 = tpu.memref_slice %arg11[%scan3A_55, %parallel_loop3A_373, %parallel_loop3A_374] : memref<2x128x32xf32, #tpu.memory_space<vmem>> -> memref<1x128x32xf32, #tpu.memory_space<vmem>>
        %parallel_loop3A_376 = tpu.memref_squeeze %parallel_loop3A_375 : memref<1x128x32xf32, #tpu.memory_space<vmem>> -> memref<128x32xf32, #tpu.memory_space<vmem>>
        tpu.vector_store_idx %parallel_loop3A_376[%parallel_loop3A_225, %parallel_loop3A_365], %parallel_loop3A_372 : memref<128x32xf32, #tpu.memory_space<vmem>>[vector<16xi32>, vector<16xi32>], vector<16xf32>,
        %parallel_loop3A_377 = arith.constant 11 : i32
        %parallel_loop3A_378 = vector.broadcast %parallel_loop3A_377 : i32 to vector<16xi32>
        %parallel_loop3A_379 = arith.constant 0 : i32
        %parallel_loop3A_380 = arith.constant 0 : i32
        %parallel_loop3A_381 = tpu.memref_slice %arg8[%scan3A_52, %parallel_loop3A_379, %parallel_loop3A_380] : memref<2x128x32xf32, #tpu.memory_space<vmem>> -> memref<1x128x32xf32, #tpu.memory_space<vmem>>
        %parallel_loop3A_382 = tpu.memref_squeeze %parallel_loop3A_381 : memref<1x128x32xf32, #tpu.memory_space<vmem>> -> memref<128x32xf32, #tpu.memory_space<vmem>>
        %parallel_loop3A_383 = tpu.vector_load_idx %parallel_loop3A_382[%parallel_loop3A_225, %parallel_loop3A_378] : memref<128x32xf32, #tpu.memory_space<vmem>>[vector<16xi32>, vector<16xi32>], vector<16xf32>,
        %parallel_loop3A_384 = arith.subf %parallel_loop3A_383, %parallel_loop3A_233 : vector<16xf32>
        %parallel_loop3A_385 = arith.mulf %parallel_loop3A_384, %parallel_loop3A_229 : vector<16xf32>
        %parallel_loop3A_386 = arith.constant 0 : i32
        %parallel_loop3A_387 = arith.constant 0 : i32
        %parallel_loop3A_388 = tpu.memref_slice %arg11[%scan3A_55, %parallel_loop3A_386, %parallel_loop3A_387] : memref<2x128x32xf32, #tpu.memory_space<vmem>> -> memref<1x128x32xf32, #tpu.memory_space<vmem>>
        %parallel_loop3A_389 = tpu.memref_squeeze %parallel_loop3A_388 : memref<1x128x32xf32, #tpu.memory_space<vmem>> -> memref<128x32xf32, #tpu.memory_space<vmem>>
        tpu.vector_store_idx %parallel_loop3A_389[%parallel_loop3A_225, %parallel_loop3A_378], %parallel_loop3A_385 : memref<128x32xf32, #tpu.memory_space<vmem>>[vector<16xi32>, vector<16xi32>], vector<16xf32>,
        %parallel_loop3A_390 = arith.constant 12 : i32
        %parallel_loop3A_391 = vector.broadcast %parallel_loop3A_390 : i32 to vector<16xi32>
        %parallel_loop3A_392 = arith.constant 0 : i32
        %parallel_loop3A_393 = arith.constant 0 : i32
        %parallel_loop3A_394 = tpu.memref_slice %arg8[%scan3A_52, %parallel_loop3A_392, %parallel_loop3A_393] : memref<2x128x32xf32, #tpu.memory_space<vmem>> -> memref<1x128x32xf32, #tpu.memory_space<vmem>>
        %parallel_loop3A_395 = tpu.memref_squeeze %parallel_loop3A_394 : memref<1x128x32xf32, #tpu.memory_space<vmem>> -> memref<128x32xf32, #tpu.memory_space<vmem>>
        %parallel_loop3A_396 = tpu.vector_load_idx %parallel_loop3A_395[%parallel_loop3A_225, %parallel_loop3A_391] : memref<128x32xf32, #tpu.memory_space<vmem>>[vector<16xi32>, vector<16xi32>], vector<16xf32>,
        %parallel_loop3A_397 = arith.subf %parallel_loop3A_396, %parallel_loop3A_233 : vector<16xf32>
        %parallel_loop3A_398 = arith.mulf %parallel_loop3A_397, %parallel_loop3A_229 : vector<16xf32>
        %parallel_loop3A_399 = arith.constant 0 : i32
        %parallel_loop3A_400 = arith.constant 0 : i32
        %parallel_loop3A_401 = tpu.memref_slice %arg11[%scan3A_55, %parallel_loop3A_399, %parallel_loop3A_400] : memref<2x128x32xf32, #tpu.memory_space<vmem>> -> memref<1x128x32xf32, #tpu.memory_space<vmem>>
        %parallel_loop3A_402 = tpu.memref_squeeze %parallel_loop3A_401 : memref<1x128x32xf32, #tpu.memory_space<vmem>> -> memref<128x32xf32, #tpu.memory_space<vmem>>
        tpu.vector_store_idx %parallel_loop3A_402[%parallel_loop3A_225, %parallel_loop3A_391], %parallel_loop3A_398 : memref<128x32xf32, #tpu.memory_space<vmem>>[vector<16xi32>, vector<16xi32>], vector<16xf32>,
        %parallel_loop3A_403 = arith.constant 13 : i32
        %parallel_loop3A_404 = vector.broadcast %parallel_loop3A_403 : i32 to vector<16xi32>
        %parallel_loop3A_405 = arith.constant 0 : i32
        %parallel_loop3A_406 = arith.constant 0 : i32
        %parallel_loop3A_407 = tpu.memref_slice %arg8[%scan3A_52, %parallel_loop3A_405, %parallel_loop3A_406] : memref<2x128x32xf32, #tpu.memory_space<vmem>> -> memref<1x128x32xf32, #tpu.memory_space<vmem>>
        %parallel_loop3A_408 = tpu.memref_squeeze %parallel_loop3A_407 : memref<1x128x32xf32, #tpu.memory_space<vmem>> -> memref<128x32xf32, #tpu.memory_space<vmem>>
        %parallel_loop3A_409 = tpu.vector_load_idx %parallel_loop3A_408[%parallel_loop3A_225, %parallel_loop3A_404] : memref<128x32xf32, #tpu.memory_space<vmem>>[vector<16xi32>, vector<16xi32>], vector<16xf32>,
        %parallel_loop3A_410 = arith.subf %parallel_loop3A_409, %parallel_loop3A_233 : vector<16xf32>
        %parallel_loop3A_411 = arith.mulf %parallel_loop3A_410, %parallel_loop3A_229 : vector<16xf32>
        %parallel_loop3A_412 = arith.constant 0 : i32
        %parallel_loop3A_413 = arith.constant 0 : i32
        %parallel_loop3A_414 = tpu.memref_slice %arg11[%scan3A_55, %parallel_loop3A_412, %parallel_loop3A_413] : memref<2x128x32xf32, #tpu.memory_space<vmem>> -> memref<1x128x32xf32, #tpu.memory_space<vmem>>
        %parallel_loop3A_415 = tpu.memref_squeeze %parallel_loop3A_414 : memref<1x128x32xf32, #tpu.memory_space<vmem>> -> memref<128x32xf32, #tpu.memory_space<vmem>>
        tpu.vector_store_idx %parallel_loop3A_415[%parallel_loop3A_225, %parallel_loop3A_404], %parallel_loop3A_411 : memref<128x32xf32, #tpu.memory_space<vmem>>[vector<16xi32>, vector<16xi32>], vector<16xf32>,
        %parallel_loop3A_416 = arith.constant 14 : i32
        %parallel_loop3A_417 = vector.broadcast %parallel_loop3A_416 : i32 to vector<16xi32>
        %parallel_loop3A_418 = arith.constant 0 : i32
        %parallel_loop3A_419 = arith.constant 0 : i32
        %parallel_loop3A_420 = tpu.memref_slice %arg8[%scan3A_52, %parallel_loop3A_418, %parallel_loop3A_419] : memref<2x128x32xf32, #tpu.memory_space<vmem>> -> memref<1x128x32xf32, #tpu.memory_space<vmem>>
        %parallel_loop3A_421 = tpu.memref_squeeze %parallel_loop3A_420 : memref<1x128x32xf32, #tpu.memory_space<vmem>> -> memref<128x32xf32, #tpu.memory_space<vmem>>
        %parallel_loop3A_422 = tpu.vector_load_idx %parallel_loop3A_421[%parallel_loop3A_225, %parallel_loop3A_417] : memref<128x32xf32, #tpu.memory_space<vmem>>[vector<16xi32>, vector<16xi32>], vector<16xf32>,
        %parallel_loop3A_423 = arith.subf %parallel_loop3A_422, %parallel_loop3A_233 : vector<16xf32>
        %parallel_loop3A_424 = arith.mulf %parallel_loop3A_423, %parallel_loop3A_229 : vector<16xf32>
        %parallel_loop3A_425 = arith.constant 0 : i32
        %parallel_loop3A_426 = arith.constant 0 : i32
        %parallel_loop3A_427 = tpu.memref_slice %arg11[%scan3A_55, %parallel_loop3A_425, %parallel_loop3A_426] : memref<2x128x32xf32, #tpu.memory_space<vmem>> -> memref<1x128x32xf32, #tpu.memory_space<vmem>>
        %parallel_loop3A_428 = tpu.memref_squeeze %parallel_loop3A_427 : memref<1x128x32xf32, #tpu.memory_space<vmem>> -> memref<128x32xf32, #tpu.memory_space<vmem>>
        tpu.vector_store_idx %parallel_loop3A_428[%parallel_loop3A_225, %parallel_loop3A_417], %parallel_loop3A_424 : memref<128x32xf32, #tpu.memory_space<vmem>>[vector<16xi32>, vector<16xi32>], vector<16xf32>,
        %parallel_loop3A_429 = arith.constant 15 : i32
        %parallel_loop3A_430 = vector.broadcast %parallel_loop3A_429 : i32 to vector<16xi32>
        %parallel_loop3A_431 = arith.constant 0 : i32
        %parallel_loop3A_432 = arith.constant 0 : i32
        %parallel_loop3A_433 = tpu.memref_slice %arg8[%scan3A_52, %parallel_loop3A_431, %parallel_loop3A_432] : memref<2x128x32xf32, #tpu.memory_space<vmem>> -> memref<1x128x32xf32, #tpu.memory_space<vmem>>
        %parallel_loop3A_434 = tpu.memref_squeeze %parallel_loop3A_433 : memref<1x128x32xf32, #tpu.memory_space<vmem>> -> memref<128x32xf32, #tpu.memory_space<vmem>>
        %parallel_loop3A_435 = tpu.vector_load_idx %parallel_loop3A_434[%parallel_loop3A_225, %parallel_loop3A_430] : memref<128x32xf32, #tpu.memory_space<vmem>>[vector<16xi32>, vector<16xi32>], vector<16xf32>,
        %parallel_loop3A_436 = arith.subf %parallel_loop3A_435, %parallel_loop3A_233 : vector<16xf32>
        %parallel_loop3A_437 = arith.mulf %parallel_loop3A_436, %parallel_loop3A_229 : vector<16xf32>
        %parallel_loop3A_438 = arith.constant 0 : i32
        %parallel_loop3A_439 = arith.constant 0 : i32
        %parallel_loop3A_440 = tpu.memref_slice %arg11[%scan3A_55, %parallel_loop3A_438, %parallel_loop3A_439] : memref<2x128x32xf32, #tpu.memory_space<vmem>> -> memref<1x128x32xf32, #tpu.memory_space<vmem>>
        %parallel_loop3A_441 = tpu.memref_squeeze %parallel_loop3A_440 : memref<1x128x32xf32, #tpu.memory_space<vmem>> -> memref<128x32xf32, #tpu.memory_space<vmem>>
        tpu.vector_store_idx %parallel_loop3A_441[%parallel_loop3A_225, %parallel_loop3A_430], %parallel_loop3A_437 : memref<128x32xf32, #tpu.memory_space<vmem>>[vector<16xi32>, vector<16xi32>], vector<16xf32>,
        %parallel_loop3A_442 = arith.constant 16 : i32
        %parallel_loop3A_443 = vector.broadcast %parallel_loop3A_442 : i32 to vector<16xi32>
        %parallel_loop3A_444 = arith.constant 0 : i32
        %parallel_loop3A_445 = arith.constant 0 : i32
        %parallel_loop3A_446 = tpu.memref_slice %arg8[%scan3A_52, %parallel_loop3A_444, %parallel_loop3A_445] : memref<2x128x32xf32, #tpu.memory_space<vmem>> -> memref<1x128x32xf32, #tpu.memory_space<vmem>>
        %parallel_loop3A_447 = tpu.memref_squeeze %parallel_loop3A_446 : memref<1x128x32xf32, #tpu.memory_space<vmem>> -> memref<128x32xf32, #tpu.memory_space<vmem>>
        %parallel_loop3A_448 = tpu.vector_load_idx %parallel_loop3A_447[%parallel_loop3A_225, %parallel_loop3A_443] : memref<128x32xf32, #tpu.memory_space<vmem>>[vector<16xi32>, vector<16xi32>], vector<16xf32>,
        %parallel_loop3A_449 = arith.subf %parallel_loop3A_448, %parallel_loop3A_233 : vector<16xf32>
        %parallel_loop3A_450 = arith.mulf %parallel_loop3A_449, %parallel_loop3A_229 : vector<16xf32>
        %parallel_loop3A_451 = arith.constant 0 : i32
        %parallel_loop3A_452 = arith.constant 0 : i32
        %parallel_loop3A_453 = tpu.memref_slice %arg11[%scan3A_55, %parallel_loop3A_451, %parallel_loop3A_452] : memref<2x128x32xf32, #tpu.memory_space<vmem>> -> memref<1x128x32xf32, #tpu.memory_space<vmem>>
        %parallel_loop3A_454 = tpu.memref_squeeze %parallel_loop3A_453 : memref<1x128x32xf32, #tpu.memory_space<vmem>> -> memref<128x32xf32, #tpu.memory_space<vmem>>
        tpu.vector_store_idx %parallel_loop3A_454[%parallel_loop3A_225, %parallel_loop3A_443], %parallel_loop3A_450 : memref<128x32xf32, #tpu.memory_space<vmem>>[vector<16xi32>, vector<16xi32>], vector<16xf32>,
        %parallel_loop3A_455 = arith.constant 17 : i32
        %parallel_loop3A_456 = vector.broadcast %parallel_loop3A_455 : i32 to vector<16xi32>
        %parallel_loop3A_457 = arith.constant 0 : i32
        %parallel_loop3A_458 = arith.constant 0 : i32
        %parallel_loop3A_459 = tpu.memref_slice %arg8[%scan3A_52, %parallel_loop3A_457, %parallel_loop3A_458] : memref<2x128x32xf32, #tpu.memory_space<vmem>> -> memref<1x128x32xf32, #tpu.memory_space<vmem>>
        %parallel_loop3A_460 = tpu.memref_squeeze %parallel_loop3A_459 : memref<1x128x32xf32, #tpu.memory_space<vmem>> -> memref<128x32xf32, #tpu.memory_space<vmem>>
        %parallel_loop3A_461 = tpu.vector_load_idx %parallel_loop3A_460[%parallel_loop3A_225, %parallel_loop3A_456] : memref<128x32xf32, #tpu.memory_space<vmem>>[vector<16xi32>, vector<16xi32>], vector<16xf32>,
        %parallel_loop3A_462 = arith.subf %parallel_loop3A_461, %parallel_loop3A_233 : vector<16xf32>
        %parallel_loop3A_463 = arith.mulf %parallel_loop3A_462, %parallel_loop3A_229 : vector<16xf32>
        %parallel_loop3A_464 = arith.constant 0 : i32
        %parallel_loop3A_465 = arith.constant 0 : i32
        %parallel_loop3A_466 = tpu.memref_slice %arg11[%scan3A_55, %parallel_loop3A_464, %parallel_loop3A_465] : memref<2x128x32xf32, #tpu.memory_space<vmem>> -> memref<1x128x32xf32, #tpu.memory_space<vmem>>
        %parallel_loop3A_467 = tpu.memref_squeeze %parallel_loop3A_466 : memref<1x128x32xf32, #tpu.memory_space<vmem>> -> memref<128x32xf32, #tpu.memory_space<vmem>>
        tpu.vector_store_idx %parallel_loop3A_467[%parallel_loop3A_225, %parallel_loop3A_456], %parallel_loop3A_463 : memref<128x32xf32, #tpu.memory_space<vmem>>[vector<16xi32>, vector<16xi32>], vector<16xf32>,
        %parallel_loop3A_468 = arith.constant 18 : i32
        %parallel_loop3A_469 = vector.broadcast %parallel_loop3A_468 : i32 to vector<16xi32>
        %parallel_loop3A_470 = arith.constant 0 : i32
        %parallel_loop3A_471 = arith.constant 0 : i32
        %parallel_loop3A_472 = tpu.memref_slice %arg8[%scan3A_52, %parallel_loop3A_470, %parallel_loop3A_471] : memref<2x128x32xf32, #tpu.memory_space<vmem>> -> memref<1x128x32xf32, #tpu.memory_space<vmem>>
        %parallel_loop3A_473 = tpu.memref_squeeze %parallel_loop3A_472 : memref<1x128x32xf32, #tpu.memory_space<vmem>> -> memref<128x32xf32, #tpu.memory_space<vmem>>
        %parallel_loop3A_474 = tpu.vector_load_idx %parallel_loop3A_473[%parallel_loop3A_225, %parallel_loop3A_469] : memref<128x32xf32, #tpu.memory_space<vmem>>[vector<16xi32>, vector<16xi32>], vector<16xf32>,
        %parallel_loop3A_475 = arith.subf %parallel_loop3A_474, %parallel_loop3A_233 : vector<16xf32>
        %parallel_loop3A_476 = arith.mulf %parallel_loop3A_475, %parallel_loop3A_229 : vector<16xf32>
        %parallel_loop3A_477 = arith.constant 0 : i32
        %parallel_loop3A_478 = arith.constant 0 : i32
        %parallel_loop3A_479 = tpu.memref_slice %arg11[%scan3A_55, %parallel_loop3A_477, %parallel_loop3A_478] : memref<2x128x32xf32, #tpu.memory_space<vmem>> -> memref<1x128x32xf32, #tpu.memory_space<vmem>>
        %parallel_loop3A_480 = tpu.memref_squeeze %parallel_loop3A_479 : memref<1x128x32xf32, #tpu.memory_space<vmem>> -> memref<128x32xf32, #tpu.memory_space<vmem>>
        tpu.vector_store_idx %parallel_loop3A_480[%parallel_loop3A_225, %parallel_loop3A_469], %parallel_loop3A_476 : memref<128x32xf32, #tpu.memory_space<vmem>>[vector<16xi32>, vector<16xi32>], vector<16xf32>,
        %parallel_loop3A_481 = arith.constant 19 : i32
        %parallel_loop3A_482 = vector.broadcast %parallel_loop3A_481 : i32 to vector<16xi32>
        %parallel_loop3A_483 = arith.constant 0 : i32
        %parallel_loop3A_484 = arith.constant 0 : i32
        %parallel_loop3A_485 = tpu.memref_slice %arg8[%scan3A_52, %parallel_loop3A_483, %parallel_loop3A_484] : memref<2x128x32xf32, #tpu.memory_space<vmem>> -> memref<1x128x32xf32, #tpu.memory_space<vmem>>
        %parallel_loop3A_486 = tpu.memref_squeeze %parallel_loop3A_485 : memref<1x128x32xf32, #tpu.memory_space<vmem>> -> memref<128x32xf32, #tpu.memory_space<vmem>>
        %parallel_loop3A_487 = tpu.vector_load_idx %parallel_loop3A_486[%parallel_loop3A_225, %parallel_loop3A_482] : memref<128x32xf32, #tpu.memory_space<vmem>>[vector<16xi32>, vector<16xi32>], vector<16xf32>,
        %parallel_loop3A_488 = arith.subf %parallel_loop3A_487, %parallel_loop3A_233 : vector<16xf32>
        %parallel_loop3A_489 = arith.mulf %parallel_loop3A_488, %parallel_loop3A_229 : vector<16xf32>
        %parallel_loop3A_490 = arith.constant 0 : i32
        %parallel_loop3A_491 = arith.constant 0 : i32
        %parallel_loop3A_492 = tpu.memref_slice %arg11[%scan3A_55, %parallel_loop3A_490, %parallel_loop3A_491] : memref<2x128x32xf32, #tpu.memory_space<vmem>> -> memref<1x128x32xf32, #tpu.memory_space<vmem>>
        %parallel_loop3A_493 = tpu.memref_squeeze %parallel_loop3A_492 : memref<1x128x32xf32, #tpu.memory_space<vmem>> -> memref<128x32xf32, #tpu.memory_space<vmem>>
        tpu.vector_store_idx %parallel_loop3A_493[%parallel_loop3A_225, %parallel_loop3A_482], %parallel_loop3A_489 : memref<128x32xf32, #tpu.memory_space<vmem>>[vector<16xi32>, vector<16xi32>], vector<16xf32>,
        %parallel_loop3A_494 = arith.constant 20 : i32
        %parallel_loop3A_495 = vector.broadcast %parallel_loop3A_494 : i32 to vector<16xi32>
        %parallel_loop3A_496 = arith.constant 0 : i32
        %parallel_loop3A_497 = arith.constant 0 : i32
        %parallel_loop3A_498 = tpu.memref_slice %arg8[%scan3A_52, %parallel_loop3A_496, %parallel_loop3A_497] : memref<2x128x32xf32, #tpu.memory_space<vmem>> -> memref<1x128x32xf32, #tpu.memory_space<vmem>>
        %parallel_loop3A_499 = tpu.memref_squeeze %parallel_loop3A_498 : memref<1x128x32xf32, #tpu.memory_space<vmem>> -> memref<128x32xf32, #tpu.memory_space<vmem>>
        %parallel_loop3A_500 = tpu.vector_load_idx %parallel_loop3A_499[%parallel_loop3A_225, %parallel_loop3A_495] : memref<128x32xf32, #tpu.memory_space<vmem>>[vector<16xi32>, vector<16xi32>], vector<16xf32>,
        %parallel_loop3A_501 = arith.subf %parallel_loop3A_500, %parallel_loop3A_233 : vector<16xf32>
        %parallel_loop3A_502 = arith.mulf %parallel_loop3A_501, %parallel_loop3A_229 : vector<16xf32>
        %parallel_loop3A_503 = arith.constant 0 : i32
        %parallel_loop3A_504 = arith.constant 0 : i32
        %parallel_loop3A_505 = tpu.memref_slice %arg11[%scan3A_55, %parallel_loop3A_503, %parallel_loop3A_504] : memref<2x128x32xf32, #tpu.memory_space<vmem>> -> memref<1x128x32xf32, #tpu.memory_space<vmem>>
        %parallel_loop3A_506 = tpu.memref_squeeze %parallel_loop3A_505 : memref<1x128x32xf32, #tpu.memory_space<vmem>> -> memref<128x32xf32, #tpu.memory_space<vmem>>
        tpu.vector_store_idx %parallel_loop3A_506[%parallel_loop3A_225, %parallel_loop3A_495], %parallel_loop3A_502 : memref<128x32xf32, #tpu.memory_space<vmem>>[vector<16xi32>, vector<16xi32>], vector<16xf32>,
        %parallel_loop3A_507 = arith.constant 21 : i32
        %parallel_loop3A_508 = vector.broadcast %parallel_loop3A_507 : i32 to vector<16xi32>
        %parallel_loop3A_509 = arith.constant 0 : i32
        %parallel_loop3A_510 = arith.constant 0 : i32
        %parallel_loop3A_511 = tpu.memref_slice %arg8[%scan3A_52, %parallel_loop3A_509, %parallel_loop3A_510] : memref<2x128x32xf32, #tpu.memory_space<vmem>> -> memref<1x128x32xf32, #tpu.memory_space<vmem>>
        %parallel_loop3A_512 = tpu.memref_squeeze %parallel_loop3A_511 : memref<1x128x32xf32, #tpu.memory_space<vmem>> -> memref<128x32xf32, #tpu.memory_space<vmem>>
        %parallel_loop3A_513 = tpu.vector_load_idx %parallel_loop3A_512[%parallel_loop3A_225, %parallel_loop3A_508] : memref<128x32xf32, #tpu.memory_space<vmem>>[vector<16xi32>, vector<16xi32>], vector<16xf32>,
        %parallel_loop3A_514 = arith.subf %parallel_loop3A_513, %parallel_loop3A_233 : vector<16xf32>
        %parallel_loop3A_515 = arith.mulf %parallel_loop3A_514, %parallel_loop3A_229 : vector<16xf32>
        %parallel_loop3A_516 = arith.constant 0 : i32
        %parallel_loop3A_517 = arith.constant 0 : i32
        %parallel_loop3A_518 = tpu.memref_slice %arg11[%scan3A_55, %parallel_loop3A_516, %parallel_loop3A_517] : memref<2x128x32xf32, #tpu.memory_space<vmem>> -> memref<1x128x32xf32, #tpu.memory_space<vmem>>
        %parallel_loop3A_519 = tpu.memref_squeeze %parallel_loop3A_518 : memref<1x128x32xf32, #tpu.memory_space<vmem>> -> memref<128x32xf32, #tpu.memory_space<vmem>>
        tpu.vector_store_idx %parallel_loop3A_519[%parallel_loop3A_225, %parallel_loop3A_508], %parallel_loop3A_515 : memref<128x32xf32, #tpu.memory_space<vmem>>[vector<16xi32>, vector<16xi32>], vector<16xf32>,
        %parallel_loop3A_520 = arith.constant 22 : i32
        %parallel_loop3A_521 = vector.broadcast %parallel_loop3A_520 : i32 to vector<16xi32>
        %parallel_loop3A_522 = arith.constant 0 : i32
        %parallel_loop3A_523 = arith.constant 0 : i32
        %parallel_loop3A_524 = tpu.memref_slice %arg8[%scan3A_52, %parallel_loop3A_522, %parallel_loop3A_523] : memref<2x128x32xf32, #tpu.memory_space<vmem>> -> memref<1x128x32xf32, #tpu.memory_space<vmem>>
        %parallel_loop3A_525 = tpu.memref_squeeze %parallel_loop3A_524 : memref<1x128x32xf32, #tpu.memory_space<vmem>> -> memref<128x32xf32, #tpu.memory_space<vmem>>
        %parallel_loop3A_526 = tpu.vector_load_idx %parallel_loop3A_525[%parallel_loop3A_225, %parallel_loop3A_521] : memref<128x32xf32, #tpu.memory_space<vmem>>[vector<16xi32>, vector<16xi32>], vector<16xf32>,
        %parallel_loop3A_527 = arith.subf %parallel_loop3A_526, %parallel_loop3A_233 : vector<16xf32>
        %parallel_loop3A_528 = arith.mulf %parallel_loop3A_527, %parallel_loop3A_229 : vector<16xf32>
        %parallel_loop3A_529 = arith.constant 0 : i32
        %parallel_loop3A_530 = arith.constant 0 : i32
        %parallel_loop3A_531 = tpu.memref_slice %arg11[%scan3A_55, %parallel_loop3A_529, %parallel_loop3A_530] : memref<2x128x32xf32, #tpu.memory_space<vmem>> -> memref<1x128x32xf32, #tpu.memory_space<vmem>>
        %parallel_loop3A_532 = tpu.memref_squeeze %parallel_loop3A_531 : memref<1x128x32xf32, #tpu.memory_space<vmem>> -> memref<128x32xf32, #tpu.memory_space<vmem>>
        tpu.vector_store_idx %parallel_loop3A_532[%parallel_loop3A_225, %parallel_loop3A_521], %parallel_loop3A_528 : memref<128x32xf32, #tpu.memory_space<vmem>>[vector<16xi32>, vector<16xi32>], vector<16xf32>,
        %parallel_loop3A_533 = arith.constant 23 : i32
        %parallel_loop3A_534 = vector.broadcast %parallel_loop3A_533 : i32 to vector<16xi32>
        %parallel_loop3A_535 = arith.constant 0 : i32
        %parallel_loop3A_536 = arith.constant 0 : i32
        %parallel_loop3A_537 = tpu.memref_slice %arg8[%scan3A_52, %parallel_loop3A_535, %parallel_loop3A_536] : memref<2x128x32xf32, #tpu.memory_space<vmem>> -> memref<1x128x32xf32, #tpu.memory_space<vmem>>
        %parallel_loop3A_538 = tpu.memref_squeeze %parallel_loop3A_537 : memref<1x128x32xf32, #tpu.memory_space<vmem>> -> memref<128x32xf32, #tpu.memory_space<vmem>>
        %parallel_loop3A_539 = tpu.vector_load_idx %parallel_loop3A_538[%parallel_loop3A_225, %parallel_loop3A_534] : memref<128x32xf32, #tpu.memory_space<vmem>>[vector<16xi32>, vector<16xi32>], vector<16xf32>,
        %parallel_loop3A_540 = arith.subf %parallel_loop3A_539, %parallel_loop3A_233 : vector<16xf32>
        %parallel_loop3A_541 = arith.mulf %parallel_loop3A_540, %parallel_loop3A_229 : vector<16xf32>
        %parallel_loop3A_542 = arith.constant 0 : i32
        %parallel_loop3A_543 = arith.constant 0 : i32
        %parallel_loop3A_544 = tpu.memref_slice %arg11[%scan3A_55, %parallel_loop3A_542, %parallel_loop3A_543] : memref<2x128x32xf32, #tpu.memory_space<vmem>> -> memref<1x128x32xf32, #tpu.memory_space<vmem>>
        %parallel_loop3A_545 = tpu.memref_squeeze %parallel_loop3A_544 : memref<1x128x32xf32, #tpu.memory_space<vmem>> -> memref<128x32xf32, #tpu.memory_space<vmem>>
        tpu.vector_store_idx %parallel_loop3A_545[%parallel_loop3A_225, %parallel_loop3A_534], %parallel_loop3A_541 : memref<128x32xf32, #tpu.memory_space<vmem>>[vector<16xi32>, vector<16xi32>], vector<16xf32>,
        %parallel_loop3A_546 = arith.constant 24 : i32
        %parallel_loop3A_547 = vector.broadcast %parallel_loop3A_546 : i32 to vector<16xi32>
        %parallel_loop3A_548 = arith.constant 0 : i32
        %parallel_loop3A_549 = arith.constant 0 : i32
        %parallel_loop3A_550 = tpu.memref_slice %arg8[%scan3A_52, %parallel_loop3A_548, %parallel_loop3A_549] : memref<2x128x32xf32, #tpu.memory_space<vmem>> -> memref<1x128x32xf32, #tpu.memory_space<vmem>>
        %parallel_loop3A_551 = tpu.memref_squeeze %parallel_loop3A_550 : memref<1x128x32xf32, #tpu.memory_space<vmem>> -> memref<128x32xf32, #tpu.memory_space<vmem>>
        %parallel_loop3A_552 = tpu.vector_load_idx %parallel_loop3A_551[%parallel_loop3A_225, %parallel_loop3A_547] : memref<128x32xf32, #tpu.memory_space<vmem>>[vector<16xi32>, vector<16xi32>], vector<16xf32>,
        %parallel_loop3A_553 = arith.subf %parallel_loop3A_552, %parallel_loop3A_233 : vector<16xf32>
        %parallel_loop3A_554 = arith.mulf %parallel_loop3A_553, %parallel_loop3A_229 : vector<16xf32>
        %parallel_loop3A_555 = arith.constant 0 : i32
        %parallel_loop3A_556 = arith.constant 0 : i32
        %parallel_loop3A_557 = tpu.memref_slice %arg11[%scan3A_55, %parallel_loop3A_555, %parallel_loop3A_556] : memref<2x128x32xf32, #tpu.memory_space<vmem>> -> memref<1x128x32xf32, #tpu.memory_space<vmem>>
        %parallel_loop3A_558 = tpu.memref_squeeze %parallel_loop3A_557 : memref<1x128x32xf32, #tpu.memory_space<vmem>> -> memref<128x32xf32, #tpu.memory_space<vmem>>
        tpu.vector_store_idx %parallel_loop3A_558[%parallel_loop3A_225, %parallel_loop3A_547], %parallel_loop3A_554 : memref<128x32xf32, #tpu.memory_space<vmem>>[vector<16xi32>, vector<16xi32>], vector<16xf32>,
        %parallel_loop3A_559 = arith.constant 25 : i32
        %parallel_loop3A_560 = vector.broadcast %parallel_loop3A_559 : i32 to vector<16xi32>
        %parallel_loop3A_561 = arith.constant 0 : i32
        %parallel_loop3A_562 = arith.constant 0 : i32
        %parallel_loop3A_563 = tpu.memref_slice %arg8[%scan3A_52, %parallel_loop3A_561, %parallel_loop3A_562] : memref<2x128x32xf32, #tpu.memory_space<vmem>> -> memref<1x128x32xf32, #tpu.memory_space<vmem>>
        %parallel_loop3A_564 = tpu.memref_squeeze %parallel_loop3A_563 : memref<1x128x32xf32, #tpu.memory_space<vmem>> -> memref<128x32xf32, #tpu.memory_space<vmem>>
        %parallel_loop3A_565 = tpu.vector_load_idx %parallel_loop3A_564[%parallel_loop3A_225, %parallel_loop3A_560] : memref<128x32xf32, #tpu.memory_space<vmem>>[vector<16xi32>, vector<16xi32>], vector<16xf32>,
        %parallel_loop3A_566 = arith.subf %parallel_loop3A_565, %parallel_loop3A_233 : vector<16xf32>
        %parallel_loop3A_567 = arith.mulf %parallel_loop3A_566, %parallel_loop3A_229 : vector<16xf32>
        %parallel_loop3A_568 = arith.constant 0 : i32
        %parallel_loop3A_569 = arith.constant 0 : i32
        %parallel_loop3A_570 = tpu.memref_slice %arg11[%scan3A_55, %parallel_loop3A_568, %parallel_loop3A_569] : memref<2x128x32xf32, #tpu.memory_space<vmem>> -> memref<1x128x32xf32, #tpu.memory_space<vmem>>
        %parallel_loop3A_571 = tpu.memref_squeeze %parallel_loop3A_570 : memref<1x128x32xf32, #tpu.memory_space<vmem>> -> memref<128x32xf32, #tpu.memory_space<vmem>>
        tpu.vector_store_idx %parallel_loop3A_571[%parallel_loop3A_225, %parallel_loop3A_560], %parallel_loop3A_567 : memref<128x32xf32, #tpu.memory_space<vmem>>[vector<16xi32>, vector<16xi32>], vector<16xf32>,
        %parallel_loop3A_572 = arith.constant 26 : i32
        %parallel_loop3A_573 = vector.broadcast %parallel_loop3A_572 : i32 to vector<16xi32>
        %parallel_loop3A_574 = arith.constant 0 : i32
        %parallel_loop3A_575 = arith.constant 0 : i32
        %parallel_loop3A_576 = tpu.memref_slice %arg8[%scan3A_52, %parallel_loop3A_574, %parallel_loop3A_575] : memref<2x128x32xf32, #tpu.memory_space<vmem>> -> memref<1x128x32xf32, #tpu.memory_space<vmem>>
        %parallel_loop3A_577 = tpu.memref_squeeze %parallel_loop3A_576 : memref<1x128x32xf32, #tpu.memory_space<vmem>> -> memref<128x32xf32, #tpu.memory_space<vmem>>
        %parallel_loop3A_578 = tpu.vector_load_idx %parallel_loop3A_577[%parallel_loop3A_225, %parallel_loop3A_573] : memref<128x32xf32, #tpu.memory_space<vmem>>[vector<16xi32>, vector<16xi32>], vector<16xf32>,
        %parallel_loop3A_579 = arith.subf %parallel_loop3A_578, %parallel_loop3A_233 : vector<16xf32>
        %parallel_loop3A_580 = arith.mulf %parallel_loop3A_579, %parallel_loop3A_229 : vector<16xf32>
        %parallel_loop3A_581 = arith.constant 0 : i32
        %parallel_loop3A_582 = arith.constant 0 : i32
        %parallel_loop3A_583 = tpu.memref_slice %arg11[%scan3A_55, %parallel_loop3A_581, %parallel_loop3A_582] : memref<2x128x32xf32, #tpu.memory_space<vmem>> -> memref<1x128x32xf32, #tpu.memory_space<vmem>>
        %parallel_loop3A_584 = tpu.memref_squeeze %parallel_loop3A_583 : memref<1x128x32xf32, #tpu.memory_space<vmem>> -> memref<128x32xf32, #tpu.memory_space<vmem>>
        tpu.vector_store_idx %parallel_loop3A_584[%parallel_loop3A_225, %parallel_loop3A_573], %parallel_loop3A_580 : memref<128x32xf32, #tpu.memory_space<vmem>>[vector<16xi32>, vector<16xi32>], vector<16xf32>,
        %parallel_loop3A_585 = arith.constant 27 : i32
        %parallel_loop3A_586 = vector.broadcast %parallel_loop3A_585 : i32 to vector<16xi32>
        %parallel_loop3A_587 = arith.constant 0 : i32
        %parallel_loop3A_588 = arith.constant 0 : i32
        %parallel_loop3A_589 = tpu.memref_slice %arg8[%scan3A_52, %parallel_loop3A_587, %parallel_loop3A_588] : memref<2x128x32xf32, #tpu.memory_space<vmem>> -> memref<1x128x32xf32, #tpu.memory_space<vmem>>
        %parallel_loop3A_590 = tpu.memref_squeeze %parallel_loop3A_589 : memref<1x128x32xf32, #tpu.memory_space<vmem>> -> memref<128x32xf32, #tpu.memory_space<vmem>>
        %parallel_loop3A_591 = tpu.vector_load_idx %parallel_loop3A_590[%parallel_loop3A_225, %parallel_loop3A_586] : memref<128x32xf32, #tpu.memory_space<vmem>>[vector<16xi32>, vector<16xi32>], vector<16xf32>,
        %parallel_loop3A_592 = arith.subf %parallel_loop3A_591, %parallel_loop3A_233 : vector<16xf32>
        %parallel_loop3A_593 = arith.mulf %parallel_loop3A_592, %parallel_loop3A_229 : vector<16xf32>
        %parallel_loop3A_594 = arith.constant 0 : i32
        %parallel_loop3A_595 = arith.constant 0 : i32
        %parallel_loop3A_596 = tpu.memref_slice %arg11[%scan3A_55, %parallel_loop3A_594, %parallel_loop3A_595] : memref<2x128x32xf32, #tpu.memory_space<vmem>> -> memref<1x128x32xf32, #tpu.memory_space<vmem>>
        %parallel_loop3A_597 = tpu.memref_squeeze %parallel_loop3A_596 : memref<1x128x32xf32, #tpu.memory_space<vmem>> -> memref<128x32xf32, #tpu.memory_space<vmem>>
        tpu.vector_store_idx %parallel_loop3A_597[%parallel_loop3A_225, %parallel_loop3A_586], %parallel_loop3A_593 : memref<128x32xf32, #tpu.memory_space<vmem>>[vector<16xi32>, vector<16xi32>], vector<16xf32>,
        %parallel_loop3A_598 = arith.constant 28 : i32
        %parallel_loop3A_599 = vector.broadcast %parallel_loop3A_598 : i32 to vector<16xi32>
        %parallel_loop3A_600 = arith.constant 0 : i32
        %parallel_loop3A_601 = arith.constant 0 : i32
        %parallel_loop3A_602 = tpu.memref_slice %arg8[%scan3A_52, %parallel_loop3A_600, %parallel_loop3A_601] : memref<2x128x32xf32, #tpu.memory_space<vmem>> -> memref<1x128x32xf32, #tpu.memory_space<vmem>>
        %parallel_loop3A_603 = tpu.memref_squeeze %parallel_loop3A_602 : memref<1x128x32xf32, #tpu.memory_space<vmem>> -> memref<128x32xf32, #tpu.memory_space<vmem>>
        %parallel_loop3A_604 = tpu.vector_load_idx %parallel_loop3A_603[%parallel_loop3A_225, %parallel_loop3A_599] : memref<128x32xf32, #tpu.memory_space<vmem>>[vector<16xi32>, vector<16xi32>], vector<16xf32>,
        %parallel_loop3A_605 = arith.subf %parallel_loop3A_604, %parallel_loop3A_233 : vector<16xf32>
        %parallel_loop3A_606 = arith.mulf %parallel_loop3A_605, %parallel_loop3A_229 : vector<16xf32>
        %parallel_loop3A_607 = arith.constant 0 : i32
        %parallel_loop3A_608 = arith.constant 0 : i32
        %parallel_loop3A_609 = tpu.memref_slice %arg11[%scan3A_55, %parallel_loop3A_607, %parallel_loop3A_608] : memref<2x128x32xf32, #tpu.memory_space<vmem>> -> memref<1x128x32xf32, #tpu.memory_space<vmem>>
        %parallel_loop3A_610 = tpu.memref_squeeze %parallel_loop3A_609 : memref<1x128x32xf32, #tpu.memory_space<vmem>> -> memref<128x32xf32, #tpu.memory_space<vmem>>
        tpu.vector_store_idx %parallel_loop3A_610[%parallel_loop3A_225, %parallel_loop3A_599], %parallel_loop3A_606 : memref<128x32xf32, #tpu.memory_space<vmem>>[vector<16xi32>, vector<16xi32>], vector<16xf32>,
        %parallel_loop3A_611 = arith.constant 29 : i32
        %parallel_loop3A_612 = vector.broadcast %parallel_loop3A_611 : i32 to vector<16xi32>
        %parallel_loop3A_613 = arith.constant 0 : i32
        %parallel_loop3A_614 = arith.constant 0 : i32
        %parallel_loop3A_615 = tpu.memref_slice %arg8[%scan3A_52, %parallel_loop3A_613, %parallel_loop3A_614] : memref<2x128x32xf32, #tpu.memory_space<vmem>> -> memref<1x128x32xf32, #tpu.memory_space<vmem>>
        %parallel_loop3A_616 = tpu.memref_squeeze %parallel_loop3A_615 : memref<1x128x32xf32, #tpu.memory_space<vmem>> -> memref<128x32xf32, #tpu.memory_space<vmem>>
        %parallel_loop3A_617 = tpu.vector_load_idx %parallel_loop3A_616[%parallel_loop3A_225, %parallel_loop3A_612] : memref<128x32xf32, #tpu.memory_space<vmem>>[vector<16xi32>, vector<16xi32>], vector<16xf32>,
        %parallel_loop3A_618 = arith.subf %parallel_loop3A_617, %parallel_loop3A_233 : vector<16xf32>
        %parallel_loop3A_619 = arith.mulf %parallel_loop3A_618, %parallel_loop3A_229 : vector<16xf32>
        %parallel_loop3A_620 = arith.constant 0 : i32
        %parallel_loop3A_621 = arith.constant 0 : i32
        %parallel_loop3A_622 = tpu.memref_slice %arg11[%scan3A_55, %parallel_loop3A_620, %parallel_loop3A_621] : memref<2x128x32xf32, #tpu.memory_space<vmem>> -> memref<1x128x32xf32, #tpu.memory_space<vmem>>
        %parallel_loop3A_623 = tpu.memref_squeeze %parallel_loop3A_622 : memref<1x128x32xf32, #tpu.memory_space<vmem>> -> memref<128x32xf32, #tpu.memory_space<vmem>>
        tpu.vector_store_idx %parallel_loop3A_623[%parallel_loop3A_225, %parallel_loop3A_612], %parallel_loop3A_619 : memref<128x32xf32, #tpu.memory_space<vmem>>[vector<16xi32>, vector<16xi32>], vector<16xf32>,
        %parallel_loop3A_624 = arith.constant 30 : i32
        %parallel_loop3A_625 = vector.broadcast %parallel_loop3A_624 : i32 to vector<16xi32>
        %parallel_loop3A_626 = arith.constant 0 : i32
        %parallel_loop3A_627 = arith.constant 0 : i32
        %parallel_loop3A_628 = tpu.memref_slice %arg8[%scan3A_52, %parallel_loop3A_626, %parallel_loop3A_627] : memref<2x128x32xf32, #tpu.memory_space<vmem>> -> memref<1x128x32xf32, #tpu.memory_space<vmem>>
        %parallel_loop3A_629 = tpu.memref_squeeze %parallel_loop3A_628 : memref<1x128x32xf32, #tpu.memory_space<vmem>> -> memref<128x32xf32, #tpu.memory_space<vmem>>
        %parallel_loop3A_630 = tpu.vector_load_idx %parallel_loop3A_629[%parallel_loop3A_225, %parallel_loop3A_625] : memref<128x32xf32, #tpu.memory_space<vmem>>[vector<16xi32>, vector<16xi32>], vector<16xf32>,
        %parallel_loop3A_631 = arith.subf %parallel_loop3A_630, %parallel_loop3A_233 : vector<16xf32>
        %parallel_loop3A_632 = arith.mulf %parallel_loop3A_631, %parallel_loop3A_229 : vector<16xf32>
        %parallel_loop3A_633 = arith.constant 0 : i32
        %parallel_loop3A_634 = arith.constant 0 : i32
        %parallel_loop3A_635 = tpu.memref_slice %arg11[%scan3A_55, %parallel_loop3A_633, %parallel_loop3A_634] : memref<2x128x32xf32, #tpu.memory_space<vmem>> -> memref<1x128x32xf32, #tpu.memory_space<vmem>>
        %parallel_loop3A_636 = tpu.memref_squeeze %parallel_loop3A_635 : memref<1x128x32xf32, #tpu.memory_space<vmem>> -> memref<128x32xf32, #tpu.memory_space<vmem>>
        tpu.vector_store_idx %parallel_loop3A_636[%parallel_loop3A_225, %parallel_loop3A_625], %parallel_loop3A_632 : memref<128x32xf32, #tpu.memory_space<vmem>>[vector<16xi32>, vector<16xi32>], vector<16xf32>,
        %parallel_loop3A_637 = arith.constant 31 : i32
        %parallel_loop3A_638 = vector.broadcast %parallel_loop3A_637 : i32 to vector<16xi32>
        %parallel_loop3A_639 = arith.constant 0 : i32
        %parallel_loop3A_640 = arith.constant 0 : i32
        %parallel_loop3A_641 = tpu.memref_slice %arg8[%scan3A_52, %parallel_loop3A_639, %parallel_loop3A_640] : memref<2x128x32xf32, #tpu.memory_space<vmem>> -> memref<1x128x32xf32, #tpu.memory_space<vmem>>
        %parallel_loop3A_642 = tpu.memref_squeeze %parallel_loop3A_641 : memref<1x128x32xf32, #tpu.memory_space<vmem>> -> memref<128x32xf32, #tpu.memory_space<vmem>>
        %parallel_loop3A_643 = tpu.vector_load_idx %parallel_loop3A_642[%parallel_loop3A_225, %parallel_loop3A_638] : memref<128x32xf32, #tpu.memory_space<vmem>>[vector<16xi32>, vector<16xi32>], vector<16xf32>,
        %parallel_loop3A_644 = arith.subf %parallel_loop3A_643, %parallel_loop3A_233 : vector<16xf32>
        %parallel_loop3A_645 = arith.mulf %parallel_loop3A_644, %parallel_loop3A_229 : vector<16xf32>
        %parallel_loop3A_646 = arith.constant 0 : i32
        %parallel_loop3A_647 = arith.constant 0 : i32
        %parallel_loop3A_648 = tpu.memref_slice %arg11[%scan3A_55, %parallel_loop3A_646, %parallel_loop3A_647] : memref<2x128x32xf32, #tpu.memory_space<vmem>> -> memref<1x128x32xf32, #tpu.memory_space<vmem>>
        %parallel_loop3A_649 = tpu.memref_squeeze %parallel_loop3A_648 : memref<1x128x32xf32, #tpu.memory_space<vmem>> -> memref<128x32xf32, #tpu.memory_space<vmem>>
        tpu.vector_store_idx %parallel_loop3A_649[%parallel_loop3A_225, %parallel_loop3A_638], %parallel_loop3A_645 : memref<128x32xf32, #tpu.memory_space<vmem>>[vector<16xi32>, vector<16xi32>], vector<16xf32>,
      } {sc.loop_unroll_factor = 1 : i64, sc.parallel_access}
      %mul3A_139 = arith.constant 128 : i32
      %mul3A_140 = arith.muli %add3A_95, %mul3A_139 : i32
      %add3A_141 = arith.addi %mul3A_2, %mul3A_140 : i32
      %dma_start3A_142 = arith.constant 0 : i32
      %dma_start3A_143 = arith.constant 0 : i32
      %dma_start3A_144 = tpu.memref_slice %arg11[%scan3A_55, %dma_start3A_142, %dma_start3A_143] : memref<2x128x32xf32, #tpu.memory_space<vmem>> -> memref<1x128x32xf32, #tpu.memory_space<vmem>>
      %dma_start3A_145 = tpu.memref_squeeze %dma_start3A_144 : memref<1x128x32xf32, #tpu.memory_space<vmem>> -> memref<128x32xf32, #tpu.memory_space<vmem>>
      %dma_start3A_146 = arith.constant 0 : i32
      %dma_start3A_147 = tpu.memref_slice %arg6[%add3A_141, %dma_start3A_146] : memref<425984x32xf32, #tpu.memory_space<hbm>> -> memref<128x32xf32, #tpu.memory_space<hbm>>
      %dma_start3A_148 = arith.constant 0 : i32
      %dma_start3A_149 = tpu.memref_slice %arg6[%add3A_141, %dma_start3A_148] : memref<425984x32xf32, #tpu.memory_space<hbm>> -> memref<128x32xf32, #tpu.memory_space<hbm>>
      %dma_start3A_150 = arith.constant 0 : i32
      %dma_start3A_151 = arith.constant 0 : i32
      %dma_start3A_152 = tpu.memref_slice %arg11[%scan3A_55, %dma_start3A_150, %dma_start3A_151] : memref<2x128x32xf32, #tpu.memory_space<vmem>> -> memref<1x128x32xf32, #tpu.memory_space<vmem>>
      %dma_start3A_153 = tpu.memref_squeeze %dma_start3A_152 : memref<1x128x32xf32, #tpu.memory_space<vmem>> -> memref<128x32xf32, #tpu.memory_space<vmem>>
      tpu.enqueue_dma source(%dma_start3A_153 : memref<128x32xf32, #tpu.memory_space<vmem>>) target(%dma_start3A_149 : memref<128x32xf32, #tpu.memory_space<hbm>>) target_semaphore(%arg20 : memref<!tpu.dma_semaphore, #tpu.memory_space<semaphore_mem>>)
      %mul3A_154 = arith.constant 2 : i32
      %mul3A_155 = arith.muli %scan3A_91, %mul3A_154 : i32
      %add3A_156 = arith.constant 1 : i32
      %add3A_157 = arith.addi %mul3A_155, %add3A_156 : i32
      %add3A_158 = arith.constant 1 : i32
      %add3A_159 = arith.addi %add3A_157, %add3A_158 : i32
      %lt3A_160 = arith.constant 104 : i32
      %lt3A_161 = arith.cmpi slt, %add3A_159, %lt3A_160 : i32
      %convert_element_type3A_162 = arith.extui %lt3A_161 : i1 to i32
      %cond3A_163 = arith.constant 0 : i32
      %cond3A_164 = arith.cmpi ne, %convert_element_type3A_162, %cond3A_163 : i32
      scf.if %cond3A_164 {
        %add3A_221 = arith.constant 1 : i32
        %add3A_222 = arith.addi %add3A_157, %add3A_221 : i32
        %mul3A_223 = arith.constant 128 : i32
        %mul3A_224 = arith.muli %add3A_222, %mul3A_223 : i32
        %add3A_225 = arith.addi %mul3A_2, %mul3A_224 : i32
        %dma_wait3A_226 = arith.constant 0 : i32
        %dma_wait3A_227 = tpu.memref_slice %arg7[%scan3A_51, %dma_wait3A_226] : memref<2x128xi32, #tpu.memory_space<vmem>> -> memref<1x128xi32, #tpu.memory_space<vmem>>
        %dma_wait3A_228 = tpu.memref_squeeze %dma_wait3A_227 : memref<1x128xi32, #tpu.memory_space<vmem>> -> memref<128xi32, #tpu.memory_space<vmem>>
        %dma_wait3A_229 = tpu.memref_slice %arg5[%add3A_225] : memref<425984xi32, #tpu.memory_space<hbm>> -> memref<128xi32, #tpu.memory_space<hbm>>
        %dma_wait3A_230 = arith.constant 0 : i32
        %dma_wait3A_231 = tpu.memref_slice %arg7[%scan3A_51, %dma_wait3A_230] : memref<2x128xi32, #tpu.memory_space<vmem>> -> memref<1x128xi32, #tpu.memory_space<vmem>>
        %dma_wait3A_232 = tpu.memref_squeeze %dma_wait3A_231 : memref<1x128xi32, #tpu.memory_space<vmem>> -> memref<128xi32, #tpu.memory_space<vmem>>
        %dma_wait3A_233 = tpu.memref_slice %arg5[%add3A_225] : memref<425984xi32, #tpu.memory_space<hbm>> -> memref<128xi32, #tpu.memory_space<hbm>>
        tpu.wait_dma2 semaphore(%arg12 : memref<!tpu.dma_semaphore, #tpu.memory_space<semaphore_mem>>) src(%dma_wait3A_233 : memref<128xi32, #tpu.memory_space<hbm>>) dst(%dma_wait3A_232 : memref<128xi32, #tpu.memory_space<vmem>>)
        %dma_start3A_234 = arith.constant 0 : i32
        %dma_start3A_235 = arith.constant 0 : i32
        %dma_start3A_236 = tpu.memref_slice %arg8[%scan3A_52, %dma_start3A_234, %dma_start3A_235] : memref<2x128x32xf32, #tpu.memory_space<vmem>> -> memref<1x128x32xf32, #tpu.memory_space<vmem>>
        %dma_start3A_237 = tpu.memref_squeeze %dma_start3A_236 : memref<1x128x32xf32, #tpu.memory_space<vmem>> -> memref<128x32xf32, #tpu.memory_space<vmem>>
        %dma_start3A_238 = arith.constant 0 : i32
        %dma_start3A_239 = tpu.memref_slice %arg7[%scan3A_51, %dma_start3A_238] : memref<2x128xi32, #tpu.memory_space<vmem>> -> memref<1x128xi32, #tpu.memory_space<vmem>>
        %dma_start3A_240 = tpu.memref_squeeze %dma_start3A_239 : memref<1x128xi32, #tpu.memory_space<vmem>> -> memref<128xi32, #tpu.memory_space<vmem>>
        %dma_start3A_241 = arith.constant 0 : i32
        %dma_start3A_242 = arith.constant 0 : i32
        %dma_start3A_243 = tpu.memref_slice %arg2[%dma_start3A_241, %dma_start3A_242] : memref<1000000x32xf32, #tpu.memory_space<hbm>> -> memref<1000000x32xf32, #tpu.memory_space<hbm>>
        tpu.enqueue_indirect_dma source(%dma_start3A_243 : memref<1000000x32xf32, #tpu.memory_space<hbm>>) target(%dma_start3A_237 : memref<128x32xf32, #tpu.memory_space<vmem>>) offsets(%dma_start3A_240 : memref<128xi32, #tpu.memory_space<vmem>>) semaphore(%arg14 : memref<!tpu.dma_semaphore, #tpu.memory_space<semaphore_mem>>)
        %dma_start3A_244 = arith.constant 0 : i32
        %dma_start3A_245 = tpu.memref_slice %arg9[%scan3A_53, %dma_start3A_244] : memref<2x128xf32, #tpu.memory_space<vmem>> -> memref<1x128xf32, #tpu.memory_space<vmem>>
        %dma_start3A_246 = tpu.memref_squeeze %dma_start3A_245 : memref<1x128xf32, #tpu.memory_space<vmem>> -> memref<128xf32, #tpu.memory_space<vmem>>
        %dma_start3A_247 = arith.constant 0 : i32
        %dma_start3A_248 = tpu.memref_slice %arg7[%scan3A_51, %dma_start3A_247] : memref<2x128xi32, #tpu.memory_space<vmem>> -> memref<1x128xi32, #tpu.memory_space<vmem>>
        %dma_start3A_249 = tpu.memref_squeeze %dma_start3A_248 : memref<1x128xi32, #tpu.memory_space<vmem>> -> memref<128xi32, #tpu.memory_space<vmem>>
        %dma_start3A_250 = arith.constant 0 : i32
        %dma_start3A_251 = tpu.memref_slice %arg3[%dma_start3A_250] : memref<1000000xf32, #tpu.memory_space<hbm>> -> memref<1000000xf32, #tpu.memory_space<hbm>>
        tpu.enqueue_indirect_dma source(%dma_start3A_251 : memref<1000000xf32, #tpu.memory_space<hbm>>) target(%dma_start3A_246 : memref<128xf32, #tpu.memory_space<vmem>>) offsets(%dma_start3A_249 : memref<128xi32, #tpu.memory_space<vmem>>) semaphore(%arg16 : memref<!tpu.dma_semaphore, #tpu.memory_space<semaphore_mem>>)
        %dma_start3A_252 = arith.constant 0 : i32
        %dma_start3A_253 = tpu.memref_slice %arg10[%scan3A_54, %dma_start3A_252] : memref<2x128xf32, #tpu.memory_space<vmem>> -> memref<1x128xf32, #tpu.memory_space<vmem>>
        %dma_start3A_254 = tpu.memref_squeeze %dma_start3A_253 : memref<1x128xf32, #tpu.memory_space<vmem>> -> memref<128xf32, #tpu.memory_space<vmem>>
        %dma_start3A_255 = arith.constant 0 : i32
        %dma_start3A_256 = tpu.memref_slice %arg7[%scan3A_51, %dma_start3A_255] : memref<2x128xi32, #tpu.memory_space<vmem>> -> memref<1x128xi32, #tpu.memory_space<vmem>>
        %dma_start3A_257 = tpu.memref_squeeze %dma_start3A_256 : memref<1x128xi32, #tpu.memory_space<vmem>> -> memref<128xi32, #tpu.memory_space<vmem>>
        %dma_start3A_258 = arith.constant 0 : i32
        %dma_start3A_259 = tpu.memref_slice %arg4[%dma_start3A_258] : memref<1000000xf32, #tpu.memory_space<hbm>> -> memref<1000000xf32, #tpu.memory_space<hbm>>
        tpu.enqueue_indirect_dma source(%dma_start3A_259 : memref<1000000xf32, #tpu.memory_space<hbm>>) target(%dma_start3A_254 : memref<128xf32, #tpu.memory_space<vmem>>) offsets(%dma_start3A_257 : memref<128xi32, #tpu.memory_space<vmem>>) semaphore(%arg18 : memref<!tpu.dma_semaphore, #tpu.memory_space<semaphore_mem>>)
      } else {
      }
      %dma_wait3A_165 = arith.constant 0 : i32
      %dma_wait3A_166 = arith.constant 0 : i32
      %dma_wait3A_167 = tpu.memref_slice %arg8[%scan3A_48, %dma_wait3A_165, %dma_wait3A_166] : memref<2x128x32xf32, #tpu.memory_space<vmem>> -> memref<1x128x32xf32, #tpu.memory_space<vmem>>
      %dma_wait3A_168 = tpu.memref_squeeze %dma_wait3A_167 : memref<1x128x32xf32, #tpu.memory_space<vmem>> -> memref<128x32xf32, #tpu.memory_space<vmem>>
      %dma_wait3A_169 = arith.constant 0 : i32
      %dma_wait3A_170 = tpu.memref_slice %arg7[%scan3A_47, %dma_wait3A_169] : memref<2x128xi32, #tpu.memory_space<vmem>> -> memref<1x128xi32, #tpu.memory_space<vmem>>
      %dma_wait3A_171 = tpu.memref_squeeze %dma_wait3A_170 : memref<1x128xi32, #tpu.memory_space<vmem>> -> memref<128xi32, #tpu.memory_space<vmem>>
      %dma_wait3A_172 = arith.constant 0 : i32
      %dma_wait3A_173 = arith.constant 0 : i32
      %dma_wait3A_174 = tpu.memref_slice %arg2[%dma_wait3A_172, %dma_wait3A_173] : memref<1000000x32xf32, #tpu.memory_space<hbm>> -> memref<1000000x32xf32, #tpu.memory_space<hbm>>
      tpu.wait_indirect_dma semaphore(%arg15 : memref<!tpu.dma_semaphore, #tpu.memory_space<semaphore_mem>>) src(%dma_wait3A_174 : memref<1000000x32xf32, #tpu.memory_space<hbm>>) dst(%dma_wait3A_168 : memref<128x32xf32, #tpu.memory_space<vmem>>)
      %dma_wait3A_175 = arith.constant 0 : i32
      %dma_wait3A_176 = tpu.memref_slice %arg9[%scan3A_49, %dma_wait3A_175] : memref<2x128xf32, #tpu.memory_space<vmem>> -> memref<1x128xf32, #tpu.memory_space<vmem>>
      %dma_wait3A_177 = tpu.memref_squeeze %dma_wait3A_176 : memref<1x128xf32, #tpu.memory_space<vmem>> -> memref<128xf32, #tpu.memory_space<vmem>>
      %dma_wait3A_178 = arith.constant 0 : i32
      %dma_wait3A_179 = tpu.memref_slice %arg7[%scan3A_47, %dma_wait3A_178] : memref<2x128xi32, #tpu.memory_space<vmem>> -> memref<1x128xi32, #tpu.memory_space<vmem>>
      %dma_wait3A_180 = tpu.memref_squeeze %dma_wait3A_179 : memref<1x128xi32, #tpu.memory_space<vmem>> -> memref<128xi32, #tpu.memory_space<vmem>>
      %dma_wait3A_181 = arith.constant 0 : i32
      %dma_wait3A_182 = tpu.memref_slice %arg3[%dma_wait3A_181] : memref<1000000xf32, #tpu.memory_space<hbm>> -> memref<1000000xf32, #tpu.memory_space<hbm>>
      tpu.wait_indirect_dma semaphore(%arg17 : memref<!tpu.dma_semaphore, #tpu.memory_space<semaphore_mem>>) src(%dma_wait3A_182 : memref<1000000xf32, #tpu.memory_space<hbm>>) dst(%dma_wait3A_177 : memref<128xf32, #tpu.memory_space<vmem>>)
      %dma_wait3A_183 = arith.constant 0 : i32
      %dma_wait3A_184 = tpu.memref_slice %arg10[%scan3A_50, %dma_wait3A_183] : memref<2x128xf32, #tpu.memory_space<vmem>> -> memref<1x128xf32, #tpu.memory_space<vmem>>
      %dma_wait3A_185 = tpu.memref_squeeze %dma_wait3A_184 : memref<1x128xf32, #tpu.memory_space<vmem>> -> memref<128xf32, #tpu.memory_space<vmem>>
      %dma_wait3A_186 = arith.constant 0 : i32
      %dma_wait3A_187 = tpu.memref_slice %arg7[%scan3A_47, %dma_wait3A_186] : memref<2x128xi32, #tpu.memory_space<vmem>> -> memref<1x128xi32, #tpu.memory_space<vmem>>
      %dma_wait3A_188 = tpu.memref_squeeze %dma_wait3A_187 : memref<1x128xi32, #tpu.memory_space<vmem>> -> memref<128xi32, #tpu.memory_space<vmem>>
      %dma_wait3A_189 = arith.constant 0 : i32
      %dma_wait3A_190 = tpu.memref_slice %arg4[%dma_wait3A_189] : memref<1000000xf32, #tpu.memory_space<hbm>> -> memref<1000000xf32, #tpu.memory_space<hbm>>
      tpu.wait_indirect_dma semaphore(%arg19 : memref<!tpu.dma_semaphore, #tpu.memory_space<semaphore_mem>>) src(%dma_wait3A_190 : memref<1000000xf32, #tpu.memory_space<hbm>>) dst(%dma_wait3A_185 : memref<128xf32, #tpu.memory_space<vmem>>)
      %add3A_191 = arith.constant 2 : i32
      %add3A_192 = arith.addi %add3A_157, %add3A_191 : i32
      %lt3A_193 = arith.constant 104 : i32
      %lt3A_194 = arith.cmpi slt, %add3A_192, %lt3A_193 : i32
      %convert_element_type3A_195 = arith.extui %lt3A_194 : i1 to i32
      %cond3A_196 = arith.constant 0 : i32
      %cond3A_197 = arith.cmpi ne, %convert_element_type3A_195, %cond3A_196 : i32
      scf.if %cond3A_197 {
        %add3A_221 = arith.constant 2 : i32
        %add3A_222 = arith.addi %add3A_157, %add3A_221 : i32
        %mul3A_223 = arith.constant 128 : i32
        %mul3A_224 = arith.muli %add3A_222, %mul3A_223 : i32
        %add3A_225 = arith.addi %mul3A_2, %mul3A_224 : i32
        %dma_start3A_226 = arith.constant 0 : i32
        %dma_start3A_227 = tpu.memref_slice %arg7[%scan3A_47, %dma_start3A_226] : memref<2x128xi32, #tpu.memory_space<vmem>> -> memref<1x128xi32, #tpu.memory_space<vmem>>
        %dma_start3A_228 = tpu.memref_squeeze %dma_start3A_227 : memref<1x128xi32, #tpu.memory_space<vmem>> -> memref<128xi32, #tpu.memory_space<vmem>>
        %dma_start3A_229 = tpu.memref_slice %arg5[%add3A_225] : memref<425984xi32, #tpu.memory_space<hbm>> -> memref<128xi32, #tpu.memory_space<hbm>>
        %dma_start3A_230 = arith.constant 0 : i32
        %dma_start3A_231 = tpu.memref_slice %arg7[%scan3A_47, %dma_start3A_230] : memref<2x128xi32, #tpu.memory_space<vmem>> -> memref<1x128xi32, #tpu.memory_space<vmem>>
        %dma_start3A_232 = tpu.memref_squeeze %dma_start3A_231 : memref<1x128xi32, #tpu.memory_space<vmem>> -> memref<128xi32, #tpu.memory_space<vmem>>
        %dma_start3A_233 = tpu.memref_slice %arg5[%add3A_225] : memref<425984xi32, #tpu.memory_space<hbm>> -> memref<128xi32, #tpu.memory_space<hbm>>
        tpu.enqueue_dma source(%dma_start3A_233 : memref<128xi32, #tpu.memory_space<hbm>>) target(%dma_start3A_232 : memref<128xi32, #tpu.memory_space<vmem>>) target_semaphore(%arg13 : memref<!tpu.dma_semaphore, #tpu.memory_space<semaphore_mem>>)
      } else {
      }
      %ge3A_198 = arith.constant 2 : i32
      %ge3A_199 = arith.cmpi sge, %add3A_157, %ge3A_198 : i32
      %convert_element_type3A_200 = arith.extui %ge3A_199 : i1 to i32
      %cond3A_201 = arith.constant 0 : i32
      %cond3A_202 = arith.cmpi ne, %convert_element_type3A_200, %cond3A_201 : i32
      scf.if %cond3A_202 {
        %mul3A_221 = arith.constant 128 : i32
        %mul3A_222 = arith.muli %add3A_157, %mul3A_221 : i32
        %add3A_223 = arith.addi %mul3A_2, %mul3A_222 : i32
        %dma_wait3A_224 = arith.constant 0 : i32
        %dma_wait3A_225 = arith.constant 0 : i32
        %dma_wait3A_226 = tpu.memref_slice %arg11[%scan3A_56, %dma_wait3A_224, %dma_wait3A_225] : memref<2x128x32xf32, #tpu.memory_space<vmem>> -> memref<1x128x32xf32, #tpu.memory_space<vmem>>
        %dma_wait3A_227 = tpu.memref_squeeze %dma_wait3A_226 : memref<1x128x32xf32, #tpu.memory_space<vmem>> -> memref<128x32xf32, #tpu.memory_space<vmem>>
        %dma_wait3A_228 = arith.constant 0 : i32
        %dma_wait3A_229 = tpu.memref_slice %arg6[%add3A_223, %dma_wait3A_228] : memref<425984x32xf32, #tpu.memory_space<hbm>> -> memref<128x32xf32, #tpu.memory_space<hbm>>
        %dma_wait3A_230 = arith.constant 0 : i32
        %dma_wait3A_231 = tpu.memref_slice %arg6[%add3A_223, %dma_wait3A_230] : memref<425984x32xf32, #tpu.memory_space<hbm>> -> memref<128x32xf32, #tpu.memory_space<hbm>>
        %dma_wait3A_232 = arith.constant 0 : i32
        %dma_wait3A_233 = arith.constant 0 : i32
        %dma_wait3A_234 = tpu.memref_slice %arg11[%scan3A_56, %dma_wait3A_232, %dma_wait3A_233] : memref<2x128x32xf32, #tpu.memory_space<vmem>> -> memref<1x128x32xf32, #tpu.memory_space<vmem>>
        %dma_wait3A_235 = tpu.memref_squeeze %dma_wait3A_234 : memref<1x128x32xf32, #tpu.memory_space<vmem>> -> memref<128x32xf32, #tpu.memory_space<vmem>>
        tpu.wait_dma2 semaphore(%arg21 : memref<!tpu.dma_semaphore, #tpu.memory_space<semaphore_mem>>) src(%dma_wait3A_235 : memref<128x32xf32, #tpu.memory_space<vmem>>) dst(%dma_wait3A_231 : memref<128x32xf32, #tpu.memory_space<hbm>>)
      } else {
      }
      %parallel_loop3A_203 = arith.constant 0 : i32
      %parallel_loop3A_204 = arith.constant 8 : i32
      %parallel_loop3A_205 = arith.constant 1 : i32
      scf.for %parallel_loop3A_221 = %parallel_loop3A_203 to %parallel_loop3A_204 step %parallel_loop3A_205  : i32 {
        %parallel_loop3A_222 = arith.constant 16 : i32
        %parallel_loop3A_223 = arith.muli %parallel_loop3A_221, %parallel_loop3A_222 : i32
        %parallel_loop3A_224 = vector.broadcast %parallel_loop3A_223 : i32 to vector<16xi32>
        %parallel_loop3A_225 = arith.addi %iota3A, %parallel_loop3A_224 : vector<16xi32>
        %parallel_loop3A_226 = arith.constant 0 : i32
        %parallel_loop3A_227 = tpu.memref_slice %arg9[%scan3A_49, %parallel_loop3A_226] : memref<2x128xf32, #tpu.memory_space<vmem>> -> memref<1x128xf32, #tpu.memory_space<vmem>>
        %parallel_loop3A_228 = tpu.memref_squeeze %parallel_loop3A_227 : memref<1x128xf32, #tpu.memory_space<vmem>> -> memref<128xf32, #tpu.memory_space<vmem>>
        %parallel_loop3A_229 = tpu.vector_load_idx %parallel_loop3A_228[%parallel_loop3A_225] : memref<128xf32, #tpu.memory_space<vmem>>[vector<16xi32>], vector<16xf32>,
        %parallel_loop3A_230 = arith.constant 0 : i32
        %parallel_loop3A_231 = tpu.memref_slice %arg10[%scan3A_50, %parallel_loop3A_230] : memref<2x128xf32, #tpu.memory_space<vmem>> -> memref<1x128xf32, #tpu.memory_space<vmem>>
        %parallel_loop3A_232 = tpu.memref_squeeze %parallel_loop3A_231 : memref<1x128xf32, #tpu.memory_space<vmem>> -> memref<128xf32, #tpu.memory_space<vmem>>
        %parallel_loop3A_233 = tpu.vector_load_idx %parallel_loop3A_232[%parallel_loop3A_225] : memref<128xf32, #tpu.memory_space<vmem>>[vector<16xi32>], vector<16xf32>,
        %parallel_loop3A_234 = arith.constant 0 : i32
        %parallel_loop3A_235 = vector.broadcast %parallel_loop3A_234 : i32 to vector<16xi32>
        %parallel_loop3A_236 = arith.constant 0 : i32
        %parallel_loop3A_237 = arith.constant 0 : i32
        %parallel_loop3A_238 = tpu.memref_slice %arg8[%scan3A_48, %parallel_loop3A_236, %parallel_loop3A_237] : memref<2x128x32xf32, #tpu.memory_space<vmem>> -> memref<1x128x32xf32, #tpu.memory_space<vmem>>
        %parallel_loop3A_239 = tpu.memref_squeeze %parallel_loop3A_238 : memref<1x128x32xf32, #tpu.memory_space<vmem>> -> memref<128x32xf32, #tpu.memory_space<vmem>>
        %parallel_loop3A_240 = tpu.vector_load_idx %parallel_loop3A_239[%parallel_loop3A_225, %parallel_loop3A_235] : memref<128x32xf32, #tpu.memory_space<vmem>>[vector<16xi32>, vector<16xi32>], vector<16xf32>,
        %parallel_loop3A_241 = arith.subf %parallel_loop3A_240, %parallel_loop3A_233 : vector<16xf32>
        %parallel_loop3A_242 = arith.mulf %parallel_loop3A_241, %parallel_loop3A_229 : vector<16xf32>
        %parallel_loop3A_243 = arith.constant 0 : i32
        %parallel_loop3A_244 = arith.constant 0 : i32
        %parallel_loop3A_245 = tpu.memref_slice %arg11[%scan3A_56, %parallel_loop3A_243, %parallel_loop3A_244] : memref<2x128x32xf32, #tpu.memory_space<vmem>> -> memref<1x128x32xf32, #tpu.memory_space<vmem>>
        %parallel_loop3A_246 = tpu.memref_squeeze %parallel_loop3A_245 : memref<1x128x32xf32, #tpu.memory_space<vmem>> -> memref<128x32xf32, #tpu.memory_space<vmem>>
        tpu.vector_store_idx %parallel_loop3A_246[%parallel_loop3A_225, %parallel_loop3A_235], %parallel_loop3A_242 : memref<128x32xf32, #tpu.memory_space<vmem>>[vector<16xi32>, vector<16xi32>], vector<16xf32>,
        %parallel_loop3A_247 = arith.constant 1 : i32
        %parallel_loop3A_248 = vector.broadcast %parallel_loop3A_247 : i32 to vector<16xi32>
        %parallel_loop3A_249 = arith.constant 0 : i32
        %parallel_loop3A_250 = arith.constant 0 : i32
        %parallel_loop3A_251 = tpu.memref_slice %arg8[%scan3A_48, %parallel_loop3A_249, %parallel_loop3A_250] : memref<2x128x32xf32, #tpu.memory_space<vmem>> -> memref<1x128x32xf32, #tpu.memory_space<vmem>>
        %parallel_loop3A_252 = tpu.memref_squeeze %parallel_loop3A_251 : memref<1x128x32xf32, #tpu.memory_space<vmem>> -> memref<128x32xf32, #tpu.memory_space<vmem>>
        %parallel_loop3A_253 = tpu.vector_load_idx %parallel_loop3A_252[%parallel_loop3A_225, %parallel_loop3A_248] : memref<128x32xf32, #tpu.memory_space<vmem>>[vector<16xi32>, vector<16xi32>], vector<16xf32>,
        %parallel_loop3A_254 = arith.subf %parallel_loop3A_253, %parallel_loop3A_233 : vector<16xf32>
        %parallel_loop3A_255 = arith.mulf %parallel_loop3A_254, %parallel_loop3A_229 : vector<16xf32>
        %parallel_loop3A_256 = arith.constant 0 : i32
        %parallel_loop3A_257 = arith.constant 0 : i32
        %parallel_loop3A_258 = tpu.memref_slice %arg11[%scan3A_56, %parallel_loop3A_256, %parallel_loop3A_257] : memref<2x128x32xf32, #tpu.memory_space<vmem>> -> memref<1x128x32xf32, #tpu.memory_space<vmem>>
        %parallel_loop3A_259 = tpu.memref_squeeze %parallel_loop3A_258 : memref<1x128x32xf32, #tpu.memory_space<vmem>> -> memref<128x32xf32, #tpu.memory_space<vmem>>
        tpu.vector_store_idx %parallel_loop3A_259[%parallel_loop3A_225, %parallel_loop3A_248], %parallel_loop3A_255 : memref<128x32xf32, #tpu.memory_space<vmem>>[vector<16xi32>, vector<16xi32>], vector<16xf32>,
        %parallel_loop3A_260 = arith.constant 2 : i32
        %parallel_loop3A_261 = vector.broadcast %parallel_loop3A_260 : i32 to vector<16xi32>
        %parallel_loop3A_262 = arith.constant 0 : i32
        %parallel_loop3A_263 = arith.constant 0 : i32
        %parallel_loop3A_264 = tpu.memref_slice %arg8[%scan3A_48, %parallel_loop3A_262, %parallel_loop3A_263] : memref<2x128x32xf32, #tpu.memory_space<vmem>> -> memref<1x128x32xf32, #tpu.memory_space<vmem>>
        %parallel_loop3A_265 = tpu.memref_squeeze %parallel_loop3A_264 : memref<1x128x32xf32, #tpu.memory_space<vmem>> -> memref<128x32xf32, #tpu.memory_space<vmem>>
        %parallel_loop3A_266 = tpu.vector_load_idx %parallel_loop3A_265[%parallel_loop3A_225, %parallel_loop3A_261] : memref<128x32xf32, #tpu.memory_space<vmem>>[vector<16xi32>, vector<16xi32>], vector<16xf32>,
        %parallel_loop3A_267 = arith.subf %parallel_loop3A_266, %parallel_loop3A_233 : vector<16xf32>
        %parallel_loop3A_268 = arith.mulf %parallel_loop3A_267, %parallel_loop3A_229 : vector<16xf32>
        %parallel_loop3A_269 = arith.constant 0 : i32
        %parallel_loop3A_270 = arith.constant 0 : i32
        %parallel_loop3A_271 = tpu.memref_slice %arg11[%scan3A_56, %parallel_loop3A_269, %parallel_loop3A_270] : memref<2x128x32xf32, #tpu.memory_space<vmem>> -> memref<1x128x32xf32, #tpu.memory_space<vmem>>
        %parallel_loop3A_272 = tpu.memref_squeeze %parallel_loop3A_271 : memref<1x128x32xf32, #tpu.memory_space<vmem>> -> memref<128x32xf32, #tpu.memory_space<vmem>>
        tpu.vector_store_idx %parallel_loop3A_272[%parallel_loop3A_225, %parallel_loop3A_261], %parallel_loop3A_268 : memref<128x32xf32, #tpu.memory_space<vmem>>[vector<16xi32>, vector<16xi32>], vector<16xf32>,
        %parallel_loop3A_273 = arith.constant 3 : i32
        %parallel_loop3A_274 = vector.broadcast %parallel_loop3A_273 : i32 to vector<16xi32>
        %parallel_loop3A_275 = arith.constant 0 : i32
        %parallel_loop3A_276 = arith.constant 0 : i32
        %parallel_loop3A_277 = tpu.memref_slice %arg8[%scan3A_48, %parallel_loop3A_275, %parallel_loop3A_276] : memref<2x128x32xf32, #tpu.memory_space<vmem>> -> memref<1x128x32xf32, #tpu.memory_space<vmem>>
        %parallel_loop3A_278 = tpu.memref_squeeze %parallel_loop3A_277 : memref<1x128x32xf32, #tpu.memory_space<vmem>> -> memref<128x32xf32, #tpu.memory_space<vmem>>
        %parallel_loop3A_279 = tpu.vector_load_idx %parallel_loop3A_278[%parallel_loop3A_225, %parallel_loop3A_274] : memref<128x32xf32, #tpu.memory_space<vmem>>[vector<16xi32>, vector<16xi32>], vector<16xf32>,
        %parallel_loop3A_280 = arith.subf %parallel_loop3A_279, %parallel_loop3A_233 : vector<16xf32>
        %parallel_loop3A_281 = arith.mulf %parallel_loop3A_280, %parallel_loop3A_229 : vector<16xf32>
        %parallel_loop3A_282 = arith.constant 0 : i32
        %parallel_loop3A_283 = arith.constant 0 : i32
        %parallel_loop3A_284 = tpu.memref_slice %arg11[%scan3A_56, %parallel_loop3A_282, %parallel_loop3A_283] : memref<2x128x32xf32, #tpu.memory_space<vmem>> -> memref<1x128x32xf32, #tpu.memory_space<vmem>>
        %parallel_loop3A_285 = tpu.memref_squeeze %parallel_loop3A_284 : memref<1x128x32xf32, #tpu.memory_space<vmem>> -> memref<128x32xf32, #tpu.memory_space<vmem>>
        tpu.vector_store_idx %parallel_loop3A_285[%parallel_loop3A_225, %parallel_loop3A_274], %parallel_loop3A_281 : memref<128x32xf32, #tpu.memory_space<vmem>>[vector<16xi32>, vector<16xi32>], vector<16xf32>,
        %parallel_loop3A_286 = arith.constant 4 : i32
        %parallel_loop3A_287 = vector.broadcast %parallel_loop3A_286 : i32 to vector<16xi32>
        %parallel_loop3A_288 = arith.constant 0 : i32
        %parallel_loop3A_289 = arith.constant 0 : i32
        %parallel_loop3A_290 = tpu.memref_slice %arg8[%scan3A_48, %parallel_loop3A_288, %parallel_loop3A_289] : memref<2x128x32xf32, #tpu.memory_space<vmem>> -> memref<1x128x32xf32, #tpu.memory_space<vmem>>
        %parallel_loop3A_291 = tpu.memref_squeeze %parallel_loop3A_290 : memref<1x128x32xf32, #tpu.memory_space<vmem>> -> memref<128x32xf32, #tpu.memory_space<vmem>>
        %parallel_loop3A_292 = tpu.vector_load_idx %parallel_loop3A_291[%parallel_loop3A_225, %parallel_loop3A_287] : memref<128x32xf32, #tpu.memory_space<vmem>>[vector<16xi32>, vector<16xi32>], vector<16xf32>,
        %parallel_loop3A_293 = arith.subf %parallel_loop3A_292, %parallel_loop3A_233 : vector<16xf32>
        %parallel_loop3A_294 = arith.mulf %parallel_loop3A_293, %parallel_loop3A_229 : vector<16xf32>
        %parallel_loop3A_295 = arith.constant 0 : i32
        %parallel_loop3A_296 = arith.constant 0 : i32
        %parallel_loop3A_297 = tpu.memref_slice %arg11[%scan3A_56, %parallel_loop3A_295, %parallel_loop3A_296] : memref<2x128x32xf32, #tpu.memory_space<vmem>> -> memref<1x128x32xf32, #tpu.memory_space<vmem>>
        %parallel_loop3A_298 = tpu.memref_squeeze %parallel_loop3A_297 : memref<1x128x32xf32, #tpu.memory_space<vmem>> -> memref<128x32xf32, #tpu.memory_space<vmem>>
        tpu.vector_store_idx %parallel_loop3A_298[%parallel_loop3A_225, %parallel_loop3A_287], %parallel_loop3A_294 : memref<128x32xf32, #tpu.memory_space<vmem>>[vector<16xi32>, vector<16xi32>], vector<16xf32>,
        %parallel_loop3A_299 = arith.constant 5 : i32
        %parallel_loop3A_300 = vector.broadcast %parallel_loop3A_299 : i32 to vector<16xi32>
        %parallel_loop3A_301 = arith.constant 0 : i32
        %parallel_loop3A_302 = arith.constant 0 : i32
        %parallel_loop3A_303 = tpu.memref_slice %arg8[%scan3A_48, %parallel_loop3A_301, %parallel_loop3A_302] : memref<2x128x32xf32, #tpu.memory_space<vmem>> -> memref<1x128x32xf32, #tpu.memory_space<vmem>>
        %parallel_loop3A_304 = tpu.memref_squeeze %parallel_loop3A_303 : memref<1x128x32xf32, #tpu.memory_space<vmem>> -> memref<128x32xf32, #tpu.memory_space<vmem>>
        %parallel_loop3A_305 = tpu.vector_load_idx %parallel_loop3A_304[%parallel_loop3A_225, %parallel_loop3A_300] : memref<128x32xf32, #tpu.memory_space<vmem>>[vector<16xi32>, vector<16xi32>], vector<16xf32>,
        %parallel_loop3A_306 = arith.subf %parallel_loop3A_305, %parallel_loop3A_233 : vector<16xf32>
        %parallel_loop3A_307 = arith.mulf %parallel_loop3A_306, %parallel_loop3A_229 : vector<16xf32>
        %parallel_loop3A_308 = arith.constant 0 : i32
        %parallel_loop3A_309 = arith.constant 0 : i32
        %parallel_loop3A_310 = tpu.memref_slice %arg11[%scan3A_56, %parallel_loop3A_308, %parallel_loop3A_309] : memref<2x128x32xf32, #tpu.memory_space<vmem>> -> memref<1x128x32xf32, #tpu.memory_space<vmem>>
        %parallel_loop3A_311 = tpu.memref_squeeze %parallel_loop3A_310 : memref<1x128x32xf32, #tpu.memory_space<vmem>> -> memref<128x32xf32, #tpu.memory_space<vmem>>
        tpu.vector_store_idx %parallel_loop3A_311[%parallel_loop3A_225, %parallel_loop3A_300], %parallel_loop3A_307 : memref<128x32xf32, #tpu.memory_space<vmem>>[vector<16xi32>, vector<16xi32>], vector<16xf32>,
        %parallel_loop3A_312 = arith.constant 6 : i32
        %parallel_loop3A_313 = vector.broadcast %parallel_loop3A_312 : i32 to vector<16xi32>
        %parallel_loop3A_314 = arith.constant 0 : i32
        %parallel_loop3A_315 = arith.constant 0 : i32
        %parallel_loop3A_316 = tpu.memref_slice %arg8[%scan3A_48, %parallel_loop3A_314, %parallel_loop3A_315] : memref<2x128x32xf32, #tpu.memory_space<vmem>> -> memref<1x128x32xf32, #tpu.memory_space<vmem>>
        %parallel_loop3A_317 = tpu.memref_squeeze %parallel_loop3A_316 : memref<1x128x32xf32, #tpu.memory_space<vmem>> -> memref<128x32xf32, #tpu.memory_space<vmem>>
        %parallel_loop3A_318 = tpu.vector_load_idx %parallel_loop3A_317[%parallel_loop3A_225, %parallel_loop3A_313] : memref<128x32xf32, #tpu.memory_space<vmem>>[vector<16xi32>, vector<16xi32>], vector<16xf32>,
        %parallel_loop3A_319 = arith.subf %parallel_loop3A_318, %parallel_loop3A_233 : vector<16xf32>
        %parallel_loop3A_320 = arith.mulf %parallel_loop3A_319, %parallel_loop3A_229 : vector<16xf32>
        %parallel_loop3A_321 = arith.constant 0 : i32
        %parallel_loop3A_322 = arith.constant 0 : i32
        %parallel_loop3A_323 = tpu.memref_slice %arg11[%scan3A_56, %parallel_loop3A_321, %parallel_loop3A_322] : memref<2x128x32xf32, #tpu.memory_space<vmem>> -> memref<1x128x32xf32, #tpu.memory_space<vmem>>
        %parallel_loop3A_324 = tpu.memref_squeeze %parallel_loop3A_323 : memref<1x128x32xf32, #tpu.memory_space<vmem>> -> memref<128x32xf32, #tpu.memory_space<vmem>>
        tpu.vector_store_idx %parallel_loop3A_324[%parallel_loop3A_225, %parallel_loop3A_313], %parallel_loop3A_320 : memref<128x32xf32, #tpu.memory_space<vmem>>[vector<16xi32>, vector<16xi32>], vector<16xf32>,
        %parallel_loop3A_325 = arith.constant 7 : i32
        %parallel_loop3A_326 = vector.broadcast %parallel_loop3A_325 : i32 to vector<16xi32>
        %parallel_loop3A_327 = arith.constant 0 : i32
        %parallel_loop3A_328 = arith.constant 0 : i32
        %parallel_loop3A_329 = tpu.memref_slice %arg8[%scan3A_48, %parallel_loop3A_327, %parallel_loop3A_328] : memref<2x128x32xf32, #tpu.memory_space<vmem>> -> memref<1x128x32xf32, #tpu.memory_space<vmem>>
        %parallel_loop3A_330 = tpu.memref_squeeze %parallel_loop3A_329 : memref<1x128x32xf32, #tpu.memory_space<vmem>> -> memref<128x32xf32, #tpu.memory_space<vmem>>
        %parallel_loop3A_331 = tpu.vector_load_idx %parallel_loop3A_330[%parallel_loop3A_225, %parallel_loop3A_326] : memref<128x32xf32, #tpu.memory_space<vmem>>[vector<16xi32>, vector<16xi32>], vector<16xf32>,
        %parallel_loop3A_332 = arith.subf %parallel_loop3A_331, %parallel_loop3A_233 : vector<16xf32>
        %parallel_loop3A_333 = arith.mulf %parallel_loop3A_332, %parallel_loop3A_229 : vector<16xf32>
        %parallel_loop3A_334 = arith.constant 0 : i32
        %parallel_loop3A_335 = arith.constant 0 : i32
        %parallel_loop3A_336 = tpu.memref_slice %arg11[%scan3A_56, %parallel_loop3A_334, %parallel_loop3A_335] : memref<2x128x32xf32, #tpu.memory_space<vmem>> -> memref<1x128x32xf32, #tpu.memory_space<vmem>>
        %parallel_loop3A_337 = tpu.memref_squeeze %parallel_loop3A_336 : memref<1x128x32xf32, #tpu.memory_space<vmem>> -> memref<128x32xf32, #tpu.memory_space<vmem>>
        tpu.vector_store_idx %parallel_loop3A_337[%parallel_loop3A_225, %parallel_loop3A_326], %parallel_loop3A_333 : memref<128x32xf32, #tpu.memory_space<vmem>>[vector<16xi32>, vector<16xi32>], vector<16xf32>,
        %parallel_loop3A_338 = arith.constant 8 : i32
        %parallel_loop3A_339 = vector.broadcast %parallel_loop3A_338 : i32 to vector<16xi32>
        %parallel_loop3A_340 = arith.constant 0 : i32
        %parallel_loop3A_341 = arith.constant 0 : i32
        %parallel_loop3A_342 = tpu.memref_slice %arg8[%scan3A_48, %parallel_loop3A_340, %parallel_loop3A_341] : memref<2x128x32xf32, #tpu.memory_space<vmem>> -> memref<1x128x32xf32, #tpu.memory_space<vmem>>
        %parallel_loop3A_343 = tpu.memref_squeeze %parallel_loop3A_342 : memref<1x128x32xf32, #tpu.memory_space<vmem>> -> memref<128x32xf32, #tpu.memory_space<vmem>>
        %parallel_loop3A_344 = tpu.vector_load_idx %parallel_loop3A_343[%parallel_loop3A_225, %parallel_loop3A_339] : memref<128x32xf32, #tpu.memory_space<vmem>>[vector<16xi32>, vector<16xi32>], vector<16xf32>,
        %parallel_loop3A_345 = arith.subf %parallel_loop3A_344, %parallel_loop3A_233 : vector<16xf32>
        %parallel_loop3A_346 = arith.mulf %parallel_loop3A_345, %parallel_loop3A_229 : vector<16xf32>
        %parallel_loop3A_347 = arith.constant 0 : i32
        %parallel_loop3A_348 = arith.constant 0 : i32
        %parallel_loop3A_349 = tpu.memref_slice %arg11[%scan3A_56, %parallel_loop3A_347, %parallel_loop3A_348] : memref<2x128x32xf32, #tpu.memory_space<vmem>> -> memref<1x128x32xf32, #tpu.memory_space<vmem>>
        %parallel_loop3A_350 = tpu.memref_squeeze %parallel_loop3A_349 : memref<1x128x32xf32, #tpu.memory_space<vmem>> -> memref<128x32xf32, #tpu.memory_space<vmem>>
        tpu.vector_store_idx %parallel_loop3A_350[%parallel_loop3A_225, %parallel_loop3A_339], %parallel_loop3A_346 : memref<128x32xf32, #tpu.memory_space<vmem>>[vector<16xi32>, vector<16xi32>], vector<16xf32>,
        %parallel_loop3A_351 = arith.constant 9 : i32
        %parallel_loop3A_352 = vector.broadcast %parallel_loop3A_351 : i32 to vector<16xi32>
        %parallel_loop3A_353 = arith.constant 0 : i32
        %parallel_loop3A_354 = arith.constant 0 : i32
        %parallel_loop3A_355 = tpu.memref_slice %arg8[%scan3A_48, %parallel_loop3A_353, %parallel_loop3A_354] : memref<2x128x32xf32, #tpu.memory_space<vmem>> -> memref<1x128x32xf32, #tpu.memory_space<vmem>>
        %parallel_loop3A_356 = tpu.memref_squeeze %parallel_loop3A_355 : memref<1x128x32xf32, #tpu.memory_space<vmem>> -> memref<128x32xf32, #tpu.memory_space<vmem>>
        %parallel_loop3A_357 = tpu.vector_load_idx %parallel_loop3A_356[%parallel_loop3A_225, %parallel_loop3A_352] : memref<128x32xf32, #tpu.memory_space<vmem>>[vector<16xi32>, vector<16xi32>], vector<16xf32>,
        %parallel_loop3A_358 = arith.subf %parallel_loop3A_357, %parallel_loop3A_233 : vector<16xf32>
        %parallel_loop3A_359 = arith.mulf %parallel_loop3A_358, %parallel_loop3A_229 : vector<16xf32>
        %parallel_loop3A_360 = arith.constant 0 : i32
        %parallel_loop3A_361 = arith.constant 0 : i32
        %parallel_loop3A_362 = tpu.memref_slice %arg11[%scan3A_56, %parallel_loop3A_360, %parallel_loop3A_361] : memref<2x128x32xf32, #tpu.memory_space<vmem>> -> memref<1x128x32xf32, #tpu.memory_space<vmem>>
        %parallel_loop3A_363 = tpu.memref_squeeze %parallel_loop3A_362 : memref<1x128x32xf32, #tpu.memory_space<vmem>> -> memref<128x32xf32, #tpu.memory_space<vmem>>
        tpu.vector_store_idx %parallel_loop3A_363[%parallel_loop3A_225, %parallel_loop3A_352], %parallel_loop3A_359 : memref<128x32xf32, #tpu.memory_space<vmem>>[vector<16xi32>, vector<16xi32>], vector<16xf32>,
        %parallel_loop3A_364 = arith.constant 10 : i32
        %parallel_loop3A_365 = vector.broadcast %parallel_loop3A_364 : i32 to vector<16xi32>
        %parallel_loop3A_366 = arith.constant 0 : i32
        %parallel_loop3A_367 = arith.constant 0 : i32
        %parallel_loop3A_368 = tpu.memref_slice %arg8[%scan3A_48, %parallel_loop3A_366, %parallel_loop3A_367] : memref<2x128x32xf32, #tpu.memory_space<vmem>> -> memref<1x128x32xf32, #tpu.memory_space<vmem>>
        %parallel_loop3A_369 = tpu.memref_squeeze %parallel_loop3A_368 : memref<1x128x32xf32, #tpu.memory_space<vmem>> -> memref<128x32xf32, #tpu.memory_space<vmem>>
        %parallel_loop3A_370 = tpu.vector_load_idx %parallel_loop3A_369[%parallel_loop3A_225, %parallel_loop3A_365] : memref<128x32xf32, #tpu.memory_space<vmem>>[vector<16xi32>, vector<16xi32>], vector<16xf32>,
        %parallel_loop3A_371 = arith.subf %parallel_loop3A_370, %parallel_loop3A_233 : vector<16xf32>
        %parallel_loop3A_372 = arith.mulf %parallel_loop3A_371, %parallel_loop3A_229 : vector<16xf32>
        %parallel_loop3A_373 = arith.constant 0 : i32
        %parallel_loop3A_374 = arith.constant 0 : i32
        %parallel_loop3A_375 = tpu.memref_slice %arg11[%scan3A_56, %parallel_loop3A_373, %parallel_loop3A_374] : memref<2x128x32xf32, #tpu.memory_space<vmem>> -> memref<1x128x32xf32, #tpu.memory_space<vmem>>
        %parallel_loop3A_376 = tpu.memref_squeeze %parallel_loop3A_375 : memref<1x128x32xf32, #tpu.memory_space<vmem>> -> memref<128x32xf32, #tpu.memory_space<vmem>>
        tpu.vector_store_idx %parallel_loop3A_376[%parallel_loop3A_225, %parallel_loop3A_365], %parallel_loop3A_372 : memref<128x32xf32, #tpu.memory_space<vmem>>[vector<16xi32>, vector<16xi32>], vector<16xf32>,
        %parallel_loop3A_377 = arith.constant 11 : i32
        %parallel_loop3A_378 = vector.broadcast %parallel_loop3A_377 : i32 to vector<16xi32>
        %parallel_loop3A_379 = arith.constant 0 : i32
        %parallel_loop3A_380 = arith.constant 0 : i32
        %parallel_loop3A_381 = tpu.memref_slice %arg8[%scan3A_48, %parallel_loop3A_379, %parallel_loop3A_380] : memref<2x128x32xf32, #tpu.memory_space<vmem>> -> memref<1x128x32xf32, #tpu.memory_space<vmem>>
        %parallel_loop3A_382 = tpu.memref_squeeze %parallel_loop3A_381 : memref<1x128x32xf32, #tpu.memory_space<vmem>> -> memref<128x32xf32, #tpu.memory_space<vmem>>
        %parallel_loop3A_383 = tpu.vector_load_idx %parallel_loop3A_382[%parallel_loop3A_225, %parallel_loop3A_378] : memref<128x32xf32, #tpu.memory_space<vmem>>[vector<16xi32>, vector<16xi32>], vector<16xf32>,
        %parallel_loop3A_384 = arith.subf %parallel_loop3A_383, %parallel_loop3A_233 : vector<16xf32>
        %parallel_loop3A_385 = arith.mulf %parallel_loop3A_384, %parallel_loop3A_229 : vector<16xf32>
        %parallel_loop3A_386 = arith.constant 0 : i32
        %parallel_loop3A_387 = arith.constant 0 : i32
        %parallel_loop3A_388 = tpu.memref_slice %arg11[%scan3A_56, %parallel_loop3A_386, %parallel_loop3A_387] : memref<2x128x32xf32, #tpu.memory_space<vmem>> -> memref<1x128x32xf32, #tpu.memory_space<vmem>>
        %parallel_loop3A_389 = tpu.memref_squeeze %parallel_loop3A_388 : memref<1x128x32xf32, #tpu.memory_space<vmem>> -> memref<128x32xf32, #tpu.memory_space<vmem>>
        tpu.vector_store_idx %parallel_loop3A_389[%parallel_loop3A_225, %parallel_loop3A_378], %parallel_loop3A_385 : memref<128x32xf32, #tpu.memory_space<vmem>>[vector<16xi32>, vector<16xi32>], vector<16xf32>,
        %parallel_loop3A_390 = arith.constant 12 : i32
        %parallel_loop3A_391 = vector.broadcast %parallel_loop3A_390 : i32 to vector<16xi32>
        %parallel_loop3A_392 = arith.constant 0 : i32
        %parallel_loop3A_393 = arith.constant 0 : i32
        %parallel_loop3A_394 = tpu.memref_slice %arg8[%scan3A_48, %parallel_loop3A_392, %parallel_loop3A_393] : memref<2x128x32xf32, #tpu.memory_space<vmem>> -> memref<1x128x32xf32, #tpu.memory_space<vmem>>
        %parallel_loop3A_395 = tpu.memref_squeeze %parallel_loop3A_394 : memref<1x128x32xf32, #tpu.memory_space<vmem>> -> memref<128x32xf32, #tpu.memory_space<vmem>>
        %parallel_loop3A_396 = tpu.vector_load_idx %parallel_loop3A_395[%parallel_loop3A_225, %parallel_loop3A_391] : memref<128x32xf32, #tpu.memory_space<vmem>>[vector<16xi32>, vector<16xi32>], vector<16xf32>,
        %parallel_loop3A_397 = arith.subf %parallel_loop3A_396, %parallel_loop3A_233 : vector<16xf32>
        %parallel_loop3A_398 = arith.mulf %parallel_loop3A_397, %parallel_loop3A_229 : vector<16xf32>
        %parallel_loop3A_399 = arith.constant 0 : i32
        %parallel_loop3A_400 = arith.constant 0 : i32
        %parallel_loop3A_401 = tpu.memref_slice %arg11[%scan3A_56, %parallel_loop3A_399, %parallel_loop3A_400] : memref<2x128x32xf32, #tpu.memory_space<vmem>> -> memref<1x128x32xf32, #tpu.memory_space<vmem>>
        %parallel_loop3A_402 = tpu.memref_squeeze %parallel_loop3A_401 : memref<1x128x32xf32, #tpu.memory_space<vmem>> -> memref<128x32xf32, #tpu.memory_space<vmem>>
        tpu.vector_store_idx %parallel_loop3A_402[%parallel_loop3A_225, %parallel_loop3A_391], %parallel_loop3A_398 : memref<128x32xf32, #tpu.memory_space<vmem>>[vector<16xi32>, vector<16xi32>], vector<16xf32>,
        %parallel_loop3A_403 = arith.constant 13 : i32
        %parallel_loop3A_404 = vector.broadcast %parallel_loop3A_403 : i32 to vector<16xi32>
        %parallel_loop3A_405 = arith.constant 0 : i32
        %parallel_loop3A_406 = arith.constant 0 : i32
        %parallel_loop3A_407 = tpu.memref_slice %arg8[%scan3A_48, %parallel_loop3A_405, %parallel_loop3A_406] : memref<2x128x32xf32, #tpu.memory_space<vmem>> -> memref<1x128x32xf32, #tpu.memory_space<vmem>>
        %parallel_loop3A_408 = tpu.memref_squeeze %parallel_loop3A_407 : memref<1x128x32xf32, #tpu.memory_space<vmem>> -> memref<128x32xf32, #tpu.memory_space<vmem>>
        %parallel_loop3A_409 = tpu.vector_load_idx %parallel_loop3A_408[%parallel_loop3A_225, %parallel_loop3A_404] : memref<128x32xf32, #tpu.memory_space<vmem>>[vector<16xi32>, vector<16xi32>], vector<16xf32>,
        %parallel_loop3A_410 = arith.subf %parallel_loop3A_409, %parallel_loop3A_233 : vector<16xf32>
        %parallel_loop3A_411 = arith.mulf %parallel_loop3A_410, %parallel_loop3A_229 : vector<16xf32>
        %parallel_loop3A_412 = arith.constant 0 : i32
        %parallel_loop3A_413 = arith.constant 0 : i32
        %parallel_loop3A_414 = tpu.memref_slice %arg11[%scan3A_56, %parallel_loop3A_412, %parallel_loop3A_413] : memref<2x128x32xf32, #tpu.memory_space<vmem>> -> memref<1x128x32xf32, #tpu.memory_space<vmem>>
        %parallel_loop3A_415 = tpu.memref_squeeze %parallel_loop3A_414 : memref<1x128x32xf32, #tpu.memory_space<vmem>> -> memref<128x32xf32, #tpu.memory_space<vmem>>
        tpu.vector_store_idx %parallel_loop3A_415[%parallel_loop3A_225, %parallel_loop3A_404], %parallel_loop3A_411 : memref<128x32xf32, #tpu.memory_space<vmem>>[vector<16xi32>, vector<16xi32>], vector<16xf32>,
        %parallel_loop3A_416 = arith.constant 14 : i32
        %parallel_loop3A_417 = vector.broadcast %parallel_loop3A_416 : i32 to vector<16xi32>
        %parallel_loop3A_418 = arith.constant 0 : i32
        %parallel_loop3A_419 = arith.constant 0 : i32
        %parallel_loop3A_420 = tpu.memref_slice %arg8[%scan3A_48, %parallel_loop3A_418, %parallel_loop3A_419] : memref<2x128x32xf32, #tpu.memory_space<vmem>> -> memref<1x128x32xf32, #tpu.memory_space<vmem>>
        %parallel_loop3A_421 = tpu.memref_squeeze %parallel_loop3A_420 : memref<1x128x32xf32, #tpu.memory_space<vmem>> -> memref<128x32xf32, #tpu.memory_space<vmem>>
        %parallel_loop3A_422 = tpu.vector_load_idx %parallel_loop3A_421[%parallel_loop3A_225, %parallel_loop3A_417] : memref<128x32xf32, #tpu.memory_space<vmem>>[vector<16xi32>, vector<16xi32>], vector<16xf32>,
        %parallel_loop3A_423 = arith.subf %parallel_loop3A_422, %parallel_loop3A_233 : vector<16xf32>
        %parallel_loop3A_424 = arith.mulf %parallel_loop3A_423, %parallel_loop3A_229 : vector<16xf32>
        %parallel_loop3A_425 = arith.constant 0 : i32
        %parallel_loop3A_426 = arith.constant 0 : i32
        %parallel_loop3A_427 = tpu.memref_slice %arg11[%scan3A_56, %parallel_loop3A_425, %parallel_loop3A_426] : memref<2x128x32xf32, #tpu.memory_space<vmem>> -> memref<1x128x32xf32, #tpu.memory_space<vmem>>
        %parallel_loop3A_428 = tpu.memref_squeeze %parallel_loop3A_427 : memref<1x128x32xf32, #tpu.memory_space<vmem>> -> memref<128x32xf32, #tpu.memory_space<vmem>>
        tpu.vector_store_idx %parallel_loop3A_428[%parallel_loop3A_225, %parallel_loop3A_417], %parallel_loop3A_424 : memref<128x32xf32, #tpu.memory_space<vmem>>[vector<16xi32>, vector<16xi32>], vector<16xf32>,
        %parallel_loop3A_429 = arith.constant 15 : i32
        %parallel_loop3A_430 = vector.broadcast %parallel_loop3A_429 : i32 to vector<16xi32>
        %parallel_loop3A_431 = arith.constant 0 : i32
        %parallel_loop3A_432 = arith.constant 0 : i32
        %parallel_loop3A_433 = tpu.memref_slice %arg8[%scan3A_48, %parallel_loop3A_431, %parallel_loop3A_432] : memref<2x128x32xf32, #tpu.memory_space<vmem>> -> memref<1x128x32xf32, #tpu.memory_space<vmem>>
        %parallel_loop3A_434 = tpu.memref_squeeze %parallel_loop3A_433 : memref<1x128x32xf32, #tpu.memory_space<vmem>> -> memref<128x32xf32, #tpu.memory_space<vmem>>
        %parallel_loop3A_435 = tpu.vector_load_idx %parallel_loop3A_434[%parallel_loop3A_225, %parallel_loop3A_430] : memref<128x32xf32, #tpu.memory_space<vmem>>[vector<16xi32>, vector<16xi32>], vector<16xf32>,
        %parallel_loop3A_436 = arith.subf %parallel_loop3A_435, %parallel_loop3A_233 : vector<16xf32>
        %parallel_loop3A_437 = arith.mulf %parallel_loop3A_436, %parallel_loop3A_229 : vector<16xf32>
        %parallel_loop3A_438 = arith.constant 0 : i32
        %parallel_loop3A_439 = arith.constant 0 : i32
        %parallel_loop3A_440 = tpu.memref_slice %arg11[%scan3A_56, %parallel_loop3A_438, %parallel_loop3A_439] : memref<2x128x32xf32, #tpu.memory_space<vmem>> -> memref<1x128x32xf32, #tpu.memory_space<vmem>>
        %parallel_loop3A_441 = tpu.memref_squeeze %parallel_loop3A_440 : memref<1x128x32xf32, #tpu.memory_space<vmem>> -> memref<128x32xf32, #tpu.memory_space<vmem>>
        tpu.vector_store_idx %parallel_loop3A_441[%parallel_loop3A_225, %parallel_loop3A_430], %parallel_loop3A_437 : memref<128x32xf32, #tpu.memory_space<vmem>>[vector<16xi32>, vector<16xi32>], vector<16xf32>,
        %parallel_loop3A_442 = arith.constant 16 : i32
        %parallel_loop3A_443 = vector.broadcast %parallel_loop3A_442 : i32 to vector<16xi32>
        %parallel_loop3A_444 = arith.constant 0 : i32
        %parallel_loop3A_445 = arith.constant 0 : i32
        %parallel_loop3A_446 = tpu.memref_slice %arg8[%scan3A_48, %parallel_loop3A_444, %parallel_loop3A_445] : memref<2x128x32xf32, #tpu.memory_space<vmem>> -> memref<1x128x32xf32, #tpu.memory_space<vmem>>
        %parallel_loop3A_447 = tpu.memref_squeeze %parallel_loop3A_446 : memref<1x128x32xf32, #tpu.memory_space<vmem>> -> memref<128x32xf32, #tpu.memory_space<vmem>>
        %parallel_loop3A_448 = tpu.vector_load_idx %parallel_loop3A_447[%parallel_loop3A_225, %parallel_loop3A_443] : memref<128x32xf32, #tpu.memory_space<vmem>>[vector<16xi32>, vector<16xi32>], vector<16xf32>,
        %parallel_loop3A_449 = arith.subf %parallel_loop3A_448, %parallel_loop3A_233 : vector<16xf32>
        %parallel_loop3A_450 = arith.mulf %parallel_loop3A_449, %parallel_loop3A_229 : vector<16xf32>
        %parallel_loop3A_451 = arith.constant 0 : i32
        %parallel_loop3A_452 = arith.constant 0 : i32
        %parallel_loop3A_453 = tpu.memref_slice %arg11[%scan3A_56, %parallel_loop3A_451, %parallel_loop3A_452] : memref<2x128x32xf32, #tpu.memory_space<vmem>> -> memref<1x128x32xf32, #tpu.memory_space<vmem>>
        %parallel_loop3A_454 = tpu.memref_squeeze %parallel_loop3A_453 : memref<1x128x32xf32, #tpu.memory_space<vmem>> -> memref<128x32xf32, #tpu.memory_space<vmem>>
        tpu.vector_store_idx %parallel_loop3A_454[%parallel_loop3A_225, %parallel_loop3A_443], %parallel_loop3A_450 : memref<128x32xf32, #tpu.memory_space<vmem>>[vector<16xi32>, vector<16xi32>], vector<16xf32>,
        %parallel_loop3A_455 = arith.constant 17 : i32
        %parallel_loop3A_456 = vector.broadcast %parallel_loop3A_455 : i32 to vector<16xi32>
        %parallel_loop3A_457 = arith.constant 0 : i32
        %parallel_loop3A_458 = arith.constant 0 : i32
        %parallel_loop3A_459 = tpu.memref_slice %arg8[%scan3A_48, %parallel_loop3A_457, %parallel_loop3A_458] : memref<2x128x32xf32, #tpu.memory_space<vmem>> -> memref<1x128x32xf32, #tpu.memory_space<vmem>>
        %parallel_loop3A_460 = tpu.memref_squeeze %parallel_loop3A_459 : memref<1x128x32xf32, #tpu.memory_space<vmem>> -> memref<128x32xf32, #tpu.memory_space<vmem>>
        %parallel_loop3A_461 = tpu.vector_load_idx %parallel_loop3A_460[%parallel_loop3A_225, %parallel_loop3A_456] : memref<128x32xf32, #tpu.memory_space<vmem>>[vector<16xi32>, vector<16xi32>], vector<16xf32>,
        %parallel_loop3A_462 = arith.subf %parallel_loop3A_461, %parallel_loop3A_233 : vector<16xf32>
        %parallel_loop3A_463 = arith.mulf %parallel_loop3A_462, %parallel_loop3A_229 : vector<16xf32>
        %parallel_loop3A_464 = arith.constant 0 : i32
        %parallel_loop3A_465 = arith.constant 0 : i32
        %parallel_loop3A_466 = tpu.memref_slice %arg11[%scan3A_56, %parallel_loop3A_464, %parallel_loop3A_465] : memref<2x128x32xf32, #tpu.memory_space<vmem>> -> memref<1x128x32xf32, #tpu.memory_space<vmem>>
        %parallel_loop3A_467 = tpu.memref_squeeze %parallel_loop3A_466 : memref<1x128x32xf32, #tpu.memory_space<vmem>> -> memref<128x32xf32, #tpu.memory_space<vmem>>
        tpu.vector_store_idx %parallel_loop3A_467[%parallel_loop3A_225, %parallel_loop3A_456], %parallel_loop3A_463 : memref<128x32xf32, #tpu.memory_space<vmem>>[vector<16xi32>, vector<16xi32>], vector<16xf32>,
        %parallel_loop3A_468 = arith.constant 18 : i32
        %parallel_loop3A_469 = vector.broadcast %parallel_loop3A_468 : i32 to vector<16xi32>
        %parallel_loop3A_470 = arith.constant 0 : i32
        %parallel_loop3A_471 = arith.constant 0 : i32
        %parallel_loop3A_472 = tpu.memref_slice %arg8[%scan3A_48, %parallel_loop3A_470, %parallel_loop3A_471] : memref<2x128x32xf32, #tpu.memory_space<vmem>> -> memref<1x128x32xf32, #tpu.memory_space<vmem>>
        %parallel_loop3A_473 = tpu.memref_squeeze %parallel_loop3A_472 : memref<1x128x32xf32, #tpu.memory_space<vmem>> -> memref<128x32xf32, #tpu.memory_space<vmem>>
        %parallel_loop3A_474 = tpu.vector_load_idx %parallel_loop3A_473[%parallel_loop3A_225, %parallel_loop3A_469] : memref<128x32xf32, #tpu.memory_space<vmem>>[vector<16xi32>, vector<16xi32>], vector<16xf32>,
        %parallel_loop3A_475 = arith.subf %parallel_loop3A_474, %parallel_loop3A_233 : vector<16xf32>
        %parallel_loop3A_476 = arith.mulf %parallel_loop3A_475, %parallel_loop3A_229 : vector<16xf32>
        %parallel_loop3A_477 = arith.constant 0 : i32
        %parallel_loop3A_478 = arith.constant 0 : i32
        %parallel_loop3A_479 = tpu.memref_slice %arg11[%scan3A_56, %parallel_loop3A_477, %parallel_loop3A_478] : memref<2x128x32xf32, #tpu.memory_space<vmem>> -> memref<1x128x32xf32, #tpu.memory_space<vmem>>
        %parallel_loop3A_480 = tpu.memref_squeeze %parallel_loop3A_479 : memref<1x128x32xf32, #tpu.memory_space<vmem>> -> memref<128x32xf32, #tpu.memory_space<vmem>>
        tpu.vector_store_idx %parallel_loop3A_480[%parallel_loop3A_225, %parallel_loop3A_469], %parallel_loop3A_476 : memref<128x32xf32, #tpu.memory_space<vmem>>[vector<16xi32>, vector<16xi32>], vector<16xf32>,
        %parallel_loop3A_481 = arith.constant 19 : i32
        %parallel_loop3A_482 = vector.broadcast %parallel_loop3A_481 : i32 to vector<16xi32>
        %parallel_loop3A_483 = arith.constant 0 : i32
        %parallel_loop3A_484 = arith.constant 0 : i32
        %parallel_loop3A_485 = tpu.memref_slice %arg8[%scan3A_48, %parallel_loop3A_483, %parallel_loop3A_484] : memref<2x128x32xf32, #tpu.memory_space<vmem>> -> memref<1x128x32xf32, #tpu.memory_space<vmem>>
        %parallel_loop3A_486 = tpu.memref_squeeze %parallel_loop3A_485 : memref<1x128x32xf32, #tpu.memory_space<vmem>> -> memref<128x32xf32, #tpu.memory_space<vmem>>
        %parallel_loop3A_487 = tpu.vector_load_idx %parallel_loop3A_486[%parallel_loop3A_225, %parallel_loop3A_482] : memref<128x32xf32, #tpu.memory_space<vmem>>[vector<16xi32>, vector<16xi32>], vector<16xf32>,
        %parallel_loop3A_488 = arith.subf %parallel_loop3A_487, %parallel_loop3A_233 : vector<16xf32>
        %parallel_loop3A_489 = arith.mulf %parallel_loop3A_488, %parallel_loop3A_229 : vector<16xf32>
        %parallel_loop3A_490 = arith.constant 0 : i32
        %parallel_loop3A_491 = arith.constant 0 : i32
        %parallel_loop3A_492 = tpu.memref_slice %arg11[%scan3A_56, %parallel_loop3A_490, %parallel_loop3A_491] : memref<2x128x32xf32, #tpu.memory_space<vmem>> -> memref<1x128x32xf32, #tpu.memory_space<vmem>>
        %parallel_loop3A_493 = tpu.memref_squeeze %parallel_loop3A_492 : memref<1x128x32xf32, #tpu.memory_space<vmem>> -> memref<128x32xf32, #tpu.memory_space<vmem>>
        tpu.vector_store_idx %parallel_loop3A_493[%parallel_loop3A_225, %parallel_loop3A_482], %parallel_loop3A_489 : memref<128x32xf32, #tpu.memory_space<vmem>>[vector<16xi32>, vector<16xi32>], vector<16xf32>,
        %parallel_loop3A_494 = arith.constant 20 : i32
        %parallel_loop3A_495 = vector.broadcast %parallel_loop3A_494 : i32 to vector<16xi32>
        %parallel_loop3A_496 = arith.constant 0 : i32
        %parallel_loop3A_497 = arith.constant 0 : i32
        %parallel_loop3A_498 = tpu.memref_slice %arg8[%scan3A_48, %parallel_loop3A_496, %parallel_loop3A_497] : memref<2x128x32xf32, #tpu.memory_space<vmem>> -> memref<1x128x32xf32, #tpu.memory_space<vmem>>
        %parallel_loop3A_499 = tpu.memref_squeeze %parallel_loop3A_498 : memref<1x128x32xf32, #tpu.memory_space<vmem>> -> memref<128x32xf32, #tpu.memory_space<vmem>>
        %parallel_loop3A_500 = tpu.vector_load_idx %parallel_loop3A_499[%parallel_loop3A_225, %parallel_loop3A_495] : memref<128x32xf32, #tpu.memory_space<vmem>>[vector<16xi32>, vector<16xi32>], vector<16xf32>,
        %parallel_loop3A_501 = arith.subf %parallel_loop3A_500, %parallel_loop3A_233 : vector<16xf32>
        %parallel_loop3A_502 = arith.mulf %parallel_loop3A_501, %parallel_loop3A_229 : vector<16xf32>
        %parallel_loop3A_503 = arith.constant 0 : i32
        %parallel_loop3A_504 = arith.constant 0 : i32
        %parallel_loop3A_505 = tpu.memref_slice %arg11[%scan3A_56, %parallel_loop3A_503, %parallel_loop3A_504] : memref<2x128x32xf32, #tpu.memory_space<vmem>> -> memref<1x128x32xf32, #tpu.memory_space<vmem>>
        %parallel_loop3A_506 = tpu.memref_squeeze %parallel_loop3A_505 : memref<1x128x32xf32, #tpu.memory_space<vmem>> -> memref<128x32xf32, #tpu.memory_space<vmem>>
        tpu.vector_store_idx %parallel_loop3A_506[%parallel_loop3A_225, %parallel_loop3A_495], %parallel_loop3A_502 : memref<128x32xf32, #tpu.memory_space<vmem>>[vector<16xi32>, vector<16xi32>], vector<16xf32>,
        %parallel_loop3A_507 = arith.constant 21 : i32
        %parallel_loop3A_508 = vector.broadcast %parallel_loop3A_507 : i32 to vector<16xi32>
        %parallel_loop3A_509 = arith.constant 0 : i32
        %parallel_loop3A_510 = arith.constant 0 : i32
        %parallel_loop3A_511 = tpu.memref_slice %arg8[%scan3A_48, %parallel_loop3A_509, %parallel_loop3A_510] : memref<2x128x32xf32, #tpu.memory_space<vmem>> -> memref<1x128x32xf32, #tpu.memory_space<vmem>>
        %parallel_loop3A_512 = tpu.memref_squeeze %parallel_loop3A_511 : memref<1x128x32xf32, #tpu.memory_space<vmem>> -> memref<128x32xf32, #tpu.memory_space<vmem>>
        %parallel_loop3A_513 = tpu.vector_load_idx %parallel_loop3A_512[%parallel_loop3A_225, %parallel_loop3A_508] : memref<128x32xf32, #tpu.memory_space<vmem>>[vector<16xi32>, vector<16xi32>], vector<16xf32>,
        %parallel_loop3A_514 = arith.subf %parallel_loop3A_513, %parallel_loop3A_233 : vector<16xf32>
        %parallel_loop3A_515 = arith.mulf %parallel_loop3A_514, %parallel_loop3A_229 : vector<16xf32>
        %parallel_loop3A_516 = arith.constant 0 : i32
        %parallel_loop3A_517 = arith.constant 0 : i32
        %parallel_loop3A_518 = tpu.memref_slice %arg11[%scan3A_56, %parallel_loop3A_516, %parallel_loop3A_517] : memref<2x128x32xf32, #tpu.memory_space<vmem>> -> memref<1x128x32xf32, #tpu.memory_space<vmem>>
        %parallel_loop3A_519 = tpu.memref_squeeze %parallel_loop3A_518 : memref<1x128x32xf32, #tpu.memory_space<vmem>> -> memref<128x32xf32, #tpu.memory_space<vmem>>
        tpu.vector_store_idx %parallel_loop3A_519[%parallel_loop3A_225, %parallel_loop3A_508], %parallel_loop3A_515 : memref<128x32xf32, #tpu.memory_space<vmem>>[vector<16xi32>, vector<16xi32>], vector<16xf32>,
        %parallel_loop3A_520 = arith.constant 22 : i32
        %parallel_loop3A_521 = vector.broadcast %parallel_loop3A_520 : i32 to vector<16xi32>
        %parallel_loop3A_522 = arith.constant 0 : i32
        %parallel_loop3A_523 = arith.constant 0 : i32
        %parallel_loop3A_524 = tpu.memref_slice %arg8[%scan3A_48, %parallel_loop3A_522, %parallel_loop3A_523] : memref<2x128x32xf32, #tpu.memory_space<vmem>> -> memref<1x128x32xf32, #tpu.memory_space<vmem>>
        %parallel_loop3A_525 = tpu.memref_squeeze %parallel_loop3A_524 : memref<1x128x32xf32, #tpu.memory_space<vmem>> -> memref<128x32xf32, #tpu.memory_space<vmem>>
        %parallel_loop3A_526 = tpu.vector_load_idx %parallel_loop3A_525[%parallel_loop3A_225, %parallel_loop3A_521] : memref<128x32xf32, #tpu.memory_space<vmem>>[vector<16xi32>, vector<16xi32>], vector<16xf32>,
        %parallel_loop3A_527 = arith.subf %parallel_loop3A_526, %parallel_loop3A_233 : vector<16xf32>
        %parallel_loop3A_528 = arith.mulf %parallel_loop3A_527, %parallel_loop3A_229 : vector<16xf32>
        %parallel_loop3A_529 = arith.constant 0 : i32
        %parallel_loop3A_530 = arith.constant 0 : i32
        %parallel_loop3A_531 = tpu.memref_slice %arg11[%scan3A_56, %parallel_loop3A_529, %parallel_loop3A_530] : memref<2x128x32xf32, #tpu.memory_space<vmem>> -> memref<1x128x32xf32, #tpu.memory_space<vmem>>
        %parallel_loop3A_532 = tpu.memref_squeeze %parallel_loop3A_531 : memref<1x128x32xf32, #tpu.memory_space<vmem>> -> memref<128x32xf32, #tpu.memory_space<vmem>>
        tpu.vector_store_idx %parallel_loop3A_532[%parallel_loop3A_225, %parallel_loop3A_521], %parallel_loop3A_528 : memref<128x32xf32, #tpu.memory_space<vmem>>[vector<16xi32>, vector<16xi32>], vector<16xf32>,
        %parallel_loop3A_533 = arith.constant 23 : i32
        %parallel_loop3A_534 = vector.broadcast %parallel_loop3A_533 : i32 to vector<16xi32>
        %parallel_loop3A_535 = arith.constant 0 : i32
        %parallel_loop3A_536 = arith.constant 0 : i32
        %parallel_loop3A_537 = tpu.memref_slice %arg8[%scan3A_48, %parallel_loop3A_535, %parallel_loop3A_536] : memref<2x128x32xf32, #tpu.memory_space<vmem>> -> memref<1x128x32xf32, #tpu.memory_space<vmem>>
        %parallel_loop3A_538 = tpu.memref_squeeze %parallel_loop3A_537 : memref<1x128x32xf32, #tpu.memory_space<vmem>> -> memref<128x32xf32, #tpu.memory_space<vmem>>
        %parallel_loop3A_539 = tpu.vector_load_idx %parallel_loop3A_538[%parallel_loop3A_225, %parallel_loop3A_534] : memref<128x32xf32, #tpu.memory_space<vmem>>[vector<16xi32>, vector<16xi32>], vector<16xf32>,
        %parallel_loop3A_540 = arith.subf %parallel_loop3A_539, %parallel_loop3A_233 : vector<16xf32>
        %parallel_loop3A_541 = arith.mulf %parallel_loop3A_540, %parallel_loop3A_229 : vector<16xf32>
        %parallel_loop3A_542 = arith.constant 0 : i32
        %parallel_loop3A_543 = arith.constant 0 : i32
        %parallel_loop3A_544 = tpu.memref_slice %arg11[%scan3A_56, %parallel_loop3A_542, %parallel_loop3A_543] : memref<2x128x32xf32, #tpu.memory_space<vmem>> -> memref<1x128x32xf32, #tpu.memory_space<vmem>>
        %parallel_loop3A_545 = tpu.memref_squeeze %parallel_loop3A_544 : memref<1x128x32xf32, #tpu.memory_space<vmem>> -> memref<128x32xf32, #tpu.memory_space<vmem>>
        tpu.vector_store_idx %parallel_loop3A_545[%parallel_loop3A_225, %parallel_loop3A_534], %parallel_loop3A_541 : memref<128x32xf32, #tpu.memory_space<vmem>>[vector<16xi32>, vector<16xi32>], vector<16xf32>,
        %parallel_loop3A_546 = arith.constant 24 : i32
        %parallel_loop3A_547 = vector.broadcast %parallel_loop3A_546 : i32 to vector<16xi32>
        %parallel_loop3A_548 = arith.constant 0 : i32
        %parallel_loop3A_549 = arith.constant 0 : i32
        %parallel_loop3A_550 = tpu.memref_slice %arg8[%scan3A_48, %parallel_loop3A_548, %parallel_loop3A_549] : memref<2x128x32xf32, #tpu.memory_space<vmem>> -> memref<1x128x32xf32, #tpu.memory_space<vmem>>
        %parallel_loop3A_551 = tpu.memref_squeeze %parallel_loop3A_550 : memref<1x128x32xf32, #tpu.memory_space<vmem>> -> memref<128x32xf32, #tpu.memory_space<vmem>>
        %parallel_loop3A_552 = tpu.vector_load_idx %parallel_loop3A_551[%parallel_loop3A_225, %parallel_loop3A_547] : memref<128x32xf32, #tpu.memory_space<vmem>>[vector<16xi32>, vector<16xi32>], vector<16xf32>,
        %parallel_loop3A_553 = arith.subf %parallel_loop3A_552, %parallel_loop3A_233 : vector<16xf32>
        %parallel_loop3A_554 = arith.mulf %parallel_loop3A_553, %parallel_loop3A_229 : vector<16xf32>
        %parallel_loop3A_555 = arith.constant 0 : i32
        %parallel_loop3A_556 = arith.constant 0 : i32
        %parallel_loop3A_557 = tpu.memref_slice %arg11[%scan3A_56, %parallel_loop3A_555, %parallel_loop3A_556] : memref<2x128x32xf32, #tpu.memory_space<vmem>> -> memref<1x128x32xf32, #tpu.memory_space<vmem>>
        %parallel_loop3A_558 = tpu.memref_squeeze %parallel_loop3A_557 : memref<1x128x32xf32, #tpu.memory_space<vmem>> -> memref<128x32xf32, #tpu.memory_space<vmem>>
        tpu.vector_store_idx %parallel_loop3A_558[%parallel_loop3A_225, %parallel_loop3A_547], %parallel_loop3A_554 : memref<128x32xf32, #tpu.memory_space<vmem>>[vector<16xi32>, vector<16xi32>], vector<16xf32>,
        %parallel_loop3A_559 = arith.constant 25 : i32
        %parallel_loop3A_560 = vector.broadcast %parallel_loop3A_559 : i32 to vector<16xi32>
        %parallel_loop3A_561 = arith.constant 0 : i32
        %parallel_loop3A_562 = arith.constant 0 : i32
        %parallel_loop3A_563 = tpu.memref_slice %arg8[%scan3A_48, %parallel_loop3A_561, %parallel_loop3A_562] : memref<2x128x32xf32, #tpu.memory_space<vmem>> -> memref<1x128x32xf32, #tpu.memory_space<vmem>>
        %parallel_loop3A_564 = tpu.memref_squeeze %parallel_loop3A_563 : memref<1x128x32xf32, #tpu.memory_space<vmem>> -> memref<128x32xf32, #tpu.memory_space<vmem>>
        %parallel_loop3A_565 = tpu.vector_load_idx %parallel_loop3A_564[%parallel_loop3A_225, %parallel_loop3A_560] : memref<128x32xf32, #tpu.memory_space<vmem>>[vector<16xi32>, vector<16xi32>], vector<16xf32>,
        %parallel_loop3A_566 = arith.subf %parallel_loop3A_565, %parallel_loop3A_233 : vector<16xf32>
        %parallel_loop3A_567 = arith.mulf %parallel_loop3A_566, %parallel_loop3A_229 : vector<16xf32>
        %parallel_loop3A_568 = arith.constant 0 : i32
        %parallel_loop3A_569 = arith.constant 0 : i32
        %parallel_loop3A_570 = tpu.memref_slice %arg11[%scan3A_56, %parallel_loop3A_568, %parallel_loop3A_569] : memref<2x128x32xf32, #tpu.memory_space<vmem>> -> memref<1x128x32xf32, #tpu.memory_space<vmem>>
        %parallel_loop3A_571 = tpu.memref_squeeze %parallel_loop3A_570 : memref<1x128x32xf32, #tpu.memory_space<vmem>> -> memref<128x32xf32, #tpu.memory_space<vmem>>
        tpu.vector_store_idx %parallel_loop3A_571[%parallel_loop3A_225, %parallel_loop3A_560], %parallel_loop3A_567 : memref<128x32xf32, #tpu.memory_space<vmem>>[vector<16xi32>, vector<16xi32>], vector<16xf32>,
        %parallel_loop3A_572 = arith.constant 26 : i32
        %parallel_loop3A_573 = vector.broadcast %parallel_loop3A_572 : i32 to vector<16xi32>
        %parallel_loop3A_574 = arith.constant 0 : i32
        %parallel_loop3A_575 = arith.constant 0 : i32
        %parallel_loop3A_576 = tpu.memref_slice %arg8[%scan3A_48, %parallel_loop3A_574, %parallel_loop3A_575] : memref<2x128x32xf32, #tpu.memory_space<vmem>> -> memref<1x128x32xf32, #tpu.memory_space<vmem>>
        %parallel_loop3A_577 = tpu.memref_squeeze %parallel_loop3A_576 : memref<1x128x32xf32, #tpu.memory_space<vmem>> -> memref<128x32xf32, #tpu.memory_space<vmem>>
        %parallel_loop3A_578 = tpu.vector_load_idx %parallel_loop3A_577[%parallel_loop3A_225, %parallel_loop3A_573] : memref<128x32xf32, #tpu.memory_space<vmem>>[vector<16xi32>, vector<16xi32>], vector<16xf32>,
        %parallel_loop3A_579 = arith.subf %parallel_loop3A_578, %parallel_loop3A_233 : vector<16xf32>
        %parallel_loop3A_580 = arith.mulf %parallel_loop3A_579, %parallel_loop3A_229 : vector<16xf32>
        %parallel_loop3A_581 = arith.constant 0 : i32
        %parallel_loop3A_582 = arith.constant 0 : i32
        %parallel_loop3A_583 = tpu.memref_slice %arg11[%scan3A_56, %parallel_loop3A_581, %parallel_loop3A_582] : memref<2x128x32xf32, #tpu.memory_space<vmem>> -> memref<1x128x32xf32, #tpu.memory_space<vmem>>
        %parallel_loop3A_584 = tpu.memref_squeeze %parallel_loop3A_583 : memref<1x128x32xf32, #tpu.memory_space<vmem>> -> memref<128x32xf32, #tpu.memory_space<vmem>>
        tpu.vector_store_idx %parallel_loop3A_584[%parallel_loop3A_225, %parallel_loop3A_573], %parallel_loop3A_580 : memref<128x32xf32, #tpu.memory_space<vmem>>[vector<16xi32>, vector<16xi32>], vector<16xf32>,
        %parallel_loop3A_585 = arith.constant 27 : i32
        %parallel_loop3A_586 = vector.broadcast %parallel_loop3A_585 : i32 to vector<16xi32>
        %parallel_loop3A_587 = arith.constant 0 : i32
        %parallel_loop3A_588 = arith.constant 0 : i32
        %parallel_loop3A_589 = tpu.memref_slice %arg8[%scan3A_48, %parallel_loop3A_587, %parallel_loop3A_588] : memref<2x128x32xf32, #tpu.memory_space<vmem>> -> memref<1x128x32xf32, #tpu.memory_space<vmem>>
        %parallel_loop3A_590 = tpu.memref_squeeze %parallel_loop3A_589 : memref<1x128x32xf32, #tpu.memory_space<vmem>> -> memref<128x32xf32, #tpu.memory_space<vmem>>
        %parallel_loop3A_591 = tpu.vector_load_idx %parallel_loop3A_590[%parallel_loop3A_225, %parallel_loop3A_586] : memref<128x32xf32, #tpu.memory_space<vmem>>[vector<16xi32>, vector<16xi32>], vector<16xf32>,
        %parallel_loop3A_592 = arith.subf %parallel_loop3A_591, %parallel_loop3A_233 : vector<16xf32>
        %parallel_loop3A_593 = arith.mulf %parallel_loop3A_592, %parallel_loop3A_229 : vector<16xf32>
        %parallel_loop3A_594 = arith.constant 0 : i32
        %parallel_loop3A_595 = arith.constant 0 : i32
        %parallel_loop3A_596 = tpu.memref_slice %arg11[%scan3A_56, %parallel_loop3A_594, %parallel_loop3A_595] : memref<2x128x32xf32, #tpu.memory_space<vmem>> -> memref<1x128x32xf32, #tpu.memory_space<vmem>>
        %parallel_loop3A_597 = tpu.memref_squeeze %parallel_loop3A_596 : memref<1x128x32xf32, #tpu.memory_space<vmem>> -> memref<128x32xf32, #tpu.memory_space<vmem>>
        tpu.vector_store_idx %parallel_loop3A_597[%parallel_loop3A_225, %parallel_loop3A_586], %parallel_loop3A_593 : memref<128x32xf32, #tpu.memory_space<vmem>>[vector<16xi32>, vector<16xi32>], vector<16xf32>,
        %parallel_loop3A_598 = arith.constant 28 : i32
        %parallel_loop3A_599 = vector.broadcast %parallel_loop3A_598 : i32 to vector<16xi32>
        %parallel_loop3A_600 = arith.constant 0 : i32
        %parallel_loop3A_601 = arith.constant 0 : i32
        %parallel_loop3A_602 = tpu.memref_slice %arg8[%scan3A_48, %parallel_loop3A_600, %parallel_loop3A_601] : memref<2x128x32xf32, #tpu.memory_space<vmem>> -> memref<1x128x32xf32, #tpu.memory_space<vmem>>
        %parallel_loop3A_603 = tpu.memref_squeeze %parallel_loop3A_602 : memref<1x128x32xf32, #tpu.memory_space<vmem>> -> memref<128x32xf32, #tpu.memory_space<vmem>>
        %parallel_loop3A_604 = tpu.vector_load_idx %parallel_loop3A_603[%parallel_loop3A_225, %parallel_loop3A_599] : memref<128x32xf32, #tpu.memory_space<vmem>>[vector<16xi32>, vector<16xi32>], vector<16xf32>,
        %parallel_loop3A_605 = arith.subf %parallel_loop3A_604, %parallel_loop3A_233 : vector<16xf32>
        %parallel_loop3A_606 = arith.mulf %parallel_loop3A_605, %parallel_loop3A_229 : vector<16xf32>
        %parallel_loop3A_607 = arith.constant 0 : i32
        %parallel_loop3A_608 = arith.constant 0 : i32
        %parallel_loop3A_609 = tpu.memref_slice %arg11[%scan3A_56, %parallel_loop3A_607, %parallel_loop3A_608] : memref<2x128x32xf32, #tpu.memory_space<vmem>> -> memref<1x128x32xf32, #tpu.memory_space<vmem>>
        %parallel_loop3A_610 = tpu.memref_squeeze %parallel_loop3A_609 : memref<1x128x32xf32, #tpu.memory_space<vmem>> -> memref<128x32xf32, #tpu.memory_space<vmem>>
        tpu.vector_store_idx %parallel_loop3A_610[%parallel_loop3A_225, %parallel_loop3A_599], %parallel_loop3A_606 : memref<128x32xf32, #tpu.memory_space<vmem>>[vector<16xi32>, vector<16xi32>], vector<16xf32>,
        %parallel_loop3A_611 = arith.constant 29 : i32
        %parallel_loop3A_612 = vector.broadcast %parallel_loop3A_611 : i32 to vector<16xi32>
        %parallel_loop3A_613 = arith.constant 0 : i32
        %parallel_loop3A_614 = arith.constant 0 : i32
        %parallel_loop3A_615 = tpu.memref_slice %arg8[%scan3A_48, %parallel_loop3A_613, %parallel_loop3A_614] : memref<2x128x32xf32, #tpu.memory_space<vmem>> -> memref<1x128x32xf32, #tpu.memory_space<vmem>>
        %parallel_loop3A_616 = tpu.memref_squeeze %parallel_loop3A_615 : memref<1x128x32xf32, #tpu.memory_space<vmem>> -> memref<128x32xf32, #tpu.memory_space<vmem>>
        %parallel_loop3A_617 = tpu.vector_load_idx %parallel_loop3A_616[%parallel_loop3A_225, %parallel_loop3A_612] : memref<128x32xf32, #tpu.memory_space<vmem>>[vector<16xi32>, vector<16xi32>], vector<16xf32>,
        %parallel_loop3A_618 = arith.subf %parallel_loop3A_617, %parallel_loop3A_233 : vector<16xf32>
        %parallel_loop3A_619 = arith.mulf %parallel_loop3A_618, %parallel_loop3A_229 : vector<16xf32>
        %parallel_loop3A_620 = arith.constant 0 : i32
        %parallel_loop3A_621 = arith.constant 0 : i32
        %parallel_loop3A_622 = tpu.memref_slice %arg11[%scan3A_56, %parallel_loop3A_620, %parallel_loop3A_621] : memref<2x128x32xf32, #tpu.memory_space<vmem>> -> memref<1x128x32xf32, #tpu.memory_space<vmem>>
        %parallel_loop3A_623 = tpu.memref_squeeze %parallel_loop3A_622 : memref<1x128x32xf32, #tpu.memory_space<vmem>> -> memref<128x32xf32, #tpu.memory_space<vmem>>
        tpu.vector_store_idx %parallel_loop3A_623[%parallel_loop3A_225, %parallel_loop3A_612], %parallel_loop3A_619 : memref<128x32xf32, #tpu.memory_space<vmem>>[vector<16xi32>, vector<16xi32>], vector<16xf32>,
        %parallel_loop3A_624 = arith.constant 30 : i32
        %parallel_loop3A_625 = vector.broadcast %parallel_loop3A_624 : i32 to vector<16xi32>
        %parallel_loop3A_626 = arith.constant 0 : i32
        %parallel_loop3A_627 = arith.constant 0 : i32
        %parallel_loop3A_628 = tpu.memref_slice %arg8[%scan3A_48, %parallel_loop3A_626, %parallel_loop3A_627] : memref<2x128x32xf32, #tpu.memory_space<vmem>> -> memref<1x128x32xf32, #tpu.memory_space<vmem>>
        %parallel_loop3A_629 = tpu.memref_squeeze %parallel_loop3A_628 : memref<1x128x32xf32, #tpu.memory_space<vmem>> -> memref<128x32xf32, #tpu.memory_space<vmem>>
        %parallel_loop3A_630 = tpu.vector_load_idx %parallel_loop3A_629[%parallel_loop3A_225, %parallel_loop3A_625] : memref<128x32xf32, #tpu.memory_space<vmem>>[vector<16xi32>, vector<16xi32>], vector<16xf32>,
        %parallel_loop3A_631 = arith.subf %parallel_loop3A_630, %parallel_loop3A_233 : vector<16xf32>
        %parallel_loop3A_632 = arith.mulf %parallel_loop3A_631, %parallel_loop3A_229 : vector<16xf32>
        %parallel_loop3A_633 = arith.constant 0 : i32
        %parallel_loop3A_634 = arith.constant 0 : i32
        %parallel_loop3A_635 = tpu.memref_slice %arg11[%scan3A_56, %parallel_loop3A_633, %parallel_loop3A_634] : memref<2x128x32xf32, #tpu.memory_space<vmem>> -> memref<1x128x32xf32, #tpu.memory_space<vmem>>
        %parallel_loop3A_636 = tpu.memref_squeeze %parallel_loop3A_635 : memref<1x128x32xf32, #tpu.memory_space<vmem>> -> memref<128x32xf32, #tpu.memory_space<vmem>>
        tpu.vector_store_idx %parallel_loop3A_636[%parallel_loop3A_225, %parallel_loop3A_625], %parallel_loop3A_632 : memref<128x32xf32, #tpu.memory_space<vmem>>[vector<16xi32>, vector<16xi32>], vector<16xf32>,
        %parallel_loop3A_637 = arith.constant 31 : i32
        %parallel_loop3A_638 = vector.broadcast %parallel_loop3A_637 : i32 to vector<16xi32>
        %parallel_loop3A_639 = arith.constant 0 : i32
        %parallel_loop3A_640 = arith.constant 0 : i32
        %parallel_loop3A_641 = tpu.memref_slice %arg8[%scan3A_48, %parallel_loop3A_639, %parallel_loop3A_640] : memref<2x128x32xf32, #tpu.memory_space<vmem>> -> memref<1x128x32xf32, #tpu.memory_space<vmem>>
        %parallel_loop3A_642 = tpu.memref_squeeze %parallel_loop3A_641 : memref<1x128x32xf32, #tpu.memory_space<vmem>> -> memref<128x32xf32, #tpu.memory_space<vmem>>
        %parallel_loop3A_643 = tpu.vector_load_idx %parallel_loop3A_642[%parallel_loop3A_225, %parallel_loop3A_638] : memref<128x32xf32, #tpu.memory_space<vmem>>[vector<16xi32>, vector<16xi32>], vector<16xf32>,
        %parallel_loop3A_644 = arith.subf %parallel_loop3A_643, %parallel_loop3A_233 : vector<16xf32>
        %parallel_loop3A_645 = arith.mulf %parallel_loop3A_644, %parallel_loop3A_229 : vector<16xf32>
        %parallel_loop3A_646 = arith.constant 0 : i32
        %parallel_loop3A_647 = arith.constant 0 : i32
        %parallel_loop3A_648 = tpu.memref_slice %arg11[%scan3A_56, %parallel_loop3A_646, %parallel_loop3A_647] : memref<2x128x32xf32, #tpu.memory_space<vmem>> -> memref<1x128x32xf32, #tpu.memory_space<vmem>>
        %parallel_loop3A_649 = tpu.memref_squeeze %parallel_loop3A_648 : memref<1x128x32xf32, #tpu.memory_space<vmem>> -> memref<128x32xf32, #tpu.memory_space<vmem>>
        tpu.vector_store_idx %parallel_loop3A_649[%parallel_loop3A_225, %parallel_loop3A_638], %parallel_loop3A_645 : memref<128x32xf32, #tpu.memory_space<vmem>>[vector<16xi32>, vector<16xi32>], vector<16xf32>,
      } {sc.loop_unroll_factor = 1 : i64, sc.parallel_access}
      %mul3A_206 = arith.constant 128 : i32
      %mul3A_207 = arith.muli %add3A_157, %mul3A_206 : i32
      %add3A_208 = arith.addi %mul3A_2, %mul3A_207 : i32
      %dma_start3A_209 = arith.constant 0 : i32
      %dma_start3A_210 = arith.constant 0 : i32
      %dma_start3A_211 = tpu.memref_slice %arg11[%scan3A_56, %dma_start3A_209, %dma_start3A_210] : memref<2x128x32xf32, #tpu.memory_space<vmem>> -> memref<1x128x32xf32, #tpu.memory_space<vmem>>
      %dma_start3A_212 = tpu.memref_squeeze %dma_start3A_211 : memref<1x128x32xf32, #tpu.memory_space<vmem>> -> memref<128x32xf32, #tpu.memory_space<vmem>>
      %dma_start3A_213 = arith.constant 0 : i32
      %dma_start3A_214 = tpu.memref_slice %arg6[%add3A_208, %dma_start3A_213] : memref<425984x32xf32, #tpu.memory_space<hbm>> -> memref<128x32xf32, #tpu.memory_space<hbm>>
      %dma_start3A_215 = arith.constant 0 : i32
      %dma_start3A_216 = tpu.memref_slice %arg6[%add3A_208, %dma_start3A_215] : memref<425984x32xf32, #tpu.memory_space<hbm>> -> memref<128x32xf32, #tpu.memory_space<hbm>>
      %dma_start3A_217 = arith.constant 0 : i32
      %dma_start3A_218 = arith.constant 0 : i32
      %dma_start3A_219 = tpu.memref_slice %arg11[%scan3A_56, %dma_start3A_217, %dma_start3A_218] : memref<2x128x32xf32, #tpu.memory_space<vmem>> -> memref<1x128x32xf32, #tpu.memory_space<vmem>>
      %dma_start3A_220 = tpu.memref_squeeze %dma_start3A_219 : memref<1x128x32xf32, #tpu.memory_space<vmem>> -> memref<128x32xf32, #tpu.memory_space<vmem>>
      tpu.enqueue_dma source(%dma_start3A_220 : memref<128x32xf32, #tpu.memory_space<vmem>>) target(%dma_start3A_216 : memref<128x32xf32, #tpu.memory_space<hbm>>) target_semaphore(%arg21 : memref<!tpu.dma_semaphore, #tpu.memory_space<semaphore_mem>>)
    }
    %scan3A_61 = arith.constant 52 : i32
    %add3A_62 = arith.constant 0 : i32
    %add3A_63 = arith.addi %mul3A_2, %add3A_62 : i32
    %dma_wait3A = arith.constant 0 : i32
    %dma_wait3A_64 = arith.constant 0 : i32
    %dma_wait3A_65 = arith.constant 0 : i32
    %dma_wait3A_66 = tpu.memref_slice %arg11[%dma_wait3A, %dma_wait3A_64, %dma_wait3A_65] : memref<2x128x32xf32, #tpu.memory_space<vmem>> -> memref<1x128x32xf32, #tpu.memory_space<vmem>>
    %dma_wait3A_67 = tpu.memref_squeeze %dma_wait3A_66 : memref<1x128x32xf32, #tpu.memory_space<vmem>> -> memref<128x32xf32, #tpu.memory_space<vmem>>
    %dma_wait3A_68 = arith.constant 0 : i32
    %dma_wait3A_69 = tpu.memref_slice %arg6[%add3A_63, %dma_wait3A_68] : memref<425984x32xf32, #tpu.memory_space<hbm>> -> memref<128x32xf32, #tpu.memory_space<hbm>>
    %dma_wait3A_70 = arith.constant 0 : i32
    %dma_wait3A_71 = tpu.memref_slice %arg6[%add3A_63, %dma_wait3A_70] : memref<425984x32xf32, #tpu.memory_space<hbm>> -> memref<128x32xf32, #tpu.memory_space<hbm>>
    %dma_wait3A_72 = arith.constant 0 : i32
    %dma_wait3A_73 = arith.constant 0 : i32
    %dma_wait3A_74 = tpu.memref_slice %arg11[%dma_wait3A, %dma_wait3A_72, %dma_wait3A_73] : memref<2x128x32xf32, #tpu.memory_space<vmem>> -> memref<1x128x32xf32, #tpu.memory_space<vmem>>
    %dma_wait3A_75 = tpu.memref_squeeze %dma_wait3A_74 : memref<1x128x32xf32, #tpu.memory_space<vmem>> -> memref<128x32xf32, #tpu.memory_space<vmem>>
    tpu.wait_dma2 semaphore(%arg20 : memref<!tpu.dma_semaphore, #tpu.memory_space<semaphore_mem>>) src(%dma_wait3A_75 : memref<128x32xf32, #tpu.memory_space<vmem>>) dst(%dma_wait3A_71 : memref<128x32xf32, #tpu.memory_space<hbm>>)
    %add3A_76 = arith.constant 128 : i32
    %add3A_77 = arith.addi %mul3A_2, %add3A_76 : i32
    %dma_wait3A_78 = arith.constant 1 : i32
    %dma_wait3A_79 = arith.constant 0 : i32
    %dma_wait3A_80 = arith.constant 0 : i32
    %dma_wait3A_81 = tpu.memref_slice %arg11[%dma_wait3A_78, %dma_wait3A_79, %dma_wait3A_80] : memref<2x128x32xf32, #tpu.memory_space<vmem>> -> memref<1x128x32xf32, #tpu.memory_space<vmem>>
    %dma_wait3A_82 = tpu.memref_squeeze %dma_wait3A_81 : memref<1x128x32xf32, #tpu.memory_space<vmem>> -> memref<128x32xf32, #tpu.memory_space<vmem>>
    %dma_wait3A_83 = arith.constant 0 : i32
    %dma_wait3A_84 = tpu.memref_slice %arg6[%add3A_77, %dma_wait3A_83] : memref<425984x32xf32, #tpu.memory_space<hbm>> -> memref<128x32xf32, #tpu.memory_space<hbm>>
    %dma_wait3A_85 = arith.constant 0 : i32
    %dma_wait3A_86 = tpu.memref_slice %arg6[%add3A_77, %dma_wait3A_85] : memref<425984x32xf32, #tpu.memory_space<hbm>> -> memref<128x32xf32, #tpu.memory_space<hbm>>
    %dma_wait3A_87 = arith.constant 0 : i32
    %dma_wait3A_88 = arith.constant 0 : i32
    %dma_wait3A_89 = tpu.memref_slice %arg11[%dma_wait3A_78, %dma_wait3A_87, %dma_wait3A_88] : memref<2x128x32xf32, #tpu.memory_space<vmem>> -> memref<1x128x32xf32, #tpu.memory_space<vmem>>
    %dma_wait3A_90 = tpu.memref_squeeze %dma_wait3A_89 : memref<1x128x32xf32, #tpu.memory_space<vmem>> -> memref<128x32xf32, #tpu.memory_space<vmem>>
    tpu.wait_dma2 semaphore(%arg21 : memref<!tpu.dma_semaphore, #tpu.memory_space<semaphore_mem>>) src(%dma_wait3A_90 : memref<128x32xf32, #tpu.memory_space<vmem>>) dst(%dma_wait3A_86 : memref<128x32xf32, #tpu.memory_space<hbm>>)
    return
  }
}

</mosaic_0001>

<sc_bundles>
// kernel: kernel.3.cloned.1.call-start
scs
__scs_entry_jumppad:
0x0: {  	(pc) =	sbr.rel $0x88, $3  }
0x1: {  	(tag) =	ssettag $0x0;
	lr =	simm.s32 $0x1  }
0x2: {  	[smem:$0x3F9D] =	sst lr;
	_ =	strace $0xD0000000  }
0x3: {  	_ = 	snop  }
0x4: {  	_ = 	snop  }
0x5: {  	_ = 	snop  }
0x6: {  	_ = 	snop  }
0x7: {  	_ = 	snop  }
__scs_overlays_trampoline_lowered:
0x8: {  	[smem:$0x3FAC] =	sst s0  }
0x9: {  	[smem:$0x3FAD] =	sst s1  }
0xa: {  	[smem:$0x3FAE] =	sst s2  }
0xb: {  	[smem:$0x3FAF] =	sst s3  }
0xc: {  	[smem:$0x3FB0] =	sst s4  }
0xd: {  	[smem:$0x3FB1] =	sst s5  }
0xe: {  	[smem:$0x3FB2] =	sst s6  }
0xf: {  	[smem:$0x3FB3] =	sst s7  }
0x10: {  	[smem:$0x3FB4] =	sst s8  }
0x11: {  	[smem:$0x3FB5] =	sst s9;
	s0 =	simm.s32 @!p0 $0x0  }
0x12: {  	s1 =	sld [smem:$0x3F9B];
	s0 =	simm.s32 @p0 $0x1  }
0x13: {  	[smem:$0x3FB6] =	sst s0;
	s0 =	simm.s32 @!p1 $0x0  }
0x14: {  	s2 =	sld [smem:$0x3F9A];
	s0 =	simm.s32 @p1 $0x1  }
0x15: {  	[smem:$0x3FB7] =	sst s0;
	s0 =	simm.s32 @!p2 $0x0  }
0x16: {  	s3 =	sld [smem:$0x3FDB];
	s0 =	simm.s32 @p2 $0x1  }
0x17: {  	s4 =	simm.s32 $0x1BF5;
	[smem:$0x3FB9] =	sst s0  }
0x18: {  	s0 =	sld [smem:$0x3F9C];
	_ =	swait.ge [sflag:s4], $0x0  }
0x19: {  	s7 =	sld [smem:$0x3F9D]  }
0x1a: {  	s8 =	sadd.s32 $0xFFFFE003, lr  }
0x1b: {  	s9 =	sadd.s32 $0xFFFFFEF7, lr;
	s5 =	simm.s32 $0xFFFFFFFF;
	p2 =	slt.u32 s8, $0xFFFFF086  }
0x1c: {  	p1 =	slt.u32 s9, $0xF7A;
	s5 =	simm.s32 @!p2 $0x0  }
0x1d: {  	s5 =	simm.s32 @p1 $0x1;
	p0 =	seq.s32 s7, s2  }
0x1e: {  	s7 =	smul.u32 @!p0 $0xF7A, s2;
	p2 =	seq.s32 @!p0 s5, $0x0  }
0x1f: {  	s9 =	smul.u32 $0xF7A, s1;
	s8 =	simm.s32 @!p0 $0x1BF5;
	p2 =	por !p2, p0  }
0x20: {  	[sflag:s8] =	ssyncset.s32 @!p0 $0xFFFFF086;
	s6 =	sadd.s32 @!p0 s3, s7;
	s7 =	simm.s32 @!p0 $0x108  }
0x21: {  	s3 =	sadd.s32 s3, s9;
	s6 =	sadd.s32 @!p0 $0x88, s6;
	s7 =	simm.s32 @p2 $0x1082  }
0x22: {  	[simem:s7], [sflag:s8] =	dma.local @!p0 [hbm:s6], $0xF7A  }
0x23: {  	s9 =	sor.u32 $0xD0000000, s2;
	s6 =	simm.s32 $0x108;
	_ =	swait.ge @!p0 [sflag:s8], $0x0  }
0x24: {  	s3 =	sadd.s32 $0x88, s3;
	s6 =	simm.s32 @!p1 $0x1082;
	[sflag:s4] =	ssyncset.s32 $0xFFFFF086  }
0x25: {  	[simem:s6], [sflag:s4] =	dma.local [hbm:s3], $0xF7A  }
0x26: {  	[smem:$0x3F9D] =	sst s1;
	(tag) =	ssettag s2;
	_ =	strace s9  }
0x27: {  	s1 =	sld [smem:$0x3FAD]  }
0x28: {  	s2 =	sld [smem:$0x3FAE]  }
0x29: {  	s4 =	sld [smem:$0x3FB0]  }
0x2a: {  	p0 =	seq.s32 s5, $0x0;
	s5 =	sld [smem:$0x3FB1]  }
0x2b: {  	s6 =	sld [smem:$0x3FB2]  }
0x2c: {  	s7 =	sld [smem:$0x3FB3]  }
0x2d: {  	s3 =	simm.s32 $0x108;
	s8 =	sld [smem:$0x3FB4]  }
0x2e: {  	s3 =	simm.s32 @!p0 $0x1082;
	s9 =	sld [smem:$0x3FB5]  }
0x2f: {  	lr =	sadd.s32 s0, s3;
	s0 =	sld [smem:$0x3FAC]  }
0x30: {  	s3 =	sld [smem:$0x3FAF]  }
0x31: {  	[smem:$0x3FB8] =	sst s10  }
0x32: {  	s10 =	sld [smem:$0x3FB6];
	_ =	sdelay $0x3  }
0x33: {  	p0 =	seq.s32 s10, $0x1;
	s10 =	sld [smem:$0x3FB8];
	_ =	sdelay $0x3  }
0x34: {  	[smem:$0x3FB8] =	sst s10  }
0x35: {  	s10 =	sld [smem:$0x3FB7];
	_ =	sdelay $0x3  }
0x36: {  	p1 =	seq.s32 s10, $0x1;
	s10 =	sld [smem:$0x3FB8];
	_ =	sdelay $0x3  }
0x37: {  	[smem:$0x3FB8] =	sst s10  }
0x38: {  	s10 =	sld [smem:$0x3FB9]  }
0x39: {  	_ = 	snop;
	(pc) =	sbr.ind lr, $3  }
0x3a: {  	_ = 	snop  }
0x3b: {  	_ = 	snop  }
0x3c: {  	p2 =	seq.s32 s10, $0x1;
	s10 =	sld [smem:$0x3FB8]  }
0x3d: {  	_ =	shalt  }
0x3e: {  	_ =	shalt  }
0x3f: {  	_ =	shalt  }
0x40: {  	_ =	shalt  }
0x41: {  	_ =	shalt  }
0x42: {  	_ =	shalt  }
0x43: {  	_ =	shalt  }
0x44: {  	_ =	shalt  }
0x45: {  	_ =	shalt  }
0x46: {  	_ =	shalt  }
0x47: {  	_ =	shalt  }
0x48: {  	_ =	shalt  }
0x49: {  	_ =	shalt  }
0x4a: {  	_ =	shalt  }
0x4b: {  	_ =	shalt  }
0x4c: {  	_ =	shalt  }
0x4d: {  	_ =	shalt  }
0x4e: {  	_ =	shalt  }
0x4f: {  	_ =	shalt  }
0x50: {  	_ =	shalt  }
0x51: {  	_ =	shalt  }
0x52: {  	_ =	shalt  }
0x53: {  	_ =	shalt  }
0x54: {  	_ =	shalt  }
0x55: {  	_ =	shalt  }
0x56: {  	_ =	shalt  }
0x57: {  	_ =	shalt  }
0x58: {  	_ =	shalt  }
0x59: {  	_ =	shalt  }
0x5a: {  	_ =	shalt  }
0x5b: {  	_ =	shalt  }
0x5c: {  	_ =	shalt  }
0x5d: {  	_ =	shalt  }
0x5e: {  	_ =	shalt  }
0x5f: {  	_ =	shalt  }
0x60: {  	_ =	shalt  }
0x61: {  	_ =	shalt  }
0x62: {  	_ =	shalt  }
0x63: {  	_ =	shalt  }
0x64: {  	_ =	shalt  }
0x65: {  	_ =	shalt  }
0x66: {  	_ =	shalt  }
0x67: {  	_ =	shalt  }
0x68: {  	_ =	shalt  }
0x69: {  	_ =	shalt  }
0x6a: {  	_ =	shalt  }
0x6b: {  	_ =	shalt  }
0x6c: {  	_ =	shalt  }
0x6d: {  	_ =	shalt  }
0x6e: {  	_ =	shalt  }
0x6f: {  	_ =	shalt  }
0x70: {  	_ =	shalt  }
0x71: {  	_ =	shalt  }
0x72: {  	_ =	shalt  }
0x73: {  	_ =	shalt  }
0x74: {  	_ =	shalt  }
0x75: {  	_ =	shalt  }
0x76: {  	_ =	shalt  }
0x77: {  	_ =	shalt  }
0x78: {  	_ =	shalt  }
0x79: {  	_ =	shalt  }
0x7a: {  	_ =	shalt  }
0x7b: {  	_ =	shalt  }
0x7c: {  	_ =	shalt  }
0x7d: {  	_ =	shalt  }
0x7e: {  	_ =	shalt  }
0x7f: {  	_ =	shalt  }
0x80: {  	_ =	shalt  }
0x81: {  	_ =	shalt  }
0x82: {  	_ =	shalt  }
0x83: {  	_ =	shalt  }
0x84: {  	_ =	shalt  }
0x85: {  	_ =	shalt  }
0x86: {  	_ =	shalt  }
0x87: {  	_ =	shalt  }
.Lfunc_end0:
.L_simem_size_0:
called_computation.2_lowered:
.L_overlay_start_0:
0x88: {  	s2 =	sld [smem:$0x3FD9]  }
0x89: {  	s3 =	sld [smem:$0x3FFE];
	_ =	sdelay $0x1  }
0x8a: {  	s1 =	srdreg.scid  }
0x8b: {  	s0 =	sand.u32 $0x1, s1  }
0x8c: {  	s17 =	sshll.u32 s0, $0xA;
	s2 =	sadd.s32 s3, s2  }
0x8d: {  	s2 =	sadd.s32 s2, s17  }
0x8e: {  	[smem:$0x3FC4] =	sst s2  }
0x8f: {  	_ = 	snop  }
0x90: {  	s2 =	sld [smem:$0x3FC7]  }
0x91: {  	s18 =	sld [smem:$0x3FC6]  }
0x92: {  	s4 =	sld [smem:$0x3FD0];
	(tm) =	ssettm $0x1  }
0x93: {  	s5 =	sld [smem:$0x3FFB];
	_ =	sdelay $0x3  }
0x94: {  	_ =	strace s5  }
0x95: {  	s5 =	sld [smem:$0x3FFC];
	_ =	sdelay $0x3  }
0x96: {  	_ =	strace s5  }
0x97: {  	s5 =	sld [smem:$0x3FFD];
	_ =	sdelay $0x3  }
0x98: {  	_ =	strace s5  }
0x99: {  	_ =	strace $0x8FFFFFFF  }
0x9a: {  	s19 =	sld [smem:$0x3FDB];
	_ =	sdelay $0x1  }
0x9b: {  	s6 =	simm.s32 $_scs_section_size  }
0x9c: {  	s7 =	simm.s32 $_size__tile_overlayer_lowered;
	s8 =	simm.s32 $_tile_overlayer_lowered  }
0x9d: {  	s22 =	simm.s32 $0x1BFF;
	s21 =	sshll.u32 s8, $0x1;
	s5 =	sadd.s32 s6, s19  }
0x9e: {  	s9 =	simm.s32 $0x0;
	s20 =	sshll.u32 s7, $0x1;
	s7 =	sadd.s32 s21, s5  }
0x9f: {  	[timem:s9], [sflag:s22] =	dma.local [hbm:s7], s20  }
0xa0: {  	_ =	swait.ge [sflag:s22], s20  }
0xa1: {  	s6 =	ssub.s32 $0x0, s20;
	[sflag:s22] =	ssyncset.done $0x0  }
0xa2: {  	[sflag:s22] =	ssyncadd.s32 s6;
	_ =	sdelay $0x1  }
0xa3: {  	s23 =	simm.s32 $0x1B8B  }
0xa4: {  	_ =	swait.ge [sflag:s23], $0x1  }
0xa5: {  	[sflag:s23] =	ssyncset.done $0x0  }
0xa6: {  	s25 =	simm.s32 $0x1B8E;
	s24 =	sld [smem:$0x3FFE];
	[sflag:s23] =	ssyncadd.s32 $0xFFFFFFFF  }
0xa7: {  	s26 =	simm.s32 $execute0_lowered;
	[smem:$0x3FD2] =	sst s25  }
0xa8: {  	s7 =	sshll.u32 s26, $0x1;
	_ =	strace $0x80000049;
	[dreg:$0x1] =	wrdreg $0xFFFFFFFF  }
0xa9: {  	s28 =	simm.s32 $_size_execute0_lowered;
	s5 =	sadd.s32 s5, s7;
	[dreg:$0x0] =	wrdreg $0x0  }
0xaa: {  	s7 =	sshll.u32 s28, $0x1;
	[dreg:$0x2] =	wrdreg s5  }
0xab: {  	[dreg:$0x3] =	wrdreg s7  }
0xac: {  	[dreg:$0x4] =	wrdreg $0xC0  }
0xad: {  	_ =	task [dreg:s9], $0x5FFFF  }
0xae: {  	[dreg:$0x1] =	wrdreg $0xFFFFFFFF  }
0xaf: {  	[dreg:$0x0] =	wrdreg $0x60  }
0xb0: {  	[dreg:$0x2] =	wrdreg s24  }
0xb1: {  	[dreg:$0x3] =	wrdreg s2  }
0xb2: {  	[dreg:$0x4] =	wrdreg s18  }
0xb3: {  	[dreg:$0x5] =	wrdreg s4  }
0xb4: {  	[dreg:$0x6] =	wrdreg $0x9  }
0xb5: {  	_ =	task.clear_ibuf [dreg:s9], $0x7FFFF;
	_ =	strace $0x90000049  }
0xb6: {  	s29 =	simm.s32 $0x9;
	_ =	strace $0x8000004B  }
0xb7: {  	_ =	swait.ge [sflag:s29], $0x1  }
0xb8: {  	[sflag:s29] =	ssyncadd.s32 $0xFFFFFFFF  }
0xb9: {  	_ =	strace $0x9000004B  }
0xba: {  	_ =	sfence  }
0xbb: {  	s30 =	sld [smem:$0x0];
	_ =	sdelay $0x2  }
0xbc: {  	s31 =	sshll.u32 s1, $0xD;
	s1 =	sshrl.u32 s1, $0x2  }
0xbd: {  	s3 =	sand.u32 $0x4000, s31;
	s1 =	sadd.s32 s1, s30  }
0xbe: {  	s0 =	sor.u32 s3, s0;
	s1 =	sshll.u32 s1, $0x11  }
0xbf: {  	s0 =	sor.u32 s1, s0  }
0xc0: {  	s0 =	sadd.s32 $0x8F2B, s0  }
0xc1: {  	[sflag:s0] =	ssyncadd.remote.s32 $0x1  }
0xc2: {  	_ =	sfence.sel $0xFFFF  }
0xc3: {  	[dreg:$0x0] =	wrdreg $0xFFFFFFFF;
	(pc) =	sbr.abs _section_cstart, $3  }
0xc4: {  	[dreg:$0x1] =	wrdreg $0xFFFFFFFF  }
0xc5: {  	_ =	task.clear_ibuf [dreg:s9], $0x2FFFF;
	_ =	strace $0x9FFFFFFF  }
0xc6: {  	(tm) =	ssettm $0x7FFFFFFF  }
0xc7: {  	_ =	shalt  }
tec
execute0_lowered:
.L_overlay_start_1:
0x0: {  	(tag) =	ssettag $0x1  }
0x1: {  	s0 =	rddreg [dreg:$0x0]  }
0x2: {  	s1 =	rddreg [dreg:$0x1]  }
0x3: {  	s3 =	rddreg [dreg:$0x2];
	s2 =	srdreg.scid  }
0x4: {  	s5 =	stileid.u32;
	s4 =	rddreg [dreg:$0x3];
	s16 =	simm.s32 $0x80  }
0x5: {  	s17 =	simm.s32 $0x100;
	s18 =	simm.s32 $0x2100;
	s19 =	simm.s32 $0x2200  }
0x6: {  	s20 =	simm.s32 $0x2;
	s21 =	simm.s32 $0x1100;
	s22 =	simm.s32 $0x2180  }
0x7: {  	s23 =	simm.s32 $0x2280;
	s28 =	simm.s32 $0x2300;
	s29 =	simm.s32 $0x4  }
0x8: {  	s30 =	simm.s32 $0x6;
	s31 =	simm.s32 $0x8;
	s12 =	simm.s32 $0x0  }
0x9: {  	s2 =	sand.u32 $0x1, s2;
	s6 =	sshll.u32 s5, $0x1;
	s5 =	simm.s32 $0x0  }
0xa: {  	s7 =	sadd.s32 $0x1313C00, s0;
	s8 =	sor.u32 s2, s6;
	[smem:$0x7FF] =	sst s5  }
0xb: {  	s6 =	sadd.s32 $0xE00, s0;
	s24 =	ssub.s32 $0x2, s2;
	s10 =	smul.u32 $0x3400, s8  }
0xc: {  	_ =	strace $0x8000004A;
	s11 =	sshrl.u32 s24, $0x1;
	s9 =	smul.u32 $0x68000, s8  }
0xd: {  	s0 =	ssub.s32 s24, s11;
	s24 =	simm.s32 $0x3;
	s25 =	sshrl.u32 s10, $0x3  }
0xe: {  	s11 =	sor.u32 $0x100, s10;
	s26 =	sor.u32 $0x180, s10;
	s13 =	sor.u32 $0x1000, s9  }
0xf: {  	s0 =	smax.u32 s0, $0x1;
	s10 =	simm.s32 $0x9;
	[dreg:$0x7] =	wrdreg s26  }
0x10: {  	s2 =	sadd.s32 s7, s25;
	[dreg:$0x8] =	wrdreg s0;
	s25 =	simm.s32 $0x5  }
0x11: {  	v0 =	vlaneseq.u32;
	s26 =	simm.s32 $0x7;
	[dreg:$0x5] =	wrdreg s2;
	s2 =	sadd.s32 $0x10, s2  }
0x12: {  	v1 =	vor.u32 $0xFFFFFFF8, v0;
	s0 =	simm.s32 $0x3300;
	[dreg:$0x6] =	wrdreg s2;
	s2 =	simm.s32 $0xA  }
.LBB2_1:
0x13: {  	[dreg:$0x9] =	wrdreg s12  }
0x14: {  	s8 =	rddreg [dreg:$0x5];
	s14 =	simm.s32 $0xB  }
0x15: {  	[tilespmem:s5], [sflag:$0xB] =	stream.linear.gather [hbm4b:s8+s5], $0x80, $0x38;
	[tilespmem:$0x4300] =	vst v63  }
0x16: {  	_ =	swait.ge [sflag:s14], $0x80  }
0x17: {  	[sflag:s14] =	ssyncset.done $0x0  }
0x18: {  	[sflag:s14] =	ssyncadd.s32 $0xFFFFFF80  }
0x19: {  	[tilespmem:s17], [sflag:$0x3] =	stream.indirect.gather [hbm4b:s6+s16], $0x20, s5, s16, $0xb8;
	[tilespmem:$0x4300] =	vst v63  }
0x1a: {  	_ = 	snop  }
0x1b: {  	[tilespmem:s18], [sflag:$0x5] =	stream.indirect.gather [hbm4b:s1+s16], $0x1, s5, s16, $0xb8;
	[tilespmem:$0x4300] =	vst v63  }
0x1c: {  	_ = 	snop  }
0x1d: {  	[tilespmem:s19], [sflag:$0x7] =	stream.indirect.gather [hbm4b:s3+s16], $0x1, s5, s16, $0xb8;
	[tilespmem:$0x4300] =	vst v63  }
0x1e: {  	s15 =	rddreg [dreg:$0x6]  }
0x1f: {  	[tilespmem:s16], [sflag:$0x2] =	stream.linear.gather [hbm4b:s15+s5], $0x80, $0x38;
	[tilespmem:$0x4300] =	vst v63  }
0x20: {  	s15 =	simm.s32 $0x0  }
.LBB2_2:
0x21: {  	_ =	swait.ge [sflag:s20], $0x80  }
0x22: {  	[sflag:s20] =	ssyncset.done $0x0  }
0x23: {  	[sflag:s20] =	ssyncadd.s32 $0xFFFFFF80  }
0x24: {  	[tilespmem:s21], [sflag:$0x4] =	stream.indirect.gather [hbm4b:s6+s16], $0x20, s16, s16, $0xb8;
	[tilespmem:$0x4300] =	vst v63  }
0x25: {  	_ = 	snop  }
0x26: {  	[tilespmem:s22], [sflag:$0x6] =	stream.indirect.gather [hbm4b:s1+s16], $0x1, s16, s16, $0xb8;
	[tilespmem:$0x4300] =	vst v63  }
0x27: {  	_ = 	snop  }
0x28: {  	[tilespmem:s23], [sflag:$0x8] =	stream.indirect.gather [hbm4b:s3+s16], $0x1, s16, s16, $0xb8;
	[tilespmem:$0x4300] =	vst v63  }
0x29: {  	_ =	swait.ge [sflag:s24], $0x1000  }
0x2a: {  	[sflag:s24] =	ssyncset.done $0x0  }
0x2b: {  	p1 =	seq.s32 s15, $0x33;
	[sflag:s24] =	ssyncadd.s32 $0xFFFFF000  }
0x2c: {  	p0 =	seq.s32 @!p1 s15, $0x0;
	_ =	swait.ge [sflag:s25], $0x80  }
0x2d: {  	p0 =	por p1, !p0;
	[sflag:s25] =	ssyncset.done $0x0  }
.Ltmp0:
0x2e: {  	s8 =	sshll.u32 @!p1 s15, $0x8;
	[sflag:s25] =	ssyncadd.s32 $0xFFFFFF80;
	(pc) =	sbr.rel @!p0 .LBB2_3-.Ltmp0, $4  }
0x2f: {  	s8 =	sadd.s32 @!p1 s8, s11;
	_ =	swait.ge [sflag:s26], $0x80  }
0x30: {  	s8 =	sshrl.u32 @!p1 s8, $0x3;
	[sflag:s26] =	ssyncset.done $0x0  }
0x31: {  	s12 =	simm.s32 @!p1 $0x0;
	s8 =	sadd.s32 @!p1 s7, s8;
	[sflag:s26] =	ssyncadd.s32 $0xFFFFFF80  }
0x32: {  	[tilespmem:s12], [sflag:$0x1] =	stream.linear.gather @!p1 [hbm4b:s8+s12], $0x80, $0x38;
	[tilespmem:$0x4300] =	vst v63  }
.Ltmp1:
0x33: {  	(pc) =	sbr.rel .LBB2_5-.Ltmp1, $4  }
0x34: {  	_ = 	snop  }
0x35: {  	_ =	swait.ge [sflag:s10], $0x1000  }
0x36: {  	[sflag:s10] =	ssyncset.done $0x0  }
0x37: {  	p0 =	por $0x0, $0x0;
	[sflag:s10] =	ssyncadd.s32 $0xFFFFF000  }
.LBB2_3:
0x38: {  	p0 =	por @!p1 $0x1, $0x1  }
.LBB2_5:
0x39: {  	s8 =	simm.s32 $0x0  }
0x3a: {  	v2 =	vor.u32 s8, v0  }
0x3b: {  	v4 =	vand.u32 v1, v2  }
0x3c: {  	v5 =	vshll.u32 v2, $0x5;
	_ =	sdelay $0x3  }
0x3d: {  	v3 =	vld.idx.msk [tilespmem:v4+s19+$0x0], $0xffff  }
0x3e: {  	v6 =	vld.idx.msk [tilespmem:v5+s17+$0x0], $0xffff;
	_ =	sdelay $0x1  }
0x3f: {  	v2 =	vld.idx.msk [tilespmem:v4+s18+$0x0], $0xffff;
	_ =	sdelay $0x2  }
0x40: {  	v4 =	vsub.f32 v6, v3;
	v6 =	vor.u32 $0x1, v5;
	_ =	sdelay $0x1  }
0x41: {  	v4 =	vmul.f32 v4, v2;
	_ =	sdelay $0x1  }
0x42: {  	[tilespmem:v5+s28+$0x0] =	vst.idx.msk $0xffff, v4  }
0x43: {  	v4 =	vld.idx.msk [tilespmem:v6+s17+$0x0], $0xffff;
	_ =	sdelay $0x4  }
0x44: {  	v7 =	vor.u32 $0x2, v5;
	v4 =	vsub.f32 v4, v3;
	_ =	sdelay $0x1  }
0x45: {  	v4 =	vmul.f32 v4, v2;
	_ =	sdelay $0x1  }
0x46: {  	[tilespmem:v6+s28+$0x0] =	vst.idx.msk $0xffff, v4  }
0x47: {  	v4 =	vld.idx.msk [tilespmem:v7+s17+$0x0], $0xffff;
	_ =	sdelay $0x4  }
0x48: {  	v6 =	vor.u32 $0x3, v5;
	v4 =	vsub.f32 v4, v3;
	_ =	sdelay $0x1  }
0x49: {  	v4 =	vmul.f32 v4, v2;
	_ =	sdelay $0x1  }
0x4a: {  	[tilespmem:v7+s28+$0x0] =	vst.idx.msk $0xffff, v4  }
0x4b: {  	v4 =	vld.idx.msk [tilespmem:v6+s17+$0x0], $0xffff;
	_ =	sdelay $0x4  }
0x4c: {  	v7 =	vor.u32 $0x4, v5;
	v4 =	vsub.f32 v4, v3;
	_ =	sdelay $0x1  }
0x4d: {  	v4 =	vmul.f32 v4, v2;
	_ =	sdelay $0x1  }
0x4e: {  	[tilespmem:v6+s28+$0x0] =	vst.idx.msk $0xffff, v4  }
0x4f: {  	v4 =	vld.idx.msk [tilespmem:v7+s17+$0x0], $0xffff;
	_ =	sdelay $0x4  }
0x50: {  	v8 =	vor.u32 $0x5, v5;
	v4 =	vsub.f32 v4, v3;
	_ =	sdelay $0x1  }
0x51: {  	s14 =	simm.s32 $0x10;
	v4 =	vmul.f32 v4, v2  }
0x52: {  	v6 =	vor.u32 s14, v0  }
0x53: {  	v9 =	vand.u32 v1, v6;
	[tilespmem:v7+s28+$0x0] =	vst.idx.msk $0xffff, v4  }
0x54: {  	v7 =	vshll.u32 v6, $0x5;
	v6 =	vld.idx.msk [tilespmem:v8+s17+$0x0], $0xffff;
	_ =	sdelay $0x3  }
0x55: {  	v4 =	vld.idx.msk [tilespmem:v9+s19+$0x0], $0xffff  }
0x56: {  	v12 =	vor.u32 $0x6, v5;
	v10 =	vld.idx.msk [tilespmem:v7+s17+$0x0], $0xffff;
	v11 =	vsub.f32 v6, v3;
	_ =	sdelay $0x1  }
0x57: {  	v6 =	vld.idx.msk [tilespmem:v9+s18+$0x0], $0xffff;
	v9 =	vmul.f32 v11, v2;
	_ =	sdelay $0x1  }
0x58: {  	[tilespmem:v8+s28+$0x0] =	vst.idx.msk $0xffff, v9  }
0x59: {  	v8 =	vsub.f32 v10, v4;
	v9 =	vor.u32 $0x1, v7;
	v10 =	vld.idx.msk [tilespmem:v12+s17+$0x0], $0xffff;
	_ =	sdelay $0x1  }
0x5a: {  	v8 =	vmul.f32 v8, v6;
	_ =	sdelay $0x1  }
0x5b: {  	[tilespmem:v7+s28+$0x0] =	vst.idx.msk $0xffff, v8  }
0x5c: {  	v11 =	vor.u32 $0x7, v5;
	v8 =	vld.idx.msk [tilespmem:v9+s17+$0x0], $0xffff;
	v10 =	vsub.f32 v10, v3;
	_ =	sdelay $0x1  }
0x5d: {  	v10 =	vmul.f32 v10, v2;
	_ =	sdelay $0x1  }
0x5e: {  	[tilespmem:v12+s28+$0x0] =	vst.idx.msk $0xffff, v10  }
0x5f: {  	v8 =	vsub.f32 v8, v4;
	v10 =	vor.u32 $0x2, v7;
	v12 =	vld.idx.msk [tilespmem:v11+s17+$0x0], $0xffff;
	_ =	sdelay $0x1  }
0x60: {  	v8 =	vmul.f32 v8, v6;
	_ =	sdelay $0x1  }
0x61: {  	[tilespmem:v9+s28+$0x0] =	vst.idx.msk $0xffff, v8  }
0x62: {  	v8 =	vld.idx.msk [tilespmem:v10+s17+$0x0], $0xffff;
	v9 =	vsub.f32 v12, v3;
	v12 =	vor.u32 $0x8, v5;
	_ =	sdelay $0x1  }
0x63: {  	v9 =	vmul.f32 v9, v2;
	_ =	sdelay $0x1  }
0x64: {  	[tilespmem:v11+s28+$0x0] =	vst.idx.msk $0xffff, v9  }
0x65: {  	v8 =	vsub.f32 v8, v4;
	v9 =	vor.u32 $0x3, v7;
	v11 =	vld.idx.msk [tilespmem:v12+s17+$0x0], $0xffff;
	_ =	sdelay $0x1  }
0x66: {  	v8 =	vmul.f32 v8, v6;
	_ =	sdelay $0x1  }
0x67: {  	[tilespmem:v10+s28+$0x0] =	vst.idx.msk $0xffff, v8  }
0x68: {  	v8 =	vld.idx.msk [tilespmem:v9+s17+$0x0], $0xffff;
	v10 =	vsub.f32 v11, v3;
	v11 =	vor.u32 $0x9, v5;
	_ =	sdelay $0x1  }
0x69: {  	v10 =	vmul.f32 v10, v2;
	_ =	sdelay $0x1  }
0x6a: {  	[tilespmem:v12+s28+$0x0] =	vst.idx.msk $0xffff, v10  }
0x6b: {  	v8 =	vsub.f32 v8, v4;
	v10 =	vor.u32 $0x4, v7;
	v12 =	vld.idx.msk [tilespmem:v11+s17+$0x0], $0xffff;
	_ =	sdelay $0x1  }
0x6c: {  	v8 =	vmul.f32 v8, v6;
	_ =	sdelay $0x1  }
0x6d: {  	[tilespmem:v9+s28+$0x0] =	vst.idx.msk $0xffff, v8  }
0x6e: {  	v8 =	vld.idx.msk [tilespmem:v10+s17+$0x0], $0xffff;
	v9 =	vsub.f32 v12, v3;
	v12 =	vor.u32 $0xA, v5;
	_ =	sdelay $0x1  }
0x6f: {  	v9 =	vmul.f32 v9, v2;
	_ =	sdelay $0x1  }
0x70: {  	[tilespmem:v11+s28+$0x0] =	vst.idx.msk $0xffff, v9  }
0x71: {  	v8 =	vsub.f32 v8, v4;
	v11 =	vor.u32 $0x5, v7;
	v9 =	vld.idx.msk [tilespmem:v12+s17+$0x0], $0xffff  }
0x72: {  	s12 =	simm.s32 $0x20  }
0x73: {  	v13 =	vor.u32 s12, v0;
	v8 =	vmul.f32 v8, v6  }
0x74: {  	v14 =	vand.u32 v1, v13  }
0x75: {  	[tilespmem:v10+s28+$0x0] =	vst.idx.msk $0xffff, v8;
	v10 =	vshll.u32 v13, $0x5  }
0x76: {  	v15 =	vor.u32 $0xB, v5;
	v13 =	vld.idx.msk [tilespmem:v11+s17+$0x0], $0xffff;
	v8 =	vsub.f32 v9, v3;
	_ =	sdelay $0x1  }
0x77: {  	v9 =	vmul.f32 v8, v2  }
0x78: {  	v8 =	vld.idx.msk [tilespmem:v14+s19+$0x0], $0xffff  }
0x79: {  	v16 =	vld.idx.msk [tilespmem:v10+s17+$0x0], $0xffff;
	[tilespmem:v12+s28+$0x0] =	vst.idx.msk $0xffff, v9  }
0x7a: {  	v12 =	vsub.f32 v13, v4;
	v13 =	vor.u32 $0x6, v7;
	v17 =	vld.idx.msk [tilespmem:v15+s17+$0x0], $0xffff  }
0x7b: {  	v9 =	vld.idx.msk [tilespmem:v14+s18+$0x0], $0xffff  }
0x7c: {  	v12 =	vmul.f32 v12, v6;
	_ =	sdelay $0x1  }
0x7d: {  	[tilespmem:v11+s28+$0x0] =	vst.idx.msk $0xffff, v12;
	v11 =	vsub.f32 v16, v8;
	v12 =	vor.u32 $0x1, v10  }
0x7e: {  	v14 =	vld.idx.msk [tilespmem:v13+s17+$0x0], $0xffff;
	v16 =	vsub.f32 v17, v3;
	v17 =	vor.u32 $0xC, v5  }
0x7f: {  	v11 =	vmul.f32 v11, v9  }
0x80: {  	v16 =	vmul.f32 v16, v2  }
0x81: {  	[tilespmem:v10+s28+$0x0] =	vst.idx.msk $0xffff, v11  }
0x82: {  	v11 =	vld.idx.msk [tilespmem:v12+s17+$0x0], $0xffff;
	[tilespmem:v15+s28+$0x0] =	vst.idx.msk $0xffff, v16  }
0x83: {  	v14 =	vsub.f32 v14, v4;
	v15 =	vor.u32 $0x7, v7;
	v16 =	vld.idx.msk [tilespmem:v17+s17+$0x0], $0xffff;
	_ =	sdelay $0x1  }
0x84: {  	v14 =	vmul.f32 v14, v6;
	_ =	sdelay $0x1  }
0x85: {  	[tilespmem:v13+s28+$0x0] =	vst.idx.msk $0xffff, v14;
	v11 =	vsub.f32 v11, v8;
	v13 =	vor.u32 $0x2, v10  }
0x86: {  	v18 =	vor.u32 $0xD, v5;
	v14 =	vld.idx.msk [tilespmem:v15+s17+$0x0], $0xffff;
	v16 =	vsub.f32 v16, v3  }
0x87: {  	v11 =	vmul.f32 v11, v9  }
0x88: {  	v16 =	vmul.f32 v16, v2  }
0x89: {  	[tilespmem:v12+s28+$0x0] =	vst.idx.msk $0xffff, v11  }
0x8a: {  	v11 =	vld.idx.msk [tilespmem:v13+s17+$0x0], $0xffff;
	[tilespmem:v17+s28+$0x0] =	vst.idx.msk $0xffff, v16  }
0x8b: {  	v12 =	vsub.f32 v14, v4;
	v14 =	vor.u32 $0x8, v7;
	v16 =	vld.idx.msk [tilespmem:v18+s17+$0x0], $0xffff;
	_ =	sdelay $0x1  }
0x8c: {  	v12 =	vmul.f32 v12, v6;
	_ =	sdelay $0x1  }
0x8d: {  	[tilespmem:v15+s28+$0x0] =	vst.idx.msk $0xffff, v12;
	v11 =	vsub.f32 v11, v8;
	v12 =	vor.u32 $0x3, v10  }
0x8e: {  	v17 =	vor.u32 $0xE, v5;
	v15 =	vld.idx.msk [tilespmem:v14+s17+$0x0], $0xffff;
	v16 =	vsub.f32 v16, v3  }
0x8f: {  	v11 =	vmul.f32 v11, v9  }
0x90: {  	v16 =	vmul.f32 v16, v2  }
0x91: {  	[tilespmem:v13+s28+$0x0] =	vst.idx.msk $0xffff, v11  }
0x92: {  	v11 =	vld.idx.msk [tilespmem:v12+s17+$0x0], $0xffff;
	[tilespmem:v18+s28+$0x0] =	vst.idx.msk $0xffff, v16  }
0x93: {  	v13 =	vsub.f32 v15, v4;
	v15 =	vor.u32 $0x9, v7;
	v16 =	vld.idx.msk [tilespmem:v17+s17+$0x0], $0xffff;
	_ =	sdelay $0x1  }
0x94: {  	v13 =	vmul.f32 v13, v6;
	_ =	sdelay $0x1  }
0x95: {  	[tilespmem:v14+s28+$0x0] =	vst.idx.msk $0xffff, v13;
	v11 =	vsub.f32 v11, v8;
	v13 =	vor.u32 $0x4, v10  }
0x96: {  	v18 =	vor.u32 $0xF, v5;
	v14 =	vld.idx.msk [tilespmem:v15+s17+$0x0], $0xffff;
	v16 =	vsub.f32 v16, v3  }
0x97: {  	v11 =	vmul.f32 v11, v9  }
0x98: {  	v16 =	vmul.f32 v16, v2  }
0x99: {  	[tilespmem:v12+s28+$0x0] =	vst.idx.msk $0xffff, v11  }
0x9a: {  	v11 =	vld.idx.msk [tilespmem:v13+s17+$0x0], $0xffff;
	[tilespmem:v17+s28+$0x0] =	vst.idx.msk $0xffff, v16  }
0x9b: {  	v12 =	vsub.f32 v14, v4;
	v14 =	vor.u32 $0xA, v7;
	v16 =	vld.idx.msk [tilespmem:v18+s17+$0x0], $0xffff;
	_ =	sdelay $0x1  }
0x9c: {  	v12 =	vmul.f32 v12, v6;
	_ =	sdelay $0x1  }
0x9d: {  	[tilespmem:v15+s28+$0x0] =	vst.idx.msk $0xffff, v12;
	v11 =	vsub.f32 v11, v8;
	v15 =	vor.u32 $0x5, v10  }
0x9e: {  	v17 =	vor.u32 $0x10, v5;
	v12 =	vld.idx.msk [tilespmem:v14+s17+$0x0], $0xffff;
	v16 =	vsub.f32 v16, v3  }
0x9f: {  	s14 =	simm.s32 $0x30;
	v11 =	vmul.f32 v11, v9  }
0xa0: {  	v19 =	vor.u32 s14, v0;
	v16 =	vmul.f32 v16, v2  }
0xa1: {  	v20 =	vand.u32 v1, v19;
	[tilespmem:v13+s28+$0x0] =	vst.idx.msk $0xffff, v11  }
0xa2: {  	v13 =	vshll.u32 v19, $0x5;
	v19 =	vld.idx.msk [tilespmem:v15+s17+$0x0], $0xffff;
	[tilespmem:v18+s28+$0x0] =	vst.idx.msk $0xffff, v16  }
0xa3: {  	v11 =	vsub.f32 v12, v4;
	v16 =	vor.u32 $0xB, v7;
	v12 =	vld.idx.msk [tilespmem:v17+s17+$0x0], $0xffff;
	_ =	sdelay $0x1  }
0xa4: {  	v18 =	vmul.f32 v11, v6  }
0xa5: {  	v11 =	vld.idx.msk [tilespmem:v20+s19+$0x0], $0xffff  }
0xa6: {  	v21 =	vld.idx.msk [tilespmem:v13+s17+$0x0], $0xffff;
	[tilespmem:v14+s28+$0x0] =	vst.idx.msk $0xffff, v18;
	v14 =	vsub.f32 v19, v8;
	v18 =	vor.u32 $0x6, v10  }
0xa7: {  	v23 =	vor.u32 $0x11, v5;
	v19 =	vld.idx.msk [tilespmem:v16+s17+$0x0], $0xffff;
	v22 =	vsub.f32 v12, v3  }
0xa8: {  	v12 =	vld.idx.msk [tilespmem:v20+s18+$0x0], $0xffff;
	v14 =	vmul.f32 v14, v9  }
0xa9: {  	v20 =	vmul.f32 v22, v2  }
0xaa: {  	[tilespmem:v15+s28+$0x0] =	vst.idx.msk $0xffff, v14  }
0xab: {  	v14 =	vsub.f32 v21, v11;
	v15 =	vor.u32 $0x1, v13;
	v21 =	vld.idx.msk [tilespmem:v18+s17+$0x0], $0xffff;
	[tilespmem:v17+s28+$0x0] =	vst.idx.msk $0xffff, v20  }
0xac: {  	v17 =	vsub.f32 v19, v4;
	v19 =	vor.u32 $0xC, v7;
	v20 =	vld.idx.msk [tilespmem:v23+s17+$0x0], $0xffff  }
0xad: {  	v14 =	vmul.f32 v14, v12  }
0xae: {  	v17 =	vmul.f32 v17, v6  }
0xaf: {  	[tilespmem:v13+s28+$0x0] =	vst.idx.msk $0xffff, v14  }
0xb0: {  	v14 =	vld.idx.msk [tilespmem:v15+s17+$0x0], $0xffff;
	[tilespmem:v16+s28+$0x0] =	vst.idx.msk $0xffff, v17;
	v16 =	vsub.f32 v21, v8;
	v17 =	vor.u32 $0x7, v10  }
0xb1: {  	v22 =	vor.u32 $0x12, v5;
	v21 =	vld.idx.msk [tilespmem:v19+s17+$0x0], $0xffff;
	v20 =	vsub.f32 v20, v3  }
0xb2: {  	v16 =	vmul.f32 v16, v9  }
0xb3: {  	v20 =	vmul.f32 v20, v2  }
0xb4: {  	[tilespmem:v18+s28+$0x0] =	vst.idx.msk $0xffff, v16  }
0xb5: {  	v16 =	vor.u32 $0x2, v13;
	v14 =	vsub.f32 v14, v11;
	v18 =	vld.idx.msk [tilespmem:v17+s17+$0x0], $0xffff;
	[tilespmem:v23+s28+$0x0] =	vst.idx.msk $0xffff, v20  }
0xb6: {  	v20 =	vsub.f32 v21, v4;
	v21 =	vor.u32 $0xD, v7;
	v23 =	vld.idx.msk [tilespmem:v22+s17+$0x0], $0xffff  }
0xb7: {  	v14 =	vmul.f32 v14, v12  }
0xb8: {  	v20 =	vmul.f32 v20, v6  }
0xb9: {  	[tilespmem:v15+s28+$0x0] =	vst.idx.msk $0xffff, v14  }
0xba: {  	v14 =	vld.idx.msk [tilespmem:v16+s17+$0x0], $0xffff;
	[tilespmem:v19+s28+$0x0] =	vst.idx.msk $0xffff, v20;
	v15 =	vsub.f32 v18, v8;
	v18 =	vor.u32 $0x8, v10  }
0xbb: {  	v19 =	vld.idx.msk [tilespmem:v21+s17+$0x0], $0xffff;
	v20 =	vsub.f32 v23, v3;
	v23 =	vor.u32 $0x13, v5  }
0xbc: {  	v15 =	vmul.f32 v15, v9  }
0xbd: {  	v20 =	vmul.f32 v20, v2  }
0xbe: {  	[tilespmem:v17+s28+$0x0] =	vst.idx.msk $0xffff, v15  }
0xbf: {  	v15 =	vor.u32 $0x3, v13;
	v14 =	vsub.f32 v14, v11;
	v17 =	vld.idx.msk [tilespmem:v18+s17+$0x0], $0xffff;
	[tilespmem:v22+s28+$0x0] =	vst.idx.msk $0xffff, v20  }
0xc0: {  	v19 =	vsub.f32 v19, v4;
	v20 =	vor.u32 $0xE, v7;
	v22 =	vld.idx.msk [tilespmem:v23+s17+$0x0], $0xffff  }
0xc1: {  	v14 =	vmul.f32 v14, v12  }
0xc2: {  	v19 =	vmul.f32 v19, v6  }
0xc3: {  	[tilespmem:v16+s28+$0x0] =	vst.idx.msk $0xffff, v14  }
0xc4: {  	v14 =	vld.idx.msk [tilespmem:v15+s17+$0x0], $0xffff;
	[tilespmem:v21+s28+$0x0] =	vst.idx.msk $0xffff, v19;
	v16 =	vsub.f32 v17, v8;
	v17 =	vor.u32 $0x9, v10  }
0xc5: {  	v19 =	vld.idx.msk [tilespmem:v20+s17+$0x0], $0xffff;
	v21 =	vsub.f32 v22, v3;
	v22 =	vor.u32 $0x14, v5  }
0xc6: {  	v16 =	vmul.f32 v16, v9  }
0xc7: {  	v21 =	vmul.f32 v21, v2  }
0xc8: {  	[tilespmem:v18+s28+$0x0] =	vst.idx.msk $0xffff, v16  }
0xc9: {  	v16 =	vor.u32 $0x4, v13;
	v14 =	vsub.f32 v14, v11;
	v18 =	vld.idx.msk [tilespmem:v17+s17+$0x0], $0xffff;
	[tilespmem:v23+s28+$0x0] =	vst.idx.msk $0xffff, v21  }
0xca: {  	v19 =	vsub.f32 v19, v4;
	v21 =	vor.u32 $0xF, v7;
	v23 =	vld.idx.msk [tilespmem:v22+s17+$0x0], $0xffff  }
0xcb: {  	v14 =	vmul.f32 v14, v12  }
0xcc: {  	v19 =	vmul.f32 v19, v6  }
0xcd: {  	[tilespmem:v15+s28+$0x0] =	vst.idx.msk $0xffff, v14  }
0xce: {  	v14 =	vld.idx.msk [tilespmem:v16+s17+$0x0], $0xffff;
	[tilespmem:v20+s28+$0x0] =	vst.idx.msk $0xffff, v19;
	v15 =	vsub.f32 v18, v8;
	v18 =	vor.u32 $0xA, v10  }
0xcf: {  	v19 =	vld.idx.msk [tilespmem:v21+s17+$0x0], $0xffff;
	v20 =	vsub.f32 v23, v3;
	v23 =	vor.u32 $0x15, v5  }
0xd0: {  	v15 =	vmul.f32 v15, v9  }
0xd1: {  	v20 =	vmul.f32 v20, v2  }
0xd2: {  	[tilespmem:v17+s28+$0x0] =	vst.idx.msk $0xffff, v15  }
0xd3: {  	s12 =	simm.s32 $0x40;
	v17 =	vor.u32 $0x5, v13;
	v14 =	vsub.f32 v14, v11;
	v15 =	vld.idx.msk [tilespmem:v18+s17+$0x0], $0xffff;
	[tilespmem:v22+s28+$0x0] =	vst.idx.msk $0xffff, v20  }
0xd4: {  	v20 =	vor.u32 s12, v0;
	v19 =	vsub.f32 v19, v4;
	v22 =	vor.u32 $0x10, v7;
	v24 =	vld.idx.msk [tilespmem:v23+s17+$0x0], $0xffff  }
0xd5: {  	v14 =	vmul.f32 v14, v12;
	v25 =	vand.u32 v1, v20  }
0xd6: {  	v19 =	vmul.f32 v19, v6  }
0xd7: {  	[tilespmem:v16+s28+$0x0] =	vst.idx.msk $0xffff, v14;
	v16 =	vshll.u32 v20, $0x5  }
0xd8: {  	v20 =	vld.idx.msk [tilespmem:v17+s17+$0x0], $0xffff;
	[tilespmem:v21+s28+$0x0] =	vst.idx.msk $0xffff, v19;
	v14 =	vsub.f32 v15, v8;
	v19 =	vor.u32 $0xB, v10  }
0xd9: {  	v26 =	vor.u32 $0x16, v5;
	v21 =	vld.idx.msk [tilespmem:v22+s17+$0x0], $0xffff;
	v24 =	vsub.f32 v24, v3  }
0xda: {  	v15 =	vld.idx.msk [tilespmem:v25+s18+$0x0], $0xffff;
	v27 =	vmul.f32 v14, v9  }
0xdb: {  	v14 =	vld.idx.msk [tilespmem:v25+s19+$0x0], $0xffff;
	v24 =	vmul.f32 v24, v2  }
0xdc: {  	v25 =	vld.idx.msk [tilespmem:v16+s17+$0x0], $0xffff;
	[tilespmem:v18+s28+$0x0] =	vst.idx.msk $0xffff, v27  }
0xdd: {  	v18 =	vsub.f32 v20, v11;
	v20 =	vor.u32 $0x6, v13;
	v27 =	vld.idx.msk [tilespmem:v19+s17+$0x0], $0xffff;
	[tilespmem:v23+s28+$0x0] =	vst.idx.msk $0xffff, v24  }
0xde: {  	v21 =	vsub.f32 v21, v4;
	v23 =	vor.u32 $0x11, v7;
	v24 =	vld.idx.msk [tilespmem:v26+s17+$0x0], $0xffff  }
0xdf: {  	v18 =	vmul.f32 v18, v12  }
0xe0: {  	v21 =	vmul.f32 v21, v6  }
0xe1: {  	[tilespmem:v17+s28+$0x0] =	vst.idx.msk $0xffff, v18;
	v17 =	vsub.f32 v25, v14;
	v18 =	vor.u32 $0x1, v16  }
0xe2: {  	v25 =	vld.idx.msk [tilespmem:v20+s17+$0x0], $0xffff;
	[tilespmem:v22+s28+$0x0] =	vst.idx.msk $0xffff, v21;
	v21 =	vsub.f32 v27, v8;
	v22 =	vor.u32 $0xC, v10  }
0xe3: {  	v28 =	vor.u32 $0x17, v5;
	v27 =	vld.idx.msk [tilespmem:v23+s17+$0x0], $0xffff;
	v17 =	vmul.f32 v17, v15;
	v24 =	vsub.f32 v24, v3  }
0xe4: {  	v21 =	vmul.f32 v21, v9  }
0xe5: {  	[tilespmem:v16+s28+$0x0] =	vst.idx.msk $0xffff, v17;
	v17 =	vmul.f32 v24, v2  }
0xe6: {  	v24 =	vld.idx.msk [tilespmem:v18+s17+$0x0], $0xffff;
	[tilespmem:v19+s28+$0x0] =	vst.idx.msk $0xffff, v21  }
0xe7: {  	v21 =	vor.u32 $0x7, v13;
	v19 =	vsub.f32 v25, v11;
	v25 =	vld.idx.msk [tilespmem:v22+s17+$0x0], $0xffff;
	[tilespmem:v26+s28+$0x0] =	vst.idx.msk $0xffff, v17  }
0xe8: {  	v17 =	vsub.f32 v27, v4;
	v26 =	vor.u32 $0x12, v7;
	v27 =	vld.idx.msk [tilespmem:v28+s17+$0x0], $0xffff  }
0xe9: {  	v19 =	vmul.f32 v19, v12  }
0xea: {  	v17 =	vmul.f32 v17, v6  }
0xeb: {  	[tilespmem:v20+s28+$0x0] =	vst.idx.msk $0xffff, v19;
	v19 =	vsub.f32 v24, v14;
	v20 =	vor.u32 $0x2, v16  }
0xec: {  	v24 =	vld.idx.msk [tilespmem:v21+s17+$0x0], $0xffff;
	[tilespmem:v23+s28+$0x0] =	vst.idx.msk $0xffff, v17;
	v17 =	vsub.f32 v25, v8;
	v23 =	vor.u32 $0xD, v10  }
0xed: {  	v29 =	vor.u32 $0x18, v5;
	v25 =	vld.idx.msk [tilespmem:v26+s17+$0x0], $0xffff;
	v19 =	vmul.f32 v19, v15;
	v27 =	vsub.f32 v27, v3  }
0xee: {  	v17 =	vmul.f32 v17, v9  }
0xef: {  	[tilespmem:v18+s28+$0x0] =	vst.idx.msk $0xffff, v19;
	v18 =	vmul.f32 v27, v2  }
0xf0: {  	v19 =	vld.idx.msk [tilespmem:v20+s17+$0x0], $0xffff;
	[tilespmem:v22+s28+$0x0] =	vst.idx.msk $0xffff, v17  }
0xf1: {  	v22 =	vor.u32 $0x8, v13;
	v17 =	vsub.f32 v24, v11;
	v24 =	vld.idx.msk [tilespmem:v23+s17+$0x0], $0xffff;
	[tilespmem:v28+s28+$0x0] =	vst.idx.msk $0xffff, v18  }
0xf2: {  	v18 =	vsub.f32 v25, v4;
	v25 =	vor.u32 $0x13, v7;
	v27 =	vld.idx.msk [tilespmem:v29+s17+$0x0], $0xffff  }
0xf3: {  	v17 =	vmul.f32 v17, v12  }
0xf4: {  	v18 =	vmul.f32 v18, v6  }
0xf5: {  	[tilespmem:v21+s28+$0x0] =	vst.idx.msk $0xffff, v17;
	v17 =	vsub.f32 v19, v14;
	v19 =	vor.u32 $0x3, v16  }
0xf6: {  	v21 =	vld.idx.msk [tilespmem:v22+s17+$0x0], $0xffff;
	[tilespmem:v26+s28+$0x0] =	vst.idx.msk $0xffff, v18;
	v18 =	vsub.f32 v24, v8;
	v24 =	vor.u32 $0xE, v10  }
0xf7: {  	v28 =	vor.u32 $0x19, v5;
	v26 =	vld.idx.msk [tilespmem:v25+s17+$0x0], $0xffff;
	v17 =	vmul.f32 v17, v15;
	v27 =	vsub.f32 v27, v3  }
0xf8: {  	v18 =	vmul.f32 v18, v9  }
0xf9: {  	[tilespmem:v20+s28+$0x0] =	vst.idx.msk $0xffff, v17;
	v17 =	vmul.f32 v27, v2  }
0xfa: {  	v20 =	vld.idx.msk [tilespmem:v19+s17+$0x0], $0xffff;
	[tilespmem:v23+s28+$0x0] =	vst.idx.msk $0xffff, v18  }
0xfb: {  	v18 =	vsub.f32 v21, v11;
	v21 =	vor.u32 $0x9, v13;
	v23 =	vld.idx.msk [tilespmem:v24+s17+$0x0], $0xffff;
	[tilespmem:v29+s28+$0x0] =	vst.idx.msk $0xffff, v17  }
0xfc: {  	v17 =	vsub.f32 v26, v4;
	v26 =	vor.u32 $0x14, v7;
	v27 =	vld.idx.msk [tilespmem:v28+s17+$0x0], $0xffff  }
0xfd: {  	v18 =	vmul.f32 v18, v12  }
0xfe: {  	v17 =	vmul.f32 v17, v6  }
0xff: {  	[tilespmem:v22+s28+$0x0] =	vst.idx.msk $0xffff, v18;
	v18 =	vsub.f32 v20, v14;
	v22 =	vor.u32 $0x4, v16  }
0x100: {  	v29 =	vld.idx.msk [tilespmem:v21+s17+$0x0], $0xffff;
	[tilespmem:v25+s28+$0x0] =	vst.idx.msk $0xffff, v17;
	v17 =	vsub.f32 v23, v8;
	v25 =	vor.u32 $0xF, v10  }
0x101: {  	v20 =	vor.u32 $0x1A, v5;
	v23 =	vld.idx.msk [tilespmem:v26+s17+$0x0], $0xffff;
	v18 =	vmul.f32 v18, v15;
	v27 =	vsub.f32 v27, v3  }
0x102: {  	v17 =	vmul.f32 v17, v9  }
0x103: {  	[tilespmem:v19+s28+$0x0] =	vst.idx.msk $0xffff, v18;
	v18 =	vmul.f32 v27, v2  }
0x104: {  	v19 =	vld.idx.msk [tilespmem:v22+s17+$0x0], $0xffff;
	[tilespmem:v24+s28+$0x0] =	vst.idx.msk $0xffff, v17  }
0x105: {  	v27 =	vor.u32 $0xA, v13;
	v17 =	vsub.f32 v29, v11;
	v24 =	vld.idx.msk [tilespmem:v25+s17+$0x0], $0xffff;
	[tilespmem:v28+s28+$0x0] =	vst.idx.msk $0xffff, v18  }
0x106: {  	v18 =	vsub.f32 v23, v4;
	v23 =	vor.u32 $0x15, v7;
	v28 =	vld.idx.msk [tilespmem:v20+s17+$0x0], $0xffff  }
0x107: {  	v17 =	vmul.f32 v17, v12  }
0x108: {  	v18 =	vmul.f32 v18, v6  }
0x109: {  	v30 =	vor.u32 $0x5, v16;
	[tilespmem:v21+s28+$0x0] =	vst.idx.msk $0xffff, v17;
	v17 =	vsub.f32 v19, v14  }
0x10a: {  	s14 =	simm.s32 $0x50;
	v21 =	vor.u32 $0x1B, v5;
	[tilespmem:v26+s28+$0x0] =	vst.idx.msk $0xffff, v18;
	v29 =	vld.idx.msk [tilespmem:v27+s17+$0x0], $0xffff;
	v19 =	vsub.f32 v24, v8;
	v26 =	vor.u32 $0x10, v10  }
0x10b: {  	v18 =	vor.u32 s14, v0;
	v17 =	vmul.f32 v17, v15;
	v24 =	vld.idx.msk [tilespmem:v23+s17+$0x0], $0xffff;
	v32 =	vsub.f32 v28, v3  }
0x10c: {  	v31 =	vand.u32 v1, v18;
	v28 =	vmul.f32 v19, v9  }
0x10d: {  	s8 =	sshll.u32 s15, $0xD;
	s12 =	simm.s32 $0x60;
	[tilespmem:v22+s28+$0x0] =	vst.idx.msk $0xffff, v17;
	v22 =	vmul.f32 v32, v2  }
.LBB2_6:
0x10e: {  	p2 =	sne.s32 s12, $0x70;
	v19 =	vshll.u32 v18, $0x5;
	v32 =	vld.idx.msk [tilespmem:v30+s17+$0x0], $0xffff;
	[tilespmem:v25+s28+$0x0] =	vst.idx.msk $0xffff, v28  }
0x10f: {  	v18 =	vsub.f32 v29, v11;
	v25 =	vor.u32 $0xB, v13;
	v28 =	vld.idx.msk [tilespmem:v26+s17+$0x0], $0xffff;
	[tilespmem:v20+s28+$0x0] =	vst.idx.msk $0xffff, v22  }
0x110: {  	v20 =	vsub.f32 v24, v4;
	v22 =	vor.u32 $0x16, v7;
	v24 =	vld.idx.msk [tilespmem:v21+s17+$0x0], $0xffff  }
0x111: {  	v29 =	vmul.f32 v18, v12;
	v17 =	vld.idx.msk [tilespmem:v31+s18+$0x0], $0xffff  }
0x112: {  	v20 =	vmul.f32 v20, v6;
	v18 =	vld.idx.msk [tilespmem:v31+s19+$0x0], $0xffff  }
0x113: {  	v31 =	vld.idx.msk [tilespmem:v19+s17+$0x0], $0xffff;
	[tilespmem:v27+s28+$0x0] =	vst.idx.msk $0xffff, v29  }
0x114: {  	v27 =	vsub.f32 v32, v14;
	v29 =	vor.u32 $0x6, v16;
	v32 =	vld.idx.msk [tilespmem:v25+s17+$0x0], $0xffff;
	[tilespmem:v23+s28+$0x0] =	vst.idx.msk $0xffff, v20  }
0x115: {  	v20 =	vsub.f32 v28, v8;
	v23 =	vor.u32 $0x11, v10;
	v28 =	vld.idx.msk [tilespmem:v22+s17+$0x0], $0xffff  }
0x116: {  	v33 =	vor.u32 $0x1C, v5;
	v27 =	vmul.f32 v27, v15;
	v24 =	vsub.f32 v24, v3  }
0x117: {  	v20 =	vmul.f32 v20, v9  }
0x118: {  	v24 =	vmul.f32 v24, v2;
	[tilespmem:v30+s28+$0x0] =	vst.idx.msk $0xffff, v27  }
0x119: {  	v27 =	vsub.f32 v31, v18;
	v30 =	vor.u32 $0x1, v19;
	v31 =	vld.idx.msk [tilespmem:v29+s17+$0x0], $0xffff;
	[tilespmem:v26+s28+$0x0] =	vst.idx.msk $0xffff, v20  }
0x11a: {  	v20 =	vsub.f32 v32, v11;
	v26 =	vor.u32 $0xC, v13;
	v32 =	vld.idx.msk [tilespmem:v23+s17+$0x0], $0xffff;
	[tilespmem:v21+s28+$0x0] =	vst.idx.msk $0xffff, v24  }
0x11b: {  	v21 =	vmul.f32 v27, v17;
	v24 =	vsub.f32 v28, v4;
	v27 =	vor.u32 $0x17, v7;
	v28 =	vld.idx.msk [tilespmem:v33+s17+$0x0], $0xffff  }
0x11c: {  	v20 =	vmul.f32 v20, v12  }
0x11d: {  	[tilespmem:v19+s28+$0x0] =	vst.idx.msk $0xffff, v21;
	v21 =	vmul.f32 v24, v6  }
0x11e: {  	v24 =	vld.idx.msk [tilespmem:v30+s17+$0x0], $0xffff;
	[tilespmem:v25+s28+$0x0] =	vst.idx.msk $0xffff, v20  }
0x11f: {  	v20 =	vsub.f32 v31, v14;
	v25 =	vor.u32 $0x7, v16;
	v31 =	vld.idx.msk [tilespmem:v26+s17+$0x0], $0xffff;
	[tilespmem:v22+s28+$0x0] =	vst.idx.msk $0xffff, v21  }
0x120: {  	v21 =	vsub.f32 v32, v8;
	v22 =	vor.u32 $0x12, v10;
	v32 =	vld.idx.msk [tilespmem:v27+s17+$0x0], $0xffff  }
0x121: {  	v34 =	vor.u32 $0x1D, v5;
	v20 =	vmul.f32 v20, v15;
	v28 =	vsub.f32 v28, v3  }
0x122: {  	v21 =	vmul.f32 v21, v9  }
0x123: {  	[tilespmem:v29+s28+$0x0] =	vst.idx.msk $0xffff, v20;
	v20 =	vmul.f32 v28, v2  }
0x124: {  	v24 =	vsub.f32 v24, v18;
	v28 =	vor.u32 $0x2, v19;
	v29 =	vld.idx.msk [tilespmem:v25+s17+$0x0], $0xffff;
	[tilespmem:v23+s28+$0x0] =	vst.idx.msk $0xffff, v21  }
0x125: {  	v21 =	vsub.f32 v31, v11;
	v23 =	vor.u32 $0xD, v13;
	v31 =	vld.idx.msk [tilespmem:v22+s17+$0x0], $0xffff;
	[tilespmem:v33+s28+$0x0] =	vst.idx.msk $0xffff, v20  }
0x126: {  	v20 =	vmul.f32 v24, v17;
	v24 =	vsub.f32 v32, v4;
	v32 =	vor.u32 $0x18, v7;
	v33 =	vld.idx.msk [tilespmem:v34+s17+$0x0], $0xffff  }
0x127: {  	v21 =	vmul.f32 v21, v12  }
0x128: {  	[tilespmem:v30+s28+$0x0] =	vst.idx.msk $0xffff, v20;
	v20 =	vmul.f32 v24, v6  }
0x129: {  	v24 =	vld.idx.msk [tilespmem:v28+s17+$0x0], $0xffff;
	[tilespmem:v26+s28+$0x0] =	vst.idx.msk $0xffff, v21  }
0x12a: {  	v21 =	vsub.f32 v29, v14;
	v26 =	vor.u32 $0x8, v16;
	v29 =	vld.idx.msk [tilespmem:v23+s17+$0x0], $0xffff;
	[tilespmem:v27+s28+$0x0] =	vst.idx.msk $0xffff, v20  }
0x12b: {  	v20 =	vsub.f32 v31, v8;
	v27 =	vor.u32 $0x13, v10;
	v30 =	vld.idx.msk [tilespmem:v32+s17+$0x0], $0xffff  }
0x12c: {  	v21 =	vmul.f32 v21, v15;
	v31 =	vsub.f32 v33, v3;
	v33 =	vor.u32 $0x1E, v5  }
0x12d: {  	v20 =	vmul.f32 v20, v9  }
0x12e: {  	[tilespmem:v25+s28+$0x0] =	vst.idx.msk $0xffff, v21;
	v21 =	vmul.f32 v31, v2  }
0x12f: {  	v24 =	vsub.f32 v24, v18;
	v31 =	vor.u32 $0x3, v19;
	v25 =	vld.idx.msk [tilespmem:v26+s17+$0x0], $0xffff;
	[tilespmem:v22+s28+$0x0] =	vst.idx.msk $0xffff, v20  }
0x130: {  	v20 =	vsub.f32 v29, v11;
	v22 =	vor.u32 $0xE, v13;
	v29 =	vld.idx.msk [tilespmem:v27+s17+$0x0], $0xffff;
	[tilespmem:v34+s28+$0x0] =	vst.idx.msk $0xffff, v21  }
0x131: {  	v21 =	vmul.f32 v24, v17;
	v24 =	vsub.f32 v30, v4;
	v30 =	vor.u32 $0x19, v7;
	v34 =	vld.idx.msk [tilespmem:v33+s17+$0x0], $0xffff  }
0x132: {  	v20 =	vmul.f32 v20, v12  }
0x133: {  	[tilespmem:v28+s28+$0x0] =	vst.idx.msk $0xffff, v21;
	v21 =	vmul.f32 v24, v6  }
0x134: {  	v24 =	vld.idx.msk [tilespmem:v31+s17+$0x0], $0xffff;
	[tilespmem:v23+s28+$0x0] =	vst.idx.msk $0xffff, v20  }
0x135: {  	v28 =	vor.u32 $0x9, v16;
	v20 =	vsub.f32 v25, v14;
	v23 =	vld.idx.msk [tilespmem:v22+s17+$0x0], $0xffff;
	[tilespmem:v32+s28+$0x0] =	vst.idx.msk $0xffff, v21  }
0x136: {  	v21 =	vsub.f32 v29, v8;
	v32 =	vor.u32 $0x14, v10;
	v29 =	vld.idx.msk [tilespmem:v30+s17+$0x0], $0xffff  }
0x137: {  	v20 =	vmul.f32 v20, v15;
	v25 =	vsub.f32 v34, v3;
	v34 =	vor.u32 $0x1F, v5;
	v5 =	vmovc v7;
	v7 =	vmovc v10  }
0x138: {  	v10 =	vmovc v13;
	v13 =	vmov v16;
	v16 =	vmov v19;
	v21 =	vmul.f32 v21, v9  }
0x139: {  	v19 =	vmul.f32 v25, v2;
	[tilespmem:v26+s28+$0x0] =	vst.idx.msk $0xffff, v20  }
0x13a: {  	v35 =	vor.u32 $0x4, v16;
	v20 =	vsub.f32 v24, v18;
	v24 =	vld.idx.msk [tilespmem:v28+s17+$0x0], $0xffff;
	[tilespmem:v27+s28+$0x0] =	vst.idx.msk $0xffff, v21  }
0x13b: {  	v25 =	vor.u32 $0xF, v10;
	v21 =	vsub.f32 v23, v11;
	v23 =	vld.idx.msk [tilespmem:v32+s17+$0x0], $0xffff;
	[tilespmem:v33+s28+$0x0] =	vst.idx.msk $0xffff, v19  }
0x13c: {  	v19 =	vmul.f32 v20, v17;
	v26 =	vsub.f32 v29, v4;
	v20 =	vor.u32 $0x1A, v5;
	v29 =	vld.idx.msk [tilespmem:v34+s17+$0x0], $0xffff  }
0x13d: {  	v21 =	vmul.f32 v21, v12  }
0x13e: {  	[tilespmem:v31+s28+$0x0] =	vst.idx.msk $0xffff, v19;
	v19 =	vmul.f32 v26, v6  }
0x13f: {  	v26 =	vld.idx.msk [tilespmem:v35+s17+$0x0], $0xffff;
	[tilespmem:v22+s28+$0x0] =	vst.idx.msk $0xffff, v21  }
0x140: {  	v27 =	vor.u32 $0xA, v13;
	v21 =	vsub.f32 v24, v14;
	v22 =	vld.idx.msk [tilespmem:v25+s17+$0x0], $0xffff;
	[tilespmem:v30+s28+$0x0] =	vst.idx.msk $0xffff, v19  }
0x141: {  	v19 =	vsub.f32 v23, v8;
	v23 =	vor.u32 $0x15, v7;
	v31 =	vld.idx.msk [tilespmem:v20+s17+$0x0], $0xffff  }
0x142: {  	v21 =	vmul.f32 v21, v15;
	v24 =	vsub.f32 v29, v3;
	v3 =	vmovc v4;
	v4 =	vmovc v8;
	v8 =	vmov v11  }
0x143: {  	v11 =	vmov v14;
	v14 =	vmov v18;
	v19 =	vmul.f32 v19, v9  }
0x144: {  	[tilespmem:v28+s28+$0x0] =	vst.idx.msk $0xffff, v21;
	v21 =	vmul.f32 v24, v2;
	v2 =	vmovc v6;
	v6 =	vmov v9;
	v9 =	vmov v12  }
.Ltmp2:
0x145: {  	v30 =	vor.u32 $0x5, v16;
	v28 =	vsub.f32 v26, v14;
	v12 =	vmov v15;
	v29 =	vld.idx.msk [tilespmem:v27+s17+$0x0], $0xffff;
	[tilespmem:v32+s28+$0x0] =	vst.idx.msk $0xffff, v19;
	(pc) =	sbr.rel @p2 .LBB2_6-.Ltmp2, $4  }
0x146: {  	v18 =	vor.u32 s12, v0;
	v26 =	vor.u32 $0x10, v10;
	v19 =	vsub.f32 v22, v8;
	v24 =	vld.idx.msk [tilespmem:v23+s17+$0x0], $0xffff;
	[tilespmem:v34+s28+$0x0] =	vst.idx.msk $0xffff, v21  }
0x147: {  	v15 =	vmovc v17;
	v22 =	vmul.f32 v28, v17;
	v32 =	vsub.f32 v31, v3;
	v21 =	vor.u32 $0x1B, v5  }
0x148: {  	v31 =	vand.u32 v1, v18;
	v28 =	vmul.f32 v19, v9  }
0x149: {  	s12 =	sadd.s32 $0x10, s12;
	[tilespmem:v35+s28+$0x0] =	vst.idx.msk $0xffff, v22;
	v22 =	vmul.f32 v32, v2  }
0x14a: {  	v19 =	vshll.u32 v18, $0x5;
	_ =	sdelay $0x3  }
0x14b: {  	v18 =	vld.idx.msk [tilespmem:v31+s19+$0x0], $0xffff  }
0x14c: {  	v32 =	vld.idx.msk [tilespmem:v19+s17+$0x0], $0xffff;
	_ =	sdelay $0x1  }
0x14d: {  	v17 =	vld.idx.msk [tilespmem:v31+s18+$0x0], $0xffff;
	_ =	sdelay $0x2  }
0x14e: {  	v37 =	vor.u32 $0x1, v19;
	v36 =	vsub.f32 v32, v18;
	_ =	sdelay $0x1  }
0x14f: {  	v31 =	vmul.f32 v36, v17;
	_ =	sdelay $0x1  }
0x150: {  	[tilespmem:v19+s28+$0x0] =	vst.idx.msk $0xffff, v31  }
0x151: {  	v31 =	vld.idx.msk [tilespmem:v37+s17+$0x0], $0xffff;
	_ =	sdelay $0x4  }
0x152: {  	v33 =	vor.u32 $0x2, v19;
	v31 =	vsub.f32 v31, v18;
	_ =	sdelay $0x1  }
0x153: {  	v31 =	vmul.f32 v31, v17;
	_ =	sdelay $0x1  }
0x154: {  	[tilespmem:v37+s28+$0x0] =	vst.idx.msk $0xffff, v31  }
0x155: {  	v31 =	vld.idx.msk [tilespmem:v33+s17+$0x0], $0xffff;
	_ =	sdelay $0x4  }
0x156: {  	v38 =	vor.u32 $0x3, v19;
	v31 =	vsub.f32 v31, v18;
	_ =	sdelay $0x1  }
0x157: {  	v31 =	vmul.f32 v31, v17;
	_ =	sdelay $0x1  }
0x158: {  	[tilespmem:v33+s28+$0x0] =	vst.idx.msk $0xffff, v31  }
0x159: {  	v31 =	vld.idx.msk [tilespmem:v38+s17+$0x0], $0xffff;
	_ =	sdelay $0x4  }
0x15a: {  	v39 =	vor.u32 $0x4, v19;
	v31 =	vsub.f32 v31, v18;
	_ =	sdelay $0x1  }
0x15b: {  	v31 =	vmul.f32 v31, v17;
	_ =	sdelay $0x1  }
0x15c: {  	[tilespmem:v38+s28+$0x0] =	vst.idx.msk $0xffff, v31  }
0x15d: {  	v31 =	vld.idx.msk [tilespmem:v39+s17+$0x0], $0xffff;
	_ =	sdelay $0x4  }
0x15e: {  	v40 =	vor.u32 $0x5, v19;
	v31 =	vsub.f32 v31, v18;
	_ =	sdelay $0x1  }
0x15f: {  	v31 =	vmul.f32 v31, v17;
	_ =	sdelay $0x1  }
0x160: {  	v34 =	vld.idx.msk [tilespmem:v30+s17+$0x0], $0xffff;
	[tilespmem:v39+s28+$0x0] =	vst.idx.msk $0xffff, v31  }
0x161: {  	v31 =	vld.idx.msk [tilespmem:v40+s17+$0x0], $0xffff;
	_ =	sdelay $0x3  }
0x162: {  	v42 =	vor.u32 $0x6, v16;
	v41 =	vsub.f32 v34, v14  }
0x163: {  	v35 =	vor.u32 $0x6, v19;
	v31 =	vsub.f32 v31, v18  }
0x164: {  	v33 =	vmul.f32 v41, v15  }
0x165: {  	v31 =	vmul.f32 v31, v17  }
0x166: {  	[tilespmem:v30+s28+$0x0] =	vst.idx.msk $0xffff, v33  }
0x167: {  	v30 =	vld.idx.msk [tilespmem:v42+s17+$0x0], $0xffff;
	[tilespmem:v40+s28+$0x0] =	vst.idx.msk $0xffff, v31  }
0x168: {  	v31 =	vld.idx.msk [tilespmem:v35+s17+$0x0], $0xffff;
	_ =	sdelay $0x3  }
0x169: {  	v43 =	vor.u32 $0x7, v16;
	v30 =	vsub.f32 v30, v14  }
0x16a: {  	v44 =	vor.u32 $0x7, v19;
	v31 =	vsub.f32 v31, v18  }
0x16b: {  	v30 =	vmul.f32 v30, v15  }
0x16c: {  	v31 =	vmul.f32 v31, v17  }
0x16d: {  	[tilespmem:v42+s28+$0x0] =	vst.idx.msk $0xffff, v30  }
0x16e: {  	v30 =	vld.idx.msk [tilespmem:v43+s17+$0x0], $0xffff;
	[tilespmem:v35+s28+$0x0] =	vst.idx.msk $0xffff, v31  }
0x16f: {  	v31 =	vld.idx.msk [tilespmem:v44+s17+$0x0], $0xffff;
	_ =	sdelay $0x3  }
0x170: {  	v45 =	vor.u32 $0x8, v16;
	v30 =	vsub.f32 v30, v14  }
0x171: {  	v46 =	vor.u32 $0x8, v19;
	v31 =	vsub.f32 v31, v18  }
0x172: {  	v30 =	vmul.f32 v30, v15  }
0x173: {  	v31 =	vmul.f32 v31, v17  }
0x174: {  	[tilespmem:v43+s28+$0x0] =	vst.idx.msk $0xffff, v30  }
0x175: {  	v30 =	vld.idx.msk [tilespmem:v45+s17+$0x0], $0xffff;
	[tilespmem:v44+s28+$0x0] =	vst.idx.msk $0xffff, v31  }
0x176: {  	v31 =	vld.idx.msk [tilespmem:v46+s17+$0x0], $0xffff;
	_ =	sdelay $0x3  }
0x177: {  	v47 =	vor.u32 $0x9, v16;
	v30 =	vsub.f32 v30, v14  }
0x178: {  	v48 =	vor.u32 $0x9, v19;
	v31 =	vsub.f32 v31, v18  }
0x179: {  	v30 =	vmul.f32 v30, v15  }
0x17a: {  	v31 =	vmul.f32 v31, v17  }
0x17b: {  	[tilespmem:v45+s28+$0x0] =	vst.idx.msk $0xffff, v30  }
0x17c: {  	v30 =	vld.idx.msk [tilespmem:v47+s17+$0x0], $0xffff;
	[tilespmem:v46+s28+$0x0] =	vst.idx.msk $0xffff, v31  }
0x17d: {  	v31 =	vld.idx.msk [tilespmem:v48+s17+$0x0], $0xffff;
	_ =	sdelay $0x3  }
0x17e: {  	v49 =	vor.u32 $0xA, v16;
	v30 =	vsub.f32 v30, v14  }
0x17f: {  	v50 =	vor.u32 $0xA, v19;
	v31 =	vsub.f32 v31, v18  }
0x180: {  	v30 =	vmul.f32 v30, v15  }
0x181: {  	v31 =	vmul.f32 v31, v17  }
0x182: {  	[tilespmem:v47+s28+$0x0] =	vst.idx.msk $0xffff, v30  }
0x183: {  	v30 =	vld.idx.msk [tilespmem:v49+s17+$0x0], $0xffff;
	[tilespmem:v48+s28+$0x0] =	vst.idx.msk $0xffff, v31  }
0x184: {  	v31 =	vld.idx.msk [tilespmem:v50+s17+$0x0], $0xffff;
	_ =	sdelay $0x2  }
0x185: {  	v29 =	vsub.f32 v29, v11;
	v51 =	vor.u32 $0xB, v13  }
0x186: {  	v52 =	vor.u32 $0xB, v16;
	v30 =	vsub.f32 v30, v14  }
0x187: {  	v29 =	vmul.f32 v29, v12;
	v36 =	vor.u32 $0xB, v19;
	v31 =	vsub.f32 v31, v18  }
0x188: {  	v30 =	vmul.f32 v30, v15  }
0x189: {  	[tilespmem:v27+s28+$0x0] =	vst.idx.msk $0xffff, v29;
	v53 =	vmul.f32 v31, v17  }
0x18a: {  	v29 =	vld.idx.msk [tilespmem:v51+s17+$0x0], $0xffff;
	[tilespmem:v49+s28+$0x0] =	vst.idx.msk $0xffff, v30  }
0x18b: {  	v30 =	vld.idx.msk [tilespmem:v52+s17+$0x0], $0xffff;
	[tilespmem:v50+s28+$0x0] =	vst.idx.msk $0xffff, v53  }
0x18c: {  	v27 =	vld.idx.msk [tilespmem:v36+s17+$0x0], $0xffff;
	_ =	sdelay $0x2  }
0x18d: {  	v54 =	vor.u32 $0xC, v13;
	v29 =	vsub.f32 v29, v11  }
0x18e: {  	v55 =	vor.u32 $0xC, v16;
	v30 =	vsub.f32 v30, v14  }
0x18f: {  	v56 =	vor.u32 $0xC, v19;
	v29 =	vmul.f32 v29, v12;
	v27 =	vsub.f32 v27, v18  }
0x190: {  	v30 =	vmul.f32 v30, v15  }
0x191: {  	[tilespmem:v51+s28+$0x0] =	vst.idx.msk $0xffff, v29;
	v27 =	vmul.f32 v27, v17  }
0x192: {  	v29 =	vld.idx.msk [tilespmem:v54+s17+$0x0], $0xffff;
	[tilespmem:v52+s28+$0x0] =	vst.idx.msk $0xffff, v30  }
0x193: {  	v30 =	vld.idx.msk [tilespmem:v55+s17+$0x0], $0xffff;
	[tilespmem:v36+s28+$0x0] =	vst.idx.msk $0xffff, v27  }
0x194: {  	v27 =	vld.idx.msk [tilespmem:v56+s17+$0x0], $0xffff;
	_ =	sdelay $0x2  }
0x195: {  	v57 =	vor.u32 $0xD, v13;
	v29 =	vsub.f32 v29, v11  }
0x196: {  	v58 =	vor.u32 $0xD, v16;
	v30 =	vsub.f32 v30, v14  }
0x197: {  	v59 =	vor.u32 $0xD, v19;
	v29 =	vmul.f32 v29, v12;
	v27 =	vsub.f32 v27, v18  }
0x198: {  	v30 =	vmul.f32 v30, v15  }
0x199: {  	[tilespmem:v54+s28+$0x0] =	vst.idx.msk $0xffff, v29;
	v27 =	vmul.f32 v27, v17  }
0x19a: {  	v29 =	vld.idx.msk [tilespmem:v57+s17+$0x0], $0xffff;
	[tilespmem:v55+s28+$0x0] =	vst.idx.msk $0xffff, v30  }
0x19b: {  	v30 =	vld.idx.msk [tilespmem:v58+s17+$0x0], $0xffff;
	[tilespmem:v56+s28+$0x0] =	vst.idx.msk $0xffff, v27  }
0x19c: {  	v27 =	vld.idx.msk [tilespmem:v59+s17+$0x0], $0xffff;
	_ =	sdelay $0x2  }
0x19d: {  	v60 =	vor.u32 $0xE, v13;
	v29 =	vsub.f32 v29, v11  }
0x19e: {  	v61 =	vor.u32 $0xE, v16;
	v30 =	vsub.f32 v30, v14  }
0x19f: {  	v62 =	vor.u32 $0xE, v19;
	v29 =	vmul.f32 v29, v12;
	v27 =	vsub.f32 v27, v18  }
0x1a0: {  	v30 =	vmul.f32 v30, v15  }
0x1a1: {  	[tilespmem:v57+s28+$0x0] =	vst.idx.msk $0xffff, v29;
	v27 =	vmul.f32 v27, v17  }
0x1a2: {  	v29 =	vld.idx.msk [tilespmem:v60+s17+$0x0], $0xffff;
	[tilespmem:v58+s28+$0x0] =	vst.idx.msk $0xffff, v30  }
0x1a3: {  	v30 =	vld.idx.msk [tilespmem:v61+s17+$0x0], $0xffff;
	[tilespmem:v59+s28+$0x0] =	vst.idx.msk $0xffff, v27  }
0x1a4: {  	v27 =	vld.idx.msk [tilespmem:v62+s17+$0x0], $0xffff;
	_ =	sdelay $0x2  }
0x1a5: {  	v63 =	vor.u32 $0xF, v13;
	v29 =	vsub.f32 v29, v11  }
0x1a6: {  	v40 =	vor.u32 $0xF, v16;
	v30 =	vsub.f32 v30, v14  }
0x1a7: {  	v41 =	vor.u32 $0xF, v19;
	v29 =	vmul.f32 v29, v12;
	v27 =	vsub.f32 v27, v18  }
0x1a8: {  	v30 =	vmul.f32 v30, v15  }
0x1a9: {  	[tilespmem:v60+s28+$0x0] =	vst.idx.msk $0xffff, v29;
	v27 =	vmul.f32 v27, v17  }
0x1aa: {  	v29 =	vld.idx.msk [tilespmem:v63+s17+$0x0], $0xffff;
	[tilespmem:v61+s28+$0x0] =	vst.idx.msk $0xffff, v30  }
0x1ab: {  	v30 =	vld.idx.msk [tilespmem:v40+s17+$0x0], $0xffff;
	[tilespmem:v62+s28+$0x0] =	vst.idx.msk $0xffff, v27  }
0x1ac: {  	v27 =	vld.idx.msk [tilespmem:v41+s17+$0x0], $0xffff;
	_ =	sdelay $0x2  }
0x1ad: {  	v42 =	vor.u32 $0x10, v13;
	v29 =	vsub.f32 v29, v11  }
0x1ae: {  	v43 =	vor.u32 $0x10, v16;
	v30 =	vsub.f32 v30, v14  }
0x1af: {  	v29 =	vmul.f32 v29, v12;
	v44 =	vor.u32 $0x10, v19;
	v27 =	vsub.f32 v27, v18  }
0x1b0: {  	[tilespmem:v25+s28+$0x0] =	vst.idx.msk $0xffff, v28;
	v45 =	vmul.f32 v30, v15  }
0x1b1: {  	v28 =	vld.idx.msk [tilespmem:v26+s17+$0x0], $0xffff;
	[tilespmem:v63+s28+$0x0] =	vst.idx.msk $0xffff, v29;
	v27 =	vmul.f32 v27, v17  }
0x1b2: {  	v29 =	vld.idx.msk [tilespmem:v42+s17+$0x0], $0xffff;
	[tilespmem:v40+s28+$0x0] =	vst.idx.msk $0xffff, v45  }
0x1b3: {  	v25 =	vld.idx.msk [tilespmem:v43+s17+$0x0], $0xffff;
	[tilespmem:v41+s28+$0x0] =	vst.idx.msk $0xffff, v27  }
0x1b4: {  	v27 =	vld.idx.msk [tilespmem:v44+s17+$0x0], $0xffff;
	_ =	sdelay $0x1  }
0x1b5: {  	v28 =	vsub.f32 v28, v8;
	v46 =	vor.u32 $0x11, v10  }
0x1b6: {  	v29 =	vsub.f32 v29, v11;
	v47 =	vor.u32 $0x11, v13  }
0x1b7: {  	v28 =	vmul.f32 v28, v9;
	v48 =	vor.u32 $0x11, v16;
	v25 =	vsub.f32 v25, v14  }
0x1b8: {  	v29 =	vmul.f32 v29, v12;
	v49 =	vor.u32 $0x11, v19;
	v27 =	vsub.f32 v27, v18  }
0x1b9: {  	[tilespmem:v26+s28+$0x0] =	vst.idx.msk $0xffff, v28;
	v25 =	vmul.f32 v25, v15  }
0x1ba: {  	[tilespmem:v42+s28+$0x0] =	vst.idx.msk $0xffff, v29;
	v26 =	vld.idx.msk [tilespmem:v46+s17+$0x0], $0xffff;
	v27 =	vmul.f32 v27, v17  }
0x1bb: {  	v50 =	vld.idx.msk [tilespmem:v47+s17+$0x0], $0xffff;
	[tilespmem:v43+s28+$0x0] =	vst.idx.msk $0xffff, v25  }
0x1bc: {  	v25 =	vld.idx.msk [tilespmem:v48+s17+$0x0], $0xffff;
	[tilespmem:v44+s28+$0x0] =	vst.idx.msk $0xffff, v27  }
0x1bd: {  	v27 =	vld.idx.msk [tilespmem:v49+s17+$0x0], $0xffff;
	_ =	sdelay $0x1  }
0x1be: {  	v51 =	vor.u32 $0x12, v10;
	v26 =	vsub.f32 v26, v8  }
0x1bf: {  	v52 =	vor.u32 $0x12, v13;
	v28 =	vsub.f32 v50, v11  }
0x1c0: {  	v26 =	vmul.f32 v26, v9;
	v53 =	vor.u32 $0x12, v16;
	v25 =	vsub.f32 v25, v14  }
0x1c1: {  	v54 =	vor.u32 $0x12, v19;
	v28 =	vmul.f32 v28, v12;
	v27 =	vsub.f32 v27, v18  }
0x1c2: {  	[tilespmem:v46+s28+$0x0] =	vst.idx.msk $0xffff, v26;
	v25 =	vmul.f32 v25, v15  }
0x1c3: {  	v26 =	vld.idx.msk [tilespmem:v51+s17+$0x0], $0xffff;
	[tilespmem:v47+s28+$0x0] =	vst.idx.msk $0xffff, v28;
	v27 =	vmul.f32 v27, v17  }
0x1c4: {  	v28 =	vld.idx.msk [tilespmem:v52+s17+$0x0], $0xffff;
	[tilespmem:v48+s28+$0x0] =	vst.idx.msk $0xffff, v25  }
0x1c5: {  	v25 =	vld.idx.msk [tilespmem:v53+s17+$0x0], $0xffff;
	[tilespmem:v49+s28+$0x0] =	vst.idx.msk $0xffff, v27  }
0x1c6: {  	v27 =	vld.idx.msk [tilespmem:v54+s17+$0x0], $0xffff;
	_ =	sdelay $0x1  }
0x1c7: {  	v55 =	vor.u32 $0x13, v10;
	v26 =	vsub.f32 v26, v8  }
0x1c8: {  	v28 =	vsub.f32 v28, v11;
	v56 =	vor.u32 $0x13, v13  }
0x1c9: {  	v57 =	vor.u32 $0x13, v16;
	v26 =	vmul.f32 v26, v9;
	v25 =	vsub.f32 v25, v14  }
0x1ca: {  	v58 =	vor.u32 $0x13, v19;
	v28 =	vmul.f32 v28, v12;
	v27 =	vsub.f32 v27, v18  }
0x1cb: {  	[tilespmem:v51+s28+$0x0] =	vst.idx.msk $0xffff, v26;
	v25 =	vmul.f32 v25, v15  }
0x1cc: {  	v26 =	vld.idx.msk [tilespmem:v55+s17+$0x0], $0xffff;
	[tilespmem:v52+s28+$0x0] =	vst.idx.msk $0xffff, v28;
	v27 =	vmul.f32 v27, v17  }
0x1cd: {  	v28 =	vld.idx.msk [tilespmem:v56+s17+$0x0], $0xffff;
	[tilespmem:v53+s28+$0x0] =	vst.idx.msk $0xffff, v25  }
0x1ce: {  	v25 =	vld.idx.msk [tilespmem:v57+s17+$0x0], $0xffff;
	[tilespmem:v54+s28+$0x0] =	vst.idx.msk $0xffff, v27  }
0x1cf: {  	v27 =	vld.idx.msk [tilespmem:v58+s17+$0x0], $0xffff;
	_ =	sdelay $0x1  }
0x1d0: {  	v26 =	vsub.f32 v26, v8;
	v59 =	vor.u32 $0x14, v10  }
0x1d1: {  	v60 =	vor.u32 $0x14, v13;
	v28 =	vsub.f32 v28, v11  }
0x1d2: {  	v26 =	vmul.f32 v26, v9;
	v61 =	vor.u32 $0x14, v16;
	v25 =	vsub.f32 v25, v14  }
0x1d3: {  	v28 =	vmul.f32 v28, v12;
	v62 =	vor.u32 $0x14, v19;
	v27 =	vsub.f32 v27, v18  }
0x1d4: {  	[tilespmem:v55+s28+$0x0] =	vst.idx.msk $0xffff, v26;
	v25 =	vmul.f32 v25, v15  }
0x1d5: {  	[tilespmem:v56+s28+$0x0] =	vst.idx.msk $0xffff, v28;
	v26 =	vld.idx.msk [tilespmem:v59+s17+$0x0], $0xffff;
	v27 =	vmul.f32 v27, v17  }
0x1d6: {  	v28 =	vld.idx.msk [tilespmem:v60+s17+$0x0], $0xffff;
	[tilespmem:v57+s28+$0x0] =	vst.idx.msk $0xffff, v25  }
0x1d7: {  	v25 =	vld.idx.msk [tilespmem:v61+s17+$0x0], $0xffff;
	[tilespmem:v58+s28+$0x0] =	vst.idx.msk $0xffff, v27  }
0x1d8: {  	v27 =	vld.idx.msk [tilespmem:v62+s17+$0x0], $0xffff;
	_ =	sdelay $0x1  }
0x1d9: {  	v63 =	vor.u32 $0x15, v10;
	v26 =	vsub.f32 v26, v8  }
0x1da: {  	v40 =	vor.u32 $0x15, v13;
	v28 =	vsub.f32 v28, v11  }
0x1db: {  	v26 =	vmul.f32 v26, v9;
	v41 =	vor.u32 $0x15, v16;
	v25 =	vsub.f32 v25, v14  }
0x1dc: {  	v42 =	vor.u32 $0x15, v19;
	v28 =	vmul.f32 v28, v12;
	v27 =	vsub.f32 v27, v18  }
0x1dd: {  	[tilespmem:v59+s28+$0x0] =	vst.idx.msk $0xffff, v26;
	v25 =	vmul.f32 v25, v15  }
0x1de: {  	[tilespmem:v60+s28+$0x0] =	vst.idx.msk $0xffff, v28;
	v26 =	vld.idx.msk [tilespmem:v63+s17+$0x0], $0xffff;
	v27 =	vmul.f32 v27, v17  }
0x1df: {  	v28 =	vld.idx.msk [tilespmem:v40+s17+$0x0], $0xffff;
	[tilespmem:v61+s28+$0x0] =	vst.idx.msk $0xffff, v25  }
0x1e0: {  	v25 =	vld.idx.msk [tilespmem:v41+s17+$0x0], $0xffff;
	[tilespmem:v62+s28+$0x0] =	vst.idx.msk $0xffff, v27  }
0x1e1: {  	v24 =	vsub.f32 v24, v4;
	v43 =	vor.u32 $0x16, v7;
	v27 =	vld.idx.msk [tilespmem:v42+s17+$0x0], $0xffff;
	_ =	sdelay $0x1  }
0x1e2: {  	v24 =	vmul.f32 v24, v6;
	v26 =	vsub.f32 v26, v8;
	v44 =	vor.u32 $0x16, v10  }
0x1e3: {  	v45 =	vor.u32 $0x16, v13;
	v28 =	vsub.f32 v28, v11  }
0x1e4: {  	[tilespmem:v23+s28+$0x0] =	vst.idx.msk $0xffff, v24;
	v46 =	vor.u32 $0x16, v16;
	v26 =	vmul.f32 v26, v9;
	v25 =	vsub.f32 v25, v14  }
0x1e5: {  	v50 =	vld.idx.msk [tilespmem:v43+s17+$0x0], $0xffff;
	v47 =	vmul.f32 v28, v12;
	v49 =	vor.u32 $0x16, v19;
	v48 =	vsub.f32 v27, v18  }
0x1e6: {  	[tilespmem:v63+s28+$0x0] =	vst.idx.msk $0xffff, v26;
	v25 =	vmul.f32 v25, v15  }
0x1e7: {  	[tilespmem:v40+s28+$0x0] =	vst.idx.msk $0xffff, v47;
	v26 =	vld.idx.msk [tilespmem:v44+s17+$0x0], $0xffff;
	v51 =	vmul.f32 v48, v17  }
0x1e8: {  	v52 =	vld.idx.msk [tilespmem:v45+s17+$0x0], $0xffff;
	[tilespmem:v41+s28+$0x0] =	vst.idx.msk $0xffff, v25  }
0x1e9: {  	v25 =	vld.idx.msk [tilespmem:v46+s17+$0x0], $0xffff;
	[tilespmem:v42+s28+$0x0] =	vst.idx.msk $0xffff, v51  }
0x1ea: {  	v28 =	vsub.f32 v50, v4;
	v53 =	vor.u32 $0x17, v7;
	v23 =	vld.idx.msk [tilespmem:v49+s17+$0x0], $0xffff;
	_ =	sdelay $0x1  }
0x1eb: {  	v28 =	vmul.f32 v28, v6;
	v26 =	vsub.f32 v26, v8;
	v54 =	vor.u32 $0x17, v10  }
0x1ec: {  	v55 =	vor.u32 $0x17, v13;
	v24 =	vsub.f32 v52, v11  }
0x1ed: {  	v56 =	vor.u32 $0x17, v16;
	[tilespmem:v43+s28+$0x0] =	vst.idx.msk $0xffff, v28;
	v26 =	vmul.f32 v26, v9;
	v25 =	vsub.f32 v25, v14  }
0x1ee: {  	v29 =	vld.idx.msk [tilespmem:v53+s17+$0x0], $0xffff;
	v24 =	vmul.f32 v24, v12;
	v57 =	vor.u32 $0x17, v19;
	v23 =	vsub.f32 v23, v18  }
0x1ef: {  	[tilespmem:v44+s28+$0x0] =	vst.idx.msk $0xffff, v26;
	v25 =	vmul.f32 v25, v15  }
0x1f0: {  	[tilespmem:v45+s28+$0x0] =	vst.idx.msk $0xffff, v24;
	v26 =	vld.idx.msk [tilespmem:v54+s17+$0x0], $0xffff;
	v23 =	vmul.f32 v23, v17  }
0x1f1: {  	v24 =	vld.idx.msk [tilespmem:v55+s17+$0x0], $0xffff;
	[tilespmem:v46+s28+$0x0] =	vst.idx.msk $0xffff, v25  }
0x1f2: {  	v25 =	vld.idx.msk [tilespmem:v56+s17+$0x0], $0xffff;
	[tilespmem:v49+s28+$0x0] =	vst.idx.msk $0xffff, v23  }
0x1f3: {  	v59 =	vor.u32 $0x18, v7;
	v58 =	vsub.f32 v29, v4;
	v23 =	vld.idx.msk [tilespmem:v57+s17+$0x0], $0xffff;
	_ =	sdelay $0x1  }
0x1f4: {  	v60 =	vor.u32 $0x18, v10;
	v26 =	vsub.f32 v26, v8;
	v27 =	vmul.f32 v58, v6  }
0x1f5: {  	v24 =	vsub.f32 v24, v11;
	v61 =	vor.u32 $0x18, v13  }
0x1f6: {  	v26 =	vmul.f32 v26, v9;
	v25 =	vsub.f32 v25, v14;
	v62 =	vor.u32 $0x18, v16;
	[tilespmem:v53+s28+$0x0] =	vst.idx.msk $0xffff, v27  }
0x1f7: {  	v63 =	vor.u32 $0x18, v19;
	v24 =	vmul.f32 v24, v12;
	v30 =	vld.idx.msk [tilespmem:v59+s17+$0x0], $0xffff;
	v23 =	vsub.f32 v23, v18  }
0x1f8: {  	[tilespmem:v54+s28+$0x0] =	vst.idx.msk $0xffff, v26;
	v25 =	vmul.f32 v25, v15  }
0x1f9: {  	[tilespmem:v55+s28+$0x0] =	vst.idx.msk $0xffff, v24;
	v26 =	vld.idx.msk [tilespmem:v60+s17+$0x0], $0xffff;
	v23 =	vmul.f32 v23, v17  }
0x1fa: {  	v24 =	vld.idx.msk [tilespmem:v61+s17+$0x0], $0xffff;
	[tilespmem:v56+s28+$0x0] =	vst.idx.msk $0xffff, v25  }
0x1fb: {  	v25 =	vld.idx.msk [tilespmem:v62+s17+$0x0], $0xffff;
	[tilespmem:v57+s28+$0x0] =	vst.idx.msk $0xffff, v23  }
0x1fc: {  	v41 =	vor.u32 $0x19, v7;
	v40 =	vsub.f32 v30, v4;
	v23 =	vld.idx.msk [tilespmem:v63+s17+$0x0], $0xffff;
	_ =	sdelay $0x1  }
0x1fd: {  	v26 =	vsub.f32 v26, v8;
	v42 =	vor.u32 $0x19, v10;
	v28 =	vmul.f32 v40, v6  }
0x1fe: {  	v43 =	vor.u32 $0x19, v13;
	v24 =	vsub.f32 v24, v11  }
0x1ff: {  	v44 =	vor.u32 $0x19, v16;
	v26 =	vmul.f32 v26, v9;
	v25 =	vsub.f32 v25, v14;
	[tilespmem:v59+s28+$0x0] =	vst.idx.msk $0xffff, v28  }
0x200: {  	v45 =	vor.u32 $0x19, v19;
	v24 =	vmul.f32 v24, v12;
	v29 =	vld.idx.msk [tilespmem:v41+s17+$0x0], $0xffff;
	v23 =	vsub.f32 v23, v18  }
0x201: {  	[tilespmem:v60+s28+$0x0] =	vst.idx.msk $0xffff, v26;
	v25 =	vmul.f32 v25, v15  }
0x202: {  	[tilespmem:v61+s28+$0x0] =	vst.idx.msk $0xffff, v24;
	v26 =	vld.idx.msk [tilespmem:v42+s17+$0x0], $0xffff;
	v23 =	vmul.f32 v23, v17  }
0x203: {  	v24 =	vld.idx.msk [tilespmem:v43+s17+$0x0], $0xffff;
	[tilespmem:v62+s28+$0x0] =	vst.idx.msk $0xffff, v25  }
0x204: {  	v25 =	vld.idx.msk [tilespmem:v44+s17+$0x0], $0xffff;
	[tilespmem:v63+s28+$0x0] =	vst.idx.msk $0xffff, v23  }
0x205: {  	v47 =	vor.u32 $0x1A, v7;
	v46 =	vsub.f32 v29, v4;
	v23 =	vld.idx.msk [tilespmem:v45+s17+$0x0], $0xffff;
	_ =	sdelay $0x1  }
0x206: {  	v48 =	vor.u32 $0x1A, v10;
	v26 =	vsub.f32 v26, v8;
	v27 =	vmul.f32 v46, v6  }
0x207: {  	v24 =	vsub.f32 v24, v11;
	v49 =	vor.u32 $0x1A, v13  }
0x208: {  	v50 =	vor.u32 $0x1A, v16;
	v25 =	vsub.f32 v25, v14;
	v26 =	vmul.f32 v26, v9;
	[tilespmem:v41+s28+$0x0] =	vst.idx.msk $0xffff, v27  }
0x209: {  	v24 =	vmul.f32 v24, v12;
	v51 =	vor.u32 $0x1A, v19;
	v52 =	vld.idx.msk [tilespmem:v47+s17+$0x0], $0xffff;
	v23 =	vsub.f32 v23, v18  }
0x20a: {  	v25 =	vmul.f32 v25, v15;
	[tilespmem:v42+s28+$0x0] =	vst.idx.msk $0xffff, v26  }
0x20b: {  	[tilespmem:v43+s28+$0x0] =	vst.idx.msk $0xffff, v24;
	v53 =	vld.idx.msk [tilespmem:v48+s17+$0x0], $0xffff;
	v23 =	vmul.f32 v23, v17  }
0x20c: {  	[tilespmem:v44+s28+$0x0] =	vst.idx.msk $0xffff, v25;
	v24 =	vld.idx.msk [tilespmem:v49+s17+$0x0], $0xffff  }
0x20d: {  	v25 =	vld.idx.msk [tilespmem:v50+s17+$0x0], $0xffff;
	[tilespmem:v45+s28+$0x0] =	vst.idx.msk $0xffff, v23  }
0x20e: {  	v54 =	vor.u32 $0x1B, v7;
	v26 =	vsub.f32 v52, v4;
	v23 =	vld.idx.msk [tilespmem:v51+s17+$0x0], $0xffff;
	_ =	sdelay $0x1  }
0x20f: {  	[tilespmem:v20+s28+$0x0] =	vst.idx.msk $0xffff, v22;
	v55 =	vor.u32 $0x1B, v10;
	v30 =	vsub.f32 v53, v8;
	v56 =	vmul.f32 v26, v6  }
0x210: {  	v58 =	vor.u32 $0x1B, v13;
	v59 =	vld.idx.msk [tilespmem:v21+s17+$0x0], $0xffff;
	v57 =	vsub.f32 v24, v11  }
0x211: {  	v60 =	vor.u32 $0x1B, v16;
	v25 =	vsub.f32 v25, v14;
	v30 =	vmul.f32 v30, v9;
	[tilespmem:v47+s28+$0x0] =	vst.idx.msk $0xffff, v56  }
0x212: {  	v61 =	vmul.f32 v57, v12;
	v29 =	vld.idx.msk [tilespmem:v54+s17+$0x0], $0xffff;
	v63 =	vor.u32 $0x1B, v19;
	v62 =	vsub.f32 v23, v18  }
0x213: {  	v25 =	vmul.f32 v25, v15;
	[tilespmem:v48+s28+$0x0] =	vst.idx.msk $0xffff, v30  }
0x214: {  	[tilespmem:v49+s28+$0x0] =	vst.idx.msk $0xffff, v61;
	v30 =	vld.idx.msk [tilespmem:v55+s17+$0x0], $0xffff;
	v36 =	vmul.f32 v62, v17  }
0x215: {  	v39 =	vor.u32 $0x1C, v5;
	v38 =	vsub.f32 v59, v3;
	[tilespmem:v50+s28+$0x0] =	vst.idx.msk $0xffff, v25;
	v37 =	vld.idx.msk [tilespmem:v58+s17+$0x0], $0xffff  }
0x216: {  	v40 =	vld.idx.msk [tilespmem:v60+s17+$0x0], $0xffff;
	[tilespmem:v51+s28+$0x0] =	vst.idx.msk $0xffff, v36  }
0x217: {  	v42 =	vor.u32 $0x1C, v7;
	v25 =	vmul.f32 v38, v2;
	v41 =	vsub.f32 v29, v4;
	v20 =	vld.idx.msk [tilespmem:v63+s17+$0x0], $0xffff;
	_ =	sdelay $0x1  }
0x218: {  	v43 =	vor.u32 $0x1C, v10;
	[tilespmem:v21+s28+$0x0] =	vst.idx.msk $0xffff, v25;
	v30 =	vsub.f32 v30, v8;
	v44 =	vmul.f32 v41, v6  }
0x219: {  	v46 =	vld.idx.msk [tilespmem:v39+s17+$0x0], $0xffff;
	v22 =	vsub.f32 v37, v11;
	v45 =	vor.u32 $0x1C, v13  }
0x21a: {  	v47 =	vor.u32 $0x1C, v16;
	v31 =	vsub.f32 v40, v14;
	v30 =	vmul.f32 v30, v9;
	[tilespmem:v54+s28+$0x0] =	vst.idx.msk $0xffff, v44  }
0x21b: {  	v49 =	vor.u32 $0x1C, v19;
	v48 =	vmul.f32 v22, v12;
	v28 =	vld.idx.msk [tilespmem:v42+s17+$0x0], $0xffff;
	v20 =	vsub.f32 v20, v18  }
0x21c: {  	v50 =	vmul.f32 v31, v15;
	[tilespmem:v55+s28+$0x0] =	vst.idx.msk $0xffff, v30  }
0x21d: {  	[tilespmem:v58+s28+$0x0] =	vst.idx.msk $0xffff, v48;
	v51 =	vld.idx.msk [tilespmem:v43+s17+$0x0], $0xffff;
	v20 =	vmul.f32 v20, v17  }
0x21e: {  	[tilespmem:v60+s28+$0x0] =	vst.idx.msk $0xffff, v50;
	v21 =	vld.idx.msk [tilespmem:v45+s17+$0x0], $0xffff  }
0x21f: {  	v53 =	vor.u32 $0x1D, v5;
	v52 =	vsub.f32 v46, v3;
	v30 =	vld.idx.msk [tilespmem:v47+s17+$0x0], $0xffff;
	[tilespmem:v63+s28+$0x0] =	vst.idx.msk $0xffff, v20  }
0x220: {  	v56 =	vor.u32 $0x1D, v7;
	v55 =	vsub.f32 v28, v4;
	v20 =	vld.idx.msk [tilespmem:v49+s17+$0x0], $0xffff  }
0x221: {  	v54 =	vmul.f32 v52, v2  }
0x222: {  	v57 =	vor.u32 $0x1D, v10;
	v58 =	vmul.f32 v55, v6;
	v31 =	vsub.f32 v51, v8  }
0x223: {  	v59 =	vor.u32 $0x1D, v13;
	v60 =	vor.u32 $0x1D, v16;
	[tilespmem:v39+s28+$0x0] =	vst.idx.msk $0xffff, v54;
	v21 =	vsub.f32 v21, v11  }
0x224: {  	v30 =	vsub.f32 v30, v14;
	v26 =	vld.idx.msk [tilespmem:v53+s17+$0x0], $0xffff;
	[tilespmem:v42+s28+$0x0] =	vst.idx.msk $0xffff, v58;
	v31 =	vmul.f32 v31, v9  }
0x225: {  	v61 =	vor.u32 $0x1D, v19;
	v29 =	vld.idx.msk [tilespmem:v56+s17+$0x0], $0xffff;
	v21 =	vmul.f32 v21, v12;
	v20 =	vsub.f32 v20, v18  }
0x226: {  	v30 =	vmul.f32 v30, v15;
	[tilespmem:v43+s28+$0x0] =	vst.idx.msk $0xffff, v31  }
0x227: {  	[tilespmem:v45+s28+$0x0] =	vst.idx.msk $0xffff, v21;
	v31 =	vld.idx.msk [tilespmem:v57+s17+$0x0], $0xffff;
	v20 =	vmul.f32 v20, v17  }
0x228: {  	[tilespmem:v47+s28+$0x0] =	vst.idx.msk $0xffff, v30;
	v21 =	vld.idx.msk [tilespmem:v59+s17+$0x0], $0xffff  }
0x229: {  	v30 =	vld.idx.msk [tilespmem:v60+s17+$0x0], $0xffff;
	v62 =	vsub.f32 v26, v3;
	[tilespmem:v49+s28+$0x0] =	vst.idx.msk $0xffff, v20  }
0x22a: {  	v37 =	vsub.f32 v29, v4;
	v63 =	vor.u32 $0x1E, v5;
	v20 =	vld.idx.msk [tilespmem:v61+s17+$0x0], $0xffff  }
0x22b: {  	v38 =	vor.u32 $0x1E, v7;
	v36 =	vmul.f32 v62, v2  }
0x22c: {  	v39 =	vor.u32 $0x1E, v10;
	v40 =	vmul.f32 v37, v6;
	v31 =	vsub.f32 v31, v8  }
0x22d: {  	v41 =	vor.u32 $0x1E, v13;
	[tilespmem:v53+s28+$0x0] =	vst.idx.msk $0xffff, v36;
	v21 =	vsub.f32 v21, v11  }
0x22e: {  	v42 =	vor.u32 $0x1E, v16;
	v30 =	vsub.f32 v30, v14;
	[tilespmem:v56+s28+$0x0] =	vst.idx.msk $0xffff, v40;
	v31 =	vmul.f32 v31, v9  }
0x22f: {  	v43 =	vor.u32 $0x1E, v19;
	v21 =	vmul.f32 v21, v12;
	v27 =	vld.idx.msk [tilespmem:v63+s17+$0x0], $0xffff;
	v20 =	vsub.f32 v20, v18  }
0x230: {  	v30 =	vmul.f32 v30, v15;
	v28 =	vld.idx.msk [tilespmem:v38+s17+$0x0], $0xffff;
	[tilespmem:v57+s28+$0x0] =	vst.idx.msk $0xffff, v31  }
0x231: {  	[tilespmem:v59+s28+$0x0] =	vst.idx.msk $0xffff, v21;
	v31 =	vld.idx.msk [tilespmem:v39+s17+$0x0], $0xffff;
	v20 =	vmul.f32 v20, v17  }
0x232: {  	[tilespmem:v60+s28+$0x0] =	vst.idx.msk $0xffff, v30;
	v21 =	vld.idx.msk [tilespmem:v41+s17+$0x0], $0xffff  }
0x233: {  	v46 =	vld.idx.msk [tilespmem:v42+s17+$0x0], $0xffff;
	[tilespmem:v61+s28+$0x0] =	vst.idx.msk $0xffff, v20  }
0x234: {  	v45 =	vor.u32 $0x1F, v5;
	v44 =	vsub.f32 v27, v3;
	v20 =	vld.idx.msk [tilespmem:v43+s17+$0x0], $0xffff  }
0x235: {  	v53 =	vor.u32 $0x1F, v13;
	v48 =	vsub.f32 v28, v4;
	v49 =	vor.u32 $0x1F, v7  }
0x236: {  	v51 =	vor.u32 $0x1F, v10;
	v47 =	vmul.f32 v44, v2;
	v50 =	vsub.f32 v31, v8  }
0x237: {  	v56 =	vor.u32 $0x1F, v16;
	v52 =	vmul.f32 v48, v6;
	v21 =	vsub.f32 v21, v11  }
0x238: {  	v19 =	vor.u32 $0x1F, v19;
	v27 =	vsub.f32 v46, v14;
	[tilespmem:v63+s28+$0x0] =	vst.idx.msk $0xffff, v47;
	v55 =	vmul.f32 v50, v9  }
0x239: {  	[tilespmem:v38+s28+$0x0] =	vst.idx.msk $0xffff, v52;
	v21 =	vmul.f32 v21, v12;
	v54 =	vld.idx.msk [tilespmem:v45+s17+$0x0], $0xffff;
	v20 =	vsub.f32 v20, v18  }
0x23a: {  	v57 =	vmul.f32 v27, v15;
	v23 =	vld.idx.msk [tilespmem:v49+s17+$0x0], $0xffff;
	[tilespmem:v39+s28+$0x0] =	vst.idx.msk $0xffff, v55  }
0x23b: {  	[tilespmem:v41+s28+$0x0] =	vst.idx.msk $0xffff, v21;
	v58 =	vld.idx.msk [tilespmem:v51+s17+$0x0], $0xffff;
	v20 =	vmul.f32 v20, v17  }
0x23c: {  	[tilespmem:v42+s28+$0x0] =	vst.idx.msk $0xffff, v57;
	v21 =	vld.idx.msk [tilespmem:v53+s17+$0x0], $0xffff  }
0x23d: {  	v59 =	vld.idx.msk [tilespmem:v56+s17+$0x0], $0xffff;
	[tilespmem:v43+s28+$0x0] =	vst.idx.msk $0xffff, v20  }
0x23e: {  	v3 =	vsub.f32 v54, v3;
	v20 =	vld.idx.msk [tilespmem:v19+s17+$0x0], $0xffff  }
0x23f: {  	v60 =	vsub.f32 v23, v4  }
0x240: {  	v2 =	vmul.f32 v3, v2;
	v3 =	vsub.f32 v58, v8  }
0x241: {  	v61 =	vsub.f32 v21, v11;
	v4 =	vmul.f32 v60, v6  }
0x242: {  	[tilespmem:v45+s28+$0x0] =	vst.idx.msk $0xffff, v2;
	v2 =	vmul.f32 v3, v9;
	v3 =	vsub.f32 v59, v14  }
0x243: {  	v62 =	vmul.f32 v61, v12;
	[tilespmem:v49+s28+$0x0] =	vst.idx.msk $0xffff, v4;
	v63 =	vsub.f32 v20, v18  }
.Ltmp3:
0x244: {  	[tilespmem:v51+s28+$0x0] =	vst.idx.msk $0xffff, v2;
	v2 =	vmul.f32 v3, v15;
	(pc) =	sbr.rel @!p1 .LBB2_8-.Ltmp3, $4  }
0x245: {  	s12 =	sadd.s32 s9, s8;
	[tilespmem:v53+s28+$0x0] =	vst.idx.msk $0xffff, v62;
	v3 =	vmul.f32 v63, v17  }
0x246: {  	s12 =	sshrl.u32 s12, $0x3;
	[tilespmem:v56+s28+$0x0] =	vst.idx.msk $0xffff, v2  }
0x247: {  	s12 =	sadd.s32 s4, s12;
	[tilespmem:v19+s28+$0x0] =	vst.idx.msk $0xffff, v3  }
0x248: {  	[hbm4b:s12+s5] =	stream.linear.scatter [tilespmem:s28], [sflag:$0x9], $0x1000, $0x38;
	[tilespmem:$0x4300] =	vst v63  }
0x249: {  	_ =	swait.ge [sflag:s29], $0x1000  }
0x24a: {  	[sflag:s29] =	ssyncset.done $0x0  }
0x24b: {  	[sflag:s29] =	ssyncadd.s32 $0xFFFFF000  }
0x24c: {  	_ =	swait.ge [sflag:s30], $0x80  }
.Ltmp4:
0x24d: {  	[sflag:s30] =	ssyncset.done $0x0;
	(pc) =	sbr.rel .LBB2_10-.Ltmp4, $4  }
0x24e: {  	[sflag:s30] =	ssyncadd.s32 $0xFFFFFF80  }
0x24f: {  	_ =	swait.ge [sflag:s31], $0x80  }
0x250: {  	[sflag:s31] =	ssyncset.done $0x0  }
0x251: {  	[sflag:s31] =	ssyncadd.s32 $0xFFFFFF80  }
.LBB2_8:
0x252: {  	s12 =	simm.s32 $0x1  }
0x253: {  	_ =	swait.ge [sflag:s12], $0x80  }
0x254: {  	[sflag:s12] =	ssyncset.done $0x0  }
0x255: {  	[sflag:s12] =	ssyncadd.s32 $0xFFFFFF80  }
0x256: {  	[tilespmem:s17], [sflag:$0x3] =	stream.indirect.gather [hbm4b:s6+s16], $0x20, s5, s16, $0xb8;
	[tilespmem:$0x4300] =	vst v63  }
0x257: {  	_ = 	snop  }
0x258: {  	[tilespmem:s18], [sflag:$0x5] =	stream.indirect.gather [hbm4b:s1+s16], $0x1, s5, s16, $0xb8;
	[tilespmem:$0x4300] =	vst v63  }
0x259: {  	_ = 	snop  }
0x25a: {  	[tilespmem:s19], [sflag:$0x7] =	stream.indirect.gather [hbm4b:s3+s16], $0x1, s5, s16, $0xb8;
	[tilespmem:$0x4300] =	vst v63  }
0x25b: {  	_ =	swait.ge [sflag:s29], $0x1000  }
0x25c: {  	[sflag:s29] =	ssyncset.done $0x0  }
0x25d: {  	[sflag:s29] =	ssyncadd.s32 $0xFFFFF000  }
0x25e: {  	_ =	swait.ge [sflag:s30], $0x80  }
0x25f: {  	[sflag:s30] =	ssyncset.done $0x0  }
0x260: {  	[sflag:s30] =	ssyncadd.s32 $0xFFFFFF80  }
0x261: {  	_ =	swait.ge [sflag:s31], $0x80  }
.Ltmp5:
0x262: {  	s12 =	sshll.u32 s15, $0x8;
	s14 =	rddreg [dreg:$0x7];
	(pc) =	sbr.rel @p0 .LBB2_11-.Ltmp5, $4  }
0x263: {  	s12 =	sadd.s32 s12, s14  }
0x264: {  	[sflag:s31] =	ssyncset.done $0x0;
	s12 =	sshrl.u32 s12, $0x3  }
0x265: {  	[sflag:s31] =	ssyncadd.s32 $0xFFFFFF80;
	s12 =	sadd.s32 s7, s12  }
0x266: {  	[tilespmem:s16], [sflag:$0x2] =	stream.linear.gather [hbm4b:s12+s5], $0x80, $0x38;
	[tilespmem:$0x4300] =	vst v63  }
.LBB2_10:
0x267: {  	_ =	swait.ge [sflag:s2], $0x1000  }
0x268: {  	[sflag:s2] =	ssyncset.done $0x0  }
0x269: {  	[sflag:s2] =	ssyncadd.s32 $0xFFFFF000  }
.LBB2_11:
0x26a: {  	s12 =	simm.s32 $0x0  }
0x26b: {  	v2 =	vor.u32 s12, v0  }
0x26c: {  	v4 =	vand.u32 v1, v2  }
0x26d: {  	v5 =	vshll.u32 v2, $0x5;
	_ =	sdelay $0x3  }
0x26e: {  	v3 =	vld.idx.msk [tilespmem:v4+s23+$0x0], $0xffff  }
0x26f: {  	v6 =	vld.idx.msk [tilespmem:v5+s21+$0x0], $0xffff;
	_ =	sdelay $0x1  }
0x270: {  	v2 =	vld.idx.msk [tilespmem:v4+s22+$0x0], $0xffff;
	_ =	sdelay $0x2  }
0x271: {  	v4 =	vsub.f32 v6, v3;
	v6 =	vor.u32 $0x1, v5;
	_ =	sdelay $0x1  }
0x272: {  	v4 =	vmul.f32 v4, v2;
	_ =	sdelay $0x1  }
0x273: {  	[tilespmem:v5+s0+$0x0] =	vst.idx.msk $0xffff, v4  }
0x274: {  	v4 =	vld.idx.msk [tilespmem:v6+s21+$0x0], $0xffff;
	_ =	sdelay $0x4  }
0x275: {  	v7 =	vor.u32 $0x2, v5;
	v4 =	vsub.f32 v4, v3;
	_ =	sdelay $0x1  }
0x276: {  	v4 =	vmul.f32 v4, v2;
	_ =	sdelay $0x1  }
0x277: {  	[tilespmem:v6+s0+$0x0] =	vst.idx.msk $0xffff, v4  }
0x278: {  	v4 =	vld.idx.msk [tilespmem:v7+s21+$0x0], $0xffff;
	_ =	sdelay $0x4  }
0x279: {  	v6 =	vor.u32 $0x3, v5;
	v4 =	vsub.f32 v4, v3;
	_ =	sdelay $0x1  }
0x27a: {  	v4 =	vmul.f32 v4, v2;
	_ =	sdelay $0x1  }
0x27b: {  	[tilespmem:v7+s0+$0x0] =	vst.idx.msk $0xffff, v4  }
0x27c: {  	v4 =	vld.idx.msk [tilespmem:v6+s21+$0x0], $0xffff;
	_ =	sdelay $0x4  }
0x27d: {  	v7 =	vor.u32 $0x4, v5;
	v4 =	vsub.f32 v4, v3;
	_ =	sdelay $0x1  }
0x27e: {  	v4 =	vmul.f32 v4, v2;
	_ =	sdelay $0x1  }
0x27f: {  	[tilespmem:v6+s0+$0x0] =	vst.idx.msk $0xffff, v4  }
0x280: {  	v4 =	vld.idx.msk [tilespmem:v7+s21+$0x0], $0xffff;
	_ =	sdelay $0x4  }
0x281: {  	v8 =	vor.u32 $0x5, v5;
	v4 =	vsub.f32 v4, v3;
	_ =	sdelay $0x1  }
0x282: {  	s14 =	simm.s32 $0x10;
	v4 =	vmul.f32 v4, v2  }
0x283: {  	v6 =	vor.u32 s14, v0  }
0x284: {  	v9 =	vand.u32 v1, v6;
	[tilespmem:v7+s0+$0x0] =	vst.idx.msk $0xffff, v4  }
0x285: {  	v7 =	vshll.u32 v6, $0x5;
	v6 =	vld.idx.msk [tilespmem:v8+s21+$0x0], $0xffff;
	_ =	sdelay $0x3  }
0x286: {  	v4 =	vld.idx.msk [tilespmem:v9+s23+$0x0], $0xffff  }
0x287: {  	v12 =	vor.u32 $0x6, v5;
	v10 =	vld.idx.msk [tilespmem:v7+s21+$0x0], $0xffff;
	v11 =	vsub.f32 v6, v3;
	_ =	sdelay $0x1  }
0x288: {  	v6 =	vld.idx.msk [tilespmem:v9+s22+$0x0], $0xffff;
	v9 =	vmul.f32 v11, v2;
	_ =	sdelay $0x1  }
0x289: {  	[tilespmem:v8+s0+$0x0] =	vst.idx.msk $0xffff, v9  }
0x28a: {  	v8 =	vsub.f32 v10, v4;
	v9 =	vor.u32 $0x1, v7;
	v10 =	vld.idx.msk [tilespmem:v12+s21+$0x0], $0xffff;
	_ =	sdelay $0x1  }
0x28b: {  	v8 =	vmul.f32 v8, v6;
	_ =	sdelay $0x1  }
0x28c: {  	[tilespmem:v7+s0+$0x0] =	vst.idx.msk $0xffff, v8  }
0x28d: {  	v11 =	vor.u32 $0x7, v5;
	v8 =	vld.idx.msk [tilespmem:v9+s21+$0x0], $0xffff;
	v10 =	vsub.f32 v10, v3;
	_ =	sdelay $0x1  }
0x28e: {  	v10 =	vmul.f32 v10, v2;
	_ =	sdelay $0x1  }
0x28f: {  	[tilespmem:v12+s0+$0x0] =	vst.idx.msk $0xffff, v10  }
0x290: {  	v8 =	vsub.f32 v8, v4;
	v10 =	vor.u32 $0x2, v7;
	v12 =	vld.idx.msk [tilespmem:v11+s21+$0x0], $0xffff;
	_ =	sdelay $0x1  }
0x291: {  	v8 =	vmul.f32 v8, v6;
	_ =	sdelay $0x1  }
0x292: {  	[tilespmem:v9+s0+$0x0] =	vst.idx.msk $0xffff, v8  }
0x293: {  	v8 =	vld.idx.msk [tilespmem:v10+s21+$0x0], $0xffff;
	v9 =	vsub.f32 v12, v3;
	v12 =	vor.u32 $0x8, v5;
	_ =	sdelay $0x1  }
0x294: {  	v9 =	vmul.f32 v9, v2;
	_ =	sdelay $0x1  }
0x295: {  	[tilespmem:v11+s0+$0x0] =	vst.idx.msk $0xffff, v9  }
0x296: {  	v8 =	vsub.f32 v8, v4;
	v9 =	vor.u32 $0x3, v7;
	v11 =	vld.idx.msk [tilespmem:v12+s21+$0x0], $0xffff;
	_ =	sdelay $0x1  }
0x297: {  	v8 =	vmul.f32 v8, v6;
	_ =	sdelay $0x1  }
0x298: {  	[tilespmem:v10+s0+$0x0] =	vst.idx.msk $0xffff, v8  }
0x299: {  	v8 =	vld.idx.msk [tilespmem:v9+s21+$0x0], $0xffff;
	v10 =	vsub.f32 v11, v3;
	v11 =	vor.u32 $0x9, v5;
	_ =	sdelay $0x1  }
0x29a: {  	v10 =	vmul.f32 v10, v2;
	_ =	sdelay $0x1  }
0x29b: {  	[tilespmem:v12+s0+$0x0] =	vst.idx.msk $0xffff, v10  }
0x29c: {  	v8 =	vsub.f32 v8, v4;
	v10 =	vor.u32 $0x4, v7;
	v12 =	vld.idx.msk [tilespmem:v11+s21+$0x0], $0xffff;
	_ =	sdelay $0x1  }
0x29d: {  	v8 =	vmul.f32 v8, v6;
	_ =	sdelay $0x1  }
0x29e: {  	[tilespmem:v9+s0+$0x0] =	vst.idx.msk $0xffff, v8  }
0x29f: {  	v8 =	vld.idx.msk [tilespmem:v10+s21+$0x0], $0xffff;
	v9 =	vsub.f32 v12, v3;
	v12 =	vor.u32 $0xA, v5;
	_ =	sdelay $0x1  }
0x2a0: {  	v9 =	vmul.f32 v9, v2;
	_ =	sdelay $0x1  }
0x2a1: {  	[tilespmem:v11+s0+$0x0] =	vst.idx.msk $0xffff, v9  }
0x2a2: {  	v8 =	vsub.f32 v8, v4;
	v11 =	vor.u32 $0x5, v7;
	v9 =	vld.idx.msk [tilespmem:v12+s21+$0x0], $0xffff  }
0x2a3: {  	s14 =	simm.s32 $0x20  }
0x2a4: {  	v13 =	vor.u32 s14, v0;
	v8 =	vmul.f32 v8, v6  }
0x2a5: {  	v14 =	vand.u32 v1, v13  }
0x2a6: {  	[tilespmem:v10+s0+$0x0] =	vst.idx.msk $0xffff, v8;
	v10 =	vshll.u32 v13, $0x5  }
0x2a7: {  	v15 =	vor.u32 $0xB, v5;
	v13 =	vld.idx.msk [tilespmem:v11+s21+$0x0], $0xffff;
	v8 =	vsub.f32 v9, v3;
	_ =	sdelay $0x1  }
0x2a8: {  	v9 =	vmul.f32 v8, v2  }
0x2a9: {  	v8 =	vld.idx.msk [tilespmem:v14+s23+$0x0], $0xffff  }
0x2aa: {  	v16 =	vld.idx.msk [tilespmem:v10+s21+$0x0], $0xffff;
	[tilespmem:v12+s0+$0x0] =	vst.idx.msk $0xffff, v9  }
0x2ab: {  	v12 =	vsub.f32 v13, v4;
	v13 =	vor.u32 $0x6, v7;
	v17 =	vld.idx.msk [tilespmem:v15+s21+$0x0], $0xffff  }
0x2ac: {  	v9 =	vld.idx.msk [tilespmem:v14+s22+$0x0], $0xffff  }
0x2ad: {  	v12 =	vmul.f32 v12, v6;
	_ =	sdelay $0x1  }
0x2ae: {  	[tilespmem:v11+s0+$0x0] =	vst.idx.msk $0xffff, v12;
	v11 =	vsub.f32 v16, v8;
	v12 =	vor.u32 $0x1, v10  }
0x2af: {  	v14 =	vld.idx.msk [tilespmem:v13+s21+$0x0], $0xffff;
	v16 =	vsub.f32 v17, v3;
	v17 =	vor.u32 $0xC, v5  }
0x2b0: {  	v11 =	vmul.f32 v11, v9  }
0x2b1: {  	v16 =	vmul.f32 v16, v2  }
0x2b2: {  	[tilespmem:v10+s0+$0x0] =	vst.idx.msk $0xffff, v11  }
0x2b3: {  	v11 =	vld.idx.msk [tilespmem:v12+s21+$0x0], $0xffff;
	[tilespmem:v15+s0+$0x0] =	vst.idx.msk $0xffff, v16  }
0x2b4: {  	v14 =	vsub.f32 v14, v4;
	v15 =	vor.u32 $0x7, v7;
	v16 =	vld.idx.msk [tilespmem:v17+s21+$0x0], $0xffff;
	_ =	sdelay $0x1  }
0x2b5: {  	v14 =	vmul.f32 v14, v6;
	_ =	sdelay $0x1  }
0x2b6: {  	[tilespmem:v13+s0+$0x0] =	vst.idx.msk $0xffff, v14;
	v11 =	vsub.f32 v11, v8;
	v13 =	vor.u32 $0x2, v10  }
0x2b7: {  	v18 =	vor.u32 $0xD, v5;
	v14 =	vld.idx.msk [tilespmem:v15+s21+$0x0], $0xffff;
	v16 =	vsub.f32 v16, v3  }
0x2b8: {  	v11 =	vmul.f32 v11, v9  }
0x2b9: {  	v16 =	vmul.f32 v16, v2  }
0x2ba: {  	[tilespmem:v12+s0+$0x0] =	vst.idx.msk $0xffff, v11  }
0x2bb: {  	v11 =	vld.idx.msk [tilespmem:v13+s21+$0x0], $0xffff;
	[tilespmem:v17+s0+$0x0] =	vst.idx.msk $0xffff, v16  }
0x2bc: {  	v12 =	vsub.f32 v14, v4;
	v14 =	vor.u32 $0x8, v7;
	v16 =	vld.idx.msk [tilespmem:v18+s21+$0x0], $0xffff;
	_ =	sdelay $0x1  }
0x2bd: {  	v12 =	vmul.f32 v12, v6;
	_ =	sdelay $0x1  }
0x2be: {  	[tilespmem:v15+s0+$0x0] =	vst.idx.msk $0xffff, v12;
	v11 =	vsub.f32 v11, v8;
	v12 =	vor.u32 $0x3, v10  }
0x2bf: {  	v17 =	vor.u32 $0xE, v5;
	v15 =	vld.idx.msk [tilespmem:v14+s21+$0x0], $0xffff;
	v16 =	vsub.f32 v16, v3  }
0x2c0: {  	v11 =	vmul.f32 v11, v9  }
0x2c1: {  	v16 =	vmul.f32 v16, v2  }
0x2c2: {  	[tilespmem:v13+s0+$0x0] =	vst.idx.msk $0xffff, v11  }
0x2c3: {  	v11 =	vld.idx.msk [tilespmem:v12+s21+$0x0], $0xffff;
	[tilespmem:v18+s0+$0x0] =	vst.idx.msk $0xffff, v16  }
0x2c4: {  	v13 =	vsub.f32 v15, v4;
	v15 =	vor.u32 $0x9, v7;
	v16 =	vld.idx.msk [tilespmem:v17+s21+$0x0], $0xffff;
	_ =	sdelay $0x1  }
0x2c5: {  	v13 =	vmul.f32 v13, v6;
	_ =	sdelay $0x1  }
0x2c6: {  	[tilespmem:v14+s0+$0x0] =	vst.idx.msk $0xffff, v13;
	v11 =	vsub.f32 v11, v8;
	v13 =	vor.u32 $0x4, v10  }
0x2c7: {  	v18 =	vor.u32 $0xF, v5;
	v14 =	vld.idx.msk [tilespmem:v15+s21+$0x0], $0xffff;
	v16 =	vsub.f32 v16, v3  }
0x2c8: {  	v11 =	vmul.f32 v11, v9  }
0x2c9: {  	v16 =	vmul.f32 v16, v2  }
0x2ca: {  	[tilespmem:v12+s0+$0x0] =	vst.idx.msk $0xffff, v11  }
0x2cb: {  	v11 =	vld.idx.msk [tilespmem:v13+s21+$0x0], $0xffff;
	[tilespmem:v17+s0+$0x0] =	vst.idx.msk $0xffff, v16  }
0x2cc: {  	v12 =	vsub.f32 v14, v4;
	v14 =	vor.u32 $0xA, v7;
	v16 =	vld.idx.msk [tilespmem:v18+s21+$0x0], $0xffff;
	_ =	sdelay $0x1  }
0x2cd: {  	v12 =	vmul.f32 v12, v6;
	_ =	sdelay $0x1  }
0x2ce: {  	[tilespmem:v15+s0+$0x0] =	vst.idx.msk $0xffff, v12;
	v11 =	vsub.f32 v11, v8;
	v15 =	vor.u32 $0x5, v10  }
0x2cf: {  	v17 =	vor.u32 $0x10, v5;
	v12 =	vld.idx.msk [tilespmem:v14+s21+$0x0], $0xffff;
	v16 =	vsub.f32 v16, v3  }
0x2d0: {  	s14 =	simm.s32 $0x30;
	v11 =	vmul.f32 v11, v9  }
0x2d1: {  	v19 =	vor.u32 s14, v0;
	v16 =	vmul.f32 v16, v2  }
0x2d2: {  	v20 =	vand.u32 v1, v19;
	[tilespmem:v13+s0+$0x0] =	vst.idx.msk $0xffff, v11  }
0x2d3: {  	v13 =	vshll.u32 v19, $0x5;
	v19 =	vld.idx.msk [tilespmem:v15+s21+$0x0], $0xffff;
	[tilespmem:v18+s0+$0x0] =	vst.idx.msk $0xffff, v16  }
0x2d4: {  	v11 =	vsub.f32 v12, v4;
	v16 =	vor.u32 $0xB, v7;
	v12 =	vld.idx.msk [tilespmem:v17+s21+$0x0], $0xffff;
	_ =	sdelay $0x1  }
0x2d5: {  	v18 =	vmul.f32 v11, v6  }
0x2d6: {  	v11 =	vld.idx.msk [tilespmem:v20+s23+$0x0], $0xffff  }
0x2d7: {  	v21 =	vld.idx.msk [tilespmem:v13+s21+$0x0], $0xffff;
	[tilespmem:v14+s0+$0x0] =	vst.idx.msk $0xffff, v18;
	v14 =	vsub.f32 v19, v8;
	v18 =	vor.u32 $0x6, v10  }
0x2d8: {  	v23 =	vor.u32 $0x11, v5;
	v19 =	vld.idx.msk [tilespmem:v16+s21+$0x0], $0xffff;
	v22 =	vsub.f32 v12, v3  }
0x2d9: {  	v12 =	vld.idx.msk [tilespmem:v20+s22+$0x0], $0xffff;
	v14 =	vmul.f32 v14, v9  }
0x2da: {  	v20 =	vmul.f32 v22, v2  }
0x2db: {  	[tilespmem:v15+s0+$0x0] =	vst.idx.msk $0xffff, v14  }
0x2dc: {  	v14 =	vsub.f32 v21, v11;
	v15 =	vor.u32 $0x1, v13;
	v21 =	vld.idx.msk [tilespmem:v18+s21+$0x0], $0xffff;
	[tilespmem:v17+s0+$0x0] =	vst.idx.msk $0xffff, v20  }
0x2dd: {  	v17 =	vsub.f32 v19, v4;
	v19 =	vor.u32 $0xC, v7;
	v20 =	vld.idx.msk [tilespmem:v23+s21+$0x0], $0xffff  }
0x2de: {  	v14 =	vmul.f32 v14, v12  }
0x2df: {  	v17 =	vmul.f32 v17, v6  }
0x2e0: {  	[tilespmem:v13+s0+$0x0] =	vst.idx.msk $0xffff, v14  }
0x2e1: {  	v14 =	vld.idx.msk [tilespmem:v15+s21+$0x0], $0xffff;
	[tilespmem:v16+s0+$0x0] =	vst.idx.msk $0xffff, v17;
	v16 =	vsub.f32 v21, v8;
	v17 =	vor.u32 $0x7, v10  }
0x2e2: {  	v22 =	vor.u32 $0x12, v5;
	v21 =	vld.idx.msk [tilespmem:v19+s21+$0x0], $0xffff;
	v20 =	vsub.f32 v20, v3  }
0x2e3: {  	v16 =	vmul.f32 v16, v9  }
0x2e4: {  	v20 =	vmul.f32 v20, v2  }
0x2e5: {  	[tilespmem:v18+s0+$0x0] =	vst.idx.msk $0xffff, v16  }
0x2e6: {  	v16 =	vor.u32 $0x2, v13;
	v14 =	vsub.f32 v14, v11;
	v18 =	vld.idx.msk [tilespmem:v17+s21+$0x0], $0xffff;
	[tilespmem:v23+s0+$0x0] =	vst.idx.msk $0xffff, v20  }
0x2e7: {  	v20 =	vsub.f32 v21, v4;
	v21 =	vor.u32 $0xD, v7;
	v23 =	vld.idx.msk [tilespmem:v22+s21+$0x0], $0xffff  }
0x2e8: {  	v14 =	vmul.f32 v14, v12  }
0x2e9: {  	v20 =	vmul.f32 v20, v6  }
0x2ea: {  	[tilespmem:v15+s0+$0x0] =	vst.idx.msk $0xffff, v14  }
0x2eb: {  	v14 =	vld.idx.msk [tilespmem:v16+s21+$0x0], $0xffff;
	[tilespmem:v19+s0+$0x0] =	vst.idx.msk $0xffff, v20;
	v15 =	vsub.f32 v18, v8;
	v18 =	vor.u32 $0x8, v10  }
0x2ec: {  	v19 =	vld.idx.msk [tilespmem:v21+s21+$0x0], $0xffff;
	v20 =	vsub.f32 v23, v3;
	v23 =	vor.u32 $0x13, v5  }
0x2ed: {  	v15 =	vmul.f32 v15, v9  }
0x2ee: {  	v20 =	vmul.f32 v20, v2  }
0x2ef: {  	[tilespmem:v17+s0+$0x0] =	vst.idx.msk $0xffff, v15  }
0x2f0: {  	v15 =	vor.u32 $0x3, v13;
	v14 =	vsub.f32 v14, v11;
	v17 =	vld.idx.msk [tilespmem:v18+s21+$0x0], $0xffff;
	[tilespmem:v22+s0+$0x0] =	vst.idx.msk $0xffff, v20  }
0x2f1: {  	v19 =	vsub.f32 v19, v4;
	v20 =	vor.u32 $0xE, v7;
	v22 =	vld.idx.msk [tilespmem:v23+s21+$0x0], $0xffff  }
0x2f2: {  	v14 =	vmul.f32 v14, v12  }
0x2f3: {  	v19 =	vmul.f32 v19, v6  }
0x2f4: {  	[tilespmem:v16+s0+$0x0] =	vst.idx.msk $0xffff, v14  }
0x2f5: {  	v14 =	vld.idx.msk [tilespmem:v15+s21+$0x0], $0xffff;
	[tilespmem:v21+s0+$0x0] =	vst.idx.msk $0xffff, v19;
	v16 =	vsub.f32 v17, v8;
	v17 =	vor.u32 $0x9, v10  }
0x2f6: {  	v19 =	vld.idx.msk [tilespmem:v20+s21+$0x0], $0xffff;
	v21 =	vsub.f32 v22, v3;
	v22 =	vor.u32 $0x14, v5  }
0x2f7: {  	v16 =	vmul.f32 v16, v9  }
0x2f8: {  	v21 =	vmul.f32 v21, v2  }
0x2f9: {  	[tilespmem:v18+s0+$0x0] =	vst.idx.msk $0xffff, v16  }
0x2fa: {  	v16 =	vor.u32 $0x4, v13;
	v14 =	vsub.f32 v14, v11;
	v18 =	vld.idx.msk [tilespmem:v17+s21+$0x0], $0xffff;
	[tilespmem:v23+s0+$0x0] =	vst.idx.msk $0xffff, v21  }
0x2fb: {  	v19 =	vsub.f32 v19, v4;
	v21 =	vor.u32 $0xF, v7;
	v23 =	vld.idx.msk [tilespmem:v22+s21+$0x0], $0xffff  }
0x2fc: {  	v14 =	vmul.f32 v14, v12  }
0x2fd: {  	v19 =	vmul.f32 v19, v6  }
0x2fe: {  	[tilespmem:v15+s0+$0x0] =	vst.idx.msk $0xffff, v14  }
0x2ff: {  	v14 =	vld.idx.msk [tilespmem:v16+s21+$0x0], $0xffff;
	[tilespmem:v20+s0+$0x0] =	vst.idx.msk $0xffff, v19;
	v15 =	vsub.f32 v18, v8;
	v18 =	vor.u32 $0xA, v10  }
0x300: {  	v19 =	vld.idx.msk [tilespmem:v21+s21+$0x0], $0xffff;
	v20 =	vsub.f32 v23, v3;
	v23 =	vor.u32 $0x15, v5  }
0x301: {  	v15 =	vmul.f32 v15, v9  }
0x302: {  	v20 =	vmul.f32 v20, v2  }
0x303: {  	[tilespmem:v17+s0+$0x0] =	vst.idx.msk $0xffff, v15  }
0x304: {  	s14 =	simm.s32 $0x40;
	v17 =	vor.u32 $0x5, v13;
	v14 =	vsub.f32 v14, v11;
	v15 =	vld.idx.msk [tilespmem:v18+s21+$0x0], $0xffff;
	[tilespmem:v22+s0+$0x0] =	vst.idx.msk $0xffff, v20  }
0x305: {  	v20 =	vor.u32 s14, v0;
	v19 =	vsub.f32 v19, v4;
	v22 =	vor.u32 $0x10, v7;
	v24 =	vld.idx.msk [tilespmem:v23+s21+$0x0], $0xffff  }
0x306: {  	v14 =	vmul.f32 v14, v12;
	v25 =	vand.u32 v1, v20  }
0x307: {  	v19 =	vmul.f32 v19, v6  }
0x308: {  	[tilespmem:v16+s0+$0x0] =	vst.idx.msk $0xffff, v14;
	v16 =	vshll.u32 v20, $0x5  }
0x309: {  	v20 =	vld.idx.msk [tilespmem:v17+s21+$0x0], $0xffff;
	[tilespmem:v21+s0+$0x0] =	vst.idx.msk $0xffff, v19;
	v14 =	vsub.f32 v15, v8;
	v19 =	vor.u32 $0xB, v10  }
0x30a: {  	v26 =	vor.u32 $0x16, v5;
	v21 =	vld.idx.msk [tilespmem:v22+s21+$0x0], $0xffff;
	v24 =	vsub.f32 v24, v3  }
0x30b: {  	v15 =	vld.idx.msk [tilespmem:v25+s22+$0x0], $0xffff;
	v27 =	vmul.f32 v14, v9  }
0x30c: {  	v14 =	vld.idx.msk [tilespmem:v25+s23+$0x0], $0xffff;
	v24 =	vmul.f32 v24, v2  }
0x30d: {  	v25 =	vld.idx.msk [tilespmem:v16+s21+$0x0], $0xffff;
	[tilespmem:v18+s0+$0x0] =	vst.idx.msk $0xffff, v27  }
0x30e: {  	v18 =	vsub.f32 v20, v11;
	v20 =	vor.u32 $0x6, v13;
	v27 =	vld.idx.msk [tilespmem:v19+s21+$0x0], $0xffff;
	[tilespmem:v23+s0+$0x0] =	vst.idx.msk $0xffff, v24  }
0x30f: {  	v21 =	vsub.f32 v21, v4;
	v23 =	vor.u32 $0x11, v7;
	v24 =	vld.idx.msk [tilespmem:v26+s21+$0x0], $0xffff  }
0x310: {  	v18 =	vmul.f32 v18, v12  }
0x311: {  	v21 =	vmul.f32 v21, v6  }
0x312: {  	[tilespmem:v17+s0+$0x0] =	vst.idx.msk $0xffff, v18;
	v17 =	vsub.f32 v25, v14;
	v18 =	vor.u32 $0x1, v16  }
0x313: {  	v25 =	vld.idx.msk [tilespmem:v20+s21+$0x0], $0xffff;
	[tilespmem:v22+s0+$0x0] =	vst.idx.msk $0xffff, v21;
	v21 =	vsub.f32 v27, v8;
	v22 =	vor.u32 $0xC, v10  }
0x314: {  	v28 =	vor.u32 $0x17, v5;
	v27 =	vld.idx.msk [tilespmem:v23+s21+$0x0], $0xffff;
	v17 =	vmul.f32 v17, v15;
	v24 =	vsub.f32 v24, v3  }
0x315: {  	v21 =	vmul.f32 v21, v9  }
0x316: {  	[tilespmem:v16+s0+$0x0] =	vst.idx.msk $0xffff, v17;
	v17 =	vmul.f32 v24, v2  }
0x317: {  	v24 =	vld.idx.msk [tilespmem:v18+s21+$0x0], $0xffff;
	[tilespmem:v19+s0+$0x0] =	vst.idx.msk $0xffff, v21  }
0x318: {  	v21 =	vor.u32 $0x7, v13;
	v19 =	vsub.f32 v25, v11;
	v25 =	vld.idx.msk [tilespmem:v22+s21+$0x0], $0xffff;
	[tilespmem:v26+s0+$0x0] =	vst.idx.msk $0xffff, v17  }
0x319: {  	v17 =	vsub.f32 v27, v4;
	v26 =	vor.u32 $0x12, v7;
	v27 =	vld.idx.msk [tilespmem:v28+s21+$0x0], $0xffff  }
0x31a: {  	v19 =	vmul.f32 v19, v12  }
0x31b: {  	v17 =	vmul.f32 v17, v6  }
0x31c: {  	[tilespmem:v20+s0+$0x0] =	vst.idx.msk $0xffff, v19;
	v19 =	vsub.f32 v24, v14;
	v20 =	vor.u32 $0x2, v16  }
0x31d: {  	v24 =	vld.idx.msk [tilespmem:v21+s21+$0x0], $0xffff;
	[tilespmem:v23+s0+$0x0] =	vst.idx.msk $0xffff, v17;
	v17 =	vsub.f32 v25, v8;
	v23 =	vor.u32 $0xD, v10  }
0x31e: {  	v29 =	vor.u32 $0x18, v5;
	v25 =	vld.idx.msk [tilespmem:v26+s21+$0x0], $0xffff;
	v19 =	vmul.f32 v19, v15;
	v27 =	vsub.f32 v27, v3  }
0x31f: {  	v17 =	vmul.f32 v17, v9  }
0x320: {  	[tilespmem:v18+s0+$0x0] =	vst.idx.msk $0xffff, v19;
	v18 =	vmul.f32 v27, v2  }
0x321: {  	v19 =	vld.idx.msk [tilespmem:v20+s21+$0x0], $0xffff;
	[tilespmem:v22+s0+$0x0] =	vst.idx.msk $0xffff, v17  }
0x322: {  	v22 =	vor.u32 $0x8, v13;
	v17 =	vsub.f32 v24, v11;
	v24 =	vld.idx.msk [tilespmem:v23+s21+$0x0], $0xffff;
	[tilespmem:v28+s0+$0x0] =	vst.idx.msk $0xffff, v18  }
0x323: {  	v18 =	vsub.f32 v25, v4;
	v25 =	vor.u32 $0x13, v7;
	v27 =	vld.idx.msk [tilespmem:v29+s21+$0x0], $0xffff  }
0x324: {  	v17 =	vmul.f32 v17, v12  }
0x325: {  	v18 =	vmul.f32 v18, v6  }
0x326: {  	[tilespmem:v21+s0+$0x0] =	vst.idx.msk $0xffff, v17;
	v17 =	vsub.f32 v19, v14;
	v19 =	vor.u32 $0x3, v16  }
0x327: {  	v21 =	vld.idx.msk [tilespmem:v22+s21+$0x0], $0xffff;
	[tilespmem:v26+s0+$0x0] =	vst.idx.msk $0xffff, v18;
	v18 =	vsub.f32 v24, v8;
	v24 =	vor.u32 $0xE, v10  }
0x328: {  	v28 =	vor.u32 $0x19, v5;
	v26 =	vld.idx.msk [tilespmem:v25+s21+$0x0], $0xffff;
	v17 =	vmul.f32 v17, v15;
	v27 =	vsub.f32 v27, v3  }
0x329: {  	v18 =	vmul.f32 v18, v9  }
0x32a: {  	[tilespmem:v20+s0+$0x0] =	vst.idx.msk $0xffff, v17;
	v17 =	vmul.f32 v27, v2  }
0x32b: {  	v20 =	vld.idx.msk [tilespmem:v19+s21+$0x0], $0xffff;
	[tilespmem:v23+s0+$0x0] =	vst.idx.msk $0xffff, v18  }
0x32c: {  	v18 =	vsub.f32 v21, v11;
	v21 =	vor.u32 $0x9, v13;
	v23 =	vld.idx.msk [tilespmem:v24+s21+$0x0], $0xffff;
	[tilespmem:v29+s0+$0x0] =	vst.idx.msk $0xffff, v17  }
0x32d: {  	v17 =	vsub.f32 v26, v4;
	v26 =	vor.u32 $0x14, v7;
	v27 =	vld.idx.msk [tilespmem:v28+s21+$0x0], $0xffff  }
0x32e: {  	v18 =	vmul.f32 v18, v12  }
0x32f: {  	v17 =	vmul.f32 v17, v6  }
0x330: {  	[tilespmem:v22+s0+$0x0] =	vst.idx.msk $0xffff, v18;
	v18 =	vsub.f32 v20, v14;
	v22 =	vor.u32 $0x4, v16  }
0x331: {  	v29 =	vld.idx.msk [tilespmem:v21+s21+$0x0], $0xffff;
	[tilespmem:v25+s0+$0x0] =	vst.idx.msk $0xffff, v17;
	v17 =	vsub.f32 v23, v8;
	v25 =	vor.u32 $0xF, v10  }
0x332: {  	v20 =	vor.u32 $0x1A, v5;
	v23 =	vld.idx.msk [tilespmem:v26+s21+$0x0], $0xffff;
	v18 =	vmul.f32 v18, v15;
	v27 =	vsub.f32 v27, v3  }
0x333: {  	v17 =	vmul.f32 v17, v9  }
0x334: {  	[tilespmem:v19+s0+$0x0] =	vst.idx.msk $0xffff, v18;
	v18 =	vmul.f32 v27, v2  }
0x335: {  	v19 =	vld.idx.msk [tilespmem:v22+s21+$0x0], $0xffff;
	[tilespmem:v24+s0+$0x0] =	vst.idx.msk $0xffff, v17  }
0x336: {  	v27 =	vor.u32 $0xA, v13;
	v17 =	vsub.f32 v29, v11;
	v24 =	vld.idx.msk [tilespmem:v25+s21+$0x0], $0xffff;
	[tilespmem:v28+s0+$0x0] =	vst.idx.msk $0xffff, v18  }
0x337: {  	v18 =	vsub.f32 v23, v4;
	v23 =	vor.u32 $0x15, v7;
	v28 =	vld.idx.msk [tilespmem:v20+s21+$0x0], $0xffff  }
0x338: {  	v17 =	vmul.f32 v17, v12  }
0x339: {  	v18 =	vmul.f32 v18, v6  }
0x33a: {  	v30 =	vor.u32 $0x5, v16;
	[tilespmem:v21+s0+$0x0] =	vst.idx.msk $0xffff, v17;
	v17 =	vsub.f32 v19, v14  }
0x33b: {  	s14 =	simm.s32 $0x50;
	v21 =	vor.u32 $0x1B, v5;
	[tilespmem:v26+s0+$0x0] =	vst.idx.msk $0xffff, v18;
	v29 =	vld.idx.msk [tilespmem:v27+s21+$0x0], $0xffff;
	v19 =	vsub.f32 v24, v8;
	v26 =	vor.u32 $0x10, v10  }
0x33c: {  	v18 =	vor.u32 s14, v0;
	v17 =	vmul.f32 v17, v15;
	v24 =	vld.idx.msk [tilespmem:v23+s21+$0x0], $0xffff;
	v32 =	vsub.f32 v28, v3  }
0x33d: {  	v31 =	vand.u32 v1, v18;
	v28 =	vmul.f32 v19, v9  }
0x33e: {  	s12 =	simm.s32 $0x60;
	[tilespmem:v22+s0+$0x0] =	vst.idx.msk $0xffff, v17;
	v22 =	vmul.f32 v32, v2  }
.LBB2_12:
0x33f: {  	p0 =	sne.s32 s12, $0x70;
	v19 =	vshll.u32 v18, $0x5;
	v32 =	vld.idx.msk [tilespmem:v30+s21+$0x0], $0xffff;
	[tilespmem:v25+s0+$0x0] =	vst.idx.msk $0xffff, v28  }
0x340: {  	v18 =	vsub.f32 v29, v11;
	v25 =	vor.u32 $0xB, v13;
	v28 =	vld.idx.msk [tilespmem:v26+s21+$0x0], $0xffff;
	[tilespmem:v20+s0+$0x0] =	vst.idx.msk $0xffff, v22  }
0x341: {  	v20 =	vsub.f32 v24, v4;
	v22 =	vor.u32 $0x16, v7;
	v24 =	vld.idx.msk [tilespmem:v21+s21+$0x0], $0xffff  }
0x342: {  	v29 =	vmul.f32 v18, v12;
	v17 =	vld.idx.msk [tilespmem:v31+s22+$0x0], $0xffff  }
0x343: {  	v20 =	vmul.f32 v20, v6;
	v18 =	vld.idx.msk [tilespmem:v31+s23+$0x0], $0xffff  }
0x344: {  	v31 =	vld.idx.msk [tilespmem:v19+s21+$0x0], $0xffff;
	[tilespmem:v27+s0+$0x0] =	vst.idx.msk $0xffff, v29  }
0x345: {  	v27 =	vsub.f32 v32, v14;
	v29 =	vor.u32 $0x6, v16;
	v32 =	vld.idx.msk [tilespmem:v25+s21+$0x0], $0xffff;
	[tilespmem:v23+s0+$0x0] =	vst.idx.msk $0xffff, v20  }
0x346: {  	v20 =	vsub.f32 v28, v8;
	v23 =	vor.u32 $0x11, v10;
	v28 =	vld.idx.msk [tilespmem:v22+s21+$0x0], $0xffff  }
0x347: {  	v33 =	vor.u32 $0x1C, v5;
	v27 =	vmul.f32 v27, v15;
	v24 =	vsub.f32 v24, v3  }
0x348: {  	v20 =	vmul.f32 v20, v9  }
0x349: {  	v24 =	vmul.f32 v24, v2;
	[tilespmem:v30+s0+$0x0] =	vst.idx.msk $0xffff, v27  }
0x34a: {  	v27 =	vsub.f32 v31, v18;
	v30 =	vor.u32 $0x1, v19;
	v31 =	vld.idx.msk [tilespmem:v29+s21+$0x0], $0xffff;
	[tilespmem:v26+s0+$0x0] =	vst.idx.msk $0xffff, v20  }
0x34b: {  	v20 =	vsub.f32 v32, v11;
	v26 =	vor.u32 $0xC, v13;
	v32 =	vld.idx.msk [tilespmem:v23+s21+$0x0], $0xffff;
	[tilespmem:v21+s0+$0x0] =	vst.idx.msk $0xffff, v24  }
0x34c: {  	v21 =	vmul.f32 v27, v17;
	v24 =	vsub.f32 v28, v4;
	v27 =	vor.u32 $0x17, v7;
	v28 =	vld.idx.msk [tilespmem:v33+s21+$0x0], $0xffff  }
0x34d: {  	v20 =	vmul.f32 v20, v12  }
0x34e: {  	[tilespmem:v19+s0+$0x0] =	vst.idx.msk $0xffff, v21;
	v21 =	vmul.f32 v24, v6  }
0x34f: {  	v24 =	vld.idx.msk [tilespmem:v30+s21+$0x0], $0xffff;
	[tilespmem:v25+s0+$0x0] =	vst.idx.msk $0xffff, v20  }
0x350: {  	v20 =	vsub.f32 v31, v14;
	v25 =	vor.u32 $0x7, v16;
	v31 =	vld.idx.msk [tilespmem:v26+s21+$0x0], $0xffff;
	[tilespmem:v22+s0+$0x0] =	vst.idx.msk $0xffff, v21  }
0x351: {  	v21 =	vsub.f32 v32, v8;
	v22 =	vor.u32 $0x12, v10;
	v32 =	vld.idx.msk [tilespmem:v27+s21+$0x0], $0xffff  }
0x352: {  	v34 =	vor.u32 $0x1D, v5;
	v20 =	vmul.f32 v20, v15;
	v28 =	vsub.f32 v28, v3  }
0x353: {  	v21 =	vmul.f32 v21, v9  }
0x354: {  	[tilespmem:v29+s0+$0x0] =	vst.idx.msk $0xffff, v20;
	v20 =	vmul.f32 v28, v2  }
0x355: {  	v24 =	vsub.f32 v24, v18;
	v28 =	vor.u32 $0x2, v19;
	v29 =	vld.idx.msk [tilespmem:v25+s21+$0x0], $0xffff;
	[tilespmem:v23+s0+$0x0] =	vst.idx.msk $0xffff, v21  }
0x356: {  	v21 =	vsub.f32 v31, v11;
	v23 =	vor.u32 $0xD, v13;
	v31 =	vld.idx.msk [tilespmem:v22+s21+$0x0], $0xffff;
	[tilespmem:v33+s0+$0x0] =	vst.idx.msk $0xffff, v20  }
0x357: {  	v20 =	vmul.f32 v24, v17;
	v24 =	vsub.f32 v32, v4;
	v32 =	vor.u32 $0x18, v7;
	v33 =	vld.idx.msk [tilespmem:v34+s21+$0x0], $0xffff  }
0x358: {  	v21 =	vmul.f32 v21, v12  }
0x359: {  	[tilespmem:v30+s0+$0x0] =	vst.idx.msk $0xffff, v20;
	v20 =	vmul.f32 v24, v6  }
0x35a: {  	v24 =	vld.idx.msk [tilespmem:v28+s21+$0x0], $0xffff;
	[tilespmem:v26+s0+$0x0] =	vst.idx.msk $0xffff, v21  }
0x35b: {  	v21 =	vsub.f32 v29, v14;
	v26 =	vor.u32 $0x8, v16;
	v29 =	vld.idx.msk [tilespmem:v23+s21+$0x0], $0xffff;
	[tilespmem:v27+s0+$0x0] =	vst.idx.msk $0xffff, v20  }
0x35c: {  	v20 =	vsub.f32 v31, v8;
	v27 =	vor.u32 $0x13, v10;
	v30 =	vld.idx.msk [tilespmem:v32+s21+$0x0], $0xffff  }
0x35d: {  	v21 =	vmul.f32 v21, v15;
	v31 =	vsub.f32 v33, v3;
	v33 =	vor.u32 $0x1E, v5  }
0x35e: {  	v20 =	vmul.f32 v20, v9  }
0x35f: {  	[tilespmem:v25+s0+$0x0] =	vst.idx.msk $0xffff, v21;
	v21 =	vmul.f32 v31, v2  }
0x360: {  	v24 =	vsub.f32 v24, v18;
	v31 =	vor.u32 $0x3, v19;
	v25 =	vld.idx.msk [tilespmem:v26+s21+$0x0], $0xffff;
	[tilespmem:v22+s0+$0x0] =	vst.idx.msk $0xffff, v20  }
0x361: {  	v20 =	vsub.f32 v29, v11;
	v22 =	vor.u32 $0xE, v13;
	v29 =	vld.idx.msk [tilespmem:v27+s21+$0x0], $0xffff;
	[tilespmem:v34+s0+$0x0] =	vst.idx.msk $0xffff, v21  }
0x362: {  	v21 =	vmul.f32 v24, v17;
	v24 =	vsub.f32 v30, v4;
	v30 =	vor.u32 $0x19, v7;
	v34 =	vld.idx.msk [tilespmem:v33+s21+$0x0], $0xffff  }
0x363: {  	v20 =	vmul.f32 v20, v12  }
0x364: {  	[tilespmem:v28+s0+$0x0] =	vst.idx.msk $0xffff, v21;
	v21 =	vmul.f32 v24, v6  }
0x365: {  	v24 =	vld.idx.msk [tilespmem:v31+s21+$0x0], $0xffff;
	[tilespmem:v23+s0+$0x0] =	vst.idx.msk $0xffff, v20  }
0x366: {  	v28 =	vor.u32 $0x9, v16;
	v20 =	vsub.f32 v25, v14;
	v23 =	vld.idx.msk [tilespmem:v22+s21+$0x0], $0xffff;
	[tilespmem:v32+s0+$0x0] =	vst.idx.msk $0xffff, v21  }
0x367: {  	v21 =	vsub.f32 v29, v8;
	v32 =	vor.u32 $0x14, v10;
	v29 =	vld.idx.msk [tilespmem:v30+s21+$0x0], $0xffff  }
0x368: {  	v20 =	vmul.f32 v20, v15;
	v25 =	vsub.f32 v34, v3;
	v34 =	vor.u32 $0x1F, v5;
	v5 =	vmovc v7;
	v7 =	vmovc v10  }
0x369: {  	v10 =	vmovc v13;
	v13 =	vmov v16;
	v16 =	vmov v19;
	v21 =	vmul.f32 v21, v9  }
0x36a: {  	v19 =	vmul.f32 v25, v2;
	[tilespmem:v26+s0+$0x0] =	vst.idx.msk $0xffff, v20  }
0x36b: {  	v35 =	vor.u32 $0x4, v16;
	v20 =	vsub.f32 v24, v18;
	v24 =	vld.idx.msk [tilespmem:v28+s21+$0x0], $0xffff;
	[tilespmem:v27+s0+$0x0] =	vst.idx.msk $0xffff, v21  }
0x36c: {  	v25 =	vor.u32 $0xF, v10;
	v21 =	vsub.f32 v23, v11;
	v23 =	vld.idx.msk [tilespmem:v32+s21+$0x0], $0xffff;
	[tilespmem:v33+s0+$0x0] =	vst.idx.msk $0xffff, v19  }
0x36d: {  	v19 =	vmul.f32 v20, v17;
	v26 =	vsub.f32 v29, v4;
	v20 =	vor.u32 $0x1A, v5;
	v29 =	vld.idx.msk [tilespmem:v34+s21+$0x0], $0xffff  }
0x36e: {  	v21 =	vmul.f32 v21, v12  }
0x36f: {  	[tilespmem:v31+s0+$0x0] =	vst.idx.msk $0xffff, v19;
	v19 =	vmul.f32 v26, v6  }
0x370: {  	v26 =	vld.idx.msk [tilespmem:v35+s21+$0x0], $0xffff;
	[tilespmem:v22+s0+$0x0] =	vst.idx.msk $0xffff, v21  }
0x371: {  	v27 =	vor.u32 $0xA, v13;
	v21 =	vsub.f32 v24, v14;
	v22 =	vld.idx.msk [tilespmem:v25+s21+$0x0], $0xffff;
	[tilespmem:v30+s0+$0x0] =	vst.idx.msk $0xffff, v19  }
0x372: {  	v19 =	vsub.f32 v23, v8;
	v23 =	vor.u32 $0x15, v7;
	v31 =	vld.idx.msk [tilespmem:v20+s21+$0x0], $0xffff  }
0x373: {  	v21 =	vmul.f32 v21, v15;
	v24 =	vsub.f32 v29, v3;
	v3 =	vmovc v4;
	v4 =	vmovc v8;
	v8 =	vmov v11  }
0x374: {  	v11 =	vmov v14;
	v14 =	vmov v18;
	v19 =	vmul.f32 v19, v9  }
0x375: {  	[tilespmem:v28+s0+$0x0] =	vst.idx.msk $0xffff, v21;
	v21 =	vmul.f32 v24, v2;
	v2 =	vmovc v6;
	v6 =	vmov v9;
	v9 =	vmov v12  }
.Ltmp6:
0x376: {  	v30 =	vor.u32 $0x5, v16;
	v28 =	vsub.f32 v26, v14;
	v12 =	vmov v15;
	v29 =	vld.idx.msk [tilespmem:v27+s21+$0x0], $0xffff;
	[tilespmem:v32+s0+$0x0] =	vst.idx.msk $0xffff, v19;
	(pc) =	sbr.rel @p0 .LBB2_12-.Ltmp6, $4  }
0x377: {  	v18 =	vor.u32 s12, v0;
	v26 =	vor.u32 $0x10, v10;
	v19 =	vsub.f32 v22, v8;
	v24 =	vld.idx.msk [tilespmem:v23+s21+$0x0], $0xffff;
	[tilespmem:v34+s0+$0x0] =	vst.idx.msk $0xffff, v21  }
0x378: {  	v15 =	vmovc v17;
	v22 =	vmul.f32 v28, v17;
	v32 =	vsub.f32 v31, v3;
	v21 =	vor.u32 $0x1B, v5  }
0x379: {  	v31 =	vand.u32 v1, v18;
	v28 =	vmul.f32 v19, v9  }
0x37a: {  	s12 =	sadd.s32 $0x10, s12;
	[tilespmem:v35+s0+$0x0] =	vst.idx.msk $0xffff, v22;
	v22 =	vmul.f32 v32, v2  }
0x37b: {  	v19 =	vshll.u32 v18, $0x5;
	_ =	sdelay $0x3  }
0x37c: {  	v18 =	vld.idx.msk [tilespmem:v31+s23+$0x0], $0xffff  }
0x37d: {  	v32 =	vld.idx.msk [tilespmem:v19+s21+$0x0], $0xffff;
	_ =	sdelay $0x1  }
0x37e: {  	v17 =	vld.idx.msk [tilespmem:v31+s22+$0x0], $0xffff;
	_ =	sdelay $0x2  }
0x37f: {  	v37 =	vor.u32 $0x1, v19;
	v36 =	vsub.f32 v32, v18;
	_ =	sdelay $0x1  }
0x380: {  	v31 =	vmul.f32 v36, v17;
	_ =	sdelay $0x1  }
0x381: {  	[tilespmem:v19+s0+$0x0] =	vst.idx.msk $0xffff, v31  }
0x382: {  	v31 =	vld.idx.msk [tilespmem:v37+s21+$0x0], $0xffff;
	_ =	sdelay $0x4  }
0x383: {  	v33 =	vor.u32 $0x2, v19;
	v31 =	vsub.f32 v31, v18;
	_ =	sdelay $0x1  }
0x384: {  	v31 =	vmul.f32 v31, v17;
	_ =	sdelay $0x1  }
0x385: {  	[tilespmem:v37+s0+$0x0] =	vst.idx.msk $0xffff, v31  }
0x386: {  	v31 =	vld.idx.msk [tilespmem:v33+s21+$0x0], $0xffff;
	_ =	sdelay $0x4  }
0x387: {  	v38 =	vor.u32 $0x3, v19;
	v31 =	vsub.f32 v31, v18;
	_ =	sdelay $0x1  }
0x388: {  	v31 =	vmul.f32 v31, v17;
	_ =	sdelay $0x1  }
0x389: {  	[tilespmem:v33+s0+$0x0] =	vst.idx.msk $0xffff, v31  }
0x38a: {  	v31 =	vld.idx.msk [tilespmem:v38+s21+$0x0], $0xffff;
	_ =	sdelay $0x4  }
0x38b: {  	v39 =	vor.u32 $0x4, v19;
	v31 =	vsub.f32 v31, v18;
	_ =	sdelay $0x1  }
0x38c: {  	v31 =	vmul.f32 v31, v17;
	_ =	sdelay $0x1  }
0x38d: {  	[tilespmem:v38+s0+$0x0] =	vst.idx.msk $0xffff, v31  }
0x38e: {  	v31 =	vld.idx.msk [tilespmem:v39+s21+$0x0], $0xffff;
	_ =	sdelay $0x4  }
0x38f: {  	v40 =	vor.u32 $0x5, v19;
	v31 =	vsub.f32 v31, v18;
	_ =	sdelay $0x1  }
0x390: {  	v31 =	vmul.f32 v31, v17;
	_ =	sdelay $0x1  }
0x391: {  	v34 =	vld.idx.msk [tilespmem:v30+s21+$0x0], $0xffff;
	[tilespmem:v39+s0+$0x0] =	vst.idx.msk $0xffff, v31  }
0x392: {  	v31 =	vld.idx.msk [tilespmem:v40+s21+$0x0], $0xffff;
	_ =	sdelay $0x3  }
0x393: {  	v42 =	vor.u32 $0x6, v16;
	v41 =	vsub.f32 v34, v14  }
0x394: {  	v35 =	vor.u32 $0x6, v19;
	v31 =	vsub.f32 v31, v18  }
0x395: {  	v33 =	vmul.f32 v41, v15  }
0x396: {  	v31 =	vmul.f32 v31, v17  }
0x397: {  	[tilespmem:v30+s0+$0x0] =	vst.idx.msk $0xffff, v33  }
0x398: {  	v30 =	vld.idx.msk [tilespmem:v42+s21+$0x0], $0xffff;
	[tilespmem:v40+s0+$0x0] =	vst.idx.msk $0xffff, v31  }
0x399: {  	v31 =	vld.idx.msk [tilespmem:v35+s21+$0x0], $0xffff;
	_ =	sdelay $0x3  }
0x39a: {  	v43 =	vor.u32 $0x7, v16;
	v30 =	vsub.f32 v30, v14  }
0x39b: {  	v44 =	vor.u32 $0x7, v19;
	v31 =	vsub.f32 v31, v18  }
0x39c: {  	v30 =	vmul.f32 v30, v15  }
0x39d: {  	v31 =	vmul.f32 v31, v17  }
0x39e: {  	[tilespmem:v42+s0+$0x0] =	vst.idx.msk $0xffff, v30  }
0x39f: {  	v30 =	vld.idx.msk [tilespmem:v43+s21+$0x0], $0xffff;
	[tilespmem:v35+s0+$0x0] =	vst.idx.msk $0xffff, v31  }
0x3a0: {  	v31 =	vld.idx.msk [tilespmem:v44+s21+$0x0], $0xffff;
	_ =	sdelay $0x3  }
0x3a1: {  	v45 =	vor.u32 $0x8, v16;
	v30 =	vsub.f32 v30, v14  }
0x3a2: {  	v46 =	vor.u32 $0x8, v19;
	v31 =	vsub.f32 v31, v18  }
0x3a3: {  	v30 =	vmul.f32 v30, v15  }
0x3a4: {  	v31 =	vmul.f32 v31, v17  }
0x3a5: {  	[tilespmem:v43+s0+$0x0] =	vst.idx.msk $0xffff, v30  }
0x3a6: {  	v30 =	vld.idx.msk [tilespmem:v45+s21+$0x0], $0xffff;
	[tilespmem:v44+s0+$0x0] =	vst.idx.msk $0xffff, v31  }
0x3a7: {  	v31 =	vld.idx.msk [tilespmem:v46+s21+$0x0], $0xffff;
	_ =	sdelay $0x3  }
0x3a8: {  	v47 =	vor.u32 $0x9, v16;
	v30 =	vsub.f32 v30, v14  }
0x3a9: {  	v48 =	vor.u32 $0x9, v19;
	v31 =	vsub.f32 v31, v18  }
0x3aa: {  	v30 =	vmul.f32 v30, v15  }
0x3ab: {  	v31 =	vmul.f32 v31, v17  }
0x3ac: {  	[tilespmem:v45+s0+$0x0] =	vst.idx.msk $0xffff, v30  }
0x3ad: {  	v30 =	vld.idx.msk [tilespmem:v47+s21+$0x0], $0xffff;
	[tilespmem:v46+s0+$0x0] =	vst.idx.msk $0xffff, v31  }
0x3ae: {  	v31 =	vld.idx.msk [tilespmem:v48+s21+$0x0], $0xffff;
	_ =	sdelay $0x3  }
0x3af: {  	v49 =	vor.u32 $0xA, v16;
	v30 =	vsub.f32 v30, v14  }
0x3b0: {  	v50 =	vor.u32 $0xA, v19;
	v31 =	vsub.f32 v31, v18  }
0x3b1: {  	v30 =	vmul.f32 v30, v15  }
0x3b2: {  	v31 =	vmul.f32 v31, v17  }
0x3b3: {  	[tilespmem:v47+s0+$0x0] =	vst.idx.msk $0xffff, v30  }
0x3b4: {  	v30 =	vld.idx.msk [tilespmem:v49+s21+$0x0], $0xffff;
	[tilespmem:v48+s0+$0x0] =	vst.idx.msk $0xffff, v31  }
0x3b5: {  	v31 =	vld.idx.msk [tilespmem:v50+s21+$0x0], $0xffff;
	_ =	sdelay $0x2  }
0x3b6: {  	v29 =	vsub.f32 v29, v11;
	v51 =	vor.u32 $0xB, v13  }
0x3b7: {  	v52 =	vor.u32 $0xB, v16;
	v30 =	vsub.f32 v30, v14  }
0x3b8: {  	v29 =	vmul.f32 v29, v12;
	v36 =	vor.u32 $0xB, v19;
	v31 =	vsub.f32 v31, v18  }
0x3b9: {  	v30 =	vmul.f32 v30, v15  }
0x3ba: {  	[tilespmem:v27+s0+$0x0] =	vst.idx.msk $0xffff, v29;
	v53 =	vmul.f32 v31, v17  }
0x3bb: {  	v29 =	vld.idx.msk [tilespmem:v51+s21+$0x0], $0xffff;
	[tilespmem:v49+s0+$0x0] =	vst.idx.msk $0xffff, v30  }
0x3bc: {  	v30 =	vld.idx.msk [tilespmem:v52+s21+$0x0], $0xffff;
	[tilespmem:v50+s0+$0x0] =	vst.idx.msk $0xffff, v53  }
0x3bd: {  	v27 =	vld.idx.msk [tilespmem:v36+s21+$0x0], $0xffff;
	_ =	sdelay $0x2  }
0x3be: {  	v54 =	vor.u32 $0xC, v13;
	v29 =	vsub.f32 v29, v11  }
0x3bf: {  	v55 =	vor.u32 $0xC, v16;
	v30 =	vsub.f32 v30, v14  }
0x3c0: {  	v56 =	vor.u32 $0xC, v19;
	v29 =	vmul.f32 v29, v12;
	v27 =	vsub.f32 v27, v18  }
0x3c1: {  	v30 =	vmul.f32 v30, v15  }
0x3c2: {  	[tilespmem:v51+s0+$0x0] =	vst.idx.msk $0xffff, v29;
	v27 =	vmul.f32 v27, v17  }
0x3c3: {  	v29 =	vld.idx.msk [tilespmem:v54+s21+$0x0], $0xffff;
	[tilespmem:v52+s0+$0x0] =	vst.idx.msk $0xffff, v30  }
0x3c4: {  	v30 =	vld.idx.msk [tilespmem:v55+s21+$0x0], $0xffff;
	[tilespmem:v36+s0+$0x0] =	vst.idx.msk $0xffff, v27  }
0x3c5: {  	v27 =	vld.idx.msk [tilespmem:v56+s21+$0x0], $0xffff;
	_ =	sdelay $0x2  }
0x3c6: {  	v57 =	vor.u32 $0xD, v13;
	v29 =	vsub.f32 v29, v11  }
0x3c7: {  	v58 =	vor.u32 $0xD, v16;
	v30 =	vsub.f32 v30, v14  }
0x3c8: {  	v59 =	vor.u32 $0xD, v19;
	v29 =	vmul.f32 v29, v12;
	v27 =	vsub.f32 v27, v18  }
0x3c9: {  	v30 =	vmul.f32 v30, v15  }
0x3ca: {  	[tilespmem:v54+s0+$0x0] =	vst.idx.msk $0xffff, v29;
	v27 =	vmul.f32 v27, v17  }
0x3cb: {  	v29 =	vld.idx.msk [tilespmem:v57+s21+$0x0], $0xffff;
	[tilespmem:v55+s0+$0x0] =	vst.idx.msk $0xffff, v30  }
0x3cc: {  	v30 =	vld.idx.msk [tilespmem:v58+s21+$0x0], $0xffff;
	[tilespmem:v56+s0+$0x0] =	vst.idx.msk $0xffff, v27  }
0x3cd: {  	v27 =	vld.idx.msk [tilespmem:v59+s21+$0x0], $0xffff;
	_ =	sdelay $0x2  }
0x3ce: {  	v60 =	vor.u32 $0xE, v13;
	v29 =	vsub.f32 v29, v11  }
0x3cf: {  	v61 =	vor.u32 $0xE, v16;
	v30 =	vsub.f32 v30, v14  }
0x3d0: {  	v62 =	vor.u32 $0xE, v19;
	v29 =	vmul.f32 v29, v12;
	v27 =	vsub.f32 v27, v18  }
0x3d1: {  	v30 =	vmul.f32 v30, v15  }
0x3d2: {  	[tilespmem:v57+s0+$0x0] =	vst.idx.msk $0xffff, v29;
	v27 =	vmul.f32 v27, v17  }
0x3d3: {  	v29 =	vld.idx.msk [tilespmem:v60+s21+$0x0], $0xffff;
	[tilespmem:v58+s0+$0x0] =	vst.idx.msk $0xffff, v30  }
0x3d4: {  	v30 =	vld.idx.msk [tilespmem:v61+s21+$0x0], $0xffff;
	[tilespmem:v59+s0+$0x0] =	vst.idx.msk $0xffff, v27  }
0x3d5: {  	v27 =	vld.idx.msk [tilespmem:v62+s21+$0x0], $0xffff;
	_ =	sdelay $0x2  }
0x3d6: {  	v63 =	vor.u32 $0xF, v13;
	v29 =	vsub.f32 v29, v11  }
0x3d7: {  	v40 =	vor.u32 $0xF, v16;
	v30 =	vsub.f32 v30, v14  }
0x3d8: {  	v41 =	vor.u32 $0xF, v19;
	v29 =	vmul.f32 v29, v12;
	v27 =	vsub.f32 v27, v18  }
0x3d9: {  	v30 =	vmul.f32 v30, v15  }
0x3da: {  	[tilespmem:v60+s0+$0x0] =	vst.idx.msk $0xffff, v29;
	v27 =	vmul.f32 v27, v17  }
0x3db: {  	v29 =	vld.idx.msk [tilespmem:v63+s21+$0x0], $0xffff;
	[tilespmem:v61+s0+$0x0] =	vst.idx.msk $0xffff, v30  }
0x3dc: {  	v30 =	vld.idx.msk [tilespmem:v40+s21+$0x0], $0xffff;
	[tilespmem:v62+s0+$0x0] =	vst.idx.msk $0xffff, v27  }
0x3dd: {  	v27 =	vld.idx.msk [tilespmem:v41+s21+$0x0], $0xffff;
	_ =	sdelay $0x2  }
0x3de: {  	v42 =	vor.u32 $0x10, v13;
	v29 =	vsub.f32 v29, v11  }
0x3df: {  	v43 =	vor.u32 $0x10, v16;
	v30 =	vsub.f32 v30, v14  }
0x3e0: {  	v29 =	vmul.f32 v29, v12;
	v44 =	vor.u32 $0x10, v19;
	v27 =	vsub.f32 v27, v18  }
0x3e1: {  	[tilespmem:v25+s0+$0x0] =	vst.idx.msk $0xffff, v28;
	v45 =	vmul.f32 v30, v15  }
0x3e2: {  	v28 =	vld.idx.msk [tilespmem:v26+s21+$0x0], $0xffff;
	[tilespmem:v63+s0+$0x0] =	vst.idx.msk $0xffff, v29;
	v27 =	vmul.f32 v27, v17  }
0x3e3: {  	v29 =	vld.idx.msk [tilespmem:v42+s21+$0x0], $0xffff;
	[tilespmem:v40+s0+$0x0] =	vst.idx.msk $0xffff, v45  }
0x3e4: {  	v25 =	vld.idx.msk [tilespmem:v43+s21+$0x0], $0xffff;
	[tilespmem:v41+s0+$0x0] =	vst.idx.msk $0xffff, v27  }
0x3e5: {  	v27 =	vld.idx.msk [tilespmem:v44+s21+$0x0], $0xffff;
	_ =	sdelay $0x1  }
0x3e6: {  	v28 =	vsub.f32 v28, v8;
	v46 =	vor.u32 $0x11, v10  }
0x3e7: {  	v29 =	vsub.f32 v29, v11;
	v47 =	vor.u32 $0x11, v13  }
0x3e8: {  	v28 =	vmul.f32 v28, v9;
	v48 =	vor.u32 $0x11, v16;
	v25 =	vsub.f32 v25, v14  }
0x3e9: {  	v29 =	vmul.f32 v29, v12;
	v49 =	vor.u32 $0x11, v19;
	v27 =	vsub.f32 v27, v18  }
0x3ea: {  	[tilespmem:v26+s0+$0x0] =	vst.idx.msk $0xffff, v28;
	v25 =	vmul.f32 v25, v15  }
0x3eb: {  	[tilespmem:v42+s0+$0x0] =	vst.idx.msk $0xffff, v29;
	v26 =	vld.idx.msk [tilespmem:v46+s21+$0x0], $0xffff;
	v27 =	vmul.f32 v27, v17  }
0x3ec: {  	v50 =	vld.idx.msk [tilespmem:v47+s21+$0x0], $0xffff;
	[tilespmem:v43+s0+$0x0] =	vst.idx.msk $0xffff, v25  }
0x3ed: {  	v25 =	vld.idx.msk [tilespmem:v48+s21+$0x0], $0xffff;
	[tilespmem:v44+s0+$0x0] =	vst.idx.msk $0xffff, v27  }
0x3ee: {  	v27 =	vld.idx.msk [tilespmem:v49+s21+$0x0], $0xffff;
	_ =	sdelay $0x1  }
0x3ef: {  	v51 =	vor.u32 $0x12, v10;
	v26 =	vsub.f32 v26, v8  }
0x3f0: {  	v52 =	vor.u32 $0x12, v13;
	v28 =	vsub.f32 v50, v11  }
0x3f1: {  	v26 =	vmul.f32 v26, v9;
	v53 =	vor.u32 $0x12, v16;
	v25 =	vsub.f32 v25, v14  }
0x3f2: {  	v54 =	vor.u32 $0x12, v19;
	v28 =	vmul.f32 v28, v12;
	v27 =	vsub.f32 v27, v18  }
0x3f3: {  	[tilespmem:v46+s0+$0x0] =	vst.idx.msk $0xffff, v26;
	v25 =	vmul.f32 v25, v15  }
0x3f4: {  	v26 =	vld.idx.msk [tilespmem:v51+s21+$0x0], $0xffff;
	[tilespmem:v47+s0+$0x0] =	vst.idx.msk $0xffff, v28;
	v27 =	vmul.f32 v27, v17  }
0x3f5: {  	v28 =	vld.idx.msk [tilespmem:v52+s21+$0x0], $0xffff;
	[tilespmem:v48+s0+$0x0] =	vst.idx.msk $0xffff, v25  }
0x3f6: {  	v25 =	vld.idx.msk [tilespmem:v53+s21+$0x0], $0xffff;
	[tilespmem:v49+s0+$0x0] =	vst.idx.msk $0xffff, v27  }
0x3f7: {  	v27 =	vld.idx.msk [tilespmem:v54+s21+$0x0], $0xffff;
	_ =	sdelay $0x1  }
0x3f8: {  	v55 =	vor.u32 $0x13, v10;
	v26 =	vsub.f32 v26, v8  }
0x3f9: {  	v28 =	vsub.f32 v28, v11;
	v56 =	vor.u32 $0x13, v13  }
0x3fa: {  	v57 =	vor.u32 $0x13, v16;
	v26 =	vmul.f32 v26, v9;
	v25 =	vsub.f32 v25, v14  }
0x3fb: {  	v58 =	vor.u32 $0x13, v19;
	v28 =	vmul.f32 v28, v12;
	v27 =	vsub.f32 v27, v18  }
0x3fc: {  	[tilespmem:v51+s0+$0x0] =	vst.idx.msk $0xffff, v26;
	v25 =	vmul.f32 v25, v15  }
0x3fd: {  	v26 =	vld.idx.msk [tilespmem:v55+s21+$0x0], $0xffff;
	[tilespmem:v52+s0+$0x0] =	vst.idx.msk $0xffff, v28;
	v27 =	vmul.f32 v27, v17  }
0x3fe: {  	v28 =	vld.idx.msk [tilespmem:v56+s21+$0x0], $0xffff;
	[tilespmem:v53+s0+$0x0] =	vst.idx.msk $0xffff, v25  }
0x3ff: {  	v25 =	vld.idx.msk [tilespmem:v57+s21+$0x0], $0xffff;
	[tilespmem:v54+s0+$0x0] =	vst.idx.msk $0xffff, v27  }
0x400: {  	v27 =	vld.idx.msk [tilespmem:v58+s21+$0x0], $0xffff;
	_ =	sdelay $0x1  }
0x401: {  	v26 =	vsub.f32 v26, v8;
	v59 =	vor.u32 $0x14, v10  }
0x402: {  	v60 =	vor.u32 $0x14, v13;
	v28 =	vsub.f32 v28, v11  }
0x403: {  	v26 =	vmul.f32 v26, v9;
	v61 =	vor.u32 $0x14, v16;
	v25 =	vsub.f32 v25, v14  }
0x404: {  	v28 =	vmul.f32 v28, v12;
	v62 =	vor.u32 $0x14, v19;
	v27 =	vsub.f32 v27, v18  }
0x405: {  	[tilespmem:v55+s0+$0x0] =	vst.idx.msk $0xffff, v26;
	v25 =	vmul.f32 v25, v15  }
0x406: {  	[tilespmem:v56+s0+$0x0] =	vst.idx.msk $0xffff, v28;
	v26 =	vld.idx.msk [tilespmem:v59+s21+$0x0], $0xffff;
	v27 =	vmul.f32 v27, v17  }
0x407: {  	v28 =	vld.idx.msk [tilespmem:v60+s21+$0x0], $0xffff;
	[tilespmem:v57+s0+$0x0] =	vst.idx.msk $0xffff, v25  }
0x408: {  	v25 =	vld.idx.msk [tilespmem:v61+s21+$0x0], $0xffff;
	[tilespmem:v58+s0+$0x0] =	vst.idx.msk $0xffff, v27  }
0x409: {  	v27 =	vld.idx.msk [tilespmem:v62+s21+$0x0], $0xffff;
	_ =	sdelay $0x1  }
0x40a: {  	v63 =	vor.u32 $0x15, v10;
	v26 =	vsub.f32 v26, v8  }
0x40b: {  	v40 =	vor.u32 $0x15, v13;
	v28 =	vsub.f32 v28, v11  }
0x40c: {  	v26 =	vmul.f32 v26, v9;
	v41 =	vor.u32 $0x15, v16;
	v25 =	vsub.f32 v25, v14  }
0x40d: {  	v42 =	vor.u32 $0x15, v19;
	v28 =	vmul.f32 v28, v12;
	v27 =	vsub.f32 v27, v18  }
0x40e: {  	[tilespmem:v59+s0+$0x0] =	vst.idx.msk $0xffff, v26;
	v25 =	vmul.f32 v25, v15  }
0x40f: {  	[tilespmem:v60+s0+$0x0] =	vst.idx.msk $0xffff, v28;
	v26 =	vld.idx.msk [tilespmem:v63+s21+$0x0], $0xffff;
	v27 =	vmul.f32 v27, v17  }
0x410: {  	v28 =	vld.idx.msk [tilespmem:v40+s21+$0x0], $0xffff;
	[tilespmem:v61+s0+$0x0] =	vst.idx.msk $0xffff, v25  }
0x411: {  	v25 =	vld.idx.msk [tilespmem:v41+s21+$0x0], $0xffff;
	[tilespmem:v62+s0+$0x0] =	vst.idx.msk $0xffff, v27  }
0x412: {  	v24 =	vsub.f32 v24, v4;
	v43 =	vor.u32 $0x16, v7;
	v27 =	vld.idx.msk [tilespmem:v42+s21+$0x0], $0xffff;
	_ =	sdelay $0x1  }
0x413: {  	v24 =	vmul.f32 v24, v6;
	v26 =	vsub.f32 v26, v8;
	v44 =	vor.u32 $0x16, v10  }
0x414: {  	v45 =	vor.u32 $0x16, v13;
	v28 =	vsub.f32 v28, v11  }
0x415: {  	[tilespmem:v23+s0+$0x0] =	vst.idx.msk $0xffff, v24;
	v46 =	vor.u32 $0x16, v16;
	v26 =	vmul.f32 v26, v9;
	v25 =	vsub.f32 v25, v14  }
0x416: {  	v50 =	vld.idx.msk [tilespmem:v43+s21+$0x0], $0xffff;
	v47 =	vmul.f32 v28, v12;
	v49 =	vor.u32 $0x16, v19;
	v48 =	vsub.f32 v27, v18  }
0x417: {  	[tilespmem:v63+s0+$0x0] =	vst.idx.msk $0xffff, v26;
	v25 =	vmul.f32 v25, v15  }
0x418: {  	[tilespmem:v40+s0+$0x0] =	vst.idx.msk $0xffff, v47;
	v26 =	vld.idx.msk [tilespmem:v44+s21+$0x0], $0xffff;
	v51 =	vmul.f32 v48, v17  }
0x419: {  	v52 =	vld.idx.msk [tilespmem:v45+s21+$0x0], $0xffff;
	[tilespmem:v41+s0+$0x0] =	vst.idx.msk $0xffff, v25  }
0x41a: {  	v25 =	vld.idx.msk [tilespmem:v46+s21+$0x0], $0xffff;
	[tilespmem:v42+s0+$0x0] =	vst.idx.msk $0xffff, v51  }
0x41b: {  	v28 =	vsub.f32 v50, v4;
	v53 =	vor.u32 $0x17, v7;
	v23 =	vld.idx.msk [tilespmem:v49+s21+$0x0], $0xffff;
	_ =	sdelay $0x1  }
0x41c: {  	v28 =	vmul.f32 v28, v6;
	v26 =	vsub.f32 v26, v8;
	v54 =	vor.u32 $0x17, v10  }
0x41d: {  	v55 =	vor.u32 $0x17, v13;
	v24 =	vsub.f32 v52, v11  }
0x41e: {  	v56 =	vor.u32 $0x17, v16;
	[tilespmem:v43+s0+$0x0] =	vst.idx.msk $0xffff, v28;
	v26 =	vmul.f32 v26, v9;
	v25 =	vsub.f32 v25, v14  }
0x41f: {  	v29 =	vld.idx.msk [tilespmem:v53+s21+$0x0], $0xffff;
	v24 =	vmul.f32 v24, v12;
	v57 =	vor.u32 $0x17, v19;
	v23 =	vsub.f32 v23, v18  }
0x420: {  	[tilespmem:v44+s0+$0x0] =	vst.idx.msk $0xffff, v26;
	v25 =	vmul.f32 v25, v15  }
0x421: {  	[tilespmem:v45+s0+$0x0] =	vst.idx.msk $0xffff, v24;
	v26 =	vld.idx.msk [tilespmem:v54+s21+$0x0], $0xffff;
	v23 =	vmul.f32 v23, v17  }
0x422: {  	v24 =	vld.idx.msk [tilespmem:v55+s21+$0x0], $0xffff;
	[tilespmem:v46+s0+$0x0] =	vst.idx.msk $0xffff, v25  }
0x423: {  	v25 =	vld.idx.msk [tilespmem:v56+s21+$0x0], $0xffff;
	[tilespmem:v49+s0+$0x0] =	vst.idx.msk $0xffff, v23  }
0x424: {  	v59 =	vor.u32 $0x18, v7;
	v58 =	vsub.f32 v29, v4;
	v23 =	vld.idx.msk [tilespmem:v57+s21+$0x0], $0xffff;
	_ =	sdelay $0x1  }
0x425: {  	v60 =	vor.u32 $0x18, v10;
	v26 =	vsub.f32 v26, v8;
	v27 =	vmul.f32 v58, v6  }
0x426: {  	v24 =	vsub.f32 v24, v11;
	v61 =	vor.u32 $0x18, v13  }
0x427: {  	v26 =	vmul.f32 v26, v9;
	v25 =	vsub.f32 v25, v14;
	v62 =	vor.u32 $0x18, v16;
	[tilespmem:v53+s0+$0x0] =	vst.idx.msk $0xffff, v27  }
0x428: {  	v63 =	vor.u32 $0x18, v19;
	v24 =	vmul.f32 v24, v12;
	v30 =	vld.idx.msk [tilespmem:v59+s21+$0x0], $0xffff;
	v23 =	vsub.f32 v23, v18  }
0x429: {  	[tilespmem:v54+s0+$0x0] =	vst.idx.msk $0xffff, v26;
	v25 =	vmul.f32 v25, v15  }
0x42a: {  	[tilespmem:v55+s0+$0x0] =	vst.idx.msk $0xffff, v24;
	v26 =	vld.idx.msk [tilespmem:v60+s21+$0x0], $0xffff;
	v23 =	vmul.f32 v23, v17  }
0x42b: {  	v24 =	vld.idx.msk [tilespmem:v61+s21+$0x0], $0xffff;
	[tilespmem:v56+s0+$0x0] =	vst.idx.msk $0xffff, v25  }
0x42c: {  	v25 =	vld.idx.msk [tilespmem:v62+s21+$0x0], $0xffff;
	[tilespmem:v57+s0+$0x0] =	vst.idx.msk $0xffff, v23  }
0x42d: {  	v41 =	vor.u32 $0x19, v7;
	v40 =	vsub.f32 v30, v4;
	v23 =	vld.idx.msk [tilespmem:v63+s21+$0x0], $0xffff;
	_ =	sdelay $0x1  }
0x42e: {  	v26 =	vsub.f32 v26, v8;
	v42 =	vor.u32 $0x19, v10;
	v28 =	vmul.f32 v40, v6  }
0x42f: {  	v43 =	vor.u32 $0x19, v13;
	v24 =	vsub.f32 v24, v11  }
0x430: {  	v44 =	vor.u32 $0x19, v16;
	v26 =	vmul.f32 v26, v9;
	v25 =	vsub.f32 v25, v14;
	[tilespmem:v59+s0+$0x0] =	vst.idx.msk $0xffff, v28  }
0x431: {  	v45 =	vor.u32 $0x19, v19;
	v24 =	vmul.f32 v24, v12;
	v29 =	vld.idx.msk [tilespmem:v41+s21+$0x0], $0xffff;
	v23 =	vsub.f32 v23, v18  }
0x432: {  	[tilespmem:v60+s0+$0x0] =	vst.idx.msk $0xffff, v26;
	v25 =	vmul.f32 v25, v15  }
0x433: {  	[tilespmem:v61+s0+$0x0] =	vst.idx.msk $0xffff, v24;
	v26 =	vld.idx.msk [tilespmem:v42+s21+$0x0], $0xffff;
	v23 =	vmul.f32 v23, v17  }
0x434: {  	v24 =	vld.idx.msk [tilespmem:v43+s21+$0x0], $0xffff;
	[tilespmem:v62+s0+$0x0] =	vst.idx.msk $0xffff, v25  }
0x435: {  	v25 =	vld.idx.msk [tilespmem:v44+s21+$0x0], $0xffff;
	[tilespmem:v63+s0+$0x0] =	vst.idx.msk $0xffff, v23  }
0x436: {  	v47 =	vor.u32 $0x1A, v7;
	v46 =	vsub.f32 v29, v4;
	v23 =	vld.idx.msk [tilespmem:v45+s21+$0x0], $0xffff;
	_ =	sdelay $0x1  }
0x437: {  	v48 =	vor.u32 $0x1A, v10;
	v26 =	vsub.f32 v26, v8;
	v27 =	vmul.f32 v46, v6  }
0x438: {  	v24 =	vsub.f32 v24, v11;
	v49 =	vor.u32 $0x1A, v13  }
0x439: {  	v50 =	vor.u32 $0x1A, v16;
	v25 =	vsub.f32 v25, v14;
	v26 =	vmul.f32 v26, v9;
	[tilespmem:v41+s0+$0x0] =	vst.idx.msk $0xffff, v27  }
0x43a: {  	v24 =	vmul.f32 v24, v12;
	v51 =	vor.u32 $0x1A, v19;
	v52 =	vld.idx.msk [tilespmem:v47+s21+$0x0], $0xffff;
	v23 =	vsub.f32 v23, v18  }
0x43b: {  	v25 =	vmul.f32 v25, v15;
	[tilespmem:v42+s0+$0x0] =	vst.idx.msk $0xffff, v26  }
0x43c: {  	[tilespmem:v43+s0+$0x0] =	vst.idx.msk $0xffff, v24;
	v53 =	vld.idx.msk [tilespmem:v48+s21+$0x0], $0xffff;
	v23 =	vmul.f32 v23, v17  }
0x43d: {  	[tilespmem:v44+s0+$0x0] =	vst.idx.msk $0xffff, v25;
	v24 =	vld.idx.msk [tilespmem:v49+s21+$0x0], $0xffff  }
0x43e: {  	v25 =	vld.idx.msk [tilespmem:v50+s21+$0x0], $0xffff;
	[tilespmem:v45+s0+$0x0] =	vst.idx.msk $0xffff, v23  }
0x43f: {  	v54 =	vor.u32 $0x1B, v7;
	v26 =	vsub.f32 v52, v4;
	v23 =	vld.idx.msk [tilespmem:v51+s21+$0x0], $0xffff;
	_ =	sdelay $0x1  }
0x440: {  	[tilespmem:v20+s0+$0x0] =	vst.idx.msk $0xffff, v22;
	v55 =	vor.u32 $0x1B, v10;
	v30 =	vsub.f32 v53, v8;
	v56 =	vmul.f32 v26, v6  }
0x441: {  	v58 =	vor.u32 $0x1B, v13;
	v59 =	vld.idx.msk [tilespmem:v21+s21+$0x0], $0xffff;
	v57 =	vsub.f32 v24, v11  }
0x442: {  	v60 =	vor.u32 $0x1B, v16;
	v25 =	vsub.f32 v25, v14;
	v30 =	vmul.f32 v30, v9;
	[tilespmem:v47+s0+$0x0] =	vst.idx.msk $0xffff, v56  }
0x443: {  	v61 =	vmul.f32 v57, v12;
	v29 =	vld.idx.msk [tilespmem:v54+s21+$0x0], $0xffff;
	v63 =	vor.u32 $0x1B, v19;
	v62 =	vsub.f32 v23, v18  }
0x444: {  	v25 =	vmul.f32 v25, v15;
	[tilespmem:v48+s0+$0x0] =	vst.idx.msk $0xffff, v30  }
0x445: {  	[tilespmem:v49+s0+$0x0] =	vst.idx.msk $0xffff, v61;
	v30 =	vld.idx.msk [tilespmem:v55+s21+$0x0], $0xffff;
	v36 =	vmul.f32 v62, v17  }
0x446: {  	v39 =	vor.u32 $0x1C, v5;
	v38 =	vsub.f32 v59, v3;
	[tilespmem:v50+s0+$0x0] =	vst.idx.msk $0xffff, v25;
	v37 =	vld.idx.msk [tilespmem:v58+s21+$0x0], $0xffff  }
0x447: {  	v40 =	vld.idx.msk [tilespmem:v60+s21+$0x0], $0xffff;
	[tilespmem:v51+s0+$0x0] =	vst.idx.msk $0xffff, v36  }
0x448: {  	v42 =	vor.u32 $0x1C, v7;
	v25 =	vmul.f32 v38, v2;
	v41 =	vsub.f32 v29, v4;
	v20 =	vld.idx.msk [tilespmem:v63+s21+$0x0], $0xffff;
	_ =	sdelay $0x1  }
0x449: {  	v43 =	vor.u32 $0x1C, v10;
	[tilespmem:v21+s0+$0x0] =	vst.idx.msk $0xffff, v25;
	v30 =	vsub.f32 v30, v8;
	v44 =	vmul.f32 v41, v6  }
0x44a: {  	v46 =	vld.idx.msk [tilespmem:v39+s21+$0x0], $0xffff;
	v22 =	vsub.f32 v37, v11;
	v45 =	vor.u32 $0x1C, v13  }
0x44b: {  	v47 =	vor.u32 $0x1C, v16;
	v31 =	vsub.f32 v40, v14;
	v30 =	vmul.f32 v30, v9;
	[tilespmem:v54+s0+$0x0] =	vst.idx.msk $0xffff, v44  }
0x44c: {  	v49 =	vor.u32 $0x1C, v19;
	v48 =	vmul.f32 v22, v12;
	v28 =	vld.idx.msk [tilespmem:v42+s21+$0x0], $0xffff;
	v20 =	vsub.f32 v20, v18  }
0x44d: {  	v50 =	vmul.f32 v31, v15;
	[tilespmem:v55+s0+$0x0] =	vst.idx.msk $0xffff, v30  }
0x44e: {  	[tilespmem:v58+s0+$0x0] =	vst.idx.msk $0xffff, v48;
	v51 =	vld.idx.msk [tilespmem:v43+s21+$0x0], $0xffff;
	v20 =	vmul.f32 v20, v17  }
0x44f: {  	[tilespmem:v60+s0+$0x0] =	vst.idx.msk $0xffff, v50;
	v21 =	vld.idx.msk [tilespmem:v45+s21+$0x0], $0xffff  }
0x450: {  	v53 =	vor.u32 $0x1D, v5;
	v52 =	vsub.f32 v46, v3;
	v30 =	vld.idx.msk [tilespmem:v47+s21+$0x0], $0xffff;
	[tilespmem:v63+s0+$0x0] =	vst.idx.msk $0xffff, v20  }
0x451: {  	v56 =	vor.u32 $0x1D, v7;
	v55 =	vsub.f32 v28, v4;
	v20 =	vld.idx.msk [tilespmem:v49+s21+$0x0], $0xffff  }
0x452: {  	v54 =	vmul.f32 v52, v2  }
0x453: {  	v57 =	vor.u32 $0x1D, v10;
	v58 =	vmul.f32 v55, v6;
	v31 =	vsub.f32 v51, v8  }
0x454: {  	v59 =	vor.u32 $0x1D, v13;
	v60 =	vor.u32 $0x1D, v16;
	[tilespmem:v39+s0+$0x0] =	vst.idx.msk $0xffff, v54;
	v21 =	vsub.f32 v21, v11  }
0x455: {  	v30 =	vsub.f32 v30, v14;
	v26 =	vld.idx.msk [tilespmem:v53+s21+$0x0], $0xffff;
	[tilespmem:v42+s0+$0x0] =	vst.idx.msk $0xffff, v58;
	v31 =	vmul.f32 v31, v9  }
0x456: {  	v61 =	vor.u32 $0x1D, v19;
	v29 =	vld.idx.msk [tilespmem:v56+s21+$0x0], $0xffff;
	v21 =	vmul.f32 v21, v12;
	v20 =	vsub.f32 v20, v18  }
0x457: {  	v30 =	vmul.f32 v30, v15;
	[tilespmem:v43+s0+$0x0] =	vst.idx.msk $0xffff, v31  }
0x458: {  	[tilespmem:v45+s0+$0x0] =	vst.idx.msk $0xffff, v21;
	v31 =	vld.idx.msk [tilespmem:v57+s21+$0x0], $0xffff;
	v20 =	vmul.f32 v20, v17  }
0x459: {  	[tilespmem:v47+s0+$0x0] =	vst.idx.msk $0xffff, v30;
	v21 =	vld.idx.msk [tilespmem:v59+s21+$0x0], $0xffff  }
0x45a: {  	v30 =	vld.idx.msk [tilespmem:v60+s21+$0x0], $0xffff;
	v62 =	vsub.f32 v26, v3;
	[tilespmem:v49+s0+$0x0] =	vst.idx.msk $0xffff, v20  }
0x45b: {  	v37 =	vsub.f32 v29, v4;
	v63 =	vor.u32 $0x1E, v5;
	v20 =	vld.idx.msk [tilespmem:v61+s21+$0x0], $0xffff  }
0x45c: {  	v38 =	vor.u32 $0x1E, v7;
	v36 =	vmul.f32 v62, v2  }
0x45d: {  	v39 =	vor.u32 $0x1E, v10;
	v40 =	vmul.f32 v37, v6;
	v31 =	vsub.f32 v31, v8  }
0x45e: {  	v41 =	vor.u32 $0x1E, v13;
	[tilespmem:v53+s0+$0x0] =	vst.idx.msk $0xffff, v36;
	v21 =	vsub.f32 v21, v11  }
0x45f: {  	v42 =	vor.u32 $0x1E, v16;
	v30 =	vsub.f32 v30, v14;
	[tilespmem:v56+s0+$0x0] =	vst.idx.msk $0xffff, v40;
	v31 =	vmul.f32 v31, v9  }
0x460: {  	v43 =	vor.u32 $0x1E, v19;
	v21 =	vmul.f32 v21, v12;
	v27 =	vld.idx.msk [tilespmem:v63+s21+$0x0], $0xffff;
	v20 =	vsub.f32 v20, v18  }
0x461: {  	v30 =	vmul.f32 v30, v15;
	v28 =	vld.idx.msk [tilespmem:v38+s21+$0x0], $0xffff;
	[tilespmem:v57+s0+$0x0] =	vst.idx.msk $0xffff, v31  }
0x462: {  	[tilespmem:v59+s0+$0x0] =	vst.idx.msk $0xffff, v21;
	v31 =	vld.idx.msk [tilespmem:v39+s21+$0x0], $0xffff;
	v20 =	vmul.f32 v20, v17  }
0x463: {  	[tilespmem:v60+s0+$0x0] =	vst.idx.msk $0xffff, v30;
	v21 =	vld.idx.msk [tilespmem:v41+s21+$0x0], $0xffff  }
0x464: {  	v46 =	vld.idx.msk [tilespmem:v42+s21+$0x0], $0xffff;
	[tilespmem:v61+s0+$0x0] =	vst.idx.msk $0xffff, v20  }
0x465: {  	v45 =	vor.u32 $0x1F, v5;
	v44 =	vsub.f32 v27, v3;
	v20 =	vld.idx.msk [tilespmem:v43+s21+$0x0], $0xffff  }
0x466: {  	v53 =	vor.u32 $0x1F, v13;
	v48 =	vsub.f32 v28, v4;
	v49 =	vor.u32 $0x1F, v7  }
0x467: {  	v51 =	vor.u32 $0x1F, v10;
	v47 =	vmul.f32 v44, v2;
	v50 =	vsub.f32 v31, v8  }
0x468: {  	v56 =	vor.u32 $0x1F, v16;
	v52 =	vmul.f32 v48, v6;
	v21 =	vsub.f32 v21, v11  }
0x469: {  	v19 =	vor.u32 $0x1F, v19;
	v27 =	vsub.f32 v46, v14;
	[tilespmem:v63+s0+$0x0] =	vst.idx.msk $0xffff, v47;
	v55 =	vmul.f32 v50, v9  }
0x46a: {  	[tilespmem:v38+s0+$0x0] =	vst.idx.msk $0xffff, v52;
	v21 =	vmul.f32 v21, v12;
	v54 =	vld.idx.msk [tilespmem:v45+s21+$0x0], $0xffff;
	v20 =	vsub.f32 v20, v18  }
0x46b: {  	v57 =	vmul.f32 v27, v15;
	v23 =	vld.idx.msk [tilespmem:v49+s21+$0x0], $0xffff;
	[tilespmem:v39+s0+$0x0] =	vst.idx.msk $0xffff, v55  }
0x46c: {  	[tilespmem:v41+s0+$0x0] =	vst.idx.msk $0xffff, v21;
	v58 =	vld.idx.msk [tilespmem:v51+s21+$0x0], $0xffff;
	v20 =	vmul.f32 v20, v17  }
0x46d: {  	[tilespmem:v42+s0+$0x0] =	vst.idx.msk $0xffff, v57;
	v21 =	vld.idx.msk [tilespmem:v53+s21+$0x0], $0xffff  }
0x46e: {  	v59 =	vld.idx.msk [tilespmem:v56+s21+$0x0], $0xffff;
	[tilespmem:v43+s0+$0x0] =	vst.idx.msk $0xffff, v20  }
0x46f: {  	v3 =	vsub.f32 v54, v3;
	v20 =	vld.idx.msk [tilespmem:v19+s21+$0x0], $0xffff  }
0x470: {  	v60 =	vsub.f32 v23, v4  }
0x471: {  	v2 =	vmul.f32 v3, v2;
	v3 =	vsub.f32 v58, v8  }
0x472: {  	v61 =	vsub.f32 v21, v11;
	v4 =	vmul.f32 v60, v6  }
0x473: {  	s15 =	sadd.s32 $0x1, s15;
	[tilespmem:v45+s0+$0x0] =	vst.idx.msk $0xffff, v2;
	v2 =	vmul.f32 v3, v9;
	v3 =	vsub.f32 v59, v14  }
0x474: {  	p0 =	sne.s32 s15, $0x34;
	v62 =	vmul.f32 v61, v12;
	[tilespmem:v49+s0+$0x0] =	vst.idx.msk $0xffff, v4;
	v63 =	vsub.f32 v20, v18  }
.Ltmp7:
0x475: {  	[tilespmem:v51+s0+$0x0] =	vst.idx.msk $0xffff, v2;
	v2 =	vmul.f32 v3, v15;
	(pc) =	sbr.rel @p0 .LBB2_2-.Ltmp7, $4  }
0x476: {  	s8 =	sadd.s32 s8, s13;
	[tilespmem:v53+s0+$0x0] =	vst.idx.msk $0xffff, v62;
	v3 =	vmul.f32 v63, v17  }
0x477: {  	s8 =	sshrl.u32 s8, $0x3;
	[tilespmem:v56+s0+$0x0] =	vst.idx.msk $0xffff, v2  }
0x478: {  	s8 =	sadd.s32 s4, s8;
	[tilespmem:v19+s0+$0x0] =	vst.idx.msk $0xffff, v3  }
0x479: {  	[hbm4b:s8+s5] =	stream.linear.scatter [tilespmem:s0], [sflag:$0xA], $0x1000, $0x38;
	[tilespmem:$0x4300] =	vst v63  }
0x47a: {  	_ =	swait.ge [sflag:s10], $0x1000  }
0x47b: {  	[sflag:s10] =	ssyncset.done $0x0  }
0x47c: {  	[sflag:s10] =	ssyncadd.s32 $0xFFFFF000  }
0x47d: {  	_ =	swait.ge [sflag:s2], $0x1000  }
0x47e: {  	s12 =	rddreg [dreg:$0x9]  }
0x47f: {  	s8 =	rddreg [dreg:$0x8];
	s12 =	sadd.s32 $0x1, s12  }
0x480: {  	p0 =	sne.s32 s12, s8  }
.Ltmp8:
0x481: {  	_ = 	snop;
	(pc) =	sbr.rel @p0 .LBB2_1-.Ltmp8, $3  }
0x482: {  	_ =	sdelay $0x1  }
0x483: {  	[sflag:s2] =	ssyncset.done $0x0  }
0x484: {  	[sflag:s2] =	ssyncadd.s32 $0xFFFFF000  }
0x485: {  	_ =	sfence.sel $0x180000  }
0x486: {  	[bflag:$0x0] =	sbarrier.arrive $0xFFFF  }
0x487: {  	_ =	strace $0x9000004A  }
0x488: {  	s0 =	stileid.u32;
	[bflag:$0x2] =	sbarrier.arrive $0xFFFF  }
0x489: {  	p0 =	sne.s32 s0, $0x0;
	s0 =	rddreg [dreg:$0x4]  }
0x48a: {  	s0 =	sadd.s32 @!p0 $0x100000, s0  }
0x48b: {  	[sflag:s0] =	ssyncadd.tile.s32 @!p0 $0x1;
	_ =	shalt  }
.Lfunc_end2:
_tile_overlayer_lowered:
.L_overlay_start_2:
0x48c: {  	(tag) =	ssettag $0x2  }
0x48d: {  	s0 =	rddreg [dreg:$0x0];
	s2 =	stileid.u32  }
0x48e: {  	s1 =	rddreg [dreg:$0x1];
	p0 =	sne.s32 s2, $0x0  }
0x48f: {  	s3 =	rddreg [dreg:$0x2];
	[bflag:$0x3] =	sbarrier.arrive $0xFFFF;
	s2 =	simm.s32 @!p0 $0x1C0B  }
0x490: {  	[timem:s3], [sflag:s2] =	dma.local @!p0 [hbm:s0], s1  }
0x491: {  	s0 =	simm.s32 @!p0 $0xB  }
0x492: {  	_ =	swait.ge @!p0 [sflag:s0], s1  }
0x493: {  	s1 =	ssub.s32 @!p0 $0x0, s1;
	[sflag:s0] =	ssyncset.done @!p0 $0x0  }
0x494: {  	[sflag:s0] =	ssyncadd.s32 @!p0 s1  }
0x495: {  	[bflag:$0x3] =	sbarrier.arrive $0xFFFF  }
0x496: {  	_ =	shalt  }

// kernel: sparse-core-data-format-call.1.cloned.1.call-start
scs
called_computation.1_lowered:
.L_overlay_start_0:
0x0: {  	s1 =	sld [smem:$0x3FD9]  }
0x1: {  	s2 =	sld [smem:$0x3FFE];
	_ =	sdelay $0x1  }
0x2: {  	s3 =	srdreg.scid  }
0x3: {  	s0 =	sand.u32 $0x1, s3  }
0x4: {  	s17 =	sshll.u32 s0, $0xA;
	s1 =	sadd.s32 s2, s1  }
0x5: {  	s1 =	sadd.s32 s1, s17  }
0x6: {  	[smem:$0x3FC4] =	sst s1  }
0x7: {  	_ = 	snop  }
0x8: {  	(tm) =	ssettm $0x1  }
0x9: {  	s18 =	sld [smem:$0x3FFB];
	_ =	sdelay $0x3  }
0xa: {  	_ =	strace s18  }
0xb: {  	s1 =	sld [smem:$0x3FFC];
	_ =	sdelay $0x3  }
0xc: {  	_ =	strace s1  }
0xd: {  	s1 =	sld [smem:$0x3FFD];
	_ =	sdelay $0x3  }
0xe: {  	_ =	strace s1  }
0xf: {  	_ =	strace $0x8FFFFFFF  }
0x10: {  	s19 =	sld [smem:$0x3FDB];
	_ =	sdelay $0x1  }
0x11: {  	s20 =	simm.s32 $_scs_section_size  }
0x12: {  	s4 =	simm.s32 $_size__tile_overlayer_lowered;
	s5 =	simm.s32 $_tile_overlayer_lowered  }
0x13: {  	s23 =	simm.s32 $0x1BFF;
	s22 =	sshll.u32 s5, $0x1;
	s1 =	sadd.s32 s20, s19  }
0x14: {  	s6 =	simm.s32 $0x0;
	s21 =	sshll.u32 s4, $0x1;
	s4 =	sadd.s32 s22, s1  }
0x15: {  	[timem:s6], [sflag:s23] =	dma.local [hbm:s4], s21  }
0x16: {  	_ =	swait.ge [sflag:s23], s21  }
0x17: {  	s2 =	ssub.s32 $0x0, s21;
	[sflag:s23] =	ssyncset.done $0x0  }
0x18: {  	[sflag:s23] =	ssyncadd.s32 s2;
	_ =	sdelay $0x1  }
0x19: {  	s24 =	simm.s32 $0x1B8B  }
0x1a: {  	_ =	swait.ge [sflag:s24], $0x1  }
0x1b: {  	[sflag:s24] =	ssyncset.done $0x0  }
0x1c: {  	s26 =	simm.s32 $0x1B8E;
	s25 =	sld [smem:$0x3FFE];
	[sflag:s24] =	ssyncadd.s32 $0xFFFFFFFF  }
0x1d: {  	s27 =	simm.s32 $execute0_lowered;
	[smem:$0x3FD2] =	sst s26  }
0x1e: {  	s4 =	sshll.u32 s27, $0x1;
	_ =	strace $0x80000046;
	[dreg:$0x1] =	wrdreg $0xFFFFFFFF  }
0x1f: {  	s28 =	simm.s32 $_size_execute0_lowered;
	s1 =	sadd.s32 s1, s4;
	[dreg:$0x0] =	wrdreg $0x0  }
0x20: {  	s4 =	sshll.u32 s28, $0x1;
	[dreg:$0x2] =	wrdreg s1  }
0x21: {  	[dreg:$0x3] =	wrdreg s4  }
0x22: {  	[dreg:$0x4] =	wrdreg $0xC0  }
0x23: {  	_ =	task [dreg:s6], $0x5FFFF  }
0x24: {  	[dreg:$0x1] =	wrdreg $0xFFFFFFFF  }
0x25: {  	[dreg:$0x0] =	wrdreg $0x60  }
0x26: {  	[dreg:$0x2] =	wrdreg s25  }
0x27: {  	[dreg:$0x3] =	wrdreg $0x9  }
0x28: {  	_ =	task.clear_ibuf [dreg:s6], $0x4FFFF;
	_ =	strace $0x90000046  }
0x29: {  	s29 =	simm.s32 $0x9;
	_ =	strace $0x80000048  }
0x2a: {  	_ =	swait.ge [sflag:s29], $0x1  }
0x2b: {  	[sflag:s29] =	ssyncadd.s32 $0xFFFFFFFF  }
0x2c: {  	_ =	strace $0x90000048  }
0x2d: {  	_ =	sfence  }
0x2e: {  	s30 =	sld [smem:$0x0];
	_ =	sdelay $0x2  }
0x2f: {  	s31 =	sshll.u32 s3, $0xD;
	s3 =	sshrl.u32 s3, $0x2  }
0x30: {  	s2 =	sand.u32 $0x4000, s31;
	s1 =	sadd.s32 s3, s30  }
0x31: {  	s0 =	sor.u32 s2, s0;
	s1 =	sshll.u32 s1, $0x11  }
0x32: {  	s0 =	sor.u32 s1, s0  }
0x33: {  	s0 =	sadd.s32 $0x8F2B, s0  }
0x34: {  	[sflag:s0] =	ssyncadd.remote.s32 $0x1  }
0x35: {  	_ =	sfence.sel $0xFFFF  }
0x36: {  	[dreg:$0x0] =	wrdreg $0xFFFFFFFF;
	(pc) =	sbr.abs _section_cstart, $3  }
0x37: {  	[dreg:$0x1] =	wrdreg $0xFFFFFFFF  }
0x38: {  	_ =	task.clear_ibuf [dreg:s6], $0x2FFFF;
	_ =	strace $0x9FFFFFFF  }
0x39: {  	(tm) =	ssettm $0x7FFFFFFF  }
tec
execute0_lowered:
.L_overlay_start_1:
0x0: {  	(tag) =	ssettag $0x1  }
0x1: {  	s0 =	srdreg.scid  }
0x2: {  	s5 =	rddreg [dreg:$0x0];
	s1 =	stileid.u32;
	s4 =	simm.s32 $0x1  }
0x3: {  	s6 =	simm.s32 $0x2;
	s15 =	simm.s32 $0x0;
	p0 =	por $0x0, $0x0  }
0x4: {  	s8 =	simm.s32 $0x80;
	s14 =	simm.s32 $0x0;
	s2 =	sshll.u32 s0, $0x4  }
0x5: {  	s9 =	simm.s32 $0x0;
	s10 =	simm.s32 $0x0;
	s2 =	sand.u32 $0x10, s2  }
.Ltmp0:
0x6: {  	s12 =	simm.s32 $0x0;
	s3 =	sor.u32 s1, s2;
	(pc) =	sbr.rel .LBB1_1-.Ltmp0, $4  }
0x7: {  	s0 =	rddreg [dreg:$0x1];
	_ =	strace $0x80000047;
	s3 =	sshll.u32 s3, $0x7  }
0x8: {  	s13 =	simm.s32 $0x0;
	[sflag:s4] =	ssyncpa.u1 $0x0;
	s7 =	ssub.s32 $0xF4200, s3  }
0x9: {  	s2 =	sadd.s32 $0xE00, s5;
	[sflag:s6] =	ssyncpa.u1 $0x0;
	s6 =	sshrl.u32 s7, $0xC  }
0xa: {  	s5 =	sadd.s32 $0x3D1800, s5;
	s11 =	smov.u32 s3;
	s7 =	sadd.s32 $0x2, s6  }
.LBB1_5:
0xb: {  	p1 =	slt.u32 s13, $0x2  }
0xc: {  	s17 =	smov.u32 s15;
	p2 =	sgt.s32 @!p1 s15, $0xF41C0;
	s16 =	sshra.s32 @!p1 s15, $0x1F  }
0xd: {  	p3 =	sgt.s32 @!p1 s14, $0x60;
	s18 =	sshra.s32 @!p1 s14, $0x1F;
	p2 =	por !p2, p1  }
0xe: {  	s15 =	sand.u32 @!p1 s16, s15;
	p3 =	por !p3, p1;
	s16 =	smov.u32 s14  }
0xf: {  	s14 =	sand.u32 @!p1 s18, s14;
	s17 =	simm.s32 @p2 $0xF41C0;
	s16 =	simm.s32 @p3 $0x60  }
0x10: {  	s15 =	ssub.s32 @!p1 s17, s15;
	s14 =	ssub.s32 @!p1 s16, s14  }
0x11: {  	s18 =	smov.u32 s12;
	s16 =	sadd.s32 @!p1 $0xFFF0BE40, s15;
	s17 =	sadd.s32 @!p1 $0xFFFFFFA0, s14  }
0x12: {  	s15 =	ssub.s32 @!p1 $0xF4240, s15;
	p2 =	sgt.s32 @!p1 s16, $0x7F;
	p3 =	sgt.s32 @!p1 s17, $0x1F  }
0x13: {  	s14 =	ssub.s32 @!p1 $0x80, s14;
	p2 =	por !p2, p1;
	p3 =	por !p3, p1  }
0x14: {  	s16 =	sadd.s32 $0x1000, s11;
	s15 =	simm.s32 @!p2 $0x0;
	s14 =	simm.s32 @!p3 $0x0  }
0x15: {  	p2 =	sgt.s32 s16, $0xF423F;
	s14 =	smul.u32 @!p1 s14, s15;
	s15 =	sadd.s32 $0x20, s12  }
0x16: {  	s18 =	smov.u32 @p2 s15  }
0x17: {  	s16 =	smov.u32 @p2 s3;
	p2 =	sgt.s32 s18, $0x1F  }
0x18: {  	s18 =	simm.s32 @p2 $0x0;
	p2 =	sne.s32 s13, s7  }
.Ltmp1:
0x19: {  	p0 =	por !p0, !p0;
	s17 =	simm.s32 @!p1 $0x2;
	(pc) =	sbr.rel @!p2 .LBB1_6-.Ltmp1, $4  }
0x1a: {  	s15 =	smov.u32 s9;
	s9 =	smov.u32 s11;
	s14 =	sand.u32 @!p1 $0x3FFFFFFF, s14  }
0x1b: {  	s11 =	smov.u32 s16;
	_ =	swait.ge @!p1 [sflag:s17], s14;
	s19 =	ssub.s32 @!p1 $0x0, s14  }
0x1c: {  	s14 =	smov.u32 s10;
	s13 =	sadd.s32 $0x1, s13;
	[sflag:s17] =	ssyncset.done @!p1 $0x0  }
0x1d: {  	s10 =	smov.u32 s12;
	s12 =	smov.u32 s18;
	[sflag:s17] =	ssyncadd.s32 @!p1 s19  }
.LBB1_1:
0x1e: {  	p1 =	sgt.u32 s13, s6  }
0x1f: {  	s16 =	sshrl.u32 @!p1 s12, $0x3  }
0x20: {  	s17 =	sshll.u32 @!p1 s11, $0x3;
	s16 =	smul.u32 @!p1 $0x7A1400, s16  }
0x21: {  	s18 =	sshll.u32 @!p1 s12, $0x7;
	s17 =	sand.u32 @!p1 $0xFFFFFC00, s17  }
0x22: {  	s16 =	sadd.s32 @!p1 s16, s17;
	s17 =	sand.u32 @!p1 $0x380, s18  }
0x23: {  	s18 =	sand.u32 @!p1 $0x7F, s11;
	s16 =	sor.u32 @!p1 s17, s16  }
0x24: {  	s17 =	sor.u32 @!p1 s18, s16  }
0x25: {  	s18 =	smulhi.u32 @!p1 $0x218D6287, s17;
	_ =	sdelay $0x1  }
0x26: {  	s16 =	smulhi.u32 @!p1 $0x218D6287, s16;
	s18 =	sshrl.u32 @!p1 s18, $0x11  }
0x27: {  	s18 =	smul.u32 @!p1 $0xF4280, s18  }
0x28: {  	s19 =	sxor.u32 @!p1 $0xFFFFFFFF, s13;
	s16 =	sshrl.u32 @!p1 s16, $0x11  }
0x29: {  	s19 =	sshll.u32 @!p1 s19, $0xC;
	s16 =	sand.u32 @!p1 $0x1F, s16;
	s17 =	ssub.s32 @!p1 s17, s18  }
0x2a: {  	s16 =	smul.u32 @!p1 $0x1E850, s16;
	s18 =	sshrl.u32 @!p1 s17, $0x3;
	s17 =	sand.u32 @!p1 $0x7, s17  }
0x2b: {  	s19 =	sand.u32 @!p1 $0x1000, s19;
	s18 =	sadd.s32 @!p1 s2, s18;
	s17 =	sshll.u32 @!p1 s17, $0x12  }
0x2c: {  	s16 =	sadd.s32 @!p1 s16, s18;
	s17 =	sor.u32 @!p1 $0x400, s17;
	s18 =	simm.s32 @!p1 $0x7A1400  }
0x2d: {  	[tilespmem:s19], [sflag:$0x1] =	stream.strided.gather @!p1 [hbm4b:s16+s17], $0x1000, s18, s17, $0x38;
	[tilespmem:$0x4100] =	vst v63  }
0x2e: {  	p1 =	seq.s32 s13, $0x0  }
0x2f: {  	p2 =	sge.u32 @!p1 s13, s7  }
0x30: {  	p1 =	por p1, p2  }
.Ltmp2:
0x31: {  	_ = 	snop;
	(pc) =	sbr.rel @p1 .LBB1_5-.Ltmp2, $1  }
0x32: {  	_ =	sdelay $0x3  }
0x33: {  	s16 =	simm.s32 $0x1  }
0x34: {  	_ =	swait.ge [sflag:s4], $0x1000;
	s16 =	simm.s32 @!p0 $0x0  }
0x35: {  	[sflag:s4] =	ssyncset.done $0x0;
	s17 =	sshll.u32 s16, $0xC  }
0x36: {  	[sflag:s4] =	ssyncadd.s32 $0xFFFFF000;
	s17 =	sor.u32 $0x40, s17  }
0x37: {  	s16 =	smul.u32 $0x4200, s16;
	v0 =	vld [tilespmem:s17+$0x30]  }
0x38: {  	v1 =	vld [tilespmem:s17+$0xFFFFFFD0]  }
0x39: {  	s16 =	sshrl.u32 s16, $0x2;
	v5 =	vld [tilespmem:s17+$0xFFFFFFE0]  }
0x3a: {  	v6 =	vld [tilespmem:s17+$0xFFFFFFF0];
	s19 =	sor.u32 $0x2000, s16  }
0x3b: {  	s31 =	sand.u32 $0x1, s13;
	v4 =	vld [tilespmem:s17+$0x0];
	s18 =	sadd.s32 $0x0, s19  }
0x3c: {  	v3 =	vld [tilespmem:s17+$0x10];
	s16 =	smul.u32 $0x4200, s31;
	[tilespmem:s18+$0xE70 ss:$0x21] =	vst.msk $0xffff, v0  }
0x3d: {  	v2 =	vld [tilespmem:s17+$0x20];
	[tilespmem:s18+$0x210 ss:$0x21] =	vst.msk $0xffff, v1  }
0x3e: {  	s16 =	sshrl.u32 s16, $0x2;
	v1 =	vld [tilespmem:s17+$0xFFFFFFC0];
	[tilespmem:s18+$0x420 ss:$0x21] =	vst.msk $0xffff, v5;
	s17 =	sadd.s32 $0x80, s17  }
0x3f: {  	s20 =	simm.s32 $0x4;
	s21 =	simm.s32 $0x8;
	s16 =	sor.u32 $0x2000, s16;
	[tilespmem:s18+$0x630 ss:$0x21] =	vst.msk $0xffff, v6;
	v0 =	vld [tilespmem:s17+$0x30]  }
.LBB1_3:
0x40: {  	p1 =	sne.s32 s21, $0x7C;
	v5 =	vld [tilespmem:s17+$0xFFFFFFD0];
	[tilespmem:s18+$0x840 ss:$0x21] =	vst.msk $0xffff, v4  }
0x41: {  	v6 =	vld [tilespmem:s17+$0xFFFFFFE0];
	[tilespmem:s18+$0xA50 ss:$0x21] =	vst.msk $0xffff, v3  }
0x42: {  	s22 =	sshra.s32 s20, $0x2;
	s20 =	smov.u32 s21;
	v7 =	vld [tilespmem:s17+$0xFFFFFFF0];
	[tilespmem:s18+$0xC60 ss:$0x21] =	vst.msk $0xffff, v2  }
.Ltmp3:
0x43: {  	v4 =	vld [tilespmem:s17+$0x0];
	[tilespmem:s18+$0x0 ss:$0x21] =	vst.msk $0xffff, v1;
	s18 =	sadd.s32 s22, s19;
	(pc) =	sbr.rel @p1 .LBB1_3-.Ltmp3, $4  }
0x44: {  	v3 =	vld [tilespmem:s17+$0x10];
	[tilespmem:s18+$0xE70 ss:$0x21] =	vst.msk $0xffff, v0  }
0x45: {  	[tilespmem:s18+$0x210 ss:$0x21] =	vst.msk $0xffff, v5;
	v2 =	vld [tilespmem:s17+$0x20]  }
0x46: {  	v1 =	vld [tilespmem:s17+$0xFFFFFFC0];
	[tilespmem:s18+$0x420 ss:$0x21] =	vst.msk $0xffff, v6;
	s17 =	sadd.s32 $0x80, s17  }
0x47: {  	s21 =	sadd.s32 $0x4, s21;
	v0 =	vld [tilespmem:s17+$0x30];
	[tilespmem:s18+$0x630 ss:$0x21] =	vst.msk $0xffff, v7  }
0x48: {  	s21 =	sshll.u32 s9, $0x7;
	s22 =	sshll.u32 s10, $0x3;
	s20 =	sshra.s32 s20, $0x2  }
0x49: {  	p1 =	sgt.s32 s9, $0xF41C0;
	s30 =	sshra.s32 s9, $0x1F;
	s25 =	sshra.s32 s10, $0x1F  }
0x4a: {  	v5 =	vld [tilespmem:s17+$0xFFFFFFD0];
	s28 =	sshrl.u32 s10, $0x3;
	s23 =	sand.u32 $0xFFFFFC00, s21;
	s22 =	sand.u32 $0xFFFFFC00, s22  }
0x4b: {  	[tilespmem:s18+$0x840 ss:$0x21] =	vst.msk $0xffff, v4;
	v58 =	vld [tilespmem:s17+$0xFFFFFFE0];
	s21 =	sand.u32 $0x380, s21;
	s19 =	sadd.s32 s20, s19;
	s22 =	sadd.s32 s22, s23  }
0x4c: {  	v59 =	vld [tilespmem:s17+$0xFFFFFFF0];
	[tilespmem:s18+$0xA50 ss:$0x21] =	vst.msk $0xffff, v3;
	s29 =	sor.u32 s21, s22;
	s21 =	smov.u32 s9;
	s22 =	sand.u32 s30, s9  }
0x4d: {  	v60 =	vld [tilespmem:s17+$0x0];
	[tilespmem:s18+$0xC60 ss:$0x21] =	vst.msk $0xffff, v2;
	s30 =	sand.u32 $0x7, s10;
	s20 =	sshrl.u32 s29, $0x7;
	s21 =	simm.s32 @!p1 $0xF41C0  }
0x4e: {  	v61 =	vld [tilespmem:s17+$0x10];
	[tilespmem:s18+$0x0 ss:$0x21] =	vst.msk $0xffff, v1;
	p1 =	sgt.s32 s10, $0x60;
	s24 =	ssub.s32 s21, s22;
	s21 =	smov.u32 s10  }
0x4f: {  	v62 =	vld [tilespmem:s17+$0x20];
	[tilespmem:s19+$0xE70 ss:$0x21] =	vst.msk $0xffff, v0;
	s31 =	smulhi.u32 $0x218DEF5, s20;
	s22 =	sand.u32 s25, s10;
	s21 =	simm.s32 @!p1 $0x60  }
0x50: {  	v63 =	vld [tilespmem:s17+$0xFFFFFFC0];
	[tilespmem:s19+$0x210 ss:$0x21] =	vst.msk $0xffff, v5;
	s26 =	sadd.s32 $0xFFF0BE40, s24;
	s17 =	ssub.s32 $0xF4240, s24;
	s21 =	ssub.s32 s21, s22  }
0x51: {  	[tilespmem:s19+$0x420 ss:$0x21] =	vst.msk $0xffff, v58;
	s23 =	sshrl.u32 s31, $0xD;
	p1 =	sgt.s32 s26, $0x7F;
	s27 =	sadd.s32 $0xFFFFFFA0, s21  }
0x52: {  	[tilespmem:s19+$0x630 ss:$0x21] =	vst.msk $0xffff, v59;
	s23 =	smul.u32 $0xF4240, s23;
	s18 =	ssub.s32 $0x80, s21;
	p2 =	sgt.s32 s27, $0x1F  }
.Ltmp4:
0x53: {  	[tilespmem:s19+$0x840 ss:$0x21] =	vst.msk $0xffff, v60;
	s17 =	simm.s32 @p1 $0x0;
	s18 =	simm.s32 @p2 $0x0;
	(pc) =	sbr.rel .LBB1_5-.Ltmp4, $4  }
0x54: {  	s29 =	sand.u32 $0xF, s28;
	[tilespmem:s19+$0xA50 ss:$0x21] =	vst.msk $0xffff, v61;
	s20 =	ssub.s32 s20, s23;
	s17 =	smul.u32 s18, s17  }
0x55: {  	[tilespmem:s19+$0xC60 ss:$0x21] =	vst.msk $0xffff, v62;
	s21 =	sshll.u32 s30, $0x12;
	s20 =	sshll.u32 s20, $0x4;
	s18 =	sadd.s32 s5, s29  }
0x56: {  	[tilespmem:s19+$0x0 ss:$0x21] =	vst.msk $0xffff, v63;
	s31 =	sor.u32 $0x20, s21;
	s18 =	sadd.s32 s20, s18;
	s17 =	sand.u32 $0x3FFFFFFF, s17  }
0x57: {  	[hbm4b:s18+s31] =	stream.strided.scatter [tilespmem:s16], [sflag:$0x2], s17, s8, s31, $0x10;
	[tilespmem:$0x4100] =	vst v63  }
.LBB1_6:
0x58: {  	_ =	sfence.sel $0x180000  }
0x59: {  	s2 =	simm.s32 $0x1;
	[bflag:$0x0] =	sbarrier.arrive $0xFFFF  }
0x5a: {  	s31 =	simm.s32 $0x2;
	[sflag:s2] =	ssyncpa.u1 $0x1  }
0x5b: {  	[sflag:s31] =	ssyncpa.u1 $0x1  }
0x5c: {  	p0 =	sne.s32 s1, $0x0;
	_ =	strace $0x90000047  }
0x5d: {  	s0 =	sadd.s32 @!p0 $0x100000, s0;
	[bflag:$0x2] =	sbarrier.arrive $0xFFFF  }
0x5e: {  	[sflag:s0] =	ssyncadd.tile.s32 @!p0 $0x1;
	_ =	shalt  }
.Lfunc_end1:
_tile_overlayer_lowered:
.L_overlay_start_2:
0x5f: {  	(tag) =	ssettag $0x2  }
0x60: {  	s0 =	rddreg [dreg:$0x0];
	s2 =	stileid.u32  }
0x61: {  	s1 =	rddreg [dreg:$0x1];
	p0 =	sne.s32 s2, $0x0  }
0x62: {  	s3 =	rddreg [dreg:$0x2];
	[bflag:$0x3] =	sbarrier.arrive $0xFFFF;
	s2 =	simm.s32 @!p0 $0x1C01  }
0x63: {  	[timem:s3], [sflag:s2] =	dma.local @!p0 [hbm:s0], s1  }
0x64: {  	s0 =	simm.s32 @!p0 $0x1  }
0x65: {  	_ =	swait.ge @!p0 [sflag:s0], s1  }
0x66: {  	s1 =	ssub.s32 @!p0 $0x0, s1;
	[sflag:s0] =	ssyncset.done @!p0 $0x0  }
0x67: {  	[sflag:s0] =	ssyncadd.s32 @!p0 s1  }
0x68: {  	[bflag:$0x3] =	sbarrier.arrive $0xFFFF  }
0x69: {  	_ =	shalt  }

// kernel: sparse-core-data-format-call.cloned.1.call-start
scs
called_computation_lowered:
.L_overlay_start_0:
0x0: {  	s2 =	sld [smem:$0x3FD9]  }
0x1: {  	s3 =	sld [smem:$0x3FFE];
	_ =	sdelay $0x1  }
0x2: {  	s1 =	srdreg.scid  }
0x3: {  	s0 =	sand.u32 $0x1, s1  }
0x4: {  	s18 =	sshll.u32 s0, $0xA;
	s2 =	sadd.s32 s3, s2  }
0x5: {  	s2 =	sadd.s32 s2, s18  }
0x6: {  	[smem:$0x3FC4] =	sst s2  }
0x7: {  	_ = 	snop  }
0x8: {  	s2 =	sld [smem:$0x3FD0];
	(tm) =	ssettm $0x1  }
0x9: {  	s19 =	sld [smem:$0x3FFB];
	_ =	sdelay $0x3  }
0xa: {  	_ =	strace s19  }
0xb: {  	s3 =	sld [smem:$0x3FFC];
	_ =	sdelay $0x3  }
0xc: {  	_ =	strace s3  }
0xd: {  	s3 =	sld [smem:$0x3FFD];
	_ =	sdelay $0x3  }
0xe: {  	_ =	strace s3  }
0xf: {  	_ =	strace $0x8FFFFFFF  }
0x10: {  	s20 =	sld [smem:$0x3FDB];
	_ =	sdelay $0x1  }
0x11: {  	s4 =	simm.s32 $_scs_section_size  }
0x12: {  	s5 =	simm.s32 $_size__tile_overlayer_lowered;
	s6 =	simm.s32 $_tile_overlayer_lowered  }
0x13: {  	s23 =	simm.s32 $0x1BFF;
	s22 =	sshll.u32 s6, $0x1;
	s3 =	sadd.s32 s4, s20  }
0x14: {  	s7 =	simm.s32 $0x0;
	s21 =	sshll.u32 s5, $0x1;
	s5 =	sadd.s32 s22, s3  }
0x15: {  	[timem:s7], [sflag:s23] =	dma.local [hbm:s5], s21  }
0x16: {  	_ =	swait.ge [sflag:s23], s21  }
0x17: {  	s4 =	ssub.s32 $0x0, s21;
	[sflag:s23] =	ssyncset.done $0x0  }
0x18: {  	[sflag:s23] =	ssyncadd.s32 s4;
	_ =	sdelay $0x1  }
0x19: {  	s24 =	simm.s32 $0x1B8B  }
0x1a: {  	_ =	swait.ge [sflag:s24], $0x1  }
0x1b: {  	[sflag:s24] =	ssyncset.done $0x0  }
0x1c: {  	s26 =	simm.s32 $0x1B8E;
	s25 =	sld [smem:$0x3FFE];
	[sflag:s24] =	ssyncadd.s32 $0xFFFFFFFF  }
0x1d: {  	s27 =	simm.s32 $execute0_lowered;
	[smem:$0x3FD2] =	sst s26  }
0x1e: {  	s5 =	sshll.u32 s27, $0x1;
	_ =	strace $0x8000004C;
	[dreg:$0x1] =	wrdreg $0xFFFFFFFF  }
0x1f: {  	s28 =	simm.s32 $_size_execute0_lowered;
	s3 =	sadd.s32 s3, s5;
	[dreg:$0x0] =	wrdreg $0x0  }
0x20: {  	s5 =	sshll.u32 s28, $0x1;
	[dreg:$0x2] =	wrdreg s3  }
0x21: {  	[dreg:$0x3] =	wrdreg s5  }
0x22: {  	[dreg:$0x4] =	wrdreg $0xC0  }
0x23: {  	_ =	task [dreg:s7], $0x5FFFF  }
0x24: {  	[dreg:$0x1] =	wrdreg $0xFFFFFFFF  }
0x25: {  	[dreg:$0x0] =	wrdreg $0x60  }
0x26: {  	[dreg:$0x2] =	wrdreg s25  }
0x27: {  	[dreg:$0x3] =	wrdreg s2  }
0x28: {  	[dreg:$0x4] =	wrdreg $0x9  }
0x29: {  	_ =	task.clear_ibuf [dreg:s7], $0x5FFFF;
	_ =	strace $0x9000004C  }
0x2a: {  	s29 =	simm.s32 $0x9;
	_ =	strace $0x8000004E  }
0x2b: {  	_ =	swait.ge [sflag:s29], $0x1  }
0x2c: {  	[sflag:s29] =	ssyncadd.s32 $0xFFFFFFFF  }
0x2d: {  	_ =	strace $0x9000004E  }
0x2e: {  	_ =	sfence  }
0x2f: {  	s30 =	sld [smem:$0x0];
	_ =	sdelay $0x2  }
0x30: {  	s31 =	sshll.u32 s1, $0xD;
	s1 =	sshrl.u32 s1, $0x2  }
0x31: {  	s3 =	sand.u32 $0x4000, s31;
	s1 =	sadd.s32 s1, s30  }
0x32: {  	s0 =	sor.u32 s3, s0;
	s1 =	sshll.u32 s1, $0x11  }
0x33: {  	s0 =	sor.u32 s1, s0  }
0x34: {  	s0 =	sadd.s32 $0x8F2B, s0  }
0x35: {  	[sflag:s0] =	ssyncadd.remote.s32 $0x1  }
0x36: {  	_ =	sfence.sel $0xFFFF  }
0x37: {  	[dreg:$0x0] =	wrdreg $0xFFFFFFFF;
	(pc) =	sbr.abs _section_cstart, $3  }
0x38: {  	[dreg:$0x1] =	wrdreg $0xFFFFFFFF  }
0x39: {  	_ =	task.clear_ibuf [dreg:s7], $0x2FFFF;
	_ =	strace $0x9FFFFFFF  }
0x3a: {  	(tm) =	ssettm $0x7FFFFFFF  }
0x3b: {  	_ =	shalt  }
tec
execute0_lowered:
.L_overlay_start_1:
0x0: {  	(tag) =	ssettag $0x1  }
0x1: {  	s0 =	srdreg.scid  }
0x2: {  	s1 =	sshll.u32 s0, $0x4  }
0x3: {  	s0 =	stileid.u32;
	s1 =	sand.u32 $0x10, s1  }
0x4: {  	s1 =	sor.u32 s0, s1  }
0x5: {  	s6 =	rddreg [dreg:$0x0];
	s4 =	simm.s32 $0x1;
	s2 =	sshll.u32 s1, $0x7  }
0x6: {  	s7 =	simm.s32 $0x2;
	s12 =	simm.s32 $0x0;
	s1 =	ssub.s32 $0x4000, s2  }
0x7: {  	s8 =	simm.s32 $0x20000;
	s13 =	simm.s32 $0x0;
	s3 =	sand.u32 $0xF80, s1  }
0x8: {  	s9 =	simm.s32 $0x0;
	s5 =	sshrl.u32 s1, $0xC;
	p0 =	sne.s32 s3, $0x0  }
.Ltmp0:
0x9: {  	s1 =	rddreg [dreg:$0x2];
	s4 =	simm.s32 @!p0 $0x0;
	(pc) =	sbr.rel .LBB1_1-.Ltmp0, $4  }
0xa: {  	s11 =	simm.s32 $0x0;
	s3 =	rddreg [dreg:$0x1];
	s5 =	sadd.s32 s4, s5  }
0xb: {  	_ =	strace $0x8000004D;
	s4 =	simm.s32 $0x1;
	s5 =	smul.u32 $0x1A, s5  }
0xc: {  	s6 =	sadd.s32 $0xE00, s6;
	s10 =	smov.u32 s2;
	[sflag:s4] =	ssyncpa.u1 $0x0  }
0xd: {  	p0 =	por $0x0, $0x0;
	[sflag:s7] =	ssyncpa.u1 $0x0;
	s7 =	sor.u32 $0x1, s5  }
.LBB1_4:
0xe: {  	s16 =	sshll.u32 s13, $0x3;
	s17 =	sand.u32 $0x78, s13  }
0xf: {  	s30 =	sand.u32 $0xF800, s13;
	s12 =	sshll.u32 s12, $0x10;
	s16 =	sand.u32 $0x3C00, s16  }
0x10: {  	s31 =	sand.u32 $0x7, s13;
	s16 =	sor.u32 s17, s16;
	s17 =	sadd.s32 s3, s30  }
0x11: {  	s13 =	sshll.u32 s31, $0x12;
	s16 =	sshrl.u32 s16, $0x3;
	s12 =	sadd.s32 s12, s17  }
0x12: {  	[tilespmem:s15+$0x0 ss:$0x81] =	vst.msk $0xffff, v0;
	s13 =	sor.u32 $0x400, s13;
	s12 =	sadd.s32 s16, s12  }
0x13: {  	[hbm4b:s12+s13] =	stream.strided.scatter [tilespmem:s14], [sflag:$0x2], $0x1000, s8, s13, $0x20;
	[tilespmem:$0x4040] =	vst v63  }
.LBB1_5:
0x14: {  	s14 =	sadd.s32 $0x1, s9  }
0x15: {  	s12 =	sadd.s32 $0x1000, s10;
	s16 =	smov.u32 s10;
	p2 =	sgt.s32 s14, $0x19  }
0x16: {  	s16 =	smov.u32 @p2 s12  }
0x17: {  	s14 =	simm.s32 @p2 $0x0;
	p2 =	sgt.s32 s16, $0x3FFF  }
0x18: {  	s16 =	smov.u32 @p2 s2;
	p2 =	sne.s32 s11, s7  }
.Ltmp1:
0x19: {  	p1 =	slt.u32 s11, $0x2;
	(pc) =	sbr.rel @!p2 .LBB1_6-.Ltmp1, $4  }
0x1a: {  	s15 =	simm.s32 @!p1 $0x2  }
0x1b: {  	s13 =	smov.u32 s10;
	p0 =	por !p0, !p0;
	_ =	swait.ge @!p1 [sflag:s15], $0x1000  }
0x1c: {  	s12 =	smov.u32 s9;
	[sflag:s15] =	ssyncset.done @!p1 $0x0;
	s9 =	smov.u32 s14  }
0x1d: {  	s11 =	sadd.s32 $0x1, s11;
	[sflag:s15] =	ssyncadd.s32 @!p1 $0xFFFFF000;
	s10 =	smov.u32 s16  }
.LBB1_1:
0x1e: {  	p1 =	sge.u32 s11, s5  }
0x1f: {  	s31 =	sadd.s32 $0xFFFFFFFF, s11;
	s14 =	sxor.u32 @!p1 $0xFFFFFFFF, s11  }
0x20: {  	s15 =	sshll.u32 @!p1 s10, $0x9;
	s16 =	sshll.u32 @!p1 s9, $0x4;
	s17 =	simm.s32 @!p1 $0x1000  }
0x21: {  	s14 =	sshll.u32 @!p1 s14, $0xC;
	s16 =	sand.u32 @!p1 $0x1F0, s16;
	s15 =	sadd.s32 @!p1 s6, s15  }
0x22: {  	s14 =	sand.u32 @!p1 $0x1000, s14;
	s15 =	sadd.s32 @!p1 s16, s15;
	s16 =	simm.s32 @!p1 $0x20  }
0x23: {  	[tilespmem:s14], [sflag:$0x1] =	stream.strided.gather @!p1 [hbm4b:s15+s16], $0x1000, s17, s16, $0x38;
	[tilespmem:$0x4040] =	vst v63  }
0x24: {  	p1 =	sge.u32 s31, s5  }
.Ltmp2:
0x25: {  	_ = 	snop;
	(pc) =	sbr.rel @p1 .LBB1_5-.Ltmp2, $1  }
0x26: {  	_ =	sdelay $0x3  }
0x27: {  	s14 =	simm.s32 $0x1  }
0x28: {  	_ =	swait.ge [sflag:s4], $0x1000;
	s14 =	simm.s32 @!p0 $0x0  }
0x29: {  	[sflag:s4] =	ssyncset.done $0x0;
	s15 =	sshll.u32 s14, $0xC  }
0x2a: {  	[sflag:s4] =	ssyncadd.s32 $0xFFFFF000;
	s18 =	sor.u32 $0x10, s15  }
0x2b: {  	s14 =	smul.u32 $0x4080, s14;
	v1 =	vld [tilespmem:s18+$0x0]  }
0x2c: {  	s30 =	sand.u32 $0x1, s11;
	v0 =	vld [tilespmem:s18+$0xFFFFFFF0]  }
0x2d: {  	s15 =	smul.u32 $0x4080, s30;
	s14 =	sshrl.u32 s14, $0x2  }
0x2e: {  	s16 =	sor.u32 $0x2000, s14  }
0x2f: {  	s31 =	sshrl.u32 s15, $0x2;
	s15 =	sadd.s32 $0x0, s16  }
0x30: {  	s17 =	simm.s32 $0x4;
	s18 =	sadd.s32 $0x20, s18;
	s14 =	sor.u32 $0x2000, s31;
	[tilespmem:s15+$0x810 ss:$0x81] =	vst.msk $0xffff, v1  }
.LBB1_3:
0x31: {  	v1 =	vld [tilespmem:s18+$0x0];
	p1 =	sne.s32 s17, $0x1FC;
	[tilespmem:s15+$0x0 ss:$0x81] =	vst.msk $0xffff, v0;
	s15 =	smov.u32 s17;
	s17 =	sadd.s32 $0x4, s17  }
.Ltmp3:
0x32: {  	v0 =	vld [tilespmem:s18+$0xFFFFFFF0];
	(pc) =	sbr.rel @p1 .LBB1_3-.Ltmp3, $4  }
0x33: {  	_ = 	snop  }
0x34: {  	s15 =	sshra.s32 s15, $0x2  }
0x35: {  	s15 =	sadd.s32 s15, s16  }
0x36: {  	s18 =	sadd.s32 $0x20, s18;
	[tilespmem:s15+$0x810 ss:$0x81] =	vst.msk $0xffff, v1  }
.Ltmp4:
0x37: {  	_ = 	snop;
	(pc) =	sbr.rel .LBB1_4-.Ltmp4, $1  }
0x38: {  	_ =	sdelay $0x3  }
.LBB1_6:
0x39: {  	_ =	sfence.sel $0x180000  }
0x3a: {  	s2 =	simm.s32 $0x1;
	[bflag:$0x0] =	sbarrier.arrive $0xFFFF  }
0x3b: {  	s31 =	simm.s32 $0x2;
	[sflag:s2] =	ssyncpa.u1 $0x1  }
0x3c: {  	[sflag:s31] =	ssyncpa.u1 $0x1  }
0x3d: {  	p0 =	sne.s32 s0, $0x0;
	_ =	strace $0x9000004D  }
0x3e: {  	s0 =	sadd.s32 @!p0 $0x100000, s1;
	[bflag:$0x2] =	sbarrier.arrive $0xFFFF  }
0x3f: {  	[sflag:s0] =	ssyncadd.tile.s32 @!p0 $0x1;
	_ =	shalt  }
.Lfunc_end1:
_tile_overlayer_lowered:
.L_overlay_start_2:
0x40: {  	(tag) =	ssettag $0x2  }
0x41: {  	s0 =	rddreg [dreg:$0x0];
	s2 =	stileid.u32  }
0x42: {  	s1 =	rddreg [dreg:$0x1];
	p0 =	sne.s32 s2, $0x0  }
0x43: {  	s3 =	rddreg [dreg:$0x2];
	[bflag:$0x3] =	sbarrier.arrive $0xFFFF;
	s2 =	simm.s32 @!p0 $0x1C01  }
0x44: {  	[timem:s3], [sflag:s2] =	dma.local @!p0 [hbm:s0], s1  }
0x45: {  	s0 =	simm.s32 @!p0 $0x1  }
0x46: {  	_ =	swait.ge @!p0 [sflag:s0], s1  }
0x47: {  	s1 =	ssub.s32 @!p0 $0x0, s1;
	[sflag:s0] =	ssyncset.done @!p0 $0x0  }
0x48: {  	[sflag:s0] =	ssyncadd.s32 @!p0 s1  }
0x49: {  	[bflag:$0x3] =	sbarrier.arrive $0xFFFF  }
0x4a: {  	_ =	shalt  }

</sc_bundles>
